<compile_context>
chip_gen: v7x
topology: tpu7x:2x2x1
jax: 0.10.2.dev20260603
libtpu: 0.0.44.dev20260713+nightly
codegen_flags: <defaults>
</compile_context>

<pallas_src>
import functools

import jax
import jax.numpy as jnp
from jax import lax
from jax.experimental import pallas as pl
from jax.experimental.pallas import tpu as pltpu
from jax.experimental.pallas import tpu_sc as plsc

_E = 8
_BM = 256
_NB = 23
_SPAD = _NB * _BM
_NC = 2
_L = 16


def _routing_body(logits_ref, p0_ref, p1_ref, w0_ref, w1_ref, meta_ref):
    lg = logits_ref[...]
    T = lg.shape[0]
    m = jnp.max(lg, axis=-1, keepdims=True)
    ex = jnp.exp(lg - m)
    p = ex / jnp.sum(ex, axis=-1, keepdims=True)
    lane = lax.broadcasted_iota(jnp.int32, p.shape, 1)
    m1 = jnp.max(p, axis=-1, keepdims=True)
    l1 = jnp.min(jnp.where(p >= m1, lane, _E), axis=-1, keepdims=True)
    mask1 = lane == l1
    pm = jnp.where(mask1, -1.0, p)
    m2 = jnp.max(pm, axis=-1, keepdims=True)
    l2 = jnp.min(jnp.where(pm >= m2, lane, _E), axis=-1, keepdims=True)
    mask2 = lane == l2
    denom = m1 + m2
    w0_ref[...] = jnp.broadcast_to(m1 / denom, (T, _L))
    w1_ref[...] = jnp.broadcast_to(m2 / denom, (T, _L))

    a1 = mask1.astype(jnp.float32)
    a2 = mask2.astype(jnp.float32)
    A = a1 + a2
    CH = 512
    ri = lax.broadcasted_iota(jnp.int32, (CH, CH), 0)
    ci = lax.broadcasted_iota(jnp.int32, (CH, CH), 1)
    tril = (ci < ri).astype(jnp.bfloat16)
    carry = jnp.zeros((1, _E), jnp.float32)
    chunks = []
    for b in range(T // CH):
        Ab = A[b * CH:(b + 1) * CH, :]
        Rb = jnp.dot(tril, Ab.astype(jnp.bfloat16),
                     preferred_element_type=jnp.float32) + carry
        chunks.append(Rb)
        carry = carry + jnp.sum(Ab, axis=0, keepdims=True)
    Rex = jnp.concatenate(chunks, axis=0)
    counts = carry
    nblk = jnp.floor((counts + (_BM - 1)) * (1.0 / _BM))
    r8 = lax.broadcasted_iota(jnp.int32, (_E, _E), 0)
    c8 = lax.broadcasted_iota(jnp.int32, (_E, _E), 1)
    tril8 = (r8 < c8).astype(jnp.float32)
    blkoff = jnp.dot(nblk, tril8, preferred_element_type=jnp.float32)
    poff = blkoff * float(_BM)
    base = poff + Rex
    p0_ref[...] = jnp.sum(jnp.where(mask1, base, 0.0), axis=-1,
                          keepdims=True).astype(jnp.int32).reshape(T)
    p1_ref[...] = jnp.sum(jnp.where(mask2, base, 0.0), axis=-1,
                          keepdims=True).astype(jnp.int32).reshape(T)

    cumblk = blkoff + nblk
    bi = lax.broadcasted_iota(jnp.int32, (128, _E), 0).astype(jnp.float32)
    be = jnp.sum((bi >= cumblk).astype(jnp.float32), axis=-1, keepdims=True)
    meta_ref[...] = jnp.minimum(be, float(_E - 1)).astype(jnp.int32)


def _dispatch_body(p0_hbm, p1_hbm, x_hbm, xs_hbm,
                   i0a, i0b, i1a, i1b, rows0, rows1,
                   semg0, semg1, sems0, sems1, sems2, sems3):
    wid = lax.axis_index("s") * _NC + lax.axis_index("c")
    tbase = wid * 64
    idx0 = [i0a, i0b]
    idx1 = [i1a, i1b]
    rows = [rows0, rows1]
    gets = [
        pltpu.async_copy(x_hbm.at[pl.ds(tbase, 32)], rows0, semg0),
        pltpu.async_copy(x_hbm.at[pl.ds(tbase + 32, 32)], rows1, semg1),
    ]
    for c in range(2):
        pltpu.sync_copy(p0_hbm.at[pl.ds(tbase + c * 32, 32)], idx0[c])
        pltpu.sync_copy(p1_hbm.at[pl.ds(tbase + c * 32, 32)], idx1[c])
    puts = []
    sems = [sems0, sems1, sems2, sems3]
    for c in range(2):
        gets[c].wait()
        puts.append(pltpu.async_copy(rows[c], xs_hbm.at[idx0[c]], sems[2 * c]))
        puts.append(pltpu.async_copy(rows[c], xs_hbm.at[idx1[c]], sems[2 * c + 1]))
    for p in puts:
        p.wait()


def _gmm_body(be_ref, xs_ref, wg_ref, wu_ref, wd_ref, ys_ref):
    xb = xs_ref[...].astype(jnp.bfloat16)
    wg = wg_ref[0].astype(jnp.bfloat16)
    wu = wu_ref[0].astype(jnp.bfloat16)
    wd = wd_ref[0].astype(jnp.bfloat16)
    gate = jnp.dot(xb, wg, preferred_element_type=jnp.float32)
    up = jnp.dot(xb, wu, preferred_element_type=jnp.float32)
    h = (gate * jax.nn.sigmoid(gate) * up).astype(jnp.bfloat16)
    ys_ref[...] = jnp.dot(h, wd, preferred_element_type=jnp.float32)


def _combine_body(p0_hbm, p1_hbm, w0_hbm, w1_hbm, ys_hbm, out_hbm,
                  i0a, i0b, i0c, i0d, i1a, i1b, i1c, i1d, w0v, w1v,
                  r0a, r0b, r1a, r1b, outv0, outv1,
                  sg0a, sg0b, sg1a, sg1b, semo0, semo1):
    H = r0a.shape[-1]
    wid = lax.axis_index("s") * _NC + lax.axis_index("c")
    tbase = wid * 64
    idx0 = [i0a, i0b, i0c, i0d]
    idx1 = [i1a, i1b, i1c, i1d]
    r0 = [r0a, r0b]
    r1 = [r1a, r1b]
    outs = [outv0, outv1]
    sg0 = [sg0a, sg0b]
    sg1 = [sg1a, sg1b]
    semo = [semo0, semo1]
    g0 = [None] * 4
    g1 = [None] * 4
    puts = [None] * 4
    for c in range(2):
        pltpu.sync_copy(p0_hbm.at[pl.ds(tbase + c * 16, 16)], idx0[c])
        pltpu.sync_copy(p1_hbm.at[pl.ds(tbase + c * 16, 16)], idx1[c])
        g0[c] = pltpu.async_copy(ys_hbm.at[idx0[c]], r0[c], sg0[c])
        g1[c] = pltpu.async_copy(ys_hbm.at[idx1[c]], r1[c], sg1[c])
    for c in range(2, 4):
        pltpu.sync_copy(p0_hbm.at[pl.ds(tbase + c * 16, 16)], idx0[c])
        pltpu.sync_copy(p1_hbm.at[pl.ds(tbase + c * 16, 16)], idx1[c])
    pltpu.sync_copy(w0_hbm.at[pl.ds(tbase, 64)], w0v)
    pltpu.sync_copy(w1_hbm.at[pl.ds(tbase, 64)], w1v)
    for c in range(4):
        g0[c].wait()
        g1[c].wait()
        if c >= 2:
            puts[c - 2].wait()
        ra = r0[c % 2]
        rb = r1[c % 2]
        ov = outs[c % 2]
        w0s = [w0v[c * 16 + t, :] for t in range(16)]
        w1s = [w1v[c * 16 + t, :] for t in range(16)]

        def body(v, _, ra=ra, rb=rb, ov=ov, w0s=w0s, w1s=w1s):
            sl = pl.ds(v * _L, _L)
            for t in range(16):
                ov[t, sl] = w0s[t] * ra[t, sl] + w1s[t] * rb[t, sl]
            return 0

        lax.fori_loop(0, H // _L, body, 0)
        if c + 2 < 4:
            g0[c + 2] = pltpu.async_copy(
                ys_hbm.at[idx0[c + 2]], r0[c % 2], sg0[c % 2])
            g1[c + 2] = pltpu.async_copy(
                ys_hbm.at[idx1[c + 2]], r1[c % 2], sg1[c % 2])
        puts[c] = pltpu.async_copy(
            ov, out_hbm.at[pl.ds(tbase + c * 16, 16)], semo[c % 2])
    puts[2].wait()
    puts[3].wait()


def kernel(x, router_logits, w_gate, w_up, w_down):
    T, H = x.shape
    E, _, F = w_gate.shape

    pos0, pos1, w0r, w1r, meta = pl.pallas_call(
        _routing_body,
        out_shape=(
            jax.ShapeDtypeStruct((T,), jnp.int32),
            jax.ShapeDtypeStruct((T,), jnp.int32),
            jax.ShapeDtypeStruct((T, _L), jnp.float32),
            jax.ShapeDtypeStruct((T, _L), jnp.float32),
            jax.ShapeDtypeStruct((128, 1), jnp.int32),
        ),
    )(router_logits)

    mesh = plsc.VectorSubcoreMesh(core_axis_name="c", subcore_axis_name="s")

    dispatch = functools.partial(
        pl.kernel,
        out_type=jax.ShapeDtypeStruct((_SPAD, H), jnp.float32),
        mesh=mesh,
        scratch_types=(
            [pltpu.VMEM((32,), jnp.int32)] * 4
            + [pltpu.VMEM((32, H), jnp.float32)] * 2
            + [pltpu.SemaphoreType.DMA] * 6
        ),
    )(_dispatch_body)
    xs = dispatch(pos0, pos1, x)

    ys = pl.pallas_call(
        _gmm_body,
        grid_spec=pltpu.PrefetchScalarGridSpec(
            num_scalar_prefetch=1,
            grid=(_NB,),
            in_specs=[
                pl.BlockSpec((_BM, H), lambda i, be: (i, 0)),
                pl.BlockSpec((1, H, F), lambda i, be: (be[i, 0], 0, 0)),
                pl.BlockSpec((1, H, F), lambda i, be: (be[i, 0], 0, 0)),
                pl.BlockSpec((1, F, H), lambda i, be: (be[i, 0], 0, 0)),
            ],
            out_specs=pl.BlockSpec((_BM, H), lambda i, be: (i, 0)),
        ),
        out_shape=jax.ShapeDtypeStruct((_SPAD, H), jnp.float32),
    )(meta, xs, w_gate, w_up, w_down)

    combine = functools.partial(
        pl.kernel,
        out_type=jax.ShapeDtypeStruct((T, H), jnp.float32),
        mesh=mesh,
        scratch_types=(
            [pltpu.VMEM((16,), jnp.int32)] * 8
            + [pltpu.VMEM((64, _L), jnp.float32)] * 2
            + [pltpu.VMEM((16, H), jnp.float32)] * 4
            + [pltpu.VMEM((16, H), jnp.float32)] * 2
            + [pltpu.SemaphoreType.DMA] * 6
        ),
    )(_combine_body)
    out = combine(pos0, pos1, w0r, w1r, ys)
    return out

# --- scband reference (transcript-rebuilt; emitter-appended) ---
"""Pipeline reference for scband-mo-e-22471268892867 (READ-ONLY COPY).

The authoritative reference and input builder live on the scoring server;
editing this copy changes nothing except your own understanding.
"""

import jax, jax.numpy as jnp
import numpy as np

NUM_EXPERTS = 8
TOP_K = 2
HIDDEN = 1024
INTER = 1024
TOKENS = 2048


def setup_inputs(seed: int = 0) -> dict:
    key = jax.random.key(seed)
    ks = jax.random.split(key, 5)
    x = jax.random.normal(ks[0], (TOKENS, HIDDEN), dtype=jnp.float32)
    router_logits = jax.random.normal(ks[1], (TOKENS, NUM_EXPERTS), dtype=jnp.float32)
    w_gate = jax.random.normal(ks[2], (NUM_EXPERTS, HIDDEN, INTER), dtype=jnp.float32) * 0.02
    w_up = jax.random.normal(ks[3], (NUM_EXPERTS, HIDDEN, INTER), dtype=jnp.float32) * 0.02
    w_down = jax.random.normal(ks[4], (NUM_EXPERTS, INTER, HIDDEN), dtype=jnp.float32) * 0.02
    return {"x": x, "router_logits": router_logits, "w_gate": w_gate, "w_up": w_up, "w_down": w_down}


def reference(x, router_logits, w_gate, w_up, w_down):
    # Router: softmax over experts, select top-k, renormalize selected probs
    probs = jax.nn.softmax(router_logits.astype(jnp.float32), axis=-1)
    top_vals, top_idx = jax.lax.top_k(probs, TOP_K)  # [T, K]
    top_vals = top_vals / jnp.sum(top_vals, axis=-1, keepdims=True)
    onehot = jax.nn.one_hot(top_idx, NUM_EXPERTS, dtype=x.dtype)  # [T, K, E]
    combine = jnp.einsum('tk,tke->te', top_vals, onehot)  # [T, E] per-token per-expert weight

    # Expert SwiGLU FFN (dense compute over all experts, masked/weighted combine)
    gate = jnp.einsum('td,edf->etf', x, w_gate)   # [E, T, F]
    up = jnp.einsum('td,edf->etf', x, w_up)       # [E, T, F]
    hdn = jax.nn.silu(gate) * up                   # [E, T, F]
    expert_out = jnp.einsum('etf,efd->etd', hdn, w_down)  # [E, T, D]
    out = jnp.einsum('te,etd->td', combine, expert_out)   # [T, D]
    return out

if __name__ == "__main__":
    import jax
    _d = setup_inputs()
    print(jax.jit(kernel)(*tuple(_d.values())))

</pallas_src>

<mosaic_0001>
#map = affine_map<(d0, d1) -> (0)>
#map1 = affine_map<(d0, d1) -> (0, 0)>
module attributes {stable_mosaic.version = 14 : i64} {
  func.func @_dispatch_body(%arg0: i32, %arg1: i32, %arg2: memref<2048xi32, #tpu.memory_space<hbm>>, %arg3: memref<2048xi32, #tpu.memory_space<hbm>>, %arg4: memref<2048x1024xf32, #tpu.memory_space<hbm>>, %arg5: memref<5888x1024xf32, #tpu.memory_space<hbm>>, %arg6: memref<32xi32, #tpu.memory_space<vmem>>, %arg7: memref<32xi32, #tpu.memory_space<vmem>>, %arg8: memref<32xi32, #tpu.memory_space<vmem>>, %arg9: memref<32xi32, #tpu.memory_space<vmem>>, %arg10: memref<32x1024xf32, #tpu.memory_space<vmem>>, %arg11: memref<32x1024xf32, #tpu.memory_space<vmem>>, %arg12: memref<!tpu.dma_semaphore, #tpu.memory_space<semaphore_mem>>, %arg13: memref<!tpu.dma_semaphore, #tpu.memory_space<semaphore_mem>>, %arg14: memref<!tpu.dma_semaphore, #tpu.memory_space<semaphore_mem>>, %arg15: memref<!tpu.dma_semaphore, #tpu.memory_space<semaphore_mem>>, %arg16: memref<!tpu.dma_semaphore, #tpu.memory_space<semaphore_mem>>, %arg17: memref<!tpu.dma_semaphore, #tpu.memory_space<semaphore_mem>>) attributes {dimension_semantics = [#tpu.dimension_semantics<core_parallel>, #tpu.dimension_semantics<subcore_parallel>], iteration_bounds = array<i64: 2, 16>, scalar_prefetch = 0 : i64, scratch_operands = 12 : i64, tpu.core_type = #tpu.core_type<sc_vector_subcore>, window_params = [{transform_indices = #map}, {transform_indices = #map}, {transform_indices = #map1}, {transform_indices = #map1}]} {
    %mul3A = arith.constant 2 : i32
    %mul3A_0 = arith.muli %arg1, %mul3A : i32
    %add3A = arith.addi %mul3A_0, %arg0 : i32
    %mul3A_1 = arith.constant 64 : i32
    %mul3A_2 = arith.muli %add3A, %mul3A_1 : i32
    %dma_start3A = arith.constant 0 : i32
    %dma_start3A_3 = tpu.memref_slice %arg4[%mul3A_2, %dma_start3A] : memref<2048x1024xf32, #tpu.memory_space<hbm>> -> memref<32x1024xf32, #tpu.memory_space<hbm>>
    %dma_start3A_4 = arith.constant 0 : i32
    %dma_start3A_5 = tpu.memref_slice %arg4[%mul3A_2, %dma_start3A_4] : memref<2048x1024xf32, #tpu.memory_space<hbm>> -> memref<32x1024xf32, #tpu.memory_space<hbm>>
    tpu.enqueue_dma source(%dma_start3A_5 : memref<32x1024xf32, #tpu.memory_space<hbm>>) target(%arg10 : memref<32x1024xf32, #tpu.memory_space<vmem>>) target_semaphore(%arg12 : memref<!tpu.dma_semaphore, #tpu.memory_space<semaphore_mem>>)
    %add3A_6 = arith.constant 32 : i32
    %add3A_7 = arith.addi %mul3A_2, %add3A_6 : i32
    %dma_start3A_8 = arith.constant 0 : i32
    %dma_start3A_9 = tpu.memref_slice %arg4[%add3A_7, %dma_start3A_8] : memref<2048x1024xf32, #tpu.memory_space<hbm>> -> memref<32x1024xf32, #tpu.memory_space<hbm>>
    %dma_start3A_10 = arith.constant 0 : i32
    %dma_start3A_11 = tpu.memref_slice %arg4[%add3A_7, %dma_start3A_10] : memref<2048x1024xf32, #tpu.memory_space<hbm>> -> memref<32x1024xf32, #tpu.memory_space<hbm>>
    tpu.enqueue_dma source(%dma_start3A_11 : memref<32x1024xf32, #tpu.memory_space<hbm>>) target(%arg11 : memref<32x1024xf32, #tpu.memory_space<vmem>>) target_semaphore(%arg13 : memref<!tpu.dma_semaphore, #tpu.memory_space<semaphore_mem>>)
    %add3A_12 = arith.constant 0 : i32
    %add3A_13 = arith.addi %mul3A_2, %add3A_12 : i32
    "tpu.region"() ({
      %run_scoped3A = tpu.sem_alloc : memref<!tpu.dma_semaphore, #tpu.memory_space<semaphore_mem>>
      %dma_start3A_51 = tpu.memref_slice %arg2[%add3A_13] : memref<2048xi32, #tpu.memory_space<hbm>> -> memref<32xi32, #tpu.memory_space<hbm>>
      %dma_start3A_52 = tpu.memref_slice %arg2[%add3A_13] : memref<2048xi32, #tpu.memory_space<hbm>> -> memref<32xi32, #tpu.memory_space<hbm>>
      tpu.enqueue_dma source(%dma_start3A_52 : memref<32xi32, #tpu.memory_space<hbm>>) target(%arg6 : memref<32xi32, #tpu.memory_space<vmem>>) target_semaphore(%run_scoped3A : memref<!tpu.dma_semaphore, #tpu.memory_space<semaphore_mem>>)
      %dma_wait3A_53 = tpu.memref_slice %arg2[%add3A_13] : memref<2048xi32, #tpu.memory_space<hbm>> -> memref<32xi32, #tpu.memory_space<hbm>>
      %dma_wait3A_54 = tpu.memref_slice %arg2[%add3A_13] : memref<2048xi32, #tpu.memory_space<hbm>> -> memref<32xi32, #tpu.memory_space<hbm>>
      tpu.wait_dma2 semaphore(%run_scoped3A : memref<!tpu.dma_semaphore, #tpu.memory_space<semaphore_mem>>) src(%dma_wait3A_54 : memref<32xi32, #tpu.memory_space<hbm>>) dst(%arg6 : memref<32xi32, #tpu.memory_space<vmem>>)
      tpu.yield
    }) : () -> ()
    %add3A_14 = arith.constant 0 : i32
    %add3A_15 = arith.addi %mul3A_2, %add3A_14 : i32
    "tpu.region"() ({
      %run_scoped3A = tpu.sem_alloc : memref<!tpu.dma_semaphore, #tpu.memory_space<semaphore_mem>>
      %dma_start3A_51 = tpu.memref_slice %arg3[%add3A_15] : memref<2048xi32, #tpu.memory_space<hbm>> -> memref<32xi32, #tpu.memory_space<hbm>>
      %dma_start3A_52 = tpu.memref_slice %arg3[%add3A_15] : memref<2048xi32, #tpu.memory_space<hbm>> -> memref<32xi32, #tpu.memory_space<hbm>>
      tpu.enqueue_dma source(%dma_start3A_52 : memref<32xi32, #tpu.memory_space<hbm>>) target(%arg8 : memref<32xi32, #tpu.memory_space<vmem>>) target_semaphore(%run_scoped3A : memref<!tpu.dma_semaphore, #tpu.memory_space<semaphore_mem>>)
      %dma_wait3A_53 = tpu.memref_slice %arg3[%add3A_15] : memref<2048xi32, #tpu.memory_space<hbm>> -> memref<32xi32, #tpu.memory_space<hbm>>
      %dma_wait3A_54 = tpu.memref_slice %arg3[%add3A_15] : memref<2048xi32, #tpu.memory_space<hbm>> -> memref<32xi32, #tpu.memory_space<hbm>>
      tpu.wait_dma2 semaphore(%run_scoped3A : memref<!tpu.dma_semaphore, #tpu.memory_space<semaphore_mem>>) src(%dma_wait3A_54 : memref<32xi32, #tpu.memory_space<hbm>>) dst(%arg8 : memref<32xi32, #tpu.memory_space<vmem>>)
      tpu.yield
    }) : () -> ()
    %add3A_16 = arith.constant 32 : i32
    %add3A_17 = arith.addi %mul3A_2, %add3A_16 : i32
    "tpu.region"() ({
      %run_scoped3A = tpu.sem_alloc : memref<!tpu.dma_semaphore, #tpu.memory_space<semaphore_mem>>
      %dma_start3A_51 = tpu.memref_slice %arg2[%add3A_17] : memref<2048xi32, #tpu.memory_space<hbm>> -> memref<32xi32, #tpu.memory_space<hbm>>
      %dma_start3A_52 = tpu.memref_slice %arg2[%add3A_17] : memref<2048xi32, #tpu.memory_space<hbm>> -> memref<32xi32, #tpu.memory_space<hbm>>
      tpu.enqueue_dma source(%dma_start3A_52 : memref<32xi32, #tpu.memory_space<hbm>>) target(%arg7 : memref<32xi32, #tpu.memory_space<vmem>>) target_semaphore(%run_scoped3A : memref<!tpu.dma_semaphore, #tpu.memory_space<semaphore_mem>>)
      %dma_wait3A_53 = tpu.memref_slice %arg2[%add3A_17] : memref<2048xi32, #tpu.memory_space<hbm>> -> memref<32xi32, #tpu.memory_space<hbm>>
      %dma_wait3A_54 = tpu.memref_slice %arg2[%add3A_17] : memref<2048xi32, #tpu.memory_space<hbm>> -> memref<32xi32, #tpu.memory_space<hbm>>
      tpu.wait_dma2 semaphore(%run_scoped3A : memref<!tpu.dma_semaphore, #tpu.memory_space<semaphore_mem>>) src(%dma_wait3A_54 : memref<32xi32, #tpu.memory_space<hbm>>) dst(%arg7 : memref<32xi32, #tpu.memory_space<vmem>>)
      tpu.yield
    }) : () -> ()
    %add3A_18 = arith.constant 32 : i32
    %add3A_19 = arith.addi %mul3A_2, %add3A_18 : i32
    "tpu.region"() ({
      %run_scoped3A = tpu.sem_alloc : memref<!tpu.dma_semaphore, #tpu.memory_space<semaphore_mem>>
      %dma_start3A_51 = tpu.memref_slice %arg3[%add3A_19] : memref<2048xi32, #tpu.memory_space<hbm>> -> memref<32xi32, #tpu.memory_space<hbm>>
      %dma_start3A_52 = tpu.memref_slice %arg3[%add3A_19] : memref<2048xi32, #tpu.memory_space<hbm>> -> memref<32xi32, #tpu.memory_space<hbm>>
      tpu.enqueue_dma source(%dma_start3A_52 : memref<32xi32, #tpu.memory_space<hbm>>) target(%arg9 : memref<32xi32, #tpu.memory_space<vmem>>) target_semaphore(%run_scoped3A : memref<!tpu.dma_semaphore, #tpu.memory_space<semaphore_mem>>)
      %dma_wait3A_53 = tpu.memref_slice %arg3[%add3A_19] : memref<2048xi32, #tpu.memory_space<hbm>> -> memref<32xi32, #tpu.memory_space<hbm>>
      %dma_wait3A_54 = tpu.memref_slice %arg3[%add3A_19] : memref<2048xi32, #tpu.memory_space<hbm>> -> memref<32xi32, #tpu.memory_space<hbm>>
      tpu.wait_dma2 semaphore(%run_scoped3A : memref<!tpu.dma_semaphore, #tpu.memory_space<semaphore_mem>>) src(%dma_wait3A_54 : memref<32xi32, #tpu.memory_space<hbm>>) dst(%arg9 : memref<32xi32, #tpu.memory_space<vmem>>)
      tpu.yield
    }) : () -> ()
    %dma_wait3A = arith.constant 0 : i32
    %dma_wait3A_20 = tpu.memref_slice %arg4[%mul3A_2, %dma_wait3A] : memref<2048x1024xf32, #tpu.memory_space<hbm>> -> memref<32x1024xf32, #tpu.memory_space<hbm>>
    %dma_wait3A_21 = arith.constant 0 : i32
    %dma_wait3A_22 = tpu.memref_slice %arg4[%mul3A_2, %dma_wait3A_21] : memref<2048x1024xf32, #tpu.memory_space<hbm>> -> memref<32x1024xf32, #tpu.memory_space<hbm>>
    tpu.wait_dma2 semaphore(%arg12 : memref<!tpu.dma_semaphore, #tpu.memory_space<semaphore_mem>>) src(%dma_wait3A_22 : memref<32x1024xf32, #tpu.memory_space<hbm>>) dst(%arg10 : memref<32x1024xf32, #tpu.memory_space<vmem>>)
    %dma_start3A_23 = arith.constant 0 : i32
    %dma_start3A_24 = arith.constant 0 : i32
    %dma_start3A_25 = tpu.memref_slice %arg5[%dma_start3A_23, %dma_start3A_24] : memref<5888x1024xf32, #tpu.memory_space<hbm>> -> memref<5888x1024xf32, #tpu.memory_space<hbm>>
    tpu.enqueue_indirect_dma source(%arg10 : memref<32x1024xf32, #tpu.memory_space<vmem>>) target(%dma_start3A_25 : memref<5888x1024xf32, #tpu.memory_space<hbm>>) offsets(%arg6 : memref<32xi32, #tpu.memory_space<vmem>>) semaphore(%arg14 : memref<!tpu.dma_semaphore, #tpu.memory_space<semaphore_mem>>)
    %dma_start3A_26 = arith.constant 0 : i32
    %dma_start3A_27 = arith.constant 0 : i32
    %dma_start3A_28 = tpu.memref_slice %arg5[%dma_start3A_26, %dma_start3A_27] : memref<5888x1024xf32, #tpu.memory_space<hbm>> -> memref<5888x1024xf32, #tpu.memory_space<hbm>>
    tpu.enqueue_indirect_dma source(%arg10 : memref<32x1024xf32, #tpu.memory_space<vmem>>) target(%dma_start3A_28 : memref<5888x1024xf32, #tpu.memory_space<hbm>>) offsets(%arg8 : memref<32xi32, #tpu.memory_space<vmem>>) semaphore(%arg15 : memref<!tpu.dma_semaphore, #tpu.memory_space<semaphore_mem>>)
    %dma_wait3A_29 = arith.constant 0 : i32
    %dma_wait3A_30 = tpu.memref_slice %arg4[%add3A_7, %dma_wait3A_29] : memref<2048x1024xf32, #tpu.memory_space<hbm>> -> memref<32x1024xf32, #tpu.memory_space<hbm>>
    %dma_wait3A_31 = arith.constant 0 : i32
    %dma_wait3A_32 = tpu.memref_slice %arg4[%add3A_7, %dma_wait3A_31] : memref<2048x1024xf32, #tpu.memory_space<hbm>> -> memref<32x1024xf32, #tpu.memory_space<hbm>>
    tpu.wait_dma2 semaphore(%arg13 : memref<!tpu.dma_semaphore, #tpu.memory_space<semaphore_mem>>) src(%dma_wait3A_32 : memref<32x1024xf32, #tpu.memory_space<hbm>>) dst(%arg11 : memref<32x1024xf32, #tpu.memory_space<vmem>>)
    %dma_start3A_33 = arith.constant 0 : i32
    %dma_start3A_34 = arith.constant 0 : i32
    %dma_start3A_35 = tpu.memref_slice %arg5[%dma_start3A_33, %dma_start3A_34] : memref<5888x1024xf32, #tpu.memory_space<hbm>> -> memref<5888x1024xf32, #tpu.memory_space<hbm>>
    tpu.enqueue_indirect_dma source(%arg11 : memref<32x1024xf32, #tpu.memory_space<vmem>>) target(%dma_start3A_35 : memref<5888x1024xf32, #tpu.memory_space<hbm>>) offsets(%arg7 : memref<32xi32, #tpu.memory_space<vmem>>) semaphore(%arg16 : memref<!tpu.dma_semaphore, #tpu.memory_space<semaphore_mem>>)
    %dma_start3A_36 = arith.constant 0 : i32
    %dma_start3A_37 = arith.constant 0 : i32
    %dma_start3A_38 = tpu.memref_slice %arg5[%dma_start3A_36, %dma_start3A_37] : memref<5888x1024xf32, #tpu.memory_space<hbm>> -> memref<5888x1024xf32, #tpu.memory_space<hbm>>
    tpu.enqueue_indirect_dma source(%arg11 : memref<32x1024xf32, #tpu.memory_space<vmem>>) target(%dma_start3A_38 : memref<5888x1024xf32, #tpu.memory_space<hbm>>) offsets(%arg9 : memref<32xi32, #tpu.memory_space<vmem>>) semaphore(%arg17 : memref<!tpu.dma_semaphore, #tpu.memory_space<semaphore_mem>>)
    %dma_wait3A_39 = arith.constant 0 : i32
    %dma_wait3A_40 = arith.constant 0 : i32
    %dma_wait3A_41 = tpu.memref_slice %arg5[%dma_wait3A_39, %dma_wait3A_40] : memref<5888x1024xf32, #tpu.memory_space<hbm>> -> memref<5888x1024xf32, #tpu.memory_space<hbm>>
    tpu.wait_indirect_dma semaphore(%arg14 : memref<!tpu.dma_semaphore, #tpu.memory_space<semaphore_mem>>) src(%arg10 : memref<32x1024xf32, #tpu.memory_space<vmem>>) dst(%dma_wait3A_41 : memref<5888x1024xf32, #tpu.memory_space<hbm>>)
    %dma_wait3A_42 = arith.constant 0 : i32
    %dma_wait3A_43 = arith.constant 0 : i32
    %dma_wait3A_44 = tpu.memref_slice %arg5[%dma_wait3A_42, %dma_wait3A_43] : memref<5888x1024xf32, #tpu.memory_space<hbm>> -> memref<5888x1024xf32, #tpu.memory_space<hbm>>
    tpu.wait_indirect_dma semaphore(%arg15 : memref<!tpu.dma_semaphore, #tpu.memory_space<semaphore_mem>>) src(%arg10 : memref<32x1024xf32, #tpu.memory_space<vmem>>) dst(%dma_wait3A_44 : memref<5888x1024xf32, #tpu.memory_space<hbm>>)
    %dma_wait3A_45 = arith.constant 0 : i32
    %dma_wait3A_46 = arith.constant 0 : i32
    %dma_wait3A_47 = tpu.memref_slice %arg5[%dma_wait3A_45, %dma_wait3A_46] : memref<5888x1024xf32, #tpu.memory_space<hbm>> -> memref<5888x1024xf32, #tpu.memory_space<hbm>>
    tpu.wait_indirect_dma semaphore(%arg16 : memref<!tpu.dma_semaphore, #tpu.memory_space<semaphore_mem>>) src(%arg11 : memref<32x1024xf32, #tpu.memory_space<vmem>>) dst(%dma_wait3A_47 : memref<5888x1024xf32, #tpu.memory_space<hbm>>)
    %dma_wait3A_48 = arith.constant 0 : i32
    %dma_wait3A_49 = arith.constant 0 : i32
    %dma_wait3A_50 = tpu.memref_slice %arg5[%dma_wait3A_48, %dma_wait3A_49] : memref<5888x1024xf32, #tpu.memory_space<hbm>> -> memref<5888x1024xf32, #tpu.memory_space<hbm>>
    tpu.wait_indirect_dma semaphore(%arg17 : memref<!tpu.dma_semaphore, #tpu.memory_space<semaphore_mem>>) src(%arg11 : memref<32x1024xf32, #tpu.memory_space<vmem>>) dst(%dma_wait3A_50 : memref<5888x1024xf32, #tpu.memory_space<hbm>>)
    return
  }
}

#map = affine_map<(d0, d1) -> (0)>
#map1 = affine_map<(d0, d1) -> (0, 0)>
module attributes {stable_mosaic.version = 14 : i64} {
  func.func @_combine_body(%arg0: i32, %arg1: i32, %arg2: memref<2048xi32, #tpu.memory_space<hbm>>, %arg3: memref<2048xi32, #tpu.memory_space<hbm>>, %arg4: memref<2048x16xf32, #tpu.memory_space<hbm>>, %arg5: memref<2048x16xf32, #tpu.memory_space<hbm>>, %arg6: memref<5888x1024xf32, #tpu.memory_space<hbm>>, %arg7: memref<2048x1024xf32, #tpu.memory_space<hbm>>, %arg8: memref<16xi32, #tpu.memory_space<vmem>>, %arg9: memref<16xi32, #tpu.memory_space<vmem>>, %arg10: memref<16xi32, #tpu.memory_space<vmem>>, %arg11: memref<16xi32, #tpu.memory_space<vmem>>, %arg12: memref<16xi32, #tpu.memory_space<vmem>>, %arg13: memref<16xi32, #tpu.memory_space<vmem>>, %arg14: memref<16xi32, #tpu.memory_space<vmem>>, %arg15: memref<16xi32, #tpu.memory_space<vmem>>, %arg16: memref<64x16xf32, #tpu.memory_space<vmem>>, %arg17: memref<64x16xf32, #tpu.memory_space<vmem>>, %arg18: memref<16x1024xf32, #tpu.memory_space<vmem>>, %arg19: memref<16x1024xf32, #tpu.memory_space<vmem>>, %arg20: memref<16x1024xf32, #tpu.memory_space<vmem>>, %arg21: memref<16x1024xf32, #tpu.memory_space<vmem>>, %arg22: memref<16x1024xf32, #tpu.memory_space<vmem>>, %arg23: memref<16x1024xf32, #tpu.memory_space<vmem>>, %arg24: memref<!tpu.dma_semaphore, #tpu.memory_space<semaphore_mem>>, %arg25: memref<!tpu.dma_semaphore, #tpu.memory_space<semaphore_mem>>, %arg26: memref<!tpu.dma_semaphore, #tpu.memory_space<semaphore_mem>>, %arg27: memref<!tpu.dma_semaphore, #tpu.memory_space<semaphore_mem>>, %arg28: memref<!tpu.dma_semaphore, #tpu.memory_space<semaphore_mem>>, %arg29: memref<!tpu.dma_semaphore, #tpu.memory_space<semaphore_mem>>) attributes {dimension_semantics = [#tpu.dimension_semantics<core_parallel>, #tpu.dimension_semantics<subcore_parallel>], iteration_bounds = array<i64: 2, 16>, scalar_prefetch = 0 : i64, scratch_operands = 22 : i64, tpu.core_type = #tpu.core_type<sc_vector_subcore>, window_params = [{transform_indices = #map}, {transform_indices = #map}, {transform_indices = #map1}, {transform_indices = #map1}, {transform_indices = #map1}, {transform_indices = #map1}]} {
    %mul3A = arith.constant 2 : i32
    %mul3A_0 = arith.muli %arg1, %mul3A : i32
    %add3A = arith.addi %mul3A_0, %arg0 : i32
    %mul3A_1 = arith.constant 64 : i32
    %mul3A_2 = arith.muli %add3A, %mul3A_1 : i32
    %add3A_3 = arith.constant 0 : i32
    %add3A_4 = arith.addi %mul3A_2, %add3A_3 : i32
    "tpu.region"() ({
      %run_scoped3A = tpu.sem_alloc : memref<!tpu.dma_semaphore, #tpu.memory_space<semaphore_mem>>
      %dma_start3A_771 = tpu.memref_slice %arg2[%add3A_4] : memref<2048xi32, #tpu.memory_space<hbm>> -> memref<16xi32, #tpu.memory_space<hbm>>
      %dma_start3A_772 = tpu.memref_slice %arg2[%add3A_4] : memref<2048xi32, #tpu.memory_space<hbm>> -> memref<16xi32, #tpu.memory_space<hbm>>
      tpu.enqueue_dma source(%dma_start3A_772 : memref<16xi32, #tpu.memory_space<hbm>>) target(%arg8 : memref<16xi32, #tpu.memory_space<vmem>>) target_semaphore(%run_scoped3A : memref<!tpu.dma_semaphore, #tpu.memory_space<semaphore_mem>>)
      %dma_wait3A_773 = tpu.memref_slice %arg2[%add3A_4] : memref<2048xi32, #tpu.memory_space<hbm>> -> memref<16xi32, #tpu.memory_space<hbm>>
      %dma_wait3A_774 = tpu.memref_slice %arg2[%add3A_4] : memref<2048xi32, #tpu.memory_space<hbm>> -> memref<16xi32, #tpu.memory_space<hbm>>
      tpu.wait_dma2 semaphore(%run_scoped3A : memref<!tpu.dma_semaphore, #tpu.memory_space<semaphore_mem>>) src(%dma_wait3A_774 : memref<16xi32, #tpu.memory_space<hbm>>) dst(%arg8 : memref<16xi32, #tpu.memory_space<vmem>>)
      tpu.yield
    }) : () -> ()
    %add3A_5 = arith.constant 0 : i32
    %add3A_6 = arith.addi %mul3A_2, %add3A_5 : i32
    "tpu.region"() ({
      %run_scoped3A = tpu.sem_alloc : memref<!tpu.dma_semaphore, #tpu.memory_space<semaphore_mem>>
      %dma_start3A_771 = tpu.memref_slice %arg3[%add3A_6] : memref<2048xi32, #tpu.memory_space<hbm>> -> memref<16xi32, #tpu.memory_space<hbm>>
      %dma_start3A_772 = tpu.memref_slice %arg3[%add3A_6] : memref<2048xi32, #tpu.memory_space<hbm>> -> memref<16xi32, #tpu.memory_space<hbm>>
      tpu.enqueue_dma source(%dma_start3A_772 : memref<16xi32, #tpu.memory_space<hbm>>) target(%arg12 : memref<16xi32, #tpu.memory_space<vmem>>) target_semaphore(%run_scoped3A : memref<!tpu.dma_semaphore, #tpu.memory_space<semaphore_mem>>)
      %dma_wait3A_773 = tpu.memref_slice %arg3[%add3A_6] : memref<2048xi32, #tpu.memory_space<hbm>> -> memref<16xi32, #tpu.memory_space<hbm>>
      %dma_wait3A_774 = tpu.memref_slice %arg3[%add3A_6] : memref<2048xi32, #tpu.memory_space<hbm>> -> memref<16xi32, #tpu.memory_space<hbm>>
      tpu.wait_dma2 semaphore(%run_scoped3A : memref<!tpu.dma_semaphore, #tpu.memory_space<semaphore_mem>>) src(%dma_wait3A_774 : memref<16xi32, #tpu.memory_space<hbm>>) dst(%arg12 : memref<16xi32, #tpu.memory_space<vmem>>)
      tpu.yield
    }) : () -> ()
    %dma_start3A = arith.constant 0 : i32
    %dma_start3A_7 = arith.constant 0 : i32
    %dma_start3A_8 = tpu.memref_slice %arg6[%dma_start3A, %dma_start3A_7] : memref<5888x1024xf32, #tpu.memory_space<hbm>> -> memref<5888x1024xf32, #tpu.memory_space<hbm>>
    tpu.enqueue_indirect_dma source(%dma_start3A_8 : memref<5888x1024xf32, #tpu.memory_space<hbm>>) target(%arg18 : memref<16x1024xf32, #tpu.memory_space<vmem>>) offsets(%arg8 : memref<16xi32, #tpu.memory_space<vmem>>) semaphore(%arg24 : memref<!tpu.dma_semaphore, #tpu.memory_space<semaphore_mem>>)
    %dma_start3A_9 = arith.constant 0 : i32
    %dma_start3A_10 = arith.constant 0 : i32
    %dma_start3A_11 = tpu.memref_slice %arg6[%dma_start3A_9, %dma_start3A_10] : memref<5888x1024xf32, #tpu.memory_space<hbm>> -> memref<5888x1024xf32, #tpu.memory_space<hbm>>
    tpu.enqueue_indirect_dma source(%dma_start3A_11 : memref<5888x1024xf32, #tpu.memory_space<hbm>>) target(%arg20 : memref<16x1024xf32, #tpu.memory_space<vmem>>) offsets(%arg12 : memref<16xi32, #tpu.memory_space<vmem>>) semaphore(%arg26 : memref<!tpu.dma_semaphore, #tpu.memory_space<semaphore_mem>>)
    %add3A_12 = arith.constant 16 : i32
    %add3A_13 = arith.addi %mul3A_2, %add3A_12 : i32
    "tpu.region"() ({
      %run_scoped3A = tpu.sem_alloc : memref<!tpu.dma_semaphore, #tpu.memory_space<semaphore_mem>>
      %dma_start3A_771 = tpu.memref_slice %arg2[%add3A_13] : memref<2048xi32, #tpu.memory_space<hbm>> -> memref<16xi32, #tpu.memory_space<hbm>>
      %dma_start3A_772 = tpu.memref_slice %arg2[%add3A_13] : memref<2048xi32, #tpu.memory_space<hbm>> -> memref<16xi32, #tpu.memory_space<hbm>>
      tpu.enqueue_dma source(%dma_start3A_772 : memref<16xi32, #tpu.memory_space<hbm>>) target(%arg9 : memref<16xi32, #tpu.memory_space<vmem>>) target_semaphore(%run_scoped3A : memref<!tpu.dma_semaphore, #tpu.memory_space<semaphore_mem>>)
      %dma_wait3A_773 = tpu.memref_slice %arg2[%add3A_13] : memref<2048xi32, #tpu.memory_space<hbm>> -> memref<16xi32, #tpu.memory_space<hbm>>
      %dma_wait3A_774 = tpu.memref_slice %arg2[%add3A_13] : memref<2048xi32, #tpu.memory_space<hbm>> -> memref<16xi32, #tpu.memory_space<hbm>>
      tpu.wait_dma2 semaphore(%run_scoped3A : memref<!tpu.dma_semaphore, #tpu.memory_space<semaphore_mem>>) src(%dma_wait3A_774 : memref<16xi32, #tpu.memory_space<hbm>>) dst(%arg9 : memref<16xi32, #tpu.memory_space<vmem>>)
      tpu.yield
    }) : () -> ()
    %add3A_14 = arith.constant 16 : i32
    %add3A_15 = arith.addi %mul3A_2, %add3A_14 : i32
    "tpu.region"() ({
      %run_scoped3A = tpu.sem_alloc : memref<!tpu.dma_semaphore, #tpu.memory_space<semaphore_mem>>
      %dma_start3A_771 = tpu.memref_slice %arg3[%add3A_15] : memref<2048xi32, #tpu.memory_space<hbm>> -> memref<16xi32, #tpu.memory_space<hbm>>
      %dma_start3A_772 = tpu.memref_slice %arg3[%add3A_15] : memref<2048xi32, #tpu.memory_space<hbm>> -> memref<16xi32, #tpu.memory_space<hbm>>
      tpu.enqueue_dma source(%dma_start3A_772 : memref<16xi32, #tpu.memory_space<hbm>>) target(%arg13 : memref<16xi32, #tpu.memory_space<vmem>>) target_semaphore(%run_scoped3A : memref<!tpu.dma_semaphore, #tpu.memory_space<semaphore_mem>>)
      %dma_wait3A_773 = tpu.memref_slice %arg3[%add3A_15] : memref<2048xi32, #tpu.memory_space<hbm>> -> memref<16xi32, #tpu.memory_space<hbm>>
      %dma_wait3A_774 = tpu.memref_slice %arg3[%add3A_15] : memref<2048xi32, #tpu.memory_space<hbm>> -> memref<16xi32, #tpu.memory_space<hbm>>
      tpu.wait_dma2 semaphore(%run_scoped3A : memref<!tpu.dma_semaphore, #tpu.memory_space<semaphore_mem>>) src(%dma_wait3A_774 : memref<16xi32, #tpu.memory_space<hbm>>) dst(%arg13 : memref<16xi32, #tpu.memory_space<vmem>>)
      tpu.yield
    }) : () -> ()
    %dma_start3A_16 = arith.constant 0 : i32
    %dma_start3A_17 = arith.constant 0 : i32
    %dma_start3A_18 = tpu.memref_slice %arg6[%dma_start3A_16, %dma_start3A_17] : memref<5888x1024xf32, #tpu.memory_space<hbm>> -> memref<5888x1024xf32, #tpu.memory_space<hbm>>
    tpu.enqueue_indirect_dma source(%dma_start3A_18 : memref<5888x1024xf32, #tpu.memory_space<hbm>>) target(%arg19 : memref<16x1024xf32, #tpu.memory_space<vmem>>) offsets(%arg9 : memref<16xi32, #tpu.memory_space<vmem>>) semaphore(%arg25 : memref<!tpu.dma_semaphore, #tpu.memory_space<semaphore_mem>>)
    %dma_start3A_19 = arith.constant 0 : i32
    %dma_start3A_20 = arith.constant 0 : i32
    %dma_start3A_21 = tpu.memref_slice %arg6[%dma_start3A_19, %dma_start3A_20] : memref<5888x1024xf32, #tpu.memory_space<hbm>> -> memref<5888x1024xf32, #tpu.memory_space<hbm>>
    tpu.enqueue_indirect_dma source(%dma_start3A_21 : memref<5888x1024xf32, #tpu.memory_space<hbm>>) target(%arg21 : memref<16x1024xf32, #tpu.memory_space<vmem>>) offsets(%arg13 : memref<16xi32, #tpu.memory_space<vmem>>) semaphore(%arg27 : memref<!tpu.dma_semaphore, #tpu.memory_space<semaphore_mem>>)
    %add3A_22 = arith.constant 32 : i32
    %add3A_23 = arith.addi %mul3A_2, %add3A_22 : i32
    "tpu.region"() ({
      %run_scoped3A = tpu.sem_alloc : memref<!tpu.dma_semaphore, #tpu.memory_space<semaphore_mem>>
      %dma_start3A_771 = tpu.memref_slice %arg2[%add3A_23] : memref<2048xi32, #tpu.memory_space<hbm>> -> memref<16xi32, #tpu.memory_space<hbm>>
      %dma_start3A_772 = tpu.memref_slice %arg2[%add3A_23] : memref<2048xi32, #tpu.memory_space<hbm>> -> memref<16xi32, #tpu.memory_space<hbm>>
      tpu.enqueue_dma source(%dma_start3A_772 : memref<16xi32, #tpu.memory_space<hbm>>) target(%arg10 : memref<16xi32, #tpu.memory_space<vmem>>) target_semaphore(%run_scoped3A : memref<!tpu.dma_semaphore, #tpu.memory_space<semaphore_mem>>)
      %dma_wait3A_773 = tpu.memref_slice %arg2[%add3A_23] : memref<2048xi32, #tpu.memory_space<hbm>> -> memref<16xi32, #tpu.memory_space<hbm>>
      %dma_wait3A_774 = tpu.memref_slice %arg2[%add3A_23] : memref<2048xi32, #tpu.memory_space<hbm>> -> memref<16xi32, #tpu.memory_space<hbm>>
      tpu.wait_dma2 semaphore(%run_scoped3A : memref<!tpu.dma_semaphore, #tpu.memory_space<semaphore_mem>>) src(%dma_wait3A_774 : memref<16xi32, #tpu.memory_space<hbm>>) dst(%arg10 : memref<16xi32, #tpu.memory_space<vmem>>)
      tpu.yield
    }) : () -> ()
    %add3A_24 = arith.constant 32 : i32
    %add3A_25 = arith.addi %mul3A_2, %add3A_24 : i32
    "tpu.region"() ({
      %run_scoped3A = tpu.sem_alloc : memref<!tpu.dma_semaphore, #tpu.memory_space<semaphore_mem>>
      %dma_start3A_771 = tpu.memref_slice %arg3[%add3A_25] : memref<2048xi32, #tpu.memory_space<hbm>> -> memref<16xi32, #tpu.memory_space<hbm>>
      %dma_start3A_772 = tpu.memref_slice %arg3[%add3A_25] : memref<2048xi32, #tpu.memory_space<hbm>> -> memref<16xi32, #tpu.memory_space<hbm>>
      tpu.enqueue_dma source(%dma_start3A_772 : memref<16xi32, #tpu.memory_space<hbm>>) target(%arg14 : memref<16xi32, #tpu.memory_space<vmem>>) target_semaphore(%run_scoped3A : memref<!tpu.dma_semaphore, #tpu.memory_space<semaphore_mem>>)
      %dma_wait3A_773 = tpu.memref_slice %arg3[%add3A_25] : memref<2048xi32, #tpu.memory_space<hbm>> -> memref<16xi32, #tpu.memory_space<hbm>>
      %dma_wait3A_774 = tpu.memref_slice %arg3[%add3A_25] : memref<2048xi32, #tpu.memory_space<hbm>> -> memref<16xi32, #tpu.memory_space<hbm>>
      tpu.wait_dma2 semaphore(%run_scoped3A : memref<!tpu.dma_semaphore, #tpu.memory_space<semaphore_mem>>) src(%dma_wait3A_774 : memref<16xi32, #tpu.memory_space<hbm>>) dst(%arg14 : memref<16xi32, #tpu.memory_space<vmem>>)
      tpu.yield
    }) : () -> ()
    %add3A_26 = arith.constant 48 : i32
    %add3A_27 = arith.addi %mul3A_2, %add3A_26 : i32
    "tpu.region"() ({
      %run_scoped3A = tpu.sem_alloc : memref<!tpu.dma_semaphore, #tpu.memory_space<semaphore_mem>>
      %dma_start3A_771 = tpu.memref_slice %arg2[%add3A_27] : memref<2048xi32, #tpu.memory_space<hbm>> -> memref<16xi32, #tpu.memory_space<hbm>>
      %dma_start3A_772 = tpu.memref_slice %arg2[%add3A_27] : memref<2048xi32, #tpu.memory_space<hbm>> -> memref<16xi32, #tpu.memory_space<hbm>>
      tpu.enqueue_dma source(%dma_start3A_772 : memref<16xi32, #tpu.memory_space<hbm>>) target(%arg11 : memref<16xi32, #tpu.memory_space<vmem>>) target_semaphore(%run_scoped3A : memref<!tpu.dma_semaphore, #tpu.memory_space<semaphore_mem>>)
      %dma_wait3A_773 = tpu.memref_slice %arg2[%add3A_27] : memref<2048xi32, #tpu.memory_space<hbm>> -> memref<16xi32, #tpu.memory_space<hbm>>
      %dma_wait3A_774 = tpu.memref_slice %arg2[%add3A_27] : memref<2048xi32, #tpu.memory_space<hbm>> -> memref<16xi32, #tpu.memory_space<hbm>>
      tpu.wait_dma2 semaphore(%run_scoped3A : memref<!tpu.dma_semaphore, #tpu.memory_space<semaphore_mem>>) src(%dma_wait3A_774 : memref<16xi32, #tpu.memory_space<hbm>>) dst(%arg11 : memref<16xi32, #tpu.memory_space<vmem>>)
      tpu.yield
    }) : () -> ()
    %add3A_28 = arith.constant 48 : i32
    %add3A_29 = arith.addi %mul3A_2, %add3A_28 : i32
    "tpu.region"() ({
      %run_scoped3A = tpu.sem_alloc : memref<!tpu.dma_semaphore, #tpu.memory_space<semaphore_mem>>
      %dma_start3A_771 = tpu.memref_slice %arg3[%add3A_29] : memref<2048xi32, #tpu.memory_space<hbm>> -> memref<16xi32, #tpu.memory_space<hbm>>
      %dma_start3A_772 = tpu.memref_slice %arg3[%add3A_29] : memref<2048xi32, #tpu.memory_space<hbm>> -> memref<16xi32, #tpu.memory_space<hbm>>
      tpu.enqueue_dma source(%dma_start3A_772 : memref<16xi32, #tpu.memory_space<hbm>>) target(%arg15 : memref<16xi32, #tpu.memory_space<vmem>>) target_semaphore(%run_scoped3A : memref<!tpu.dma_semaphore, #tpu.memory_space<semaphore_mem>>)
      %dma_wait3A_773 = tpu.memref_slice %arg3[%add3A_29] : memref<2048xi32, #tpu.memory_space<hbm>> -> memref<16xi32, #tpu.memory_space<hbm>>
      %dma_wait3A_774 = tpu.memref_slice %arg3[%add3A_29] : memref<2048xi32, #tpu.memory_space<hbm>> -> memref<16xi32, #tpu.memory_space<hbm>>
      tpu.wait_dma2 semaphore(%run_scoped3A : memref<!tpu.dma_semaphore, #tpu.memory_space<semaphore_mem>>) src(%dma_wait3A_774 : memref<16xi32, #tpu.memory_space<hbm>>) dst(%arg15 : memref<16xi32, #tpu.memory_space<vmem>>)
      tpu.yield
    }) : () -> ()
    "tpu.region"() ({
      %run_scoped3A = tpu.sem_alloc : memref<!tpu.dma_semaphore, #tpu.memory_space<semaphore_mem>>
      %dma_start3A_771 = arith.constant 0 : i32
      %dma_start3A_772 = tpu.memref_slice %arg4[%mul3A_2, %dma_start3A_771] : memref<2048x16xf32, #tpu.memory_space<hbm>> -> memref<64x16xf32, #tpu.memory_space<hbm>>
      %dma_start3A_773 = arith.constant 0 : i32
      %dma_start3A_774 = tpu.memref_slice %arg4[%mul3A_2, %dma_start3A_773] : memref<2048x16xf32, #tpu.memory_space<hbm>> -> memref<64x16xf32, #tpu.memory_space<hbm>>
      tpu.enqueue_dma source(%dma_start3A_774 : memref<64x16xf32, #tpu.memory_space<hbm>>) target(%arg16 : memref<64x16xf32, #tpu.memory_space<vmem>>) target_semaphore(%run_scoped3A : memref<!tpu.dma_semaphore, #tpu.memory_space<semaphore_mem>>)
      %dma_wait3A_775 = arith.constant 0 : i32
      %dma_wait3A_776 = tpu.memref_slice %arg4[%mul3A_2, %dma_wait3A_775] : memref<2048x16xf32, #tpu.memory_space<hbm>> -> memref<64x16xf32, #tpu.memory_space<hbm>>
      %dma_wait3A_777 = arith.constant 0 : i32
      %dma_wait3A_778 = tpu.memref_slice %arg4[%mul3A_2, %dma_wait3A_777] : memref<2048x16xf32, #tpu.memory_space<hbm>> -> memref<64x16xf32, #tpu.memory_space<hbm>>
      tpu.wait_dma2 semaphore(%run_scoped3A : memref<!tpu.dma_semaphore, #tpu.memory_space<semaphore_mem>>) src(%dma_wait3A_778 : memref<64x16xf32, #tpu.memory_space<hbm>>) dst(%arg16 : memref<64x16xf32, #tpu.memory_space<vmem>>)
      tpu.yield
    }) : () -> ()
    "tpu.region"() ({
      %run_scoped3A = tpu.sem_alloc : memref<!tpu.dma_semaphore, #tpu.memory_space<semaphore_mem>>
      %dma_start3A_771 = arith.constant 0 : i32
      %dma_start3A_772 = tpu.memref_slice %arg5[%mul3A_2, %dma_start3A_771] : memref<2048x16xf32, #tpu.memory_space<hbm>> -> memref<64x16xf32, #tpu.memory_space<hbm>>
      %dma_start3A_773 = arith.constant 0 : i32
      %dma_start3A_774 = tpu.memref_slice %arg5[%mul3A_2, %dma_start3A_773] : memref<2048x16xf32, #tpu.memory_space<hbm>> -> memref<64x16xf32, #tpu.memory_space<hbm>>
      tpu.enqueue_dma source(%dma_start3A_774 : memref<64x16xf32, #tpu.memory_space<hbm>>) target(%arg17 : memref<64x16xf32, #tpu.memory_space<vmem>>) target_semaphore(%run_scoped3A : memref<!tpu.dma_semaphore, #tpu.memory_space<semaphore_mem>>)
      %dma_wait3A_775 = arith.constant 0 : i32
      %dma_wait3A_776 = tpu.memref_slice %arg5[%mul3A_2, %dma_wait3A_775] : memref<2048x16xf32, #tpu.memory_space<hbm>> -> memref<64x16xf32, #tpu.memory_space<hbm>>
      %dma_wait3A_777 = arith.constant 0 : i32
      %dma_wait3A_778 = tpu.memref_slice %arg5[%mul3A_2, %dma_wait3A_777] : memref<2048x16xf32, #tpu.memory_space<hbm>> -> memref<64x16xf32, #tpu.memory_space<hbm>>
      tpu.wait_dma2 semaphore(%run_scoped3A : memref<!tpu.dma_semaphore, #tpu.memory_space<semaphore_mem>>) src(%dma_wait3A_778 : memref<64x16xf32, #tpu.memory_space<hbm>>) dst(%arg17 : memref<64x16xf32, #tpu.memory_space<vmem>>)
      tpu.yield
    }) : () -> ()
    %dma_wait3A = arith.constant 0 : i32
    %dma_wait3A_30 = arith.constant 0 : i32
    %dma_wait3A_31 = tpu.memref_slice %arg6[%dma_wait3A, %dma_wait3A_30] : memref<5888x1024xf32, #tpu.memory_space<hbm>> -> memref<5888x1024xf32, #tpu.memory_space<hbm>>
    tpu.wait_indirect_dma semaphore(%arg24 : memref<!tpu.dma_semaphore, #tpu.memory_space<semaphore_mem>>) src(%dma_wait3A_31 : memref<5888x1024xf32, #tpu.memory_space<hbm>>) dst(%arg18 : memref<16x1024xf32, #tpu.memory_space<vmem>>)
    %dma_wait3A_32 = arith.constant 0 : i32
    %dma_wait3A_33 = arith.constant 0 : i32
    %dma_wait3A_34 = tpu.memref_slice %arg6[%dma_wait3A_32, %dma_wait3A_33] : memref<5888x1024xf32, #tpu.memory_space<hbm>> -> memref<5888x1024xf32, #tpu.memory_space<hbm>>
    tpu.wait_indirect_dma semaphore(%arg26 : memref<!tpu.dma_semaphore, #tpu.memory_space<semaphore_mem>>) src(%dma_wait3A_34 : memref<5888x1024xf32, #tpu.memory_space<hbm>>) dst(%arg20 : memref<16x1024xf32, #tpu.memory_space<vmem>>)
    %get3A = arith.constant 0 : i32
    %get3A_35 = arith.index_cast %get3A : i32 to index
    %get3A_36 = arith.constant 0 : index
    %get3A_37 = tpu.vector_load %arg16[%get3A_35, %get3A_36] {strides = array<i32>} : memref<64x16xf32, #tpu.memory_space<vmem>>, vector<1x16xf32>,
    %get3A_38 = vector.shape_cast %get3A_37 : vector<1x16xf32> to vector<16xf32>
    %get3A_39 = arith.constant 1 : i32
    %get3A_40 = arith.index_cast %get3A_39 : i32 to index
    %get3A_41 = arith.constant 0 : index
    %get3A_42 = tpu.vector_load %arg16[%get3A_40, %get3A_41] {strides = array<i32>} : memref<64x16xf32, #tpu.memory_space<vmem>>, vector<1x16xf32>,
    %get3A_43 = vector.shape_cast %get3A_42 : vector<1x16xf32> to vector<16xf32>
    %get3A_44 = arith.constant 2 : i32
    %get3A_45 = arith.index_cast %get3A_44 : i32 to index
    %get3A_46 = arith.constant 0 : index
    %get3A_47 = tpu.vector_load %arg16[%get3A_45, %get3A_46] {strides = array<i32>} : memref<64x16xf32, #tpu.memory_space<vmem>>, vector<1x16xf32>,
    %get3A_48 = vector.shape_cast %get3A_47 : vector<1x16xf32> to vector<16xf32>
    %get3A_49 = arith.constant 3 : i32
    %get3A_50 = arith.index_cast %get3A_49 : i32 to index
    %get3A_51 = arith.constant 0 : index
    %get3A_52 = tpu.vector_load %arg16[%get3A_50, %get3A_51] {strides = array<i32>} : memref<64x16xf32, #tpu.memory_space<vmem>>, vector<1x16xf32>,
    %get3A_53 = vector.shape_cast %get3A_52 : vector<1x16xf32> to vector<16xf32>
    %get3A_54 = arith.constant 4 : i32
    %get3A_55 = arith.index_cast %get3A_54 : i32 to index
    %get3A_56 = arith.constant 0 : index
    %get3A_57 = tpu.vector_load %arg16[%get3A_55, %get3A_56] {strides = array<i32>} : memref<64x16xf32, #tpu.memory_space<vmem>>, vector<1x16xf32>,
    %get3A_58 = vector.shape_cast %get3A_57 : vector<1x16xf32> to vector<16xf32>
    %get3A_59 = arith.constant 5 : i32
    %get3A_60 = arith.index_cast %get3A_59 : i32 to index
    %get3A_61 = arith.constant 0 : index
    %get3A_62 = tpu.vector_load %arg16[%get3A_60, %get3A_61] {strides = array<i32>} : memref<64x16xf32, #tpu.memory_space<vmem>>, vector<1x16xf32>,
    %get3A_63 = vector.shape_cast %get3A_62 : vector<1x16xf32> to vector<16xf32>
    %get3A_64 = arith.constant 6 : i32
    %get3A_65 = arith.index_cast %get3A_64 : i32 to index
    %get3A_66 = arith.constant 0 : index
    %get3A_67 = tpu.vector_load %arg16[%get3A_65, %get3A_66] {strides = array<i32>} : memref<64x16xf32, #tpu.memory_space<vmem>>, vector<1x16xf32>,
    %get3A_68 = vector.shape_cast %get3A_67 : vector<1x16xf32> to vector<16xf32>
    %get3A_69 = arith.constant 7 : i32
    %get3A_70 = arith.index_cast %get3A_69 : i32 to index
    %get3A_71 = arith.constant 0 : index
    %get3A_72 = tpu.vector_load %arg16[%get3A_70, %get3A_71] {strides = array<i32>} : memref<64x16xf32, #tpu.memory_space<vmem>>, vector<1x16xf32>,
    %get3A_73 = vector.shape_cast %get3A_72 : vector<1x16xf32> to vector<16xf32>
    %get3A_74 = arith.constant 8 : i32
    %get3A_75 = arith.index_cast %get3A_74 : i32 to index
    %get3A_76 = arith.constant 0 : index
    %get3A_77 = tpu.vector_load %arg16[%get3A_75, %get3A_76] {strides = array<i32>} : memref<64x16xf32, #tpu.memory_space<vmem>>, vector<1x16xf32>,
    %get3A_78 = vector.shape_cast %get3A_77 : vector<1x16xf32> to vector<16xf32>
    %get3A_79 = arith.constant 9 : i32
    %get3A_80 = arith.index_cast %get3A_79 : i32 to index
    %get3A_81 = arith.constant 0 : index
    %get3A_82 = tpu.vector_load %arg16[%get3A_80, %get3A_81] {strides = array<i32>} : memref<64x16xf32, #tpu.memory_space<vmem>>, vector<1x16xf32>,
    %get3A_83 = vector.shape_cast %get3A_82 : vector<1x16xf32> to vector<16xf32>
    %get3A_84 = arith.constant 10 : i32
    %get3A_85 = arith.index_cast %get3A_84 : i32 to index
    %get3A_86 = arith.constant 0 : index
    %get3A_87 = tpu.vector_load %arg16[%get3A_85, %get3A_86] {strides = array<i32>} : memref<64x16xf32, #tpu.memory_space<vmem>>, vector<1x16xf32>,
    %get3A_88 = vector.shape_cast %get3A_87 : vector<1x16xf32> to vector<16xf32>
    %get3A_89 = arith.constant 11 : i32
    %get3A_90 = arith.index_cast %get3A_89 : i32 to index
    %get3A_91 = arith.constant 0 : index
    %get3A_92 = tpu.vector_load %arg16[%get3A_90, %get3A_91] {strides = array<i32>} : memref<64x16xf32, #tpu.memory_space<vmem>>, vector<1x16xf32>,
    %get3A_93 = vector.shape_cast %get3A_92 : vector<1x16xf32> to vector<16xf32>
    %get3A_94 = arith.constant 12 : i32
    %get3A_95 = arith.index_cast %get3A_94 : i32 to index
    %get3A_96 = arith.constant 0 : index
    %get3A_97 = tpu.vector_load %arg16[%get3A_95, %get3A_96] {strides = array<i32>} : memref<64x16xf32, #tpu.memory_space<vmem>>, vector<1x16xf32>,
    %get3A_98 = vector.shape_cast %get3A_97 : vector<1x16xf32> to vector<16xf32>
    %get3A_99 = arith.constant 13 : i32
    %get3A_100 = arith.index_cast %get3A_99 : i32 to index
    %get3A_101 = arith.constant 0 : index
    %get3A_102 = tpu.vector_load %arg16[%get3A_100, %get3A_101] {strides = array<i32>} : memref<64x16xf32, #tpu.memory_space<vmem>>, vector<1x16xf32>,
    %get3A_103 = vector.shape_cast %get3A_102 : vector<1x16xf32> to vector<16xf32>
    %get3A_104 = arith.constant 14 : i32
    %get3A_105 = arith.index_cast %get3A_104 : i32 to index
    %get3A_106 = arith.constant 0 : index
    %get3A_107 = tpu.vector_load %arg16[%get3A_105, %get3A_106] {strides = array<i32>} : memref<64x16xf32, #tpu.memory_space<vmem>>, vector<1x16xf32>,
    %get3A_108 = vector.shape_cast %get3A_107 : vector<1x16xf32> to vector<16xf32>
    %get3A_109 = arith.constant 15 : i32
    %get3A_110 = arith.index_cast %get3A_109 : i32 to index
    %get3A_111 = arith.constant 0 : index
    %get3A_112 = tpu.vector_load %arg16[%get3A_110, %get3A_111] {strides = array<i32>} : memref<64x16xf32, #tpu.memory_space<vmem>>, vector<1x16xf32>,
    %get3A_113 = vector.shape_cast %get3A_112 : vector<1x16xf32> to vector<16xf32>
    %get3A_114 = arith.constant 0 : i32
    %get3A_115 = arith.index_cast %get3A_114 : i32 to index
    %get3A_116 = arith.constant 0 : index
    %get3A_117 = tpu.vector_load %arg17[%get3A_115, %get3A_116] {strides = array<i32>} : memref<64x16xf32, #tpu.memory_space<vmem>>, vector<1x16xf32>,
    %get3A_118 = vector.shape_cast %get3A_117 : vector<1x16xf32> to vector<16xf32>
    %get3A_119 = arith.constant 1 : i32
    %get3A_120 = arith.index_cast %get3A_119 : i32 to index
    %get3A_121 = arith.constant 0 : index
    %get3A_122 = tpu.vector_load %arg17[%get3A_120, %get3A_121] {strides = array<i32>} : memref<64x16xf32, #tpu.memory_space<vmem>>, vector<1x16xf32>,
    %get3A_123 = vector.shape_cast %get3A_122 : vector<1x16xf32> to vector<16xf32>
    %get3A_124 = arith.constant 2 : i32
    %get3A_125 = arith.index_cast %get3A_124 : i32 to index
    %get3A_126 = arith.constant 0 : index
    %get3A_127 = tpu.vector_load %arg17[%get3A_125, %get3A_126] {strides = array<i32>} : memref<64x16xf32, #tpu.memory_space<vmem>>, vector<1x16xf32>,
    %get3A_128 = vector.shape_cast %get3A_127 : vector<1x16xf32> to vector<16xf32>
    %get3A_129 = arith.constant 3 : i32
    %get3A_130 = arith.index_cast %get3A_129 : i32 to index
    %get3A_131 = arith.constant 0 : index
    %get3A_132 = tpu.vector_load %arg17[%get3A_130, %get3A_131] {strides = array<i32>} : memref<64x16xf32, #tpu.memory_space<vmem>>, vector<1x16xf32>,
    %get3A_133 = vector.shape_cast %get3A_132 : vector<1x16xf32> to vector<16xf32>
    %get3A_134 = arith.constant 4 : i32
    %get3A_135 = arith.index_cast %get3A_134 : i32 to index
    %get3A_136 = arith.constant 0 : index
    %get3A_137 = tpu.vector_load %arg17[%get3A_135, %get3A_136] {strides = array<i32>} : memref<64x16xf32, #tpu.memory_space<vmem>>, vector<1x16xf32>,
    %get3A_138 = vector.shape_cast %get3A_137 : vector<1x16xf32> to vector<16xf32>
    %get3A_139 = arith.constant 5 : i32
    %get3A_140 = arith.index_cast %get3A_139 : i32 to index
    %get3A_141 = arith.constant 0 : index
    %get3A_142 = tpu.vector_load %arg17[%get3A_140, %get3A_141] {strides = array<i32>} : memref<64x16xf32, #tpu.memory_space<vmem>>, vector<1x16xf32>,
    %get3A_143 = vector.shape_cast %get3A_142 : vector<1x16xf32> to vector<16xf32>
    %get3A_144 = arith.constant 6 : i32
    %get3A_145 = arith.index_cast %get3A_144 : i32 to index
    %get3A_146 = arith.constant 0 : index
    %get3A_147 = tpu.vector_load %arg17[%get3A_145, %get3A_146] {strides = array<i32>} : memref<64x16xf32, #tpu.memory_space<vmem>>, vector<1x16xf32>,
    %get3A_148 = vector.shape_cast %get3A_147 : vector<1x16xf32> to vector<16xf32>
    %get3A_149 = arith.constant 7 : i32
    %get3A_150 = arith.index_cast %get3A_149 : i32 to index
    %get3A_151 = arith.constant 0 : index
    %get3A_152 = tpu.vector_load %arg17[%get3A_150, %get3A_151] {strides = array<i32>} : memref<64x16xf32, #tpu.memory_space<vmem>>, vector<1x16xf32>,
    %get3A_153 = vector.shape_cast %get3A_152 : vector<1x16xf32> to vector<16xf32>
    %get3A_154 = arith.constant 8 : i32
    %get3A_155 = arith.index_cast %get3A_154 : i32 to index
    %get3A_156 = arith.constant 0 : index
    %get3A_157 = tpu.vector_load %arg17[%get3A_155, %get3A_156] {strides = array<i32>} : memref<64x16xf32, #tpu.memory_space<vmem>>, vector<1x16xf32>,
    %get3A_158 = vector.shape_cast %get3A_157 : vector<1x16xf32> to vector<16xf32>
    %get3A_159 = arith.constant 9 : i32
    %get3A_160 = arith.index_cast %get3A_159 : i32 to index
    %get3A_161 = arith.constant 0 : index
    %get3A_162 = tpu.vector_load %arg17[%get3A_160, %get3A_161] {strides = array<i32>} : memref<64x16xf32, #tpu.memory_space<vmem>>, vector<1x16xf32>,
    %get3A_163 = vector.shape_cast %get3A_162 : vector<1x16xf32> to vector<16xf32>
    %get3A_164 = arith.constant 10 : i32
    %get3A_165 = arith.index_cast %get3A_164 : i32 to index
    %get3A_166 = arith.constant 0 : index
    %get3A_167 = tpu.vector_load %arg17[%get3A_165, %get3A_166] {strides = array<i32>} : memref<64x16xf32, #tpu.memory_space<vmem>>, vector<1x16xf32>,
    %get3A_168 = vector.shape_cast %get3A_167 : vector<1x16xf32> to vector<16xf32>
    %get3A_169 = arith.constant 11 : i32
    %get3A_170 = arith.index_cast %get3A_169 : i32 to index
    %get3A_171 = arith.constant 0 : index
    %get3A_172 = tpu.vector_load %arg17[%get3A_170, %get3A_171] {strides = array<i32>} : memref<64x16xf32, #tpu.memory_space<vmem>>, vector<1x16xf32>,
    %get3A_173 = vector.shape_cast %get3A_172 : vector<1x16xf32> to vector<16xf32>
    %get3A_174 = arith.constant 12 : i32
    %get3A_175 = arith.index_cast %get3A_174 : i32 to index
    %get3A_176 = arith.constant 0 : index
    %get3A_177 = tpu.vector_load %arg17[%get3A_175, %get3A_176] {strides = array<i32>} : memref<64x16xf32, #tpu.memory_space<vmem>>, vector<1x16xf32>,
    %get3A_178 = vector.shape_cast %get3A_177 : vector<1x16xf32> to vector<16xf32>
    %get3A_179 = arith.constant 13 : i32
    %get3A_180 = arith.index_cast %get3A_179 : i32 to index
    %get3A_181 = arith.constant 0 : index
    %get3A_182 = tpu.vector_load %arg17[%get3A_180, %get3A_181] {strides = array<i32>} : memref<64x16xf32, #tpu.memory_space<vmem>>, vector<1x16xf32>,
    %get3A_183 = vector.shape_cast %get3A_182 : vector<1x16xf32> to vector<16xf32>
    %get3A_184 = arith.constant 14 : i32
    %get3A_185 = arith.index_cast %get3A_184 : i32 to index
    %get3A_186 = arith.constant 0 : index
    %get3A_187 = tpu.vector_load %arg17[%get3A_185, %get3A_186] {strides = array<i32>} : memref<64x16xf32, #tpu.memory_space<vmem>>, vector<1x16xf32>,
    %get3A_188 = vector.shape_cast %get3A_187 : vector<1x16xf32> to vector<16xf32>
    %get3A_189 = arith.constant 15 : i32
    %get3A_190 = arith.index_cast %get3A_189 : i32 to index
    %get3A_191 = arith.constant 0 : index
    %get3A_192 = tpu.vector_load %arg17[%get3A_190, %get3A_191] {strides = array<i32>} : memref<64x16xf32, #tpu.memory_space<vmem>>, vector<1x16xf32>,
    %get3A_193 = vector.shape_cast %get3A_192 : vector<1x16xf32> to vector<16xf32>
    %scan3A = arith.constant 0 : i32
    %scan3A_194 = arith.constant 0 : i32
    %scan3A_195 = arith.constant 64 : i32
    %scan3A_196 = arith.addi %scan3A_194, %scan3A_195 : i32
    %scan3A_197 = arith.constant 1 : i32
    %scan3A_198 = scf.for %scan3A_771 = %scan3A_194 to %scan3A_196 step %scan3A_197 iter_args(%scan3A_772 = %scan3A) -> (i32)  : i32 {
      %mul3A_773 = arith.constant 16 : i32
      %mul3A_774 = arith.muli %scan3A_771, %mul3A_773 : i32
      %get3A_775 = arith.constant 0 : i32
      %get3A_776 = arith.index_cast %get3A_775 : i32 to index
      %get3A_777 = arith.index_cast %mul3A_774 : i32 to index
      %get3A_778 = tpu.vector_load %arg18[%get3A_776, %get3A_777] {strides = array<i32>} : memref<16x1024xf32, #tpu.memory_space<vmem>>, vector<1x16xf32>,
      %get3A_779 = vector.shape_cast %get3A_778 : vector<1x16xf32> to vector<16xf32>
      %mul3A_780 = arith.mulf %get3A_38, %get3A_779 : vector<16xf32>
      %get3A_781 = arith.constant 0 : i32
      %get3A_782 = arith.index_cast %get3A_781 : i32 to index
      %get3A_783 = arith.index_cast %mul3A_774 : i32 to index
      %get3A_784 = tpu.vector_load %arg20[%get3A_782, %get3A_783] {strides = array<i32>} : memref<16x1024xf32, #tpu.memory_space<vmem>>, vector<1x16xf32>,
      %get3A_785 = vector.shape_cast %get3A_784 : vector<1x16xf32> to vector<16xf32>
      %mul3A_786 = arith.mulf %get3A_118, %get3A_785 : vector<16xf32>
      %add3A_787 = arith.addf %mul3A_780, %mul3A_786 : vector<16xf32>
      %swap3A = arith.constant 0 : i32
      %swap3A_788 = arith.index_cast %swap3A : i32 to index
      %swap3A_789 = arith.index_cast %mul3A_774 : i32 to index
      %swap3A_790 = tpu.vector_load %arg22[%swap3A_788, %swap3A_789] {strides = array<i32>} : memref<16x1024xf32, #tpu.memory_space<vmem>>, vector<1x16xf32>,
      %swap3A_791 = vector.shape_cast %swap3A_790 : vector<1x16xf32> to vector<16xf32>
      %swap3A_792 = vector.shape_cast %add3A_787 : vector<16xf32> to vector<1x16xf32>
      tpu.vector_store %arg22[%swap3A_788, %swap3A_789], %swap3A_792 {strides = array<i32>} : memref<16x1024xf32, #tpu.memory_space<vmem>>, vector<1x16xf32>,
      %get3A_793 = arith.constant 1 : i32
      %get3A_794 = arith.index_cast %get3A_793 : i32 to index
      %get3A_795 = arith.index_cast %mul3A_774 : i32 to index
      %get3A_796 = tpu.vector_load %arg18[%get3A_794, %get3A_795] {strides = array<i32>} : memref<16x1024xf32, #tpu.memory_space<vmem>>, vector<1x16xf32>,
      %get3A_797 = vector.shape_cast %get3A_796 : vector<1x16xf32> to vector<16xf32>
      %mul3A_798 = arith.mulf %get3A_43, %get3A_797 : vector<16xf32>
      %get3A_799 = arith.constant 1 : i32
      %get3A_800 = arith.index_cast %get3A_799 : i32 to index
      %get3A_801 = arith.index_cast %mul3A_774 : i32 to index
      %get3A_802 = tpu.vector_load %arg20[%get3A_800, %get3A_801] {strides = array<i32>} : memref<16x1024xf32, #tpu.memory_space<vmem>>, vector<1x16xf32>,
      %get3A_803 = vector.shape_cast %get3A_802 : vector<1x16xf32> to vector<16xf32>
      %mul3A_804 = arith.mulf %get3A_123, %get3A_803 : vector<16xf32>
      %add3A_805 = arith.addf %mul3A_798, %mul3A_804 : vector<16xf32>
      %swap3A_806 = arith.constant 1 : i32
      %swap3A_807 = arith.index_cast %swap3A_806 : i32 to index
      %swap3A_808 = arith.index_cast %mul3A_774 : i32 to index
      %swap3A_809 = tpu.vector_load %arg22[%swap3A_807, %swap3A_808] {strides = array<i32>} : memref<16x1024xf32, #tpu.memory_space<vmem>>, vector<1x16xf32>,
      %swap3A_810 = vector.shape_cast %swap3A_809 : vector<1x16xf32> to vector<16xf32>
      %swap3A_811 = vector.shape_cast %add3A_805 : vector<16xf32> to vector<1x16xf32>
      tpu.vector_store %arg22[%swap3A_807, %swap3A_808], %swap3A_811 {strides = array<i32>} : memref<16x1024xf32, #tpu.memory_space<vmem>>, vector<1x16xf32>,
      %get3A_812 = arith.constant 2 : i32
      %get3A_813 = arith.index_cast %get3A_812 : i32 to index
      %get3A_814 = arith.index_cast %mul3A_774 : i32 to index
      %get3A_815 = tpu.vector_load %arg18[%get3A_813, %get3A_814] {strides = array<i32>} : memref<16x1024xf32, #tpu.memory_space<vmem>>, vector<1x16xf32>,
      %get3A_816 = vector.shape_cast %get3A_815 : vector<1x16xf32> to vector<16xf32>
      %mul3A_817 = arith.mulf %get3A_48, %get3A_816 : vector<16xf32>
      %get3A_818 = arith.constant 2 : i32
      %get3A_819 = arith.index_cast %get3A_818 : i32 to index
      %get3A_820 = arith.index_cast %mul3A_774 : i32 to index
      %get3A_821 = tpu.vector_load %arg20[%get3A_819, %get3A_820] {strides = array<i32>} : memref<16x1024xf32, #tpu.memory_space<vmem>>, vector<1x16xf32>,
      %get3A_822 = vector.shape_cast %get3A_821 : vector<1x16xf32> to vector<16xf32>
      %mul3A_823 = arith.mulf %get3A_128, %get3A_822 : vector<16xf32>
      %add3A_824 = arith.addf %mul3A_817, %mul3A_823 : vector<16xf32>
      %swap3A_825 = arith.constant 2 : i32
      %swap3A_826 = arith.index_cast %swap3A_825 : i32 to index
      %swap3A_827 = arith.index_cast %mul3A_774 : i32 to index
      %swap3A_828 = tpu.vector_load %arg22[%swap3A_826, %swap3A_827] {strides = array<i32>} : memref<16x1024xf32, #tpu.memory_space<vmem>>, vector<1x16xf32>,
      %swap3A_829 = vector.shape_cast %swap3A_828 : vector<1x16xf32> to vector<16xf32>
      %swap3A_830 = vector.shape_cast %add3A_824 : vector<16xf32> to vector<1x16xf32>
      tpu.vector_store %arg22[%swap3A_826, %swap3A_827], %swap3A_830 {strides = array<i32>} : memref<16x1024xf32, #tpu.memory_space<vmem>>, vector<1x16xf32>,
      %get3A_831 = arith.constant 3 : i32
      %get3A_832 = arith.index_cast %get3A_831 : i32 to index
      %get3A_833 = arith.index_cast %mul3A_774 : i32 to index
      %get3A_834 = tpu.vector_load %arg18[%get3A_832, %get3A_833] {strides = array<i32>} : memref<16x1024xf32, #tpu.memory_space<vmem>>, vector<1x16xf32>,
      %get3A_835 = vector.shape_cast %get3A_834 : vector<1x16xf32> to vector<16xf32>
      %mul3A_836 = arith.mulf %get3A_53, %get3A_835 : vector<16xf32>
      %get3A_837 = arith.constant 3 : i32
      %get3A_838 = arith.index_cast %get3A_837 : i32 to index
      %get3A_839 = arith.index_cast %mul3A_774 : i32 to index
      %get3A_840 = tpu.vector_load %arg20[%get3A_838, %get3A_839] {strides = array<i32>} : memref<16x1024xf32, #tpu.memory_space<vmem>>, vector<1x16xf32>,
      %get3A_841 = vector.shape_cast %get3A_840 : vector<1x16xf32> to vector<16xf32>
      %mul3A_842 = arith.mulf %get3A_133, %get3A_841 : vector<16xf32>
      %add3A_843 = arith.addf %mul3A_836, %mul3A_842 : vector<16xf32>
      %swap3A_844 = arith.constant 3 : i32
      %swap3A_845 = arith.index_cast %swap3A_844 : i32 to index
      %swap3A_846 = arith.index_cast %mul3A_774 : i32 to index
      %swap3A_847 = tpu.vector_load %arg22[%swap3A_845, %swap3A_846] {strides = array<i32>} : memref<16x1024xf32, #tpu.memory_space<vmem>>, vector<1x16xf32>,
      %swap3A_848 = vector.shape_cast %swap3A_847 : vector<1x16xf32> to vector<16xf32>
      %swap3A_849 = vector.shape_cast %add3A_843 : vector<16xf32> to vector<1x16xf32>
      tpu.vector_store %arg22[%swap3A_845, %swap3A_846], %swap3A_849 {strides = array<i32>} : memref<16x1024xf32, #tpu.memory_space<vmem>>, vector<1x16xf32>,
      %get3A_850 = arith.constant 4 : i32
      %get3A_851 = arith.index_cast %get3A_850 : i32 to index
      %get3A_852 = arith.index_cast %mul3A_774 : i32 to index
      %get3A_853 = tpu.vector_load %arg18[%get3A_851, %get3A_852] {strides = array<i32>} : memref<16x1024xf32, #tpu.memory_space<vmem>>, vector<1x16xf32>,
      %get3A_854 = vector.shape_cast %get3A_853 : vector<1x16xf32> to vector<16xf32>
      %mul3A_855 = arith.mulf %get3A_58, %get3A_854 : vector<16xf32>
      %get3A_856 = arith.constant 4 : i32
      %get3A_857 = arith.index_cast %get3A_856 : i32 to index
      %get3A_858 = arith.index_cast %mul3A_774 : i32 to index
      %get3A_859 = tpu.vector_load %arg20[%get3A_857, %get3A_858] {strides = array<i32>} : memref<16x1024xf32, #tpu.memory_space<vmem>>, vector<1x16xf32>,
      %get3A_860 = vector.shape_cast %get3A_859 : vector<1x16xf32> to vector<16xf32>
      %mul3A_861 = arith.mulf %get3A_138, %get3A_860 : vector<16xf32>
      %add3A_862 = arith.addf %mul3A_855, %mul3A_861 : vector<16xf32>
      %swap3A_863 = arith.constant 4 : i32
      %swap3A_864 = arith.index_cast %swap3A_863 : i32 to index
      %swap3A_865 = arith.index_cast %mul3A_774 : i32 to index
      %swap3A_866 = tpu.vector_load %arg22[%swap3A_864, %swap3A_865] {strides = array<i32>} : memref<16x1024xf32, #tpu.memory_space<vmem>>, vector<1x16xf32>,
      %swap3A_867 = vector.shape_cast %swap3A_866 : vector<1x16xf32> to vector<16xf32>
      %swap3A_868 = vector.shape_cast %add3A_862 : vector<16xf32> to vector<1x16xf32>
      tpu.vector_store %arg22[%swap3A_864, %swap3A_865], %swap3A_868 {strides = array<i32>} : memref<16x1024xf32, #tpu.memory_space<vmem>>, vector<1x16xf32>,
      %get3A_869 = arith.constant 5 : i32
      %get3A_870 = arith.index_cast %get3A_869 : i32 to index
      %get3A_871 = arith.index_cast %mul3A_774 : i32 to index
      %get3A_872 = tpu.vector_load %arg18[%get3A_870, %get3A_871] {strides = array<i32>} : memref<16x1024xf32, #tpu.memory_space<vmem>>, vector<1x16xf32>,
      %get3A_873 = vector.shape_cast %get3A_872 : vector<1x16xf32> to vector<16xf32>
      %mul3A_874 = arith.mulf %get3A_63, %get3A_873 : vector<16xf32>
      %get3A_875 = arith.constant 5 : i32
      %get3A_876 = arith.index_cast %get3A_875 : i32 to index
      %get3A_877 = arith.index_cast %mul3A_774 : i32 to index
      %get3A_878 = tpu.vector_load %arg20[%get3A_876, %get3A_877] {strides = array<i32>} : memref<16x1024xf32, #tpu.memory_space<vmem>>, vector<1x16xf32>,
      %get3A_879 = vector.shape_cast %get3A_878 : vector<1x16xf32> to vector<16xf32>
      %mul3A_880 = arith.mulf %get3A_143, %get3A_879 : vector<16xf32>
      %add3A_881 = arith.addf %mul3A_874, %mul3A_880 : vector<16xf32>
      %swap3A_882 = arith.constant 5 : i32
      %swap3A_883 = arith.index_cast %swap3A_882 : i32 to index
      %swap3A_884 = arith.index_cast %mul3A_774 : i32 to index
      %swap3A_885 = tpu.vector_load %arg22[%swap3A_883, %swap3A_884] {strides = array<i32>} : memref<16x1024xf32, #tpu.memory_space<vmem>>, vector<1x16xf32>,
      %swap3A_886 = vector.shape_cast %swap3A_885 : vector<1x16xf32> to vector<16xf32>
      %swap3A_887 = vector.shape_cast %add3A_881 : vector<16xf32> to vector<1x16xf32>
      tpu.vector_store %arg22[%swap3A_883, %swap3A_884], %swap3A_887 {strides = array<i32>} : memref<16x1024xf32, #tpu.memory_space<vmem>>, vector<1x16xf32>,
      %get3A_888 = arith.constant 6 : i32
      %get3A_889 = arith.index_cast %get3A_888 : i32 to index
      %get3A_890 = arith.index_cast %mul3A_774 : i32 to index
      %get3A_891 = tpu.vector_load %arg18[%get3A_889, %get3A_890] {strides = array<i32>} : memref<16x1024xf32, #tpu.memory_space<vmem>>, vector<1x16xf32>,
      %get3A_892 = vector.shape_cast %get3A_891 : vector<1x16xf32> to vector<16xf32>
      %mul3A_893 = arith.mulf %get3A_68, %get3A_892 : vector<16xf32>
      %get3A_894 = arith.constant 6 : i32
      %get3A_895 = arith.index_cast %get3A_894 : i32 to index
      %get3A_896 = arith.index_cast %mul3A_774 : i32 to index
      %get3A_897 = tpu.vector_load %arg20[%get3A_895, %get3A_896] {strides = array<i32>} : memref<16x1024xf32, #tpu.memory_space<vmem>>, vector<1x16xf32>,
      %get3A_898 = vector.shape_cast %get3A_897 : vector<1x16xf32> to vector<16xf32>
      %mul3A_899 = arith.mulf %get3A_148, %get3A_898 : vector<16xf32>
      %add3A_900 = arith.addf %mul3A_893, %mul3A_899 : vector<16xf32>
      %swap3A_901 = arith.constant 6 : i32
      %swap3A_902 = arith.index_cast %swap3A_901 : i32 to index
      %swap3A_903 = arith.index_cast %mul3A_774 : i32 to index
      %swap3A_904 = tpu.vector_load %arg22[%swap3A_902, %swap3A_903] {strides = array<i32>} : memref<16x1024xf32, #tpu.memory_space<vmem>>, vector<1x16xf32>,
      %swap3A_905 = vector.shape_cast %swap3A_904 : vector<1x16xf32> to vector<16xf32>
      %swap3A_906 = vector.shape_cast %add3A_900 : vector<16xf32> to vector<1x16xf32>
      tpu.vector_store %arg22[%swap3A_902, %swap3A_903], %swap3A_906 {strides = array<i32>} : memref<16x1024xf32, #tpu.memory_space<vmem>>, vector<1x16xf32>,
      %get3A_907 = arith.constant 7 : i32
      %get3A_908 = arith.index_cast %get3A_907 : i32 to index
      %get3A_909 = arith.index_cast %mul3A_774 : i32 to index
      %get3A_910 = tpu.vector_load %arg18[%get3A_908, %get3A_909] {strides = array<i32>} : memref<16x1024xf32, #tpu.memory_space<vmem>>, vector<1x16xf32>,
      %get3A_911 = vector.shape_cast %get3A_910 : vector<1x16xf32> to vector<16xf32>
      %mul3A_912 = arith.mulf %get3A_73, %get3A_911 : vector<16xf32>
      %get3A_913 = arith.constant 7 : i32
      %get3A_914 = arith.index_cast %get3A_913 : i32 to index
      %get3A_915 = arith.index_cast %mul3A_774 : i32 to index
      %get3A_916 = tpu.vector_load %arg20[%get3A_914, %get3A_915] {strides = array<i32>} : memref<16x1024xf32, #tpu.memory_space<vmem>>, vector<1x16xf32>,
      %get3A_917 = vector.shape_cast %get3A_916 : vector<1x16xf32> to vector<16xf32>
      %mul3A_918 = arith.mulf %get3A_153, %get3A_917 : vector<16xf32>
      %add3A_919 = arith.addf %mul3A_912, %mul3A_918 : vector<16xf32>
      %swap3A_920 = arith.constant 7 : i32
      %swap3A_921 = arith.index_cast %swap3A_920 : i32 to index
      %swap3A_922 = arith.index_cast %mul3A_774 : i32 to index
      %swap3A_923 = tpu.vector_load %arg22[%swap3A_921, %swap3A_922] {strides = array<i32>} : memref<16x1024xf32, #tpu.memory_space<vmem>>, vector<1x16xf32>,
      %swap3A_924 = vector.shape_cast %swap3A_923 : vector<1x16xf32> to vector<16xf32>
      %swap3A_925 = vector.shape_cast %add3A_919 : vector<16xf32> to vector<1x16xf32>
      tpu.vector_store %arg22[%swap3A_921, %swap3A_922], %swap3A_925 {strides = array<i32>} : memref<16x1024xf32, #tpu.memory_space<vmem>>, vector<1x16xf32>,
      %get3A_926 = arith.constant 8 : i32
      %get3A_927 = arith.index_cast %get3A_926 : i32 to index
      %get3A_928 = arith.index_cast %mul3A_774 : i32 to index
      %get3A_929 = tpu.vector_load %arg18[%get3A_927, %get3A_928] {strides = array<i32>} : memref<16x1024xf32, #tpu.memory_space<vmem>>, vector<1x16xf32>,
      %get3A_930 = vector.shape_cast %get3A_929 : vector<1x16xf32> to vector<16xf32>
      %mul3A_931 = arith.mulf %get3A_78, %get3A_930 : vector<16xf32>
      %get3A_932 = arith.constant 8 : i32
      %get3A_933 = arith.index_cast %get3A_932 : i32 to index
      %get3A_934 = arith.index_cast %mul3A_774 : i32 to index
      %get3A_935 = tpu.vector_load %arg20[%get3A_933, %get3A_934] {strides = array<i32>} : memref<16x1024xf32, #tpu.memory_space<vmem>>, vector<1x16xf32>,
      %get3A_936 = vector.shape_cast %get3A_935 : vector<1x16xf32> to vector<16xf32>
      %mul3A_937 = arith.mulf %get3A_158, %get3A_936 : vector<16xf32>
      %add3A_938 = arith.addf %mul3A_931, %mul3A_937 : vector<16xf32>
      %swap3A_939 = arith.constant 8 : i32
      %swap3A_940 = arith.index_cast %swap3A_939 : i32 to index
      %swap3A_941 = arith.index_cast %mul3A_774 : i32 to index
      %swap3A_942 = tpu.vector_load %arg22[%swap3A_940, %swap3A_941] {strides = array<i32>} : memref<16x1024xf32, #tpu.memory_space<vmem>>, vector<1x16xf32>,
      %swap3A_943 = vector.shape_cast %swap3A_942 : vector<1x16xf32> to vector<16xf32>
      %swap3A_944 = vector.shape_cast %add3A_938 : vector<16xf32> to vector<1x16xf32>
      tpu.vector_store %arg22[%swap3A_940, %swap3A_941], %swap3A_944 {strides = array<i32>} : memref<16x1024xf32, #tpu.memory_space<vmem>>, vector<1x16xf32>,
      %get3A_945 = arith.constant 9 : i32
      %get3A_946 = arith.index_cast %get3A_945 : i32 to index
      %get3A_947 = arith.index_cast %mul3A_774 : i32 to index
      %get3A_948 = tpu.vector_load %arg18[%get3A_946, %get3A_947] {strides = array<i32>} : memref<16x1024xf32, #tpu.memory_space<vmem>>, vector<1x16xf32>,
      %get3A_949 = vector.shape_cast %get3A_948 : vector<1x16xf32> to vector<16xf32>
      %mul3A_950 = arith.mulf %get3A_83, %get3A_949 : vector<16xf32>
      %get3A_951 = arith.constant 9 : i32
      %get3A_952 = arith.index_cast %get3A_951 : i32 to index
      %get3A_953 = arith.index_cast %mul3A_774 : i32 to index
      %get3A_954 = tpu.vector_load %arg20[%get3A_952, %get3A_953] {strides = array<i32>} : memref<16x1024xf32, #tpu.memory_space<vmem>>, vector<1x16xf32>,
      %get3A_955 = vector.shape_cast %get3A_954 : vector<1x16xf32> to vector<16xf32>
      %mul3A_956 = arith.mulf %get3A_163, %get3A_955 : vector<16xf32>
      %add3A_957 = arith.addf %mul3A_950, %mul3A_956 : vector<16xf32>
      %swap3A_958 = arith.constant 9 : i32
      %swap3A_959 = arith.index_cast %swap3A_958 : i32 to index
      %swap3A_960 = arith.index_cast %mul3A_774 : i32 to index
      %swap3A_961 = tpu.vector_load %arg22[%swap3A_959, %swap3A_960] {strides = array<i32>} : memref<16x1024xf32, #tpu.memory_space<vmem>>, vector<1x16xf32>,
      %swap3A_962 = vector.shape_cast %swap3A_961 : vector<1x16xf32> to vector<16xf32>
      %swap3A_963 = vector.shape_cast %add3A_957 : vector<16xf32> to vector<1x16xf32>
      tpu.vector_store %arg22[%swap3A_959, %swap3A_960], %swap3A_963 {strides = array<i32>} : memref<16x1024xf32, #tpu.memory_space<vmem>>, vector<1x16xf32>,
      %get3A_964 = arith.constant 10 : i32
      %get3A_965 = arith.index_cast %get3A_964 : i32 to index
      %get3A_966 = arith.index_cast %mul3A_774 : i32 to index
      %get3A_967 = tpu.vector_load %arg18[%get3A_965, %get3A_966] {strides = array<i32>} : memref<16x1024xf32, #tpu.memory_space<vmem>>, vector<1x16xf32>,
      %get3A_968 = vector.shape_cast %get3A_967 : vector<1x16xf32> to vector<16xf32>
      %mul3A_969 = arith.mulf %get3A_88, %get3A_968 : vector<16xf32>
      %get3A_970 = arith.constant 10 : i32
      %get3A_971 = arith.index_cast %get3A_970 : i32 to index
      %get3A_972 = arith.index_cast %mul3A_774 : i32 to index
      %get3A_973 = tpu.vector_load %arg20[%get3A_971, %get3A_972] {strides = array<i32>} : memref<16x1024xf32, #tpu.memory_space<vmem>>, vector<1x16xf32>,
      %get3A_974 = vector.shape_cast %get3A_973 : vector<1x16xf32> to vector<16xf32>
      %mul3A_975 = arith.mulf %get3A_168, %get3A_974 : vector<16xf32>
      %add3A_976 = arith.addf %mul3A_969, %mul3A_975 : vector<16xf32>
      %swap3A_977 = arith.constant 10 : i32
      %swap3A_978 = arith.index_cast %swap3A_977 : i32 to index
      %swap3A_979 = arith.index_cast %mul3A_774 : i32 to index
      %swap3A_980 = tpu.vector_load %arg22[%swap3A_978, %swap3A_979] {strides = array<i32>} : memref<16x1024xf32, #tpu.memory_space<vmem>>, vector<1x16xf32>,
      %swap3A_981 = vector.shape_cast %swap3A_980 : vector<1x16xf32> to vector<16xf32>
      %swap3A_982 = vector.shape_cast %add3A_976 : vector<16xf32> to vector<1x16xf32>
      tpu.vector_store %arg22[%swap3A_978, %swap3A_979], %swap3A_982 {strides = array<i32>} : memref<16x1024xf32, #tpu.memory_space<vmem>>, vector<1x16xf32>,
      %get3A_983 = arith.constant 11 : i32
      %get3A_984 = arith.index_cast %get3A_983 : i32 to index
      %get3A_985 = arith.index_cast %mul3A_774 : i32 to index
      %get3A_986 = tpu.vector_load %arg18[%get3A_984, %get3A_985] {strides = array<i32>} : memref<16x1024xf32, #tpu.memory_space<vmem>>, vector<1x16xf32>,
      %get3A_987 = vector.shape_cast %get3A_986 : vector<1x16xf32> to vector<16xf32>
      %mul3A_988 = arith.mulf %get3A_93, %get3A_987 : vector<16xf32>
      %get3A_989 = arith.constant 11 : i32
      %get3A_990 = arith.index_cast %get3A_989 : i32 to index
      %get3A_991 = arith.index_cast %mul3A_774 : i32 to index
      %get3A_992 = tpu.vector_load %arg20[%get3A_990, %get3A_991] {strides = array<i32>} : memref<16x1024xf32, #tpu.memory_space<vmem>>, vector<1x16xf32>,
      %get3A_993 = vector.shape_cast %get3A_992 : vector<1x16xf32> to vector<16xf32>
      %mul3A_994 = arith.mulf %get3A_173, %get3A_993 : vector<16xf32>
      %add3A_995 = arith.addf %mul3A_988, %mul3A_994 : vector<16xf32>
      %swap3A_996 = arith.constant 11 : i32
      %swap3A_997 = arith.index_cast %swap3A_996 : i32 to index
      %swap3A_998 = arith.index_cast %mul3A_774 : i32 to index
      %swap3A_999 = tpu.vector_load %arg22[%swap3A_997, %swap3A_998] {strides = array<i32>} : memref<16x1024xf32, #tpu.memory_space<vmem>>, vector<1x16xf32>,
      %swap3A_1000 = vector.shape_cast %swap3A_999 : vector<1x16xf32> to vector<16xf32>
      %swap3A_1001 = vector.shape_cast %add3A_995 : vector<16xf32> to vector<1x16xf32>
      tpu.vector_store %arg22[%swap3A_997, %swap3A_998], %swap3A_1001 {strides = array<i32>} : memref<16x1024xf32, #tpu.memory_space<vmem>>, vector<1x16xf32>,
      %get3A_1002 = arith.constant 12 : i32
      %get3A_1003 = arith.index_cast %get3A_1002 : i32 to index
      %get3A_1004 = arith.index_cast %mul3A_774 : i32 to index
      %get3A_1005 = tpu.vector_load %arg18[%get3A_1003, %get3A_1004] {strides = array<i32>} : memref<16x1024xf32, #tpu.memory_space<vmem>>, vector<1x16xf32>,
      %get3A_1006 = vector.shape_cast %get3A_1005 : vector<1x16xf32> to vector<16xf32>
      %mul3A_1007 = arith.mulf %get3A_98, %get3A_1006 : vector<16xf32>
      %get3A_1008 = arith.constant 12 : i32
      %get3A_1009 = arith.index_cast %get3A_1008 : i32 to index
      %get3A_1010 = arith.index_cast %mul3A_774 : i32 to index
      %get3A_1011 = tpu.vector_load %arg20[%get3A_1009, %get3A_1010] {strides = array<i32>} : memref<16x1024xf32, #tpu.memory_space<vmem>>, vector<1x16xf32>,
      %get3A_1012 = vector.shape_cast %get3A_1011 : vector<1x16xf32> to vector<16xf32>
      %mul3A_1013 = arith.mulf %get3A_178, %get3A_1012 : vector<16xf32>
      %add3A_1014 = arith.addf %mul3A_1007, %mul3A_1013 : vector<16xf32>
      %swap3A_1015 = arith.constant 12 : i32
      %swap3A_1016 = arith.index_cast %swap3A_1015 : i32 to index
      %swap3A_1017 = arith.index_cast %mul3A_774 : i32 to index
      %swap3A_1018 = tpu.vector_load %arg22[%swap3A_1016, %swap3A_1017] {strides = array<i32>} : memref<16x1024xf32, #tpu.memory_space<vmem>>, vector<1x16xf32>,
      %swap3A_1019 = vector.shape_cast %swap3A_1018 : vector<1x16xf32> to vector<16xf32>
      %swap3A_1020 = vector.shape_cast %add3A_1014 : vector<16xf32> to vector<1x16xf32>
      tpu.vector_store %arg22[%swap3A_1016, %swap3A_1017], %swap3A_1020 {strides = array<i32>} : memref<16x1024xf32, #tpu.memory_space<vmem>>, vector<1x16xf32>,
      %get3A_1021 = arith.constant 13 : i32
      %get3A_1022 = arith.index_cast %get3A_1021 : i32 to index
      %get3A_1023 = arith.index_cast %mul3A_774 : i32 to index
      %get3A_1024 = tpu.vector_load %arg18[%get3A_1022, %get3A_1023] {strides = array<i32>} : memref<16x1024xf32, #tpu.memory_space<vmem>>, vector<1x16xf32>,
      %get3A_1025 = vector.shape_cast %get3A_1024 : vector<1x16xf32> to vector<16xf32>
      %mul3A_1026 = arith.mulf %get3A_103, %get3A_1025 : vector<16xf32>
      %get3A_1027 = arith.constant 13 : i32
      %get3A_1028 = arith.index_cast %get3A_1027 : i32 to index
      %get3A_1029 = arith.index_cast %mul3A_774 : i32 to index
      %get3A_1030 = tpu.vector_load %arg20[%get3A_1028, %get3A_1029] {strides = array<i32>} : memref<16x1024xf32, #tpu.memory_space<vmem>>, vector<1x16xf32>,
      %get3A_1031 = vector.shape_cast %get3A_1030 : vector<1x16xf32> to vector<16xf32>
      %mul3A_1032 = arith.mulf %get3A_183, %get3A_1031 : vector<16xf32>
      %add3A_1033 = arith.addf %mul3A_1026, %mul3A_1032 : vector<16xf32>
      %swap3A_1034 = arith.constant 13 : i32
      %swap3A_1035 = arith.index_cast %swap3A_1034 : i32 to index
      %swap3A_1036 = arith.index_cast %mul3A_774 : i32 to index
      %swap3A_1037 = tpu.vector_load %arg22[%swap3A_1035, %swap3A_1036] {strides = array<i32>} : memref<16x1024xf32, #tpu.memory_space<vmem>>, vector<1x16xf32>,
      %swap3A_1038 = vector.shape_cast %swap3A_1037 : vector<1x16xf32> to vector<16xf32>
      %swap3A_1039 = vector.shape_cast %add3A_1033 : vector<16xf32> to vector<1x16xf32>
      tpu.vector_store %arg22[%swap3A_1035, %swap3A_1036], %swap3A_1039 {strides = array<i32>} : memref<16x1024xf32, #tpu.memory_space<vmem>>, vector<1x16xf32>,
      %get3A_1040 = arith.constant 14 : i32
      %get3A_1041 = arith.index_cast %get3A_1040 : i32 to index
      %get3A_1042 = arith.index_cast %mul3A_774 : i32 to index
      %get3A_1043 = tpu.vector_load %arg18[%get3A_1041, %get3A_1042] {strides = array<i32>} : memref<16x1024xf32, #tpu.memory_space<vmem>>, vector<1x16xf32>,
      %get3A_1044 = vector.shape_cast %get3A_1043 : vector<1x16xf32> to vector<16xf32>
      %mul3A_1045 = arith.mulf %get3A_108, %get3A_1044 : vector<16xf32>
      %get3A_1046 = arith.constant 14 : i32
      %get3A_1047 = arith.index_cast %get3A_1046 : i32 to index
      %get3A_1048 = arith.index_cast %mul3A_774 : i32 to index
      %get3A_1049 = tpu.vector_load %arg20[%get3A_1047, %get3A_1048] {strides = array<i32>} : memref<16x1024xf32, #tpu.memory_space<vmem>>, vector<1x16xf32>,
      %get3A_1050 = vector.shape_cast %get3A_1049 : vector<1x16xf32> to vector<16xf32>
      %mul3A_1051 = arith.mulf %get3A_188, %get3A_1050 : vector<16xf32>
      %add3A_1052 = arith.addf %mul3A_1045, %mul3A_1051 : vector<16xf32>
      %swap3A_1053 = arith.constant 14 : i32
      %swap3A_1054 = arith.index_cast %swap3A_1053 : i32 to index
      %swap3A_1055 = arith.index_cast %mul3A_774 : i32 to index
      %swap3A_1056 = tpu.vector_load %arg22[%swap3A_1054, %swap3A_1055] {strides = array<i32>} : memref<16x1024xf32, #tpu.memory_space<vmem>>, vector<1x16xf32>,
      %swap3A_1057 = vector.shape_cast %swap3A_1056 : vector<1x16xf32> to vector<16xf32>
      %swap3A_1058 = vector.shape_cast %add3A_1052 : vector<16xf32> to vector<1x16xf32>
      tpu.vector_store %arg22[%swap3A_1054, %swap3A_1055], %swap3A_1058 {strides = array<i32>} : memref<16x1024xf32, #tpu.memory_space<vmem>>, vector<1x16xf32>,
      %get3A_1059 = arith.constant 15 : i32
      %get3A_1060 = arith.index_cast %get3A_1059 : i32 to index
      %get3A_1061 = arith.index_cast %mul3A_774 : i32 to index
      %get3A_1062 = tpu.vector_load %arg18[%get3A_1060, %get3A_1061] {strides = array<i32>} : memref<16x1024xf32, #tpu.memory_space<vmem>>, vector<1x16xf32>,
      %get3A_1063 = vector.shape_cast %get3A_1062 : vector<1x16xf32> to vector<16xf32>
      %mul3A_1064 = arith.mulf %get3A_113, %get3A_1063 : vector<16xf32>
      %get3A_1065 = arith.constant 15 : i32
      %get3A_1066 = arith.index_cast %get3A_1065 : i32 to index
      %get3A_1067 = arith.index_cast %mul3A_774 : i32 to index
      %get3A_1068 = tpu.vector_load %arg20[%get3A_1066, %get3A_1067] {strides = array<i32>} : memref<16x1024xf32, #tpu.memory_space<vmem>>, vector<1x16xf32>,
      %get3A_1069 = vector.shape_cast %get3A_1068 : vector<1x16xf32> to vector<16xf32>
      %mul3A_1070 = arith.mulf %get3A_193, %get3A_1069 : vector<16xf32>
      %add3A_1071 = arith.addf %mul3A_1064, %mul3A_1070 : vector<16xf32>
      %swap3A_1072 = arith.constant 15 : i32
      %swap3A_1073 = arith.index_cast %swap3A_1072 : i32 to index
      %swap3A_1074 = arith.index_cast %mul3A_774 : i32 to index
      %swap3A_1075 = tpu.vector_load %arg22[%swap3A_1073, %swap3A_1074] {strides = array<i32>} : memref<16x1024xf32, #tpu.memory_space<vmem>>, vector<1x16xf32>,
      %swap3A_1076 = vector.shape_cast %swap3A_1075 : vector<1x16xf32> to vector<16xf32>
      %swap3A_1077 = vector.shape_cast %add3A_1071 : vector<16xf32> to vector<1x16xf32>
      tpu.vector_store %arg22[%swap3A_1073, %swap3A_1074], %swap3A_1077 {strides = array<i32>} : memref<16x1024xf32, #tpu.memory_space<vmem>>, vector<1x16xf32>,
      %scan3A_1078 = arith.constant 0 : i32
      scf.yield %scan3A_1078 : i32
    }
    %scan3A_199 = arith.constant 64 : i32
    %dma_start3A_200 = arith.constant 0 : i32
    %dma_start3A_201 = arith.constant 0 : i32
    %dma_start3A_202 = tpu.memref_slice %arg6[%dma_start3A_200, %dma_start3A_201] : memref<5888x1024xf32, #tpu.memory_space<hbm>> -> memref<5888x1024xf32, #tpu.memory_space<hbm>>
    tpu.enqueue_indirect_dma source(%dma_start3A_202 : memref<5888x1024xf32, #tpu.memory_space<hbm>>) target(%arg18 : memref<16x1024xf32, #tpu.memory_space<vmem>>) offsets(%arg10 : memref<16xi32, #tpu.memory_space<vmem>>) semaphore(%arg24 : memref<!tpu.dma_semaphore, #tpu.memory_space<semaphore_mem>>)
    %dma_start3A_203 = arith.constant 0 : i32
    %dma_start3A_204 = arith.constant 0 : i32
    %dma_start3A_205 = tpu.memref_slice %arg6[%dma_start3A_203, %dma_start3A_204] : memref<5888x1024xf32, #tpu.memory_space<hbm>> -> memref<5888x1024xf32, #tpu.memory_space<hbm>>
    tpu.enqueue_indirect_dma source(%dma_start3A_205 : memref<5888x1024xf32, #tpu.memory_space<hbm>>) target(%arg20 : memref<16x1024xf32, #tpu.memory_space<vmem>>) offsets(%arg14 : memref<16xi32, #tpu.memory_space<vmem>>) semaphore(%arg26 : memref<!tpu.dma_semaphore, #tpu.memory_space<semaphore_mem>>)
    %add3A_206 = arith.constant 0 : i32
    %add3A_207 = arith.addi %mul3A_2, %add3A_206 : i32
    %dma_start3A_208 = arith.constant 0 : i32
    %dma_start3A_209 = tpu.memref_slice %arg7[%add3A_207, %dma_start3A_208] : memref<2048x1024xf32, #tpu.memory_space<hbm>> -> memref<16x1024xf32, #tpu.memory_space<hbm>>
    %dma_start3A_210 = arith.constant 0 : i32
    %dma_start3A_211 = tpu.memref_slice %arg7[%add3A_207, %dma_start3A_210] : memref<2048x1024xf32, #tpu.memory_space<hbm>> -> memref<16x1024xf32, #tpu.memory_space<hbm>>
    tpu.enqueue_dma source(%arg22 : memref<16x1024xf32, #tpu.memory_space<vmem>>) target(%dma_start3A_211 : memref<16x1024xf32, #tpu.memory_space<hbm>>) target_semaphore(%arg28 : memref<!tpu.dma_semaphore, #tpu.memory_space<semaphore_mem>>)
    %dma_wait3A_212 = arith.constant 0 : i32
    %dma_wait3A_213 = arith.constant 0 : i32
    %dma_wait3A_214 = tpu.memref_slice %arg6[%dma_wait3A_212, %dma_wait3A_213] : memref<5888x1024xf32, #tpu.memory_space<hbm>> -> memref<5888x1024xf32, #tpu.memory_space<hbm>>
    tpu.wait_indirect_dma semaphore(%arg25 : memref<!tpu.dma_semaphore, #tpu.memory_space<semaphore_mem>>) src(%dma_wait3A_214 : memref<5888x1024xf32, #tpu.memory_space<hbm>>) dst(%arg19 : memref<16x1024xf32, #tpu.memory_space<vmem>>)
    %dma_wait3A_215 = arith.constant 0 : i32
    %dma_wait3A_216 = arith.constant 0 : i32
    %dma_wait3A_217 = tpu.memref_slice %arg6[%dma_wait3A_215, %dma_wait3A_216] : memref<5888x1024xf32, #tpu.memory_space<hbm>> -> memref<5888x1024xf32, #tpu.memory_space<hbm>>
    tpu.wait_indirect_dma semaphore(%arg27 : memref<!tpu.dma_semaphore, #tpu.memory_space<semaphore_mem>>) src(%dma_wait3A_217 : memref<5888x1024xf32, #tpu.memory_space<hbm>>) dst(%arg21 : memref<16x1024xf32, #tpu.memory_space<vmem>>)
    %get3A_218 = arith.constant 16 : i32
    %get3A_219 = arith.index_cast %get3A_218 : i32 to index
    %get3A_220 = arith.constant 0 : index
    %get3A_221 = tpu.vector_load %arg16[%get3A_219, %get3A_220] {strides = array<i32>} : memref<64x16xf32, #tpu.memory_space<vmem>>, vector<1x16xf32>,
    %get3A_222 = vector.shape_cast %get3A_221 : vector<1x16xf32> to vector<16xf32>
    %get3A_223 = arith.constant 17 : i32
    %get3A_224 = arith.index_cast %get3A_223 : i32 to index
    %get3A_225 = arith.constant 0 : index
    %get3A_226 = tpu.vector_load %arg16[%get3A_224, %get3A_225] {strides = array<i32>} : memref<64x16xf32, #tpu.memory_space<vmem>>, vector<1x16xf32>,
    %get3A_227 = vector.shape_cast %get3A_226 : vector<1x16xf32> to vector<16xf32>
    %get3A_228 = arith.constant 18 : i32
    %get3A_229 = arith.index_cast %get3A_228 : i32 to index
    %get3A_230 = arith.constant 0 : index
    %get3A_231 = tpu.vector_load %arg16[%get3A_229, %get3A_230] {strides = array<i32>} : memref<64x16xf32, #tpu.memory_space<vmem>>, vector<1x16xf32>,
    %get3A_232 = vector.shape_cast %get3A_231 : vector<1x16xf32> to vector<16xf32>
    %get3A_233 = arith.constant 19 : i32
    %get3A_234 = arith.index_cast %get3A_233 : i32 to index
    %get3A_235 = arith.constant 0 : index
    %get3A_236 = tpu.vector_load %arg16[%get3A_234, %get3A_235] {strides = array<i32>} : memref<64x16xf32, #tpu.memory_space<vmem>>, vector<1x16xf32>,
    %get3A_237 = vector.shape_cast %get3A_236 : vector<1x16xf32> to vector<16xf32>
    %get3A_238 = arith.constant 20 : i32
    %get3A_239 = arith.index_cast %get3A_238 : i32 to index
    %get3A_240 = arith.constant 0 : index
    %get3A_241 = tpu.vector_load %arg16[%get3A_239, %get3A_240] {strides = array<i32>} : memref<64x16xf32, #tpu.memory_space<vmem>>, vector<1x16xf32>,
    %get3A_242 = vector.shape_cast %get3A_241 : vector<1x16xf32> to vector<16xf32>
    %get3A_243 = arith.constant 21 : i32
    %get3A_244 = arith.index_cast %get3A_243 : i32 to index
    %get3A_245 = arith.constant 0 : index
    %get3A_246 = tpu.vector_load %arg16[%get3A_244, %get3A_245] {strides = array<i32>} : memref<64x16xf32, #tpu.memory_space<vmem>>, vector<1x16xf32>,
    %get3A_247 = vector.shape_cast %get3A_246 : vector<1x16xf32> to vector<16xf32>
    %get3A_248 = arith.constant 22 : i32
    %get3A_249 = arith.index_cast %get3A_248 : i32 to index
    %get3A_250 = arith.constant 0 : index
    %get3A_251 = tpu.vector_load %arg16[%get3A_249, %get3A_250] {strides = array<i32>} : memref<64x16xf32, #tpu.memory_space<vmem>>, vector<1x16xf32>,
    %get3A_252 = vector.shape_cast %get3A_251 : vector<1x16xf32> to vector<16xf32>
    %get3A_253 = arith.constant 23 : i32
    %get3A_254 = arith.index_cast %get3A_253 : i32 to index
    %get3A_255 = arith.constant 0 : index
    %get3A_256 = tpu.vector_load %arg16[%get3A_254, %get3A_255] {strides = array<i32>} : memref<64x16xf32, #tpu.memory_space<vmem>>, vector<1x16xf32>,
    %get3A_257 = vector.shape_cast %get3A_256 : vector<1x16xf32> to vector<16xf32>
    %get3A_258 = arith.constant 24 : i32
    %get3A_259 = arith.index_cast %get3A_258 : i32 to index
    %get3A_260 = arith.constant 0 : index
    %get3A_261 = tpu.vector_load %arg16[%get3A_259, %get3A_260] {strides = array<i32>} : memref<64x16xf32, #tpu.memory_space<vmem>>, vector<1x16xf32>,
    %get3A_262 = vector.shape_cast %get3A_261 : vector<1x16xf32> to vector<16xf32>
    %get3A_263 = arith.constant 25 : i32
    %get3A_264 = arith.index_cast %get3A_263 : i32 to index
    %get3A_265 = arith.constant 0 : index
    %get3A_266 = tpu.vector_load %arg16[%get3A_264, %get3A_265] {strides = array<i32>} : memref<64x16xf32, #tpu.memory_space<vmem>>, vector<1x16xf32>,
    %get3A_267 = vector.shape_cast %get3A_266 : vector<1x16xf32> to vector<16xf32>
    %get3A_268 = arith.constant 26 : i32
    %get3A_269 = arith.index_cast %get3A_268 : i32 to index
    %get3A_270 = arith.constant 0 : index
    %get3A_271 = tpu.vector_load %arg16[%get3A_269, %get3A_270] {strides = array<i32>} : memref<64x16xf32, #tpu.memory_space<vmem>>, vector<1x16xf32>,
    %get3A_272 = vector.shape_cast %get3A_271 : vector<1x16xf32> to vector<16xf32>
    %get3A_273 = arith.constant 27 : i32
    %get3A_274 = arith.index_cast %get3A_273 : i32 to index
    %get3A_275 = arith.constant 0 : index
    %get3A_276 = tpu.vector_load %arg16[%get3A_274, %get3A_275] {strides = array<i32>} : memref<64x16xf32, #tpu.memory_space<vmem>>, vector<1x16xf32>,
    %get3A_277 = vector.shape_cast %get3A_276 : vector<1x16xf32> to vector<16xf32>
    %get3A_278 = arith.constant 28 : i32
    %get3A_279 = arith.index_cast %get3A_278 : i32 to index
    %get3A_280 = arith.constant 0 : index
    %get3A_281 = tpu.vector_load %arg16[%get3A_279, %get3A_280] {strides = array<i32>} : memref<64x16xf32, #tpu.memory_space<vmem>>, vector<1x16xf32>,
    %get3A_282 = vector.shape_cast %get3A_281 : vector<1x16xf32> to vector<16xf32>
    %get3A_283 = arith.constant 29 : i32
    %get3A_284 = arith.index_cast %get3A_283 : i32 to index
    %get3A_285 = arith.constant 0 : index
    %get3A_286 = tpu.vector_load %arg16[%get3A_284, %get3A_285] {strides = array<i32>} : memref<64x16xf32, #tpu.memory_space<vmem>>, vector<1x16xf32>,
    %get3A_287 = vector.shape_cast %get3A_286 : vector<1x16xf32> to vector<16xf32>
    %get3A_288 = arith.constant 30 : i32
    %get3A_289 = arith.index_cast %get3A_288 : i32 to index
    %get3A_290 = arith.constant 0 : index
    %get3A_291 = tpu.vector_load %arg16[%get3A_289, %get3A_290] {strides = array<i32>} : memref<64x16xf32, #tpu.memory_space<vmem>>, vector<1x16xf32>,
    %get3A_292 = vector.shape_cast %get3A_291 : vector<1x16xf32> to vector<16xf32>
    %get3A_293 = arith.constant 31 : i32
    %get3A_294 = arith.index_cast %get3A_293 : i32 to index
    %get3A_295 = arith.constant 0 : index
    %get3A_296 = tpu.vector_load %arg16[%get3A_294, %get3A_295] {strides = array<i32>} : memref<64x16xf32, #tpu.memory_space<vmem>>, vector<1x16xf32>,
    %get3A_297 = vector.shape_cast %get3A_296 : vector<1x16xf32> to vector<16xf32>
    %get3A_298 = arith.constant 16 : i32
    %get3A_299 = arith.index_cast %get3A_298 : i32 to index
    %get3A_300 = arith.constant 0 : index
    %get3A_301 = tpu.vector_load %arg17[%get3A_299, %get3A_300] {strides = array<i32>} : memref<64x16xf32, #tpu.memory_space<vmem>>, vector<1x16xf32>,
    %get3A_302 = vector.shape_cast %get3A_301 : vector<1x16xf32> to vector<16xf32>
    %get3A_303 = arith.constant 17 : i32
    %get3A_304 = arith.index_cast %get3A_303 : i32 to index
    %get3A_305 = arith.constant 0 : index
    %get3A_306 = tpu.vector_load %arg17[%get3A_304, %get3A_305] {strides = array<i32>} : memref<64x16xf32, #tpu.memory_space<vmem>>, vector<1x16xf32>,
    %get3A_307 = vector.shape_cast %get3A_306 : vector<1x16xf32> to vector<16xf32>
    %get3A_308 = arith.constant 18 : i32
    %get3A_309 = arith.index_cast %get3A_308 : i32 to index
    %get3A_310 = arith.constant 0 : index
    %get3A_311 = tpu.vector_load %arg17[%get3A_309, %get3A_310] {strides = array<i32>} : memref<64x16xf32, #tpu.memory_space<vmem>>, vector<1x16xf32>,
    %get3A_312 = vector.shape_cast %get3A_311 : vector<1x16xf32> to vector<16xf32>
    %get3A_313 = arith.constant 19 : i32
    %get3A_314 = arith.index_cast %get3A_313 : i32 to index
    %get3A_315 = arith.constant 0 : index
    %get3A_316 = tpu.vector_load %arg17[%get3A_314, %get3A_315] {strides = array<i32>} : memref<64x16xf32, #tpu.memory_space<vmem>>, vector<1x16xf32>,
    %get3A_317 = vector.shape_cast %get3A_316 : vector<1x16xf32> to vector<16xf32>
    %get3A_318 = arith.constant 20 : i32
    %get3A_319 = arith.index_cast %get3A_318 : i32 to index
    %get3A_320 = arith.constant 0 : index
    %get3A_321 = tpu.vector_load %arg17[%get3A_319, %get3A_320] {strides = array<i32>} : memref<64x16xf32, #tpu.memory_space<vmem>>, vector<1x16xf32>,
    %get3A_322 = vector.shape_cast %get3A_321 : vector<1x16xf32> to vector<16xf32>
    %get3A_323 = arith.constant 21 : i32
    %get3A_324 = arith.index_cast %get3A_323 : i32 to index
    %get3A_325 = arith.constant 0 : index
    %get3A_326 = tpu.vector_load %arg17[%get3A_324, %get3A_325] {strides = array<i32>} : memref<64x16xf32, #tpu.memory_space<vmem>>, vector<1x16xf32>,
    %get3A_327 = vector.shape_cast %get3A_326 : vector<1x16xf32> to vector<16xf32>
    %get3A_328 = arith.constant 22 : i32
    %get3A_329 = arith.index_cast %get3A_328 : i32 to index
    %get3A_330 = arith.constant 0 : index
    %get3A_331 = tpu.vector_load %arg17[%get3A_329, %get3A_330] {strides = array<i32>} : memref<64x16xf32, #tpu.memory_space<vmem>>, vector<1x16xf32>,
    %get3A_332 = vector.shape_cast %get3A_331 : vector<1x16xf32> to vector<16xf32>
    %get3A_333 = arith.constant 23 : i32
    %get3A_334 = arith.index_cast %get3A_333 : i32 to index
    %get3A_335 = arith.constant 0 : index
    %get3A_336 = tpu.vector_load %arg17[%get3A_334, %get3A_335] {strides = array<i32>} : memref<64x16xf32, #tpu.memory_space<vmem>>, vector<1x16xf32>,
    %get3A_337 = vector.shape_cast %get3A_336 : vector<1x16xf32> to vector<16xf32>
    %get3A_338 = arith.constant 24 : i32
    %get3A_339 = arith.index_cast %get3A_338 : i32 to index
    %get3A_340 = arith.constant 0 : index
    %get3A_341 = tpu.vector_load %arg17[%get3A_339, %get3A_340] {strides = array<i32>} : memref<64x16xf32, #tpu.memory_space<vmem>>, vector<1x16xf32>,
    %get3A_342 = vector.shape_cast %get3A_341 : vector<1x16xf32> to vector<16xf32>
    %get3A_343 = arith.constant 25 : i32
    %get3A_344 = arith.index_cast %get3A_343 : i32 to index
    %get3A_345 = arith.constant 0 : index
    %get3A_346 = tpu.vector_load %arg17[%get3A_344, %get3A_345] {strides = array<i32>} : memref<64x16xf32, #tpu.memory_space<vmem>>, vector<1x16xf32>,
    %get3A_347 = vector.shape_cast %get3A_346 : vector<1x16xf32> to vector<16xf32>
    %get3A_348 = arith.constant 26 : i32
    %get3A_349 = arith.index_cast %get3A_348 : i32 to index
    %get3A_350 = arith.constant 0 : index
    %get3A_351 = tpu.vector_load %arg17[%get3A_349, %get3A_350] {strides = array<i32>} : memref<64x16xf32, #tpu.memory_space<vmem>>, vector<1x16xf32>,
    %get3A_352 = vector.shape_cast %get3A_351 : vector<1x16xf32> to vector<16xf32>
    %get3A_353 = arith.constant 27 : i32
    %get3A_354 = arith.index_cast %get3A_353 : i32 to index
    %get3A_355 = arith.constant 0 : index
    %get3A_356 = tpu.vector_load %arg17[%get3A_354, %get3A_355] {strides = array<i32>} : memref<64x16xf32, #tpu.memory_space<vmem>>, vector<1x16xf32>,
    %get3A_357 = vector.shape_cast %get3A_356 : vector<1x16xf32> to vector<16xf32>
    %get3A_358 = arith.constant 28 : i32
    %get3A_359 = arith.index_cast %get3A_358 : i32 to index
    %get3A_360 = arith.constant 0 : index
    %get3A_361 = tpu.vector_load %arg17[%get3A_359, %get3A_360] {strides = array<i32>} : memref<64x16xf32, #tpu.memory_space<vmem>>, vector<1x16xf32>,
    %get3A_362 = vector.shape_cast %get3A_361 : vector<1x16xf32> to vector<16xf32>
    %get3A_363 = arith.constant 29 : i32
    %get3A_364 = arith.index_cast %get3A_363 : i32 to index
    %get3A_365 = arith.constant 0 : index
    %get3A_366 = tpu.vector_load %arg17[%get3A_364, %get3A_365] {strides = array<i32>} : memref<64x16xf32, #tpu.memory_space<vmem>>, vector<1x16xf32>,
    %get3A_367 = vector.shape_cast %get3A_366 : vector<1x16xf32> to vector<16xf32>
    %get3A_368 = arith.constant 30 : i32
    %get3A_369 = arith.index_cast %get3A_368 : i32 to index
    %get3A_370 = arith.constant 0 : index
    %get3A_371 = tpu.vector_load %arg17[%get3A_369, %get3A_370] {strides = array<i32>} : memref<64x16xf32, #tpu.memory_space<vmem>>, vector<1x16xf32>,
    %get3A_372 = vector.shape_cast %get3A_371 : vector<1x16xf32> to vector<16xf32>
    %get3A_373 = arith.constant 31 : i32
    %get3A_374 = arith.index_cast %get3A_373 : i32 to index
    %get3A_375 = arith.constant 0 : index
    %get3A_376 = tpu.vector_load %arg17[%get3A_374, %get3A_375] {strides = array<i32>} : memref<64x16xf32, #tpu.memory_space<vmem>>, vector<1x16xf32>,
    %get3A_377 = vector.shape_cast %get3A_376 : vector<1x16xf32> to vector<16xf32>
    %scan3A_378 = arith.constant 0 : i32
    %scan3A_379 = arith.constant 0 : i32
    %scan3A_380 = arith.constant 64 : i32
    %scan3A_381 = arith.addi %scan3A_379, %scan3A_380 : i32
    %scan3A_382 = arith.constant 1 : i32
    %scan3A_383 = scf.for %scan3A_771 = %scan3A_379 to %scan3A_381 step %scan3A_382 iter_args(%scan3A_772 = %scan3A_378) -> (i32)  : i32 {
      %mul3A_773 = arith.constant 16 : i32
      %mul3A_774 = arith.muli %scan3A_771, %mul3A_773 : i32
      %get3A_775 = arith.constant 0 : i32
      %get3A_776 = arith.index_cast %get3A_775 : i32 to index
      %get3A_777 = arith.index_cast %mul3A_774 : i32 to index
      %get3A_778 = tpu.vector_load %arg19[%get3A_776, %get3A_777] {strides = array<i32>} : memref<16x1024xf32, #tpu.memory_space<vmem>>, vector<1x16xf32>,
      %get3A_779 = vector.shape_cast %get3A_778 : vector<1x16xf32> to vector<16xf32>
      %mul3A_780 = arith.mulf %get3A_222, %get3A_779 : vector<16xf32>
      %get3A_781 = arith.constant 0 : i32
      %get3A_782 = arith.index_cast %get3A_781 : i32 to index
      %get3A_783 = arith.index_cast %mul3A_774 : i32 to index
      %get3A_784 = tpu.vector_load %arg21[%get3A_782, %get3A_783] {strides = array<i32>} : memref<16x1024xf32, #tpu.memory_space<vmem>>, vector<1x16xf32>,
      %get3A_785 = vector.shape_cast %get3A_784 : vector<1x16xf32> to vector<16xf32>
      %mul3A_786 = arith.mulf %get3A_302, %get3A_785 : vector<16xf32>
      %add3A_787 = arith.addf %mul3A_780, %mul3A_786 : vector<16xf32>
      %swap3A = arith.constant 0 : i32
      %swap3A_788 = arith.index_cast %swap3A : i32 to index
      %swap3A_789 = arith.index_cast %mul3A_774 : i32 to index
      %swap3A_790 = tpu.vector_load %arg23[%swap3A_788, %swap3A_789] {strides = array<i32>} : memref<16x1024xf32, #tpu.memory_space<vmem>>, vector<1x16xf32>,
      %swap3A_791 = vector.shape_cast %swap3A_790 : vector<1x16xf32> to vector<16xf32>
      %swap3A_792 = vector.shape_cast %add3A_787 : vector<16xf32> to vector<1x16xf32>
      tpu.vector_store %arg23[%swap3A_788, %swap3A_789], %swap3A_792 {strides = array<i32>} : memref<16x1024xf32, #tpu.memory_space<vmem>>, vector<1x16xf32>,
      %get3A_793 = arith.constant 1 : i32
      %get3A_794 = arith.index_cast %get3A_793 : i32 to index
      %get3A_795 = arith.index_cast %mul3A_774 : i32 to index
      %get3A_796 = tpu.vector_load %arg19[%get3A_794, %get3A_795] {strides = array<i32>} : memref<16x1024xf32, #tpu.memory_space<vmem>>, vector<1x16xf32>,
      %get3A_797 = vector.shape_cast %get3A_796 : vector<1x16xf32> to vector<16xf32>
      %mul3A_798 = arith.mulf %get3A_227, %get3A_797 : vector<16xf32>
      %get3A_799 = arith.constant 1 : i32
      %get3A_800 = arith.index_cast %get3A_799 : i32 to index
      %get3A_801 = arith.index_cast %mul3A_774 : i32 to index
      %get3A_802 = tpu.vector_load %arg21[%get3A_800, %get3A_801] {strides = array<i32>} : memref<16x1024xf32, #tpu.memory_space<vmem>>, vector<1x16xf32>,
      %get3A_803 = vector.shape_cast %get3A_802 : vector<1x16xf32> to vector<16xf32>
      %mul3A_804 = arith.mulf %get3A_307, %get3A_803 : vector<16xf32>
      %add3A_805 = arith.addf %mul3A_798, %mul3A_804 : vector<16xf32>
      %swap3A_806 = arith.constant 1 : i32
      %swap3A_807 = arith.index_cast %swap3A_806 : i32 to index
      %swap3A_808 = arith.index_cast %mul3A_774 : i32 to index
      %swap3A_809 = tpu.vector_load %arg23[%swap3A_807, %swap3A_808] {strides = array<i32>} : memref<16x1024xf32, #tpu.memory_space<vmem>>, vector<1x16xf32>,
      %swap3A_810 = vector.shape_cast %swap3A_809 : vector<1x16xf32> to vector<16xf32>
      %swap3A_811 = vector.shape_cast %add3A_805 : vector<16xf32> to vector<1x16xf32>
      tpu.vector_store %arg23[%swap3A_807, %swap3A_808], %swap3A_811 {strides = array<i32>} : memref<16x1024xf32, #tpu.memory_space<vmem>>, vector<1x16xf32>,
      %get3A_812 = arith.constant 2 : i32
      %get3A_813 = arith.index_cast %get3A_812 : i32 to index
      %get3A_814 = arith.index_cast %mul3A_774 : i32 to index
      %get3A_815 = tpu.vector_load %arg19[%get3A_813, %get3A_814] {strides = array<i32>} : memref<16x1024xf32, #tpu.memory_space<vmem>>, vector<1x16xf32>,
      %get3A_816 = vector.shape_cast %get3A_815 : vector<1x16xf32> to vector<16xf32>
      %mul3A_817 = arith.mulf %get3A_232, %get3A_816 : vector<16xf32>
      %get3A_818 = arith.constant 2 : i32
      %get3A_819 = arith.index_cast %get3A_818 : i32 to index
      %get3A_820 = arith.index_cast %mul3A_774 : i32 to index
      %get3A_821 = tpu.vector_load %arg21[%get3A_819, %get3A_820] {strides = array<i32>} : memref<16x1024xf32, #tpu.memory_space<vmem>>, vector<1x16xf32>,
      %get3A_822 = vector.shape_cast %get3A_821 : vector<1x16xf32> to vector<16xf32>
      %mul3A_823 = arith.mulf %get3A_312, %get3A_822 : vector<16xf32>
      %add3A_824 = arith.addf %mul3A_817, %mul3A_823 : vector<16xf32>
      %swap3A_825 = arith.constant 2 : i32
      %swap3A_826 = arith.index_cast %swap3A_825 : i32 to index
      %swap3A_827 = arith.index_cast %mul3A_774 : i32 to index
      %swap3A_828 = tpu.vector_load %arg23[%swap3A_826, %swap3A_827] {strides = array<i32>} : memref<16x1024xf32, #tpu.memory_space<vmem>>, vector<1x16xf32>,
      %swap3A_829 = vector.shape_cast %swap3A_828 : vector<1x16xf32> to vector<16xf32>
      %swap3A_830 = vector.shape_cast %add3A_824 : vector<16xf32> to vector<1x16xf32>
      tpu.vector_store %arg23[%swap3A_826, %swap3A_827], %swap3A_830 {strides = array<i32>} : memref<16x1024xf32, #tpu.memory_space<vmem>>, vector<1x16xf32>,
      %get3A_831 = arith.constant 3 : i32
      %get3A_832 = arith.index_cast %get3A_831 : i32 to index
      %get3A_833 = arith.index_cast %mul3A_774 : i32 to index
      %get3A_834 = tpu.vector_load %arg19[%get3A_832, %get3A_833] {strides = array<i32>} : memref<16x1024xf32, #tpu.memory_space<vmem>>, vector<1x16xf32>,
      %get3A_835 = vector.shape_cast %get3A_834 : vector<1x16xf32> to vector<16xf32>
      %mul3A_836 = arith.mulf %get3A_237, %get3A_835 : vector<16xf32>
      %get3A_837 = arith.constant 3 : i32
      %get3A_838 = arith.index_cast %get3A_837 : i32 to index
      %get3A_839 = arith.index_cast %mul3A_774 : i32 to index
      %get3A_840 = tpu.vector_load %arg21[%get3A_838, %get3A_839] {strides = array<i32>} : memref<16x1024xf32, #tpu.memory_space<vmem>>, vector<1x16xf32>,
      %get3A_841 = vector.shape_cast %get3A_840 : vector<1x16xf32> to vector<16xf32>
      %mul3A_842 = arith.mulf %get3A_317, %get3A_841 : vector<16xf32>
      %add3A_843 = arith.addf %mul3A_836, %mul3A_842 : vector<16xf32>
      %swap3A_844 = arith.constant 3 : i32
      %swap3A_845 = arith.index_cast %swap3A_844 : i32 to index
      %swap3A_846 = arith.index_cast %mul3A_774 : i32 to index
      %swap3A_847 = tpu.vector_load %arg23[%swap3A_845, %swap3A_846] {strides = array<i32>} : memref<16x1024xf32, #tpu.memory_space<vmem>>, vector<1x16xf32>,
      %swap3A_848 = vector.shape_cast %swap3A_847 : vector<1x16xf32> to vector<16xf32>
      %swap3A_849 = vector.shape_cast %add3A_843 : vector<16xf32> to vector<1x16xf32>
      tpu.vector_store %arg23[%swap3A_845, %swap3A_846], %swap3A_849 {strides = array<i32>} : memref<16x1024xf32, #tpu.memory_space<vmem>>, vector<1x16xf32>,
      %get3A_850 = arith.constant 4 : i32
      %get3A_851 = arith.index_cast %get3A_850 : i32 to index
      %get3A_852 = arith.index_cast %mul3A_774 : i32 to index
      %get3A_853 = tpu.vector_load %arg19[%get3A_851, %get3A_852] {strides = array<i32>} : memref<16x1024xf32, #tpu.memory_space<vmem>>, vector<1x16xf32>,
      %get3A_854 = vector.shape_cast %get3A_853 : vector<1x16xf32> to vector<16xf32>
      %mul3A_855 = arith.mulf %get3A_242, %get3A_854 : vector<16xf32>
      %get3A_856 = arith.constant 4 : i32
      %get3A_857 = arith.index_cast %get3A_856 : i32 to index
      %get3A_858 = arith.index_cast %mul3A_774 : i32 to index
      %get3A_859 = tpu.vector_load %arg21[%get3A_857, %get3A_858] {strides = array<i32>} : memref<16x1024xf32, #tpu.memory_space<vmem>>, vector<1x16xf32>,
      %get3A_860 = vector.shape_cast %get3A_859 : vector<1x16xf32> to vector<16xf32>
      %mul3A_861 = arith.mulf %get3A_322, %get3A_860 : vector<16xf32>
      %add3A_862 = arith.addf %mul3A_855, %mul3A_861 : vector<16xf32>
      %swap3A_863 = arith.constant 4 : i32
      %swap3A_864 = arith.index_cast %swap3A_863 : i32 to index
      %swap3A_865 = arith.index_cast %mul3A_774 : i32 to index
      %swap3A_866 = tpu.vector_load %arg23[%swap3A_864, %swap3A_865] {strides = array<i32>} : memref<16x1024xf32, #tpu.memory_space<vmem>>, vector<1x16xf32>,
      %swap3A_867 = vector.shape_cast %swap3A_866 : vector<1x16xf32> to vector<16xf32>
      %swap3A_868 = vector.shape_cast %add3A_862 : vector<16xf32> to vector<1x16xf32>
      tpu.vector_store %arg23[%swap3A_864, %swap3A_865], %swap3A_868 {strides = array<i32>} : memref<16x1024xf32, #tpu.memory_space<vmem>>, vector<1x16xf32>,
      %get3A_869 = arith.constant 5 : i32
      %get3A_870 = arith.index_cast %get3A_869 : i32 to index
      %get3A_871 = arith.index_cast %mul3A_774 : i32 to index
      %get3A_872 = tpu.vector_load %arg19[%get3A_870, %get3A_871] {strides = array<i32>} : memref<16x1024xf32, #tpu.memory_space<vmem>>, vector<1x16xf32>,
      %get3A_873 = vector.shape_cast %get3A_872 : vector<1x16xf32> to vector<16xf32>
      %mul3A_874 = arith.mulf %get3A_247, %get3A_873 : vector<16xf32>
      %get3A_875 = arith.constant 5 : i32
      %get3A_876 = arith.index_cast %get3A_875 : i32 to index
      %get3A_877 = arith.index_cast %mul3A_774 : i32 to index
      %get3A_878 = tpu.vector_load %arg21[%get3A_876, %get3A_877] {strides = array<i32>} : memref<16x1024xf32, #tpu.memory_space<vmem>>, vector<1x16xf32>,
      %get3A_879 = vector.shape_cast %get3A_878 : vector<1x16xf32> to vector<16xf32>
      %mul3A_880 = arith.mulf %get3A_327, %get3A_879 : vector<16xf32>
      %add3A_881 = arith.addf %mul3A_874, %mul3A_880 : vector<16xf32>
      %swap3A_882 = arith.constant 5 : i32
      %swap3A_883 = arith.index_cast %swap3A_882 : i32 to index
      %swap3A_884 = arith.index_cast %mul3A_774 : i32 to index
      %swap3A_885 = tpu.vector_load %arg23[%swap3A_883, %swap3A_884] {strides = array<i32>} : memref<16x1024xf32, #tpu.memory_space<vmem>>, vector<1x16xf32>,
      %swap3A_886 = vector.shape_cast %swap3A_885 : vector<1x16xf32> to vector<16xf32>
      %swap3A_887 = vector.shape_cast %add3A_881 : vector<16xf32> to vector<1x16xf32>
      tpu.vector_store %arg23[%swap3A_883, %swap3A_884], %swap3A_887 {strides = array<i32>} : memref<16x1024xf32, #tpu.memory_space<vmem>>, vector<1x16xf32>,
      %get3A_888 = arith.constant 6 : i32
      %get3A_889 = arith.index_cast %get3A_888 : i32 to index
      %get3A_890 = arith.index_cast %mul3A_774 : i32 to index
      %get3A_891 = tpu.vector_load %arg19[%get3A_889, %get3A_890] {strides = array<i32>} : memref<16x1024xf32, #tpu.memory_space<vmem>>, vector<1x16xf32>,
      %get3A_892 = vector.shape_cast %get3A_891 : vector<1x16xf32> to vector<16xf32>
      %mul3A_893 = arith.mulf %get3A_252, %get3A_892 : vector<16xf32>
      %get3A_894 = arith.constant 6 : i32
      %get3A_895 = arith.index_cast %get3A_894 : i32 to index
      %get3A_896 = arith.index_cast %mul3A_774 : i32 to index
      %get3A_897 = tpu.vector_load %arg21[%get3A_895, %get3A_896] {strides = array<i32>} : memref<16x1024xf32, #tpu.memory_space<vmem>>, vector<1x16xf32>,
      %get3A_898 = vector.shape_cast %get3A_897 : vector<1x16xf32> to vector<16xf32>
      %mul3A_899 = arith.mulf %get3A_332, %get3A_898 : vector<16xf32>
      %add3A_900 = arith.addf %mul3A_893, %mul3A_899 : vector<16xf32>
      %swap3A_901 = arith.constant 6 : i32
      %swap3A_902 = arith.index_cast %swap3A_901 : i32 to index
      %swap3A_903 = arith.index_cast %mul3A_774 : i32 to index
      %swap3A_904 = tpu.vector_load %arg23[%swap3A_902, %swap3A_903] {strides = array<i32>} : memref<16x1024xf32, #tpu.memory_space<vmem>>, vector<1x16xf32>,
      %swap3A_905 = vector.shape_cast %swap3A_904 : vector<1x16xf32> to vector<16xf32>
      %swap3A_906 = vector.shape_cast %add3A_900 : vector<16xf32> to vector<1x16xf32>
      tpu.vector_store %arg23[%swap3A_902, %swap3A_903], %swap3A_906 {strides = array<i32>} : memref<16x1024xf32, #tpu.memory_space<vmem>>, vector<1x16xf32>,
      %get3A_907 = arith.constant 7 : i32
      %get3A_908 = arith.index_cast %get3A_907 : i32 to index
      %get3A_909 = arith.index_cast %mul3A_774 : i32 to index
      %get3A_910 = tpu.vector_load %arg19[%get3A_908, %get3A_909] {strides = array<i32>} : memref<16x1024xf32, #tpu.memory_space<vmem>>, vector<1x16xf32>,
      %get3A_911 = vector.shape_cast %get3A_910 : vector<1x16xf32> to vector<16xf32>
      %mul3A_912 = arith.mulf %get3A_257, %get3A_911 : vector<16xf32>
      %get3A_913 = arith.constant 7 : i32
      %get3A_914 = arith.index_cast %get3A_913 : i32 to index
      %get3A_915 = arith.index_cast %mul3A_774 : i32 to index
      %get3A_916 = tpu.vector_load %arg21[%get3A_914, %get3A_915] {strides = array<i32>} : memref<16x1024xf32, #tpu.memory_space<vmem>>, vector<1x16xf32>,
      %get3A_917 = vector.shape_cast %get3A_916 : vector<1x16xf32> to vector<16xf32>
      %mul3A_918 = arith.mulf %get3A_337, %get3A_917 : vector<16xf32>
      %add3A_919 = arith.addf %mul3A_912, %mul3A_918 : vector<16xf32>
      %swap3A_920 = arith.constant 7 : i32
      %swap3A_921 = arith.index_cast %swap3A_920 : i32 to index
      %swap3A_922 = arith.index_cast %mul3A_774 : i32 to index
      %swap3A_923 = tpu.vector_load %arg23[%swap3A_921, %swap3A_922] {strides = array<i32>} : memref<16x1024xf32, #tpu.memory_space<vmem>>, vector<1x16xf32>,
      %swap3A_924 = vector.shape_cast %swap3A_923 : vector<1x16xf32> to vector<16xf32>
      %swap3A_925 = vector.shape_cast %add3A_919 : vector<16xf32> to vector<1x16xf32>
      tpu.vector_store %arg23[%swap3A_921, %swap3A_922], %swap3A_925 {strides = array<i32>} : memref<16x1024xf32, #tpu.memory_space<vmem>>, vector<1x16xf32>,
      %get3A_926 = arith.constant 8 : i32
      %get3A_927 = arith.index_cast %get3A_926 : i32 to index
      %get3A_928 = arith.index_cast %mul3A_774 : i32 to index
      %get3A_929 = tpu.vector_load %arg19[%get3A_927, %get3A_928] {strides = array<i32>} : memref<16x1024xf32, #tpu.memory_space<vmem>>, vector<1x16xf32>,
      %get3A_930 = vector.shape_cast %get3A_929 : vector<1x16xf32> to vector<16xf32>
      %mul3A_931 = arith.mulf %get3A_262, %get3A_930 : vector<16xf32>
      %get3A_932 = arith.constant 8 : i32
      %get3A_933 = arith.index_cast %get3A_932 : i32 to index
      %get3A_934 = arith.index_cast %mul3A_774 : i32 to index
      %get3A_935 = tpu.vector_load %arg21[%get3A_933, %get3A_934] {strides = array<i32>} : memref<16x1024xf32, #tpu.memory_space<vmem>>, vector<1x16xf32>,
      %get3A_936 = vector.shape_cast %get3A_935 : vector<1x16xf32> to vector<16xf32>
      %mul3A_937 = arith.mulf %get3A_342, %get3A_936 : vector<16xf32>
      %add3A_938 = arith.addf %mul3A_931, %mul3A_937 : vector<16xf32>
      %swap3A_939 = arith.constant 8 : i32
      %swap3A_940 = arith.index_cast %swap3A_939 : i32 to index
      %swap3A_941 = arith.index_cast %mul3A_774 : i32 to index
      %swap3A_942 = tpu.vector_load %arg23[%swap3A_940, %swap3A_941] {strides = array<i32>} : memref<16x1024xf32, #tpu.memory_space<vmem>>, vector<1x16xf32>,
      %swap3A_943 = vector.shape_cast %swap3A_942 : vector<1x16xf32> to vector<16xf32>
      %swap3A_944 = vector.shape_cast %add3A_938 : vector<16xf32> to vector<1x16xf32>
      tpu.vector_store %arg23[%swap3A_940, %swap3A_941], %swap3A_944 {strides = array<i32>} : memref<16x1024xf32, #tpu.memory_space<vmem>>, vector<1x16xf32>,
      %get3A_945 = arith.constant 9 : i32
      %get3A_946 = arith.index_cast %get3A_945 : i32 to index
      %get3A_947 = arith.index_cast %mul3A_774 : i32 to index
      %get3A_948 = tpu.vector_load %arg19[%get3A_946, %get3A_947] {strides = array<i32>} : memref<16x1024xf32, #tpu.memory_space<vmem>>, vector<1x16xf32>,
      %get3A_949 = vector.shape_cast %get3A_948 : vector<1x16xf32> to vector<16xf32>
      %mul3A_950 = arith.mulf %get3A_267, %get3A_949 : vector<16xf32>
      %get3A_951 = arith.constant 9 : i32
      %get3A_952 = arith.index_cast %get3A_951 : i32 to index
      %get3A_953 = arith.index_cast %mul3A_774 : i32 to index
      %get3A_954 = tpu.vector_load %arg21[%get3A_952, %get3A_953] {strides = array<i32>} : memref<16x1024xf32, #tpu.memory_space<vmem>>, vector<1x16xf32>,
      %get3A_955 = vector.shape_cast %get3A_954 : vector<1x16xf32> to vector<16xf32>
      %mul3A_956 = arith.mulf %get3A_347, %get3A_955 : vector<16xf32>
      %add3A_957 = arith.addf %mul3A_950, %mul3A_956 : vector<16xf32>
      %swap3A_958 = arith.constant 9 : i32
      %swap3A_959 = arith.index_cast %swap3A_958 : i32 to index
      %swap3A_960 = arith.index_cast %mul3A_774 : i32 to index
      %swap3A_961 = tpu.vector_load %arg23[%swap3A_959, %swap3A_960] {strides = array<i32>} : memref<16x1024xf32, #tpu.memory_space<vmem>>, vector<1x16xf32>,
      %swap3A_962 = vector.shape_cast %swap3A_961 : vector<1x16xf32> to vector<16xf32>
      %swap3A_963 = vector.shape_cast %add3A_957 : vector<16xf32> to vector<1x16xf32>
      tpu.vector_store %arg23[%swap3A_959, %swap3A_960], %swap3A_963 {strides = array<i32>} : memref<16x1024xf32, #tpu.memory_space<vmem>>, vector<1x16xf32>,
      %get3A_964 = arith.constant 10 : i32
      %get3A_965 = arith.index_cast %get3A_964 : i32 to index
      %get3A_966 = arith.index_cast %mul3A_774 : i32 to index
      %get3A_967 = tpu.vector_load %arg19[%get3A_965, %get3A_966] {strides = array<i32>} : memref<16x1024xf32, #tpu.memory_space<vmem>>, vector<1x16xf32>,
      %get3A_968 = vector.shape_cast %get3A_967 : vector<1x16xf32> to vector<16xf32>
      %mul3A_969 = arith.mulf %get3A_272, %get3A_968 : vector<16xf32>
      %get3A_970 = arith.constant 10 : i32
      %get3A_971 = arith.index_cast %get3A_970 : i32 to index
      %get3A_972 = arith.index_cast %mul3A_774 : i32 to index
      %get3A_973 = tpu.vector_load %arg21[%get3A_971, %get3A_972] {strides = array<i32>} : memref<16x1024xf32, #tpu.memory_space<vmem>>, vector<1x16xf32>,
      %get3A_974 = vector.shape_cast %get3A_973 : vector<1x16xf32> to vector<16xf32>
      %mul3A_975 = arith.mulf %get3A_352, %get3A_974 : vector<16xf32>
      %add3A_976 = arith.addf %mul3A_969, %mul3A_975 : vector<16xf32>
      %swap3A_977 = arith.constant 10 : i32
      %swap3A_978 = arith.index_cast %swap3A_977 : i32 to index
      %swap3A_979 = arith.index_cast %mul3A_774 : i32 to index
      %swap3A_980 = tpu.vector_load %arg23[%swap3A_978, %swap3A_979] {strides = array<i32>} : memref<16x1024xf32, #tpu.memory_space<vmem>>, vector<1x16xf32>,
      %swap3A_981 = vector.shape_cast %swap3A_980 : vector<1x16xf32> to vector<16xf32>
      %swap3A_982 = vector.shape_cast %add3A_976 : vector<16xf32> to vector<1x16xf32>
      tpu.vector_store %arg23[%swap3A_978, %swap3A_979], %swap3A_982 {strides = array<i32>} : memref<16x1024xf32, #tpu.memory_space<vmem>>, vector<1x16xf32>,
      %get3A_983 = arith.constant 11 : i32
      %get3A_984 = arith.index_cast %get3A_983 : i32 to index
      %get3A_985 = arith.index_cast %mul3A_774 : i32 to index
      %get3A_986 = tpu.vector_load %arg19[%get3A_984, %get3A_985] {strides = array<i32>} : memref<16x1024xf32, #tpu.memory_space<vmem>>, vector<1x16xf32>,
      %get3A_987 = vector.shape_cast %get3A_986 : vector<1x16xf32> to vector<16xf32>
      %mul3A_988 = arith.mulf %get3A_277, %get3A_987 : vector<16xf32>
      %get3A_989 = arith.constant 11 : i32
      %get3A_990 = arith.index_cast %get3A_989 : i32 to index
      %get3A_991 = arith.index_cast %mul3A_774 : i32 to index
      %get3A_992 = tpu.vector_load %arg21[%get3A_990, %get3A_991] {strides = array<i32>} : memref<16x1024xf32, #tpu.memory_space<vmem>>, vector<1x16xf32>,
      %get3A_993 = vector.shape_cast %get3A_992 : vector<1x16xf32> to vector<16xf32>
      %mul3A_994 = arith.mulf %get3A_357, %get3A_993 : vector<16xf32>
      %add3A_995 = arith.addf %mul3A_988, %mul3A_994 : vector<16xf32>
      %swap3A_996 = arith.constant 11 : i32
      %swap3A_997 = arith.index_cast %swap3A_996 : i32 to index
      %swap3A_998 = arith.index_cast %mul3A_774 : i32 to index
      %swap3A_999 = tpu.vector_load %arg23[%swap3A_997, %swap3A_998] {strides = array<i32>} : memref<16x1024xf32, #tpu.memory_space<vmem>>, vector<1x16xf32>,
      %swap3A_1000 = vector.shape_cast %swap3A_999 : vector<1x16xf32> to vector<16xf32>
      %swap3A_1001 = vector.shape_cast %add3A_995 : vector<16xf32> to vector<1x16xf32>
      tpu.vector_store %arg23[%swap3A_997, %swap3A_998], %swap3A_1001 {strides = array<i32>} : memref<16x1024xf32, #tpu.memory_space<vmem>>, vector<1x16xf32>,
      %get3A_1002 = arith.constant 12 : i32
      %get3A_1003 = arith.index_cast %get3A_1002 : i32 to index
      %get3A_1004 = arith.index_cast %mul3A_774 : i32 to index
      %get3A_1005 = tpu.vector_load %arg19[%get3A_1003, %get3A_1004] {strides = array<i32>} : memref<16x1024xf32, #tpu.memory_space<vmem>>, vector<1x16xf32>,
      %get3A_1006 = vector.shape_cast %get3A_1005 : vector<1x16xf32> to vector<16xf32>
      %mul3A_1007 = arith.mulf %get3A_282, %get3A_1006 : vector<16xf32>
      %get3A_1008 = arith.constant 12 : i32
      %get3A_1009 = arith.index_cast %get3A_1008 : i32 to index
      %get3A_1010 = arith.index_cast %mul3A_774 : i32 to index
      %get3A_1011 = tpu.vector_load %arg21[%get3A_1009, %get3A_1010] {strides = array<i32>} : memref<16x1024xf32, #tpu.memory_space<vmem>>, vector<1x16xf32>,
      %get3A_1012 = vector.shape_cast %get3A_1011 : vector<1x16xf32> to vector<16xf32>
      %mul3A_1013 = arith.mulf %get3A_362, %get3A_1012 : vector<16xf32>
      %add3A_1014 = arith.addf %mul3A_1007, %mul3A_1013 : vector<16xf32>
      %swap3A_1015 = arith.constant 12 : i32
      %swap3A_1016 = arith.index_cast %swap3A_1015 : i32 to index
      %swap3A_1017 = arith.index_cast %mul3A_774 : i32 to index
      %swap3A_1018 = tpu.vector_load %arg23[%swap3A_1016, %swap3A_1017] {strides = array<i32>} : memref<16x1024xf32, #tpu.memory_space<vmem>>, vector<1x16xf32>,
      %swap3A_1019 = vector.shape_cast %swap3A_1018 : vector<1x16xf32> to vector<16xf32>
      %swap3A_1020 = vector.shape_cast %add3A_1014 : vector<16xf32> to vector<1x16xf32>
      tpu.vector_store %arg23[%swap3A_1016, %swap3A_1017], %swap3A_1020 {strides = array<i32>} : memref<16x1024xf32, #tpu.memory_space<vmem>>, vector<1x16xf32>,
      %get3A_1021 = arith.constant 13 : i32
      %get3A_1022 = arith.index_cast %get3A_1021 : i32 to index
      %get3A_1023 = arith.index_cast %mul3A_774 : i32 to index
      %get3A_1024 = tpu.vector_load %arg19[%get3A_1022, %get3A_1023] {strides = array<i32>} : memref<16x1024xf32, #tpu.memory_space<vmem>>, vector<1x16xf32>,
      %get3A_1025 = vector.shape_cast %get3A_1024 : vector<1x16xf32> to vector<16xf32>
      %mul3A_1026 = arith.mulf %get3A_287, %get3A_1025 : vector<16xf32>
      %get3A_1027 = arith.constant 13 : i32
      %get3A_1028 = arith.index_cast %get3A_1027 : i32 to index
      %get3A_1029 = arith.index_cast %mul3A_774 : i32 to index
      %get3A_1030 = tpu.vector_load %arg21[%get3A_1028, %get3A_1029] {strides = array<i32>} : memref<16x1024xf32, #tpu.memory_space<vmem>>, vector<1x16xf32>,
      %get3A_1031 = vector.shape_cast %get3A_1030 : vector<1x16xf32> to vector<16xf32>
      %mul3A_1032 = arith.mulf %get3A_367, %get3A_1031 : vector<16xf32>
      %add3A_1033 = arith.addf %mul3A_1026, %mul3A_1032 : vector<16xf32>
      %swap3A_1034 = arith.constant 13 : i32
      %swap3A_1035 = arith.index_cast %swap3A_1034 : i32 to index
      %swap3A_1036 = arith.index_cast %mul3A_774 : i32 to index
      %swap3A_1037 = tpu.vector_load %arg23[%swap3A_1035, %swap3A_1036] {strides = array<i32>} : memref<16x1024xf32, #tpu.memory_space<vmem>>, vector<1x16xf32>,
      %swap3A_1038 = vector.shape_cast %swap3A_1037 : vector<1x16xf32> to vector<16xf32>
      %swap3A_1039 = vector.shape_cast %add3A_1033 : vector<16xf32> to vector<1x16xf32>
      tpu.vector_store %arg23[%swap3A_1035, %swap3A_1036], %swap3A_1039 {strides = array<i32>} : memref<16x1024xf32, #tpu.memory_space<vmem>>, vector<1x16xf32>,
      %get3A_1040 = arith.constant 14 : i32
      %get3A_1041 = arith.index_cast %get3A_1040 : i32 to index
      %get3A_1042 = arith.index_cast %mul3A_774 : i32 to index
      %get3A_1043 = tpu.vector_load %arg19[%get3A_1041, %get3A_1042] {strides = array<i32>} : memref<16x1024xf32, #tpu.memory_space<vmem>>, vector<1x16xf32>,
      %get3A_1044 = vector.shape_cast %get3A_1043 : vector<1x16xf32> to vector<16xf32>
      %mul3A_1045 = arith.mulf %get3A_292, %get3A_1044 : vector<16xf32>
      %get3A_1046 = arith.constant 14 : i32
      %get3A_1047 = arith.index_cast %get3A_1046 : i32 to index
      %get3A_1048 = arith.index_cast %mul3A_774 : i32 to index
      %get3A_1049 = tpu.vector_load %arg21[%get3A_1047, %get3A_1048] {strides = array<i32>} : memref<16x1024xf32, #tpu.memory_space<vmem>>, vector<1x16xf32>,
      %get3A_1050 = vector.shape_cast %get3A_1049 : vector<1x16xf32> to vector<16xf32>
      %mul3A_1051 = arith.mulf %get3A_372, %get3A_1050 : vector<16xf32>
      %add3A_1052 = arith.addf %mul3A_1045, %mul3A_1051 : vector<16xf32>
      %swap3A_1053 = arith.constant 14 : i32
      %swap3A_1054 = arith.index_cast %swap3A_1053 : i32 to index
      %swap3A_1055 = arith.index_cast %mul3A_774 : i32 to index
      %swap3A_1056 = tpu.vector_load %arg23[%swap3A_1054, %swap3A_1055] {strides = array<i32>} : memref<16x1024xf32, #tpu.memory_space<vmem>>, vector<1x16xf32>,
      %swap3A_1057 = vector.shape_cast %swap3A_1056 : vector<1x16xf32> to vector<16xf32>
      %swap3A_1058 = vector.shape_cast %add3A_1052 : vector<16xf32> to vector<1x16xf32>
      tpu.vector_store %arg23[%swap3A_1054, %swap3A_1055], %swap3A_1058 {strides = array<i32>} : memref<16x1024xf32, #tpu.memory_space<vmem>>, vector<1x16xf32>,
      %get3A_1059 = arith.constant 15 : i32
      %get3A_1060 = arith.index_cast %get3A_1059 : i32 to index
      %get3A_1061 = arith.index_cast %mul3A_774 : i32 to index
      %get3A_1062 = tpu.vector_load %arg19[%get3A_1060, %get3A_1061] {strides = array<i32>} : memref<16x1024xf32, #tpu.memory_space<vmem>>, vector<1x16xf32>,
      %get3A_1063 = vector.shape_cast %get3A_1062 : vector<1x16xf32> to vector<16xf32>
      %mul3A_1064 = arith.mulf %get3A_297, %get3A_1063 : vector<16xf32>
      %get3A_1065 = arith.constant 15 : i32
      %get3A_1066 = arith.index_cast %get3A_1065 : i32 to index
      %get3A_1067 = arith.index_cast %mul3A_774 : i32 to index
      %get3A_1068 = tpu.vector_load %arg21[%get3A_1066, %get3A_1067] {strides = array<i32>} : memref<16x1024xf32, #tpu.memory_space<vmem>>, vector<1x16xf32>,
      %get3A_1069 = vector.shape_cast %get3A_1068 : vector<1x16xf32> to vector<16xf32>
      %mul3A_1070 = arith.mulf %get3A_377, %get3A_1069 : vector<16xf32>
      %add3A_1071 = arith.addf %mul3A_1064, %mul3A_1070 : vector<16xf32>
      %swap3A_1072 = arith.constant 15 : i32
      %swap3A_1073 = arith.index_cast %swap3A_1072 : i32 to index
      %swap3A_1074 = arith.index_cast %mul3A_774 : i32 to index
      %swap3A_1075 = tpu.vector_load %arg23[%swap3A_1073, %swap3A_1074] {strides = array<i32>} : memref<16x1024xf32, #tpu.memory_space<vmem>>, vector<1x16xf32>,
      %swap3A_1076 = vector.shape_cast %swap3A_1075 : vector<1x16xf32> to vector<16xf32>
      %swap3A_1077 = vector.shape_cast %add3A_1071 : vector<16xf32> to vector<1x16xf32>
      tpu.vector_store %arg23[%swap3A_1073, %swap3A_1074], %swap3A_1077 {strides = array<i32>} : memref<16x1024xf32, #tpu.memory_space<vmem>>, vector<1x16xf32>,
      %scan3A_1078 = arith.constant 0 : i32
      scf.yield %scan3A_1078 : i32
    }
    %scan3A_384 = arith.constant 64 : i32
    %dma_start3A_385 = arith.constant 0 : i32
    %dma_start3A_386 = arith.constant 0 : i32
    %dma_start3A_387 = tpu.memref_slice %arg6[%dma_start3A_385, %dma_start3A_386] : memref<5888x1024xf32, #tpu.memory_space<hbm>> -> memref<5888x1024xf32, #tpu.memory_space<hbm>>
    tpu.enqueue_indirect_dma source(%dma_start3A_387 : memref<5888x1024xf32, #tpu.memory_space<hbm>>) target(%arg19 : memref<16x1024xf32, #tpu.memory_space<vmem>>) offsets(%arg11 : memref<16xi32, #tpu.memory_space<vmem>>) semaphore(%arg25 : memref<!tpu.dma_semaphore, #tpu.memory_space<semaphore_mem>>)
    %dma_start3A_388 = arith.constant 0 : i32
    %dma_start3A_389 = arith.constant 0 : i32
    %dma_start3A_390 = tpu.memref_slice %arg6[%dma_start3A_388, %dma_start3A_389] : memref<5888x1024xf32, #tpu.memory_space<hbm>> -> memref<5888x1024xf32, #tpu.memory_space<hbm>>
    tpu.enqueue_indirect_dma source(%dma_start3A_390 : memref<5888x1024xf32, #tpu.memory_space<hbm>>) target(%arg21 : memref<16x1024xf32, #tpu.memory_space<vmem>>) offsets(%arg15 : memref<16xi32, #tpu.memory_space<vmem>>) semaphore(%arg27 : memref<!tpu.dma_semaphore, #tpu.memory_space<semaphore_mem>>)
    %add3A_391 = arith.constant 16 : i32
    %add3A_392 = arith.addi %mul3A_2, %add3A_391 : i32
    %dma_start3A_393 = arith.constant 0 : i32
    %dma_start3A_394 = tpu.memref_slice %arg7[%add3A_392, %dma_start3A_393] : memref<2048x1024xf32, #tpu.memory_space<hbm>> -> memref<16x1024xf32, #tpu.memory_space<hbm>>
    %dma_start3A_395 = arith.constant 0 : i32
    %dma_start3A_396 = tpu.memref_slice %arg7[%add3A_392, %dma_start3A_395] : memref<2048x1024xf32, #tpu.memory_space<hbm>> -> memref<16x1024xf32, #tpu.memory_space<hbm>>
    tpu.enqueue_dma source(%arg23 : memref<16x1024xf32, #tpu.memory_space<vmem>>) target(%dma_start3A_396 : memref<16x1024xf32, #tpu.memory_space<hbm>>) target_semaphore(%arg29 : memref<!tpu.dma_semaphore, #tpu.memory_space<semaphore_mem>>)
    %dma_wait3A_397 = arith.constant 0 : i32
    %dma_wait3A_398 = arith.constant 0 : i32
    %dma_wait3A_399 = tpu.memref_slice %arg6[%dma_wait3A_397, %dma_wait3A_398] : memref<5888x1024xf32, #tpu.memory_space<hbm>> -> memref<5888x1024xf32, #tpu.memory_space<hbm>>
    tpu.wait_indirect_dma semaphore(%arg24 : memref<!tpu.dma_semaphore, #tpu.memory_space<semaphore_mem>>) src(%dma_wait3A_399 : memref<5888x1024xf32, #tpu.memory_space<hbm>>) dst(%arg18 : memref<16x1024xf32, #tpu.memory_space<vmem>>)
    %dma_wait3A_400 = arith.constant 0 : i32
    %dma_wait3A_401 = arith.constant 0 : i32
    %dma_wait3A_402 = tpu.memref_slice %arg6[%dma_wait3A_400, %dma_wait3A_401] : memref<5888x1024xf32, #tpu.memory_space<hbm>> -> memref<5888x1024xf32, #tpu.memory_space<hbm>>
    tpu.wait_indirect_dma semaphore(%arg26 : memref<!tpu.dma_semaphore, #tpu.memory_space<semaphore_mem>>) src(%dma_wait3A_402 : memref<5888x1024xf32, #tpu.memory_space<hbm>>) dst(%arg20 : memref<16x1024xf32, #tpu.memory_space<vmem>>)
    %dma_wait3A_403 = arith.constant 0 : i32
    %dma_wait3A_404 = tpu.memref_slice %arg7[%add3A_207, %dma_wait3A_403] : memref<2048x1024xf32, #tpu.memory_space<hbm>> -> memref<16x1024xf32, #tpu.memory_space<hbm>>
    %dma_wait3A_405 = arith.constant 0 : i32
    %dma_wait3A_406 = tpu.memref_slice %arg7[%add3A_207, %dma_wait3A_405] : memref<2048x1024xf32, #tpu.memory_space<hbm>> -> memref<16x1024xf32, #tpu.memory_space<hbm>>
    tpu.wait_dma2 semaphore(%arg28 : memref<!tpu.dma_semaphore, #tpu.memory_space<semaphore_mem>>) src(%arg22 : memref<16x1024xf32, #tpu.memory_space<vmem>>) dst(%dma_wait3A_406 : memref<16x1024xf32, #tpu.memory_space<hbm>>)
    %get3A_407 = arith.constant 32 : i32
    %get3A_408 = arith.index_cast %get3A_407 : i32 to index
    %get3A_409 = arith.constant 0 : index
    %get3A_410 = tpu.vector_load %arg16[%get3A_408, %get3A_409] {strides = array<i32>} : memref<64x16xf32, #tpu.memory_space<vmem>>, vector<1x16xf32>,
    %get3A_411 = vector.shape_cast %get3A_410 : vector<1x16xf32> to vector<16xf32>
    %get3A_412 = arith.constant 33 : i32
    %get3A_413 = arith.index_cast %get3A_412 : i32 to index
    %get3A_414 = arith.constant 0 : index
    %get3A_415 = tpu.vector_load %arg16[%get3A_413, %get3A_414] {strides = array<i32>} : memref<64x16xf32, #tpu.memory_space<vmem>>, vector<1x16xf32>,
    %get3A_416 = vector.shape_cast %get3A_415 : vector<1x16xf32> to vector<16xf32>
    %get3A_417 = arith.constant 34 : i32
    %get3A_418 = arith.index_cast %get3A_417 : i32 to index
    %get3A_419 = arith.constant 0 : index
    %get3A_420 = tpu.vector_load %arg16[%get3A_418, %get3A_419] {strides = array<i32>} : memref<64x16xf32, #tpu.memory_space<vmem>>, vector<1x16xf32>,
    %get3A_421 = vector.shape_cast %get3A_420 : vector<1x16xf32> to vector<16xf32>
    %get3A_422 = arith.constant 35 : i32
    %get3A_423 = arith.index_cast %get3A_422 : i32 to index
    %get3A_424 = arith.constant 0 : index
    %get3A_425 = tpu.vector_load %arg16[%get3A_423, %get3A_424] {strides = array<i32>} : memref<64x16xf32, #tpu.memory_space<vmem>>, vector<1x16xf32>,
    %get3A_426 = vector.shape_cast %get3A_425 : vector<1x16xf32> to vector<16xf32>
    %get3A_427 = arith.constant 36 : i32
    %get3A_428 = arith.index_cast %get3A_427 : i32 to index
    %get3A_429 = arith.constant 0 : index
    %get3A_430 = tpu.vector_load %arg16[%get3A_428, %get3A_429] {strides = array<i32>} : memref<64x16xf32, #tpu.memory_space<vmem>>, vector<1x16xf32>,
    %get3A_431 = vector.shape_cast %get3A_430 : vector<1x16xf32> to vector<16xf32>
    %get3A_432 = arith.constant 37 : i32
    %get3A_433 = arith.index_cast %get3A_432 : i32 to index
    %get3A_434 = arith.constant 0 : index
    %get3A_435 = tpu.vector_load %arg16[%get3A_433, %get3A_434] {strides = array<i32>} : memref<64x16xf32, #tpu.memory_space<vmem>>, vector<1x16xf32>,
    %get3A_436 = vector.shape_cast %get3A_435 : vector<1x16xf32> to vector<16xf32>
    %get3A_437 = arith.constant 38 : i32
    %get3A_438 = arith.index_cast %get3A_437 : i32 to index
    %get3A_439 = arith.constant 0 : index
    %get3A_440 = tpu.vector_load %arg16[%get3A_438, %get3A_439] {strides = array<i32>} : memref<64x16xf32, #tpu.memory_space<vmem>>, vector<1x16xf32>,
    %get3A_441 = vector.shape_cast %get3A_440 : vector<1x16xf32> to vector<16xf32>
    %get3A_442 = arith.constant 39 : i32
    %get3A_443 = arith.index_cast %get3A_442 : i32 to index
    %get3A_444 = arith.constant 0 : index
    %get3A_445 = tpu.vector_load %arg16[%get3A_443, %get3A_444] {strides = array<i32>} : memref<64x16xf32, #tpu.memory_space<vmem>>, vector<1x16xf32>,
    %get3A_446 = vector.shape_cast %get3A_445 : vector<1x16xf32> to vector<16xf32>
    %get3A_447 = arith.constant 40 : i32
    %get3A_448 = arith.index_cast %get3A_447 : i32 to index
    %get3A_449 = arith.constant 0 : index
    %get3A_450 = tpu.vector_load %arg16[%get3A_448, %get3A_449] {strides = array<i32>} : memref<64x16xf32, #tpu.memory_space<vmem>>, vector<1x16xf32>,
    %get3A_451 = vector.shape_cast %get3A_450 : vector<1x16xf32> to vector<16xf32>
    %get3A_452 = arith.constant 41 : i32
    %get3A_453 = arith.index_cast %get3A_452 : i32 to index
    %get3A_454 = arith.constant 0 : index
    %get3A_455 = tpu.vector_load %arg16[%get3A_453, %get3A_454] {strides = array<i32>} : memref<64x16xf32, #tpu.memory_space<vmem>>, vector<1x16xf32>,
    %get3A_456 = vector.shape_cast %get3A_455 : vector<1x16xf32> to vector<16xf32>
    %get3A_457 = arith.constant 42 : i32
    %get3A_458 = arith.index_cast %get3A_457 : i32 to index
    %get3A_459 = arith.constant 0 : index
    %get3A_460 = tpu.vector_load %arg16[%get3A_458, %get3A_459] {strides = array<i32>} : memref<64x16xf32, #tpu.memory_space<vmem>>, vector<1x16xf32>,
    %get3A_461 = vector.shape_cast %get3A_460 : vector<1x16xf32> to vector<16xf32>
    %get3A_462 = arith.constant 43 : i32
    %get3A_463 = arith.index_cast %get3A_462 : i32 to index
    %get3A_464 = arith.constant 0 : index
    %get3A_465 = tpu.vector_load %arg16[%get3A_463, %get3A_464] {strides = array<i32>} : memref<64x16xf32, #tpu.memory_space<vmem>>, vector<1x16xf32>,
    %get3A_466 = vector.shape_cast %get3A_465 : vector<1x16xf32> to vector<16xf32>
    %get3A_467 = arith.constant 44 : i32
    %get3A_468 = arith.index_cast %get3A_467 : i32 to index
    %get3A_469 = arith.constant 0 : index
    %get3A_470 = tpu.vector_load %arg16[%get3A_468, %get3A_469] {strides = array<i32>} : memref<64x16xf32, #tpu.memory_space<vmem>>, vector<1x16xf32>,
    %get3A_471 = vector.shape_cast %get3A_470 : vector<1x16xf32> to vector<16xf32>
    %get3A_472 = arith.constant 45 : i32
    %get3A_473 = arith.index_cast %get3A_472 : i32 to index
    %get3A_474 = arith.constant 0 : index
    %get3A_475 = tpu.vector_load %arg16[%get3A_473, %get3A_474] {strides = array<i32>} : memref<64x16xf32, #tpu.memory_space<vmem>>, vector<1x16xf32>,
    %get3A_476 = vector.shape_cast %get3A_475 : vector<1x16xf32> to vector<16xf32>
    %get3A_477 = arith.constant 46 : i32
    %get3A_478 = arith.index_cast %get3A_477 : i32 to index
    %get3A_479 = arith.constant 0 : index
    %get3A_480 = tpu.vector_load %arg16[%get3A_478, %get3A_479] {strides = array<i32>} : memref<64x16xf32, #tpu.memory_space<vmem>>, vector<1x16xf32>,
    %get3A_481 = vector.shape_cast %get3A_480 : vector<1x16xf32> to vector<16xf32>
    %get3A_482 = arith.constant 47 : i32
    %get3A_483 = arith.index_cast %get3A_482 : i32 to index
    %get3A_484 = arith.constant 0 : index
    %get3A_485 = tpu.vector_load %arg16[%get3A_483, %get3A_484] {strides = array<i32>} : memref<64x16xf32, #tpu.memory_space<vmem>>, vector<1x16xf32>,
    %get3A_486 = vector.shape_cast %get3A_485 : vector<1x16xf32> to vector<16xf32>
    %get3A_487 = arith.constant 32 : i32
    %get3A_488 = arith.index_cast %get3A_487 : i32 to index
    %get3A_489 = arith.constant 0 : index
    %get3A_490 = tpu.vector_load %arg17[%get3A_488, %get3A_489] {strides = array<i32>} : memref<64x16xf32, #tpu.memory_space<vmem>>, vector<1x16xf32>,
    %get3A_491 = vector.shape_cast %get3A_490 : vector<1x16xf32> to vector<16xf32>
    %get3A_492 = arith.constant 33 : i32
    %get3A_493 = arith.index_cast %get3A_492 : i32 to index
    %get3A_494 = arith.constant 0 : index
    %get3A_495 = tpu.vector_load %arg17[%get3A_493, %get3A_494] {strides = array<i32>} : memref<64x16xf32, #tpu.memory_space<vmem>>, vector<1x16xf32>,
    %get3A_496 = vector.shape_cast %get3A_495 : vector<1x16xf32> to vector<16xf32>
    %get3A_497 = arith.constant 34 : i32
    %get3A_498 = arith.index_cast %get3A_497 : i32 to index
    %get3A_499 = arith.constant 0 : index
    %get3A_500 = tpu.vector_load %arg17[%get3A_498, %get3A_499] {strides = array<i32>} : memref<64x16xf32, #tpu.memory_space<vmem>>, vector<1x16xf32>,
    %get3A_501 = vector.shape_cast %get3A_500 : vector<1x16xf32> to vector<16xf32>
    %get3A_502 = arith.constant 35 : i32
    %get3A_503 = arith.index_cast %get3A_502 : i32 to index
    %get3A_504 = arith.constant 0 : index
    %get3A_505 = tpu.vector_load %arg17[%get3A_503, %get3A_504] {strides = array<i32>} : memref<64x16xf32, #tpu.memory_space<vmem>>, vector<1x16xf32>,
    %get3A_506 = vector.shape_cast %get3A_505 : vector<1x16xf32> to vector<16xf32>
    %get3A_507 = arith.constant 36 : i32
    %get3A_508 = arith.index_cast %get3A_507 : i32 to index
    %get3A_509 = arith.constant 0 : index
    %get3A_510 = tpu.vector_load %arg17[%get3A_508, %get3A_509] {strides = array<i32>} : memref<64x16xf32, #tpu.memory_space<vmem>>, vector<1x16xf32>,
    %get3A_511 = vector.shape_cast %get3A_510 : vector<1x16xf32> to vector<16xf32>
    %get3A_512 = arith.constant 37 : i32
    %get3A_513 = arith.index_cast %get3A_512 : i32 to index
    %get3A_514 = arith.constant 0 : index
    %get3A_515 = tpu.vector_load %arg17[%get3A_513, %get3A_514] {strides = array<i32>} : memref<64x16xf32, #tpu.memory_space<vmem>>, vector<1x16xf32>,
    %get3A_516 = vector.shape_cast %get3A_515 : vector<1x16xf32> to vector<16xf32>
    %get3A_517 = arith.constant 38 : i32
    %get3A_518 = arith.index_cast %get3A_517 : i32 to index
    %get3A_519 = arith.constant 0 : index
    %get3A_520 = tpu.vector_load %arg17[%get3A_518, %get3A_519] {strides = array<i32>} : memref<64x16xf32, #tpu.memory_space<vmem>>, vector<1x16xf32>,
    %get3A_521 = vector.shape_cast %get3A_520 : vector<1x16xf32> to vector<16xf32>
    %get3A_522 = arith.constant 39 : i32
    %get3A_523 = arith.index_cast %get3A_522 : i32 to index
    %get3A_524 = arith.constant 0 : index
    %get3A_525 = tpu.vector_load %arg17[%get3A_523, %get3A_524] {strides = array<i32>} : memref<64x16xf32, #tpu.memory_space<vmem>>, vector<1x16xf32>,
    %get3A_526 = vector.shape_cast %get3A_525 : vector<1x16xf32> to vector<16xf32>
    %get3A_527 = arith.constant 40 : i32
    %get3A_528 = arith.index_cast %get3A_527 : i32 to index
    %get3A_529 = arith.constant 0 : index
    %get3A_530 = tpu.vector_load %arg17[%get3A_528, %get3A_529] {strides = array<i32>} : memref<64x16xf32, #tpu.memory_space<vmem>>, vector<1x16xf32>,
    %get3A_531 = vector.shape_cast %get3A_530 : vector<1x16xf32> to vector<16xf32>
    %get3A_532 = arith.constant 41 : i32
    %get3A_533 = arith.index_cast %get3A_532 : i32 to index
    %get3A_534 = arith.constant 0 : index
    %get3A_535 = tpu.vector_load %arg17[%get3A_533, %get3A_534] {strides = array<i32>} : memref<64x16xf32, #tpu.memory_space<vmem>>, vector<1x16xf32>,
    %get3A_536 = vector.shape_cast %get3A_535 : vector<1x16xf32> to vector<16xf32>
    %get3A_537 = arith.constant 42 : i32
    %get3A_538 = arith.index_cast %get3A_537 : i32 to index
    %get3A_539 = arith.constant 0 : index
    %get3A_540 = tpu.vector_load %arg17[%get3A_538, %get3A_539] {strides = array<i32>} : memref<64x16xf32, #tpu.memory_space<vmem>>, vector<1x16xf32>,
    %get3A_541 = vector.shape_cast %get3A_540 : vector<1x16xf32> to vector<16xf32>
    %get3A_542 = arith.constant 43 : i32
    %get3A_543 = arith.index_cast %get3A_542 : i32 to index
    %get3A_544 = arith.constant 0 : index
    %get3A_545 = tpu.vector_load %arg17[%get3A_543, %get3A_544] {strides = array<i32>} : memref<64x16xf32, #tpu.memory_space<vmem>>, vector<1x16xf32>,
    %get3A_546 = vector.shape_cast %get3A_545 : vector<1x16xf32> to vector<16xf32>
    %get3A_547 = arith.constant 44 : i32
    %get3A_548 = arith.index_cast %get3A_547 : i32 to index
    %get3A_549 = arith.constant 0 : index
    %get3A_550 = tpu.vector_load %arg17[%get3A_548, %get3A_549] {strides = array<i32>} : memref<64x16xf32, #tpu.memory_space<vmem>>, vector<1x16xf32>,
    %get3A_551 = vector.shape_cast %get3A_550 : vector<1x16xf32> to vector<16xf32>
    %get3A_552 = arith.constant 45 : i32
    %get3A_553 = arith.index_cast %get3A_552 : i32 to index
    %get3A_554 = arith.constant 0 : index
    %get3A_555 = tpu.vector_load %arg17[%get3A_553, %get3A_554] {strides = array<i32>} : memref<64x16xf32, #tpu.memory_space<vmem>>, vector<1x16xf32>,
    %get3A_556 = vector.shape_cast %get3A_555 : vector<1x16xf32> to vector<16xf32>
    %get3A_557 = arith.constant 46 : i32
    %get3A_558 = arith.index_cast %get3A_557 : i32 to index
    %get3A_559 = arith.constant 0 : index
    %get3A_560 = tpu.vector_load %arg17[%get3A_558, %get3A_559] {strides = array<i32>} : memref<64x16xf32, #tpu.memory_space<vmem>>, vector<1x16xf32>,
    %get3A_561 = vector.shape_cast %get3A_560 : vector<1x16xf32> to vector<16xf32>
    %get3A_562 = arith.constant 47 : i32
    %get3A_563 = arith.index_cast %get3A_562 : i32 to index
    %get3A_564 = arith.constant 0 : index
    %get3A_565 = tpu.vector_load %arg17[%get3A_563, %get3A_564] {strides = array<i32>} : memref<64x16xf32, #tpu.memory_space<vmem>>, vector<1x16xf32>,
    %get3A_566 = vector.shape_cast %get3A_565 : vector<1x16xf32> to vector<16xf32>
    %scan3A_567 = arith.constant 0 : i32
    %scan3A_568 = arith.constant 0 : i32
    %scan3A_569 = arith.constant 64 : i32
    %scan3A_570 = arith.addi %scan3A_568, %scan3A_569 : i32
    %scan3A_571 = arith.constant 1 : i32
    %scan3A_572 = scf.for %scan3A_771 = %scan3A_568 to %scan3A_570 step %scan3A_571 iter_args(%scan3A_772 = %scan3A_567) -> (i32)  : i32 {
      %mul3A_773 = arith.constant 16 : i32
      %mul3A_774 = arith.muli %scan3A_771, %mul3A_773 : i32
      %get3A_775 = arith.constant 0 : i32
      %get3A_776 = arith.index_cast %get3A_775 : i32 to index
      %get3A_777 = arith.index_cast %mul3A_774 : i32 to index
      %get3A_778 = tpu.vector_load %arg18[%get3A_776, %get3A_777] {strides = array<i32>} : memref<16x1024xf32, #tpu.memory_space<vmem>>, vector<1x16xf32>,
      %get3A_779 = vector.shape_cast %get3A_778 : vector<1x16xf32> to vector<16xf32>
      %mul3A_780 = arith.mulf %get3A_411, %get3A_779 : vector<16xf32>
      %get3A_781 = arith.constant 0 : i32
      %get3A_782 = arith.index_cast %get3A_781 : i32 to index
      %get3A_783 = arith.index_cast %mul3A_774 : i32 to index
      %get3A_784 = tpu.vector_load %arg20[%get3A_782, %get3A_783] {strides = array<i32>} : memref<16x1024xf32, #tpu.memory_space<vmem>>, vector<1x16xf32>,
      %get3A_785 = vector.shape_cast %get3A_784 : vector<1x16xf32> to vector<16xf32>
      %mul3A_786 = arith.mulf %get3A_491, %get3A_785 : vector<16xf32>
      %add3A_787 = arith.addf %mul3A_780, %mul3A_786 : vector<16xf32>
      %swap3A = arith.constant 0 : i32
      %swap3A_788 = arith.index_cast %swap3A : i32 to index
      %swap3A_789 = arith.index_cast %mul3A_774 : i32 to index
      %swap3A_790 = tpu.vector_load %arg22[%swap3A_788, %swap3A_789] {strides = array<i32>} : memref<16x1024xf32, #tpu.memory_space<vmem>>, vector<1x16xf32>,
      %swap3A_791 = vector.shape_cast %swap3A_790 : vector<1x16xf32> to vector<16xf32>
      %swap3A_792 = vector.shape_cast %add3A_787 : vector<16xf32> to vector<1x16xf32>
      tpu.vector_store %arg22[%swap3A_788, %swap3A_789], %swap3A_792 {strides = array<i32>} : memref<16x1024xf32, #tpu.memory_space<vmem>>, vector<1x16xf32>,
      %get3A_793 = arith.constant 1 : i32
      %get3A_794 = arith.index_cast %get3A_793 : i32 to index
      %get3A_795 = arith.index_cast %mul3A_774 : i32 to index
      %get3A_796 = tpu.vector_load %arg18[%get3A_794, %get3A_795] {strides = array<i32>} : memref<16x1024xf32, #tpu.memory_space<vmem>>, vector<1x16xf32>,
      %get3A_797 = vector.shape_cast %get3A_796 : vector<1x16xf32> to vector<16xf32>
      %mul3A_798 = arith.mulf %get3A_416, %get3A_797 : vector<16xf32>
      %get3A_799 = arith.constant 1 : i32
      %get3A_800 = arith.index_cast %get3A_799 : i32 to index
      %get3A_801 = arith.index_cast %mul3A_774 : i32 to index
      %get3A_802 = tpu.vector_load %arg20[%get3A_800, %get3A_801] {strides = array<i32>} : memref<16x1024xf32, #tpu.memory_space<vmem>>, vector<1x16xf32>,
      %get3A_803 = vector.shape_cast %get3A_802 : vector<1x16xf32> to vector<16xf32>
      %mul3A_804 = arith.mulf %get3A_496, %get3A_803 : vector<16xf32>
      %add3A_805 = arith.addf %mul3A_798, %mul3A_804 : vector<16xf32>
      %swap3A_806 = arith.constant 1 : i32
      %swap3A_807 = arith.index_cast %swap3A_806 : i32 to index
      %swap3A_808 = arith.index_cast %mul3A_774 : i32 to index
      %swap3A_809 = tpu.vector_load %arg22[%swap3A_807, %swap3A_808] {strides = array<i32>} : memref<16x1024xf32, #tpu.memory_space<vmem>>, vector<1x16xf32>,
      %swap3A_810 = vector.shape_cast %swap3A_809 : vector<1x16xf32> to vector<16xf32>
      %swap3A_811 = vector.shape_cast %add3A_805 : vector<16xf32> to vector<1x16xf32>
      tpu.vector_store %arg22[%swap3A_807, %swap3A_808], %swap3A_811 {strides = array<i32>} : memref<16x1024xf32, #tpu.memory_space<vmem>>, vector<1x16xf32>,
      %get3A_812 = arith.constant 2 : i32
      %get3A_813 = arith.index_cast %get3A_812 : i32 to index
      %get3A_814 = arith.index_cast %mul3A_774 : i32 to index
      %get3A_815 = tpu.vector_load %arg18[%get3A_813, %get3A_814] {strides = array<i32>} : memref<16x1024xf32, #tpu.memory_space<vmem>>, vector<1x16xf32>,
      %get3A_816 = vector.shape_cast %get3A_815 : vector<1x16xf32> to vector<16xf32>
      %mul3A_817 = arith.mulf %get3A_421, %get3A_816 : vector<16xf32>
      %get3A_818 = arith.constant 2 : i32
      %get3A_819 = arith.index_cast %get3A_818 : i32 to index
      %get3A_820 = arith.index_cast %mul3A_774 : i32 to index
      %get3A_821 = tpu.vector_load %arg20[%get3A_819, %get3A_820] {strides = array<i32>} : memref<16x1024xf32, #tpu.memory_space<vmem>>, vector<1x16xf32>,
      %get3A_822 = vector.shape_cast %get3A_821 : vector<1x16xf32> to vector<16xf32>
      %mul3A_823 = arith.mulf %get3A_501, %get3A_822 : vector<16xf32>
      %add3A_824 = arith.addf %mul3A_817, %mul3A_823 : vector<16xf32>
      %swap3A_825 = arith.constant 2 : i32
      %swap3A_826 = arith.index_cast %swap3A_825 : i32 to index
      %swap3A_827 = arith.index_cast %mul3A_774 : i32 to index
      %swap3A_828 = tpu.vector_load %arg22[%swap3A_826, %swap3A_827] {strides = array<i32>} : memref<16x1024xf32, #tpu.memory_space<vmem>>, vector<1x16xf32>,
      %swap3A_829 = vector.shape_cast %swap3A_828 : vector<1x16xf32> to vector<16xf32>
      %swap3A_830 = vector.shape_cast %add3A_824 : vector<16xf32> to vector<1x16xf32>
      tpu.vector_store %arg22[%swap3A_826, %swap3A_827], %swap3A_830 {strides = array<i32>} : memref<16x1024xf32, #tpu.memory_space<vmem>>, vector<1x16xf32>,
      %get3A_831 = arith.constant 3 : i32
      %get3A_832 = arith.index_cast %get3A_831 : i32 to index
      %get3A_833 = arith.index_cast %mul3A_774 : i32 to index
      %get3A_834 = tpu.vector_load %arg18[%get3A_832, %get3A_833] {strides = array<i32>} : memref<16x1024xf32, #tpu.memory_space<vmem>>, vector<1x16xf32>,
      %get3A_835 = vector.shape_cast %get3A_834 : vector<1x16xf32> to vector<16xf32>
      %mul3A_836 = arith.mulf %get3A_426, %get3A_835 : vector<16xf32>
      %get3A_837 = arith.constant 3 : i32
      %get3A_838 = arith.index_cast %get3A_837 : i32 to index
      %get3A_839 = arith.index_cast %mul3A_774 : i32 to index
      %get3A_840 = tpu.vector_load %arg20[%get3A_838, %get3A_839] {strides = array<i32>} : memref<16x1024xf32, #tpu.memory_space<vmem>>, vector<1x16xf32>,
      %get3A_841 = vector.shape_cast %get3A_840 : vector<1x16xf32> to vector<16xf32>
      %mul3A_842 = arith.mulf %get3A_506, %get3A_841 : vector<16xf32>
      %add3A_843 = arith.addf %mul3A_836, %mul3A_842 : vector<16xf32>
      %swap3A_844 = arith.constant 3 : i32
      %swap3A_845 = arith.index_cast %swap3A_844 : i32 to index
      %swap3A_846 = arith.index_cast %mul3A_774 : i32 to index
      %swap3A_847 = tpu.vector_load %arg22[%swap3A_845, %swap3A_846] {strides = array<i32>} : memref<16x1024xf32, #tpu.memory_space<vmem>>, vector<1x16xf32>,
      %swap3A_848 = vector.shape_cast %swap3A_847 : vector<1x16xf32> to vector<16xf32>
      %swap3A_849 = vector.shape_cast %add3A_843 : vector<16xf32> to vector<1x16xf32>
      tpu.vector_store %arg22[%swap3A_845, %swap3A_846], %swap3A_849 {strides = array<i32>} : memref<16x1024xf32, #tpu.memory_space<vmem>>, vector<1x16xf32>,
      %get3A_850 = arith.constant 4 : i32
      %get3A_851 = arith.index_cast %get3A_850 : i32 to index
      %get3A_852 = arith.index_cast %mul3A_774 : i32 to index
      %get3A_853 = tpu.vector_load %arg18[%get3A_851, %get3A_852] {strides = array<i32>} : memref<16x1024xf32, #tpu.memory_space<vmem>>, vector<1x16xf32>,
      %get3A_854 = vector.shape_cast %get3A_853 : vector<1x16xf32> to vector<16xf32>
      %mul3A_855 = arith.mulf %get3A_431, %get3A_854 : vector<16xf32>
      %get3A_856 = arith.constant 4 : i32
      %get3A_857 = arith.index_cast %get3A_856 : i32 to index
      %get3A_858 = arith.index_cast %mul3A_774 : i32 to index
      %get3A_859 = tpu.vector_load %arg20[%get3A_857, %get3A_858] {strides = array<i32>} : memref<16x1024xf32, #tpu.memory_space<vmem>>, vector<1x16xf32>,
      %get3A_860 = vector.shape_cast %get3A_859 : vector<1x16xf32> to vector<16xf32>
      %mul3A_861 = arith.mulf %get3A_511, %get3A_860 : vector<16xf32>
      %add3A_862 = arith.addf %mul3A_855, %mul3A_861 : vector<16xf32>
      %swap3A_863 = arith.constant 4 : i32
      %swap3A_864 = arith.index_cast %swap3A_863 : i32 to index
      %swap3A_865 = arith.index_cast %mul3A_774 : i32 to index
      %swap3A_866 = tpu.vector_load %arg22[%swap3A_864, %swap3A_865] {strides = array<i32>} : memref<16x1024xf32, #tpu.memory_space<vmem>>, vector<1x16xf32>,
      %swap3A_867 = vector.shape_cast %swap3A_866 : vector<1x16xf32> to vector<16xf32>
      %swap3A_868 = vector.shape_cast %add3A_862 : vector<16xf32> to vector<1x16xf32>
      tpu.vector_store %arg22[%swap3A_864, %swap3A_865], %swap3A_868 {strides = array<i32>} : memref<16x1024xf32, #tpu.memory_space<vmem>>, vector<1x16xf32>,
      %get3A_869 = arith.constant 5 : i32
      %get3A_870 = arith.index_cast %get3A_869 : i32 to index
      %get3A_871 = arith.index_cast %mul3A_774 : i32 to index
      %get3A_872 = tpu.vector_load %arg18[%get3A_870, %get3A_871] {strides = array<i32>} : memref<16x1024xf32, #tpu.memory_space<vmem>>, vector<1x16xf32>,
      %get3A_873 = vector.shape_cast %get3A_872 : vector<1x16xf32> to vector<16xf32>
      %mul3A_874 = arith.mulf %get3A_436, %get3A_873 : vector<16xf32>
      %get3A_875 = arith.constant 5 : i32
      %get3A_876 = arith.index_cast %get3A_875 : i32 to index
      %get3A_877 = arith.index_cast %mul3A_774 : i32 to index
      %get3A_878 = tpu.vector_load %arg20[%get3A_876, %get3A_877] {strides = array<i32>} : memref<16x1024xf32, #tpu.memory_space<vmem>>, vector<1x16xf32>,
      %get3A_879 = vector.shape_cast %get3A_878 : vector<1x16xf32> to vector<16xf32>
      %mul3A_880 = arith.mulf %get3A_516, %get3A_879 : vector<16xf32>
      %add3A_881 = arith.addf %mul3A_874, %mul3A_880 : vector<16xf32>
      %swap3A_882 = arith.constant 5 : i32
      %swap3A_883 = arith.index_cast %swap3A_882 : i32 to index
      %swap3A_884 = arith.index_cast %mul3A_774 : i32 to index
      %swap3A_885 = tpu.vector_load %arg22[%swap3A_883, %swap3A_884] {strides = array<i32>} : memref<16x1024xf32, #tpu.memory_space<vmem>>, vector<1x16xf32>,
      %swap3A_886 = vector.shape_cast %swap3A_885 : vector<1x16xf32> to vector<16xf32>
      %swap3A_887 = vector.shape_cast %add3A_881 : vector<16xf32> to vector<1x16xf32>
      tpu.vector_store %arg22[%swap3A_883, %swap3A_884], %swap3A_887 {strides = array<i32>} : memref<16x1024xf32, #tpu.memory_space<vmem>>, vector<1x16xf32>,
      %get3A_888 = arith.constant 6 : i32
      %get3A_889 = arith.index_cast %get3A_888 : i32 to index
      %get3A_890 = arith.index_cast %mul3A_774 : i32 to index
      %get3A_891 = tpu.vector_load %arg18[%get3A_889, %get3A_890] {strides = array<i32>} : memref<16x1024xf32, #tpu.memory_space<vmem>>, vector<1x16xf32>,
      %get3A_892 = vector.shape_cast %get3A_891 : vector<1x16xf32> to vector<16xf32>
      %mul3A_893 = arith.mulf %get3A_441, %get3A_892 : vector<16xf32>
      %get3A_894 = arith.constant 6 : i32
      %get3A_895 = arith.index_cast %get3A_894 : i32 to index
      %get3A_896 = arith.index_cast %mul3A_774 : i32 to index
      %get3A_897 = tpu.vector_load %arg20[%get3A_895, %get3A_896] {strides = array<i32>} : memref<16x1024xf32, #tpu.memory_space<vmem>>, vector<1x16xf32>,
      %get3A_898 = vector.shape_cast %get3A_897 : vector<1x16xf32> to vector<16xf32>
      %mul3A_899 = arith.mulf %get3A_521, %get3A_898 : vector<16xf32>
      %add3A_900 = arith.addf %mul3A_893, %mul3A_899 : vector<16xf32>
      %swap3A_901 = arith.constant 6 : i32
      %swap3A_902 = arith.index_cast %swap3A_901 : i32 to index
      %swap3A_903 = arith.index_cast %mul3A_774 : i32 to index
      %swap3A_904 = tpu.vector_load %arg22[%swap3A_902, %swap3A_903] {strides = array<i32>} : memref<16x1024xf32, #tpu.memory_space<vmem>>, vector<1x16xf32>,
      %swap3A_905 = vector.shape_cast %swap3A_904 : vector<1x16xf32> to vector<16xf32>
      %swap3A_906 = vector.shape_cast %add3A_900 : vector<16xf32> to vector<1x16xf32>
      tpu.vector_store %arg22[%swap3A_902, %swap3A_903], %swap3A_906 {strides = array<i32>} : memref<16x1024xf32, #tpu.memory_space<vmem>>, vector<1x16xf32>,
      %get3A_907 = arith.constant 7 : i32
      %get3A_908 = arith.index_cast %get3A_907 : i32 to index
      %get3A_909 = arith.index_cast %mul3A_774 : i32 to index
      %get3A_910 = tpu.vector_load %arg18[%get3A_908, %get3A_909] {strides = array<i32>} : memref<16x1024xf32, #tpu.memory_space<vmem>>, vector<1x16xf32>,
      %get3A_911 = vector.shape_cast %get3A_910 : vector<1x16xf32> to vector<16xf32>
      %mul3A_912 = arith.mulf %get3A_446, %get3A_911 : vector<16xf32>
      %get3A_913 = arith.constant 7 : i32
      %get3A_914 = arith.index_cast %get3A_913 : i32 to index
      %get3A_915 = arith.index_cast %mul3A_774 : i32 to index
      %get3A_916 = tpu.vector_load %arg20[%get3A_914, %get3A_915] {strides = array<i32>} : memref<16x1024xf32, #tpu.memory_space<vmem>>, vector<1x16xf32>,
      %get3A_917 = vector.shape_cast %get3A_916 : vector<1x16xf32> to vector<16xf32>
      %mul3A_918 = arith.mulf %get3A_526, %get3A_917 : vector<16xf32>
      %add3A_919 = arith.addf %mul3A_912, %mul3A_918 : vector<16xf32>
      %swap3A_920 = arith.constant 7 : i32
      %swap3A_921 = arith.index_cast %swap3A_920 : i32 to index
      %swap3A_922 = arith.index_cast %mul3A_774 : i32 to index
      %swap3A_923 = tpu.vector_load %arg22[%swap3A_921, %swap3A_922] {strides = array<i32>} : memref<16x1024xf32, #tpu.memory_space<vmem>>, vector<1x16xf32>,
      %swap3A_924 = vector.shape_cast %swap3A_923 : vector<1x16xf32> to vector<16xf32>
      %swap3A_925 = vector.shape_cast %add3A_919 : vector<16xf32> to vector<1x16xf32>
      tpu.vector_store %arg22[%swap3A_921, %swap3A_922], %swap3A_925 {strides = array<i32>} : memref<16x1024xf32, #tpu.memory_space<vmem>>, vector<1x16xf32>,
      %get3A_926 = arith.constant 8 : i32
      %get3A_927 = arith.index_cast %get3A_926 : i32 to index
      %get3A_928 = arith.index_cast %mul3A_774 : i32 to index
      %get3A_929 = tpu.vector_load %arg18[%get3A_927, %get3A_928] {strides = array<i32>} : memref<16x1024xf32, #tpu.memory_space<vmem>>, vector<1x16xf32>,
      %get3A_930 = vector.shape_cast %get3A_929 : vector<1x16xf32> to vector<16xf32>
      %mul3A_931 = arith.mulf %get3A_451, %get3A_930 : vector<16xf32>
      %get3A_932 = arith.constant 8 : i32
      %get3A_933 = arith.index_cast %get3A_932 : i32 to index
      %get3A_934 = arith.index_cast %mul3A_774 : i32 to index
      %get3A_935 = tpu.vector_load %arg20[%get3A_933, %get3A_934] {strides = array<i32>} : memref<16x1024xf32, #tpu.memory_space<vmem>>, vector<1x16xf32>,
      %get3A_936 = vector.shape_cast %get3A_935 : vector<1x16xf32> to vector<16xf32>
      %mul3A_937 = arith.mulf %get3A_531, %get3A_936 : vector<16xf32>
      %add3A_938 = arith.addf %mul3A_931, %mul3A_937 : vector<16xf32>
      %swap3A_939 = arith.constant 8 : i32
      %swap3A_940 = arith.index_cast %swap3A_939 : i32 to index
      %swap3A_941 = arith.index_cast %mul3A_774 : i32 to index
      %swap3A_942 = tpu.vector_load %arg22[%swap3A_940, %swap3A_941] {strides = array<i32>} : memref<16x1024xf32, #tpu.memory_space<vmem>>, vector<1x16xf32>,
      %swap3A_943 = vector.shape_cast %swap3A_942 : vector<1x16xf32> to vector<16xf32>
      %swap3A_944 = vector.shape_cast %add3A_938 : vector<16xf32> to vector<1x16xf32>
      tpu.vector_store %arg22[%swap3A_940, %swap3A_941], %swap3A_944 {strides = array<i32>} : memref<16x1024xf32, #tpu.memory_space<vmem>>, vector<1x16xf32>,
      %get3A_945 = arith.constant 9 : i32
      %get3A_946 = arith.index_cast %get3A_945 : i32 to index
      %get3A_947 = arith.index_cast %mul3A_774 : i32 to index
      %get3A_948 = tpu.vector_load %arg18[%get3A_946, %get3A_947] {strides = array<i32>} : memref<16x1024xf32, #tpu.memory_space<vmem>>, vector<1x16xf32>,
      %get3A_949 = vector.shape_cast %get3A_948 : vector<1x16xf32> to vector<16xf32>
      %mul3A_950 = arith.mulf %get3A_456, %get3A_949 : vector<16xf32>
      %get3A_951 = arith.constant 9 : i32
      %get3A_952 = arith.index_cast %get3A_951 : i32 to index
      %get3A_953 = arith.index_cast %mul3A_774 : i32 to index
      %get3A_954 = tpu.vector_load %arg20[%get3A_952, %get3A_953] {strides = array<i32>} : memref<16x1024xf32, #tpu.memory_space<vmem>>, vector<1x16xf32>,
      %get3A_955 = vector.shape_cast %get3A_954 : vector<1x16xf32> to vector<16xf32>
      %mul3A_956 = arith.mulf %get3A_536, %get3A_955 : vector<16xf32>
      %add3A_957 = arith.addf %mul3A_950, %mul3A_956 : vector<16xf32>
      %swap3A_958 = arith.constant 9 : i32
      %swap3A_959 = arith.index_cast %swap3A_958 : i32 to index
      %swap3A_960 = arith.index_cast %mul3A_774 : i32 to index
      %swap3A_961 = tpu.vector_load %arg22[%swap3A_959, %swap3A_960] {strides = array<i32>} : memref<16x1024xf32, #tpu.memory_space<vmem>>, vector<1x16xf32>,
      %swap3A_962 = vector.shape_cast %swap3A_961 : vector<1x16xf32> to vector<16xf32>
      %swap3A_963 = vector.shape_cast %add3A_957 : vector<16xf32> to vector<1x16xf32>
      tpu.vector_store %arg22[%swap3A_959, %swap3A_960], %swap3A_963 {strides = array<i32>} : memref<16x1024xf32, #tpu.memory_space<vmem>>, vector<1x16xf32>,
      %get3A_964 = arith.constant 10 : i32
      %get3A_965 = arith.index_cast %get3A_964 : i32 to index
      %get3A_966 = arith.index_cast %mul3A_774 : i32 to index
      %get3A_967 = tpu.vector_load %arg18[%get3A_965, %get3A_966] {strides = array<i32>} : memref<16x1024xf32, #tpu.memory_space<vmem>>, vector<1x16xf32>,
      %get3A_968 = vector.shape_cast %get3A_967 : vector<1x16xf32> to vector<16xf32>
      %mul3A_969 = arith.mulf %get3A_461, %get3A_968 : vector<16xf32>
      %get3A_970 = arith.constant 10 : i32
      %get3A_971 = arith.index_cast %get3A_970 : i32 to index
      %get3A_972 = arith.index_cast %mul3A_774 : i32 to index
      %get3A_973 = tpu.vector_load %arg20[%get3A_971, %get3A_972] {strides = array<i32>} : memref<16x1024xf32, #tpu.memory_space<vmem>>, vector<1x16xf32>,
      %get3A_974 = vector.shape_cast %get3A_973 : vector<1x16xf32> to vector<16xf32>
      %mul3A_975 = arith.mulf %get3A_541, %get3A_974 : vector<16xf32>
      %add3A_976 = arith.addf %mul3A_969, %mul3A_975 : vector<16xf32>
      %swap3A_977 = arith.constant 10 : i32
      %swap3A_978 = arith.index_cast %swap3A_977 : i32 to index
      %swap3A_979 = arith.index_cast %mul3A_774 : i32 to index
      %swap3A_980 = tpu.vector_load %arg22[%swap3A_978, %swap3A_979] {strides = array<i32>} : memref<16x1024xf32, #tpu.memory_space<vmem>>, vector<1x16xf32>,
      %swap3A_981 = vector.shape_cast %swap3A_980 : vector<1x16xf32> to vector<16xf32>
      %swap3A_982 = vector.shape_cast %add3A_976 : vector<16xf32> to vector<1x16xf32>
      tpu.vector_store %arg22[%swap3A_978, %swap3A_979], %swap3A_982 {strides = array<i32>} : memref<16x1024xf32, #tpu.memory_space<vmem>>, vector<1x16xf32>,
      %get3A_983 = arith.constant 11 : i32
      %get3A_984 = arith.index_cast %get3A_983 : i32 to index
      %get3A_985 = arith.index_cast %mul3A_774 : i32 to index
      %get3A_986 = tpu.vector_load %arg18[%get3A_984, %get3A_985] {strides = array<i32>} : memref<16x1024xf32, #tpu.memory_space<vmem>>, vector<1x16xf32>,
      %get3A_987 = vector.shape_cast %get3A_986 : vector<1x16xf32> to vector<16xf32>
      %mul3A_988 = arith.mulf %get3A_466, %get3A_987 : vector<16xf32>
      %get3A_989 = arith.constant 11 : i32
      %get3A_990 = arith.index_cast %get3A_989 : i32 to index
      %get3A_991 = arith.index_cast %mul3A_774 : i32 to index
      %get3A_992 = tpu.vector_load %arg20[%get3A_990, %get3A_991] {strides = array<i32>} : memref<16x1024xf32, #tpu.memory_space<vmem>>, vector<1x16xf32>,
      %get3A_993 = vector.shape_cast %get3A_992 : vector<1x16xf32> to vector<16xf32>
      %mul3A_994 = arith.mulf %get3A_546, %get3A_993 : vector<16xf32>
      %add3A_995 = arith.addf %mul3A_988, %mul3A_994 : vector<16xf32>
      %swap3A_996 = arith.constant 11 : i32
      %swap3A_997 = arith.index_cast %swap3A_996 : i32 to index
      %swap3A_998 = arith.index_cast %mul3A_774 : i32 to index
      %swap3A_999 = tpu.vector_load %arg22[%swap3A_997, %swap3A_998] {strides = array<i32>} : memref<16x1024xf32, #tpu.memory_space<vmem>>, vector<1x16xf32>,
      %swap3A_1000 = vector.shape_cast %swap3A_999 : vector<1x16xf32> to vector<16xf32>
      %swap3A_1001 = vector.shape_cast %add3A_995 : vector<16xf32> to vector<1x16xf32>
      tpu.vector_store %arg22[%swap3A_997, %swap3A_998], %swap3A_1001 {strides = array<i32>} : memref<16x1024xf32, #tpu.memory_space<vmem>>, vector<1x16xf32>,
      %get3A_1002 = arith.constant 12 : i32
      %get3A_1003 = arith.index_cast %get3A_1002 : i32 to index
      %get3A_1004 = arith.index_cast %mul3A_774 : i32 to index
      %get3A_1005 = tpu.vector_load %arg18[%get3A_1003, %get3A_1004] {strides = array<i32>} : memref<16x1024xf32, #tpu.memory_space<vmem>>, vector<1x16xf32>,
      %get3A_1006 = vector.shape_cast %get3A_1005 : vector<1x16xf32> to vector<16xf32>
      %mul3A_1007 = arith.mulf %get3A_471, %get3A_1006 : vector<16xf32>
      %get3A_1008 = arith.constant 12 : i32
      %get3A_1009 = arith.index_cast %get3A_1008 : i32 to index
      %get3A_1010 = arith.index_cast %mul3A_774 : i32 to index
      %get3A_1011 = tpu.vector_load %arg20[%get3A_1009, %get3A_1010] {strides = array<i32>} : memref<16x1024xf32, #tpu.memory_space<vmem>>, vector<1x16xf32>,
      %get3A_1012 = vector.shape_cast %get3A_1011 : vector<1x16xf32> to vector<16xf32>
      %mul3A_1013 = arith.mulf %get3A_551, %get3A_1012 : vector<16xf32>
      %add3A_1014 = arith.addf %mul3A_1007, %mul3A_1013 : vector<16xf32>
      %swap3A_1015 = arith.constant 12 : i32
      %swap3A_1016 = arith.index_cast %swap3A_1015 : i32 to index
      %swap3A_1017 = arith.index_cast %mul3A_774 : i32 to index
      %swap3A_1018 = tpu.vector_load %arg22[%swap3A_1016, %swap3A_1017] {strides = array<i32>} : memref<16x1024xf32, #tpu.memory_space<vmem>>, vector<1x16xf32>,
      %swap3A_1019 = vector.shape_cast %swap3A_1018 : vector<1x16xf32> to vector<16xf32>
      %swap3A_1020 = vector.shape_cast %add3A_1014 : vector<16xf32> to vector<1x16xf32>
      tpu.vector_store %arg22[%swap3A_1016, %swap3A_1017], %swap3A_1020 {strides = array<i32>} : memref<16x1024xf32, #tpu.memory_space<vmem>>, vector<1x16xf32>,
      %get3A_1021 = arith.constant 13 : i32
      %get3A_1022 = arith.index_cast %get3A_1021 : i32 to index
      %get3A_1023 = arith.index_cast %mul3A_774 : i32 to index
      %get3A_1024 = tpu.vector_load %arg18[%get3A_1022, %get3A_1023] {strides = array<i32>} : memref<16x1024xf32, #tpu.memory_space<vmem>>, vector<1x16xf32>,
      %get3A_1025 = vector.shape_cast %get3A_1024 : vector<1x16xf32> to vector<16xf32>
      %mul3A_1026 = arith.mulf %get3A_476, %get3A_1025 : vector<16xf32>
      %get3A_1027 = arith.constant 13 : i32
      %get3A_1028 = arith.index_cast %get3A_1027 : i32 to index
      %get3A_1029 = arith.index_cast %mul3A_774 : i32 to index
      %get3A_1030 = tpu.vector_load %arg20[%get3A_1028, %get3A_1029] {strides = array<i32>} : memref<16x1024xf32, #tpu.memory_space<vmem>>, vector<1x16xf32>,
      %get3A_1031 = vector.shape_cast %get3A_1030 : vector<1x16xf32> to vector<16xf32>
      %mul3A_1032 = arith.mulf %get3A_556, %get3A_1031 : vector<16xf32>
      %add3A_1033 = arith.addf %mul3A_1026, %mul3A_1032 : vector<16xf32>
      %swap3A_1034 = arith.constant 13 : i32
      %swap3A_1035 = arith.index_cast %swap3A_1034 : i32 to index
      %swap3A_1036 = arith.index_cast %mul3A_774 : i32 to index
      %swap3A_1037 = tpu.vector_load %arg22[%swap3A_1035, %swap3A_1036] {strides = array<i32>} : memref<16x1024xf32, #tpu.memory_space<vmem>>, vector<1x16xf32>,
      %swap3A_1038 = vector.shape_cast %swap3A_1037 : vector<1x16xf32> to vector<16xf32>
      %swap3A_1039 = vector.shape_cast %add3A_1033 : vector<16xf32> to vector<1x16xf32>
      tpu.vector_store %arg22[%swap3A_1035, %swap3A_1036], %swap3A_1039 {strides = array<i32>} : memref<16x1024xf32, #tpu.memory_space<vmem>>, vector<1x16xf32>,
      %get3A_1040 = arith.constant 14 : i32
      %get3A_1041 = arith.index_cast %get3A_1040 : i32 to index
      %get3A_1042 = arith.index_cast %mul3A_774 : i32 to index
      %get3A_1043 = tpu.vector_load %arg18[%get3A_1041, %get3A_1042] {strides = array<i32>} : memref<16x1024xf32, #tpu.memory_space<vmem>>, vector<1x16xf32>,
      %get3A_1044 = vector.shape_cast %get3A_1043 : vector<1x16xf32> to vector<16xf32>
      %mul3A_1045 = arith.mulf %get3A_481, %get3A_1044 : vector<16xf32>
      %get3A_1046 = arith.constant 14 : i32
      %get3A_1047 = arith.index_cast %get3A_1046 : i32 to index
      %get3A_1048 = arith.index_cast %mul3A_774 : i32 to index
      %get3A_1049 = tpu.vector_load %arg20[%get3A_1047, %get3A_1048] {strides = array<i32>} : memref<16x1024xf32, #tpu.memory_space<vmem>>, vector<1x16xf32>,
      %get3A_1050 = vector.shape_cast %get3A_1049 : vector<1x16xf32> to vector<16xf32>
      %mul3A_1051 = arith.mulf %get3A_561, %get3A_1050 : vector<16xf32>
      %add3A_1052 = arith.addf %mul3A_1045, %mul3A_1051 : vector<16xf32>
      %swap3A_1053 = arith.constant 14 : i32
      %swap3A_1054 = arith.index_cast %swap3A_1053 : i32 to index
      %swap3A_1055 = arith.index_cast %mul3A_774 : i32 to index
      %swap3A_1056 = tpu.vector_load %arg22[%swap3A_1054, %swap3A_1055] {strides = array<i32>} : memref<16x1024xf32, #tpu.memory_space<vmem>>, vector<1x16xf32>,
      %swap3A_1057 = vector.shape_cast %swap3A_1056 : vector<1x16xf32> to vector<16xf32>
      %swap3A_1058 = vector.shape_cast %add3A_1052 : vector<16xf32> to vector<1x16xf32>
      tpu.vector_store %arg22[%swap3A_1054, %swap3A_1055], %swap3A_1058 {strides = array<i32>} : memref<16x1024xf32, #tpu.memory_space<vmem>>, vector<1x16xf32>,
      %get3A_1059 = arith.constant 15 : i32
      %get3A_1060 = arith.index_cast %get3A_1059 : i32 to index
      %get3A_1061 = arith.index_cast %mul3A_774 : i32 to index
      %get3A_1062 = tpu.vector_load %arg18[%get3A_1060, %get3A_1061] {strides = array<i32>} : memref<16x1024xf32, #tpu.memory_space<vmem>>, vector<1x16xf32>,
      %get3A_1063 = vector.shape_cast %get3A_1062 : vector<1x16xf32> to vector<16xf32>
      %mul3A_1064 = arith.mulf %get3A_486, %get3A_1063 : vector<16xf32>
      %get3A_1065 = arith.constant 15 : i32
      %get3A_1066 = arith.index_cast %get3A_1065 : i32 to index
      %get3A_1067 = arith.index_cast %mul3A_774 : i32 to index
      %get3A_1068 = tpu.vector_load %arg20[%get3A_1066, %get3A_1067] {strides = array<i32>} : memref<16x1024xf32, #tpu.memory_space<vmem>>, vector<1x16xf32>,
      %get3A_1069 = vector.shape_cast %get3A_1068 : vector<1x16xf32> to vector<16xf32>
      %mul3A_1070 = arith.mulf %get3A_566, %get3A_1069 : vector<16xf32>
      %add3A_1071 = arith.addf %mul3A_1064, %mul3A_1070 : vector<16xf32>
      %swap3A_1072 = arith.constant 15 : i32
      %swap3A_1073 = arith.index_cast %swap3A_1072 : i32 to index
      %swap3A_1074 = arith.index_cast %mul3A_774 : i32 to index
      %swap3A_1075 = tpu.vector_load %arg22[%swap3A_1073, %swap3A_1074] {strides = array<i32>} : memref<16x1024xf32, #tpu.memory_space<vmem>>, vector<1x16xf32>,
      %swap3A_1076 = vector.shape_cast %swap3A_1075 : vector<1x16xf32> to vector<16xf32>
      %swap3A_1077 = vector.shape_cast %add3A_1071 : vector<16xf32> to vector<1x16xf32>
      tpu.vector_store %arg22[%swap3A_1073, %swap3A_1074], %swap3A_1077 {strides = array<i32>} : memref<16x1024xf32, #tpu.memory_space<vmem>>, vector<1x16xf32>,
      %scan3A_1078 = arith.constant 0 : i32
      scf.yield %scan3A_1078 : i32
    }
    %scan3A_573 = arith.constant 64 : i32
    %add3A_574 = arith.constant 32 : i32
    %add3A_575 = arith.addi %mul3A_2, %add3A_574 : i32
    %dma_start3A_576 = arith.constant 0 : i32
    %dma_start3A_577 = tpu.memref_slice %arg7[%add3A_575, %dma_start3A_576] : memref<2048x1024xf32, #tpu.memory_space<hbm>> -> memref<16x1024xf32, #tpu.memory_space<hbm>>
    %dma_start3A_578 = arith.constant 0 : i32
    %dma_start3A_579 = tpu.memref_slice %arg7[%add3A_575, %dma_start3A_578] : memref<2048x1024xf32, #tpu.memory_space<hbm>> -> memref<16x1024xf32, #tpu.memory_space<hbm>>
    tpu.enqueue_dma source(%arg22 : memref<16x1024xf32, #tpu.memory_space<vmem>>) target(%dma_start3A_579 : memref<16x1024xf32, #tpu.memory_space<hbm>>) target_semaphore(%arg28 : memref<!tpu.dma_semaphore, #tpu.memory_space<semaphore_mem>>)
    %dma_wait3A_580 = arith.constant 0 : i32
    %dma_wait3A_581 = arith.constant 0 : i32
    %dma_wait3A_582 = tpu.memref_slice %arg6[%dma_wait3A_580, %dma_wait3A_581] : memref<5888x1024xf32, #tpu.memory_space<hbm>> -> memref<5888x1024xf32, #tpu.memory_space<hbm>>
    tpu.wait_indirect_dma semaphore(%arg25 : memref<!tpu.dma_semaphore, #tpu.memory_space<semaphore_mem>>) src(%dma_wait3A_582 : memref<5888x1024xf32, #tpu.memory_space<hbm>>) dst(%arg19 : memref<16x1024xf32, #tpu.memory_space<vmem>>)
    %dma_wait3A_583 = arith.constant 0 : i32
    %dma_wait3A_584 = arith.constant 0 : i32
    %dma_wait3A_585 = tpu.memref_slice %arg6[%dma_wait3A_583, %dma_wait3A_584] : memref<5888x1024xf32, #tpu.memory_space<hbm>> -> memref<5888x1024xf32, #tpu.memory_space<hbm>>
    tpu.wait_indirect_dma semaphore(%arg27 : memref<!tpu.dma_semaphore, #tpu.memory_space<semaphore_mem>>) src(%dma_wait3A_585 : memref<5888x1024xf32, #tpu.memory_space<hbm>>) dst(%arg21 : memref<16x1024xf32, #tpu.memory_space<vmem>>)
    %dma_wait3A_586 = arith.constant 0 : i32
    %dma_wait3A_587 = tpu.memref_slice %arg7[%add3A_392, %dma_wait3A_586] : memref<2048x1024xf32, #tpu.memory_space<hbm>> -> memref<16x1024xf32, #tpu.memory_space<hbm>>
    %dma_wait3A_588 = arith.constant 0 : i32
    %dma_wait3A_589 = tpu.memref_slice %arg7[%add3A_392, %dma_wait3A_588] : memref<2048x1024xf32, #tpu.memory_space<hbm>> -> memref<16x1024xf32, #tpu.memory_space<hbm>>
    tpu.wait_dma2 semaphore(%arg29 : memref<!tpu.dma_semaphore, #tpu.memory_space<semaphore_mem>>) src(%arg23 : memref<16x1024xf32, #tpu.memory_space<vmem>>) dst(%dma_wait3A_589 : memref<16x1024xf32, #tpu.memory_space<hbm>>)
    %get3A_590 = arith.constant 48 : i32
    %get3A_591 = arith.index_cast %get3A_590 : i32 to index
    %get3A_592 = arith.constant 0 : index
    %get3A_593 = tpu.vector_load %arg16[%get3A_591, %get3A_592] {strides = array<i32>} : memref<64x16xf32, #tpu.memory_space<vmem>>, vector<1x16xf32>,
    %get3A_594 = vector.shape_cast %get3A_593 : vector<1x16xf32> to vector<16xf32>
    %get3A_595 = arith.constant 49 : i32
    %get3A_596 = arith.index_cast %get3A_595 : i32 to index
    %get3A_597 = arith.constant 0 : index
    %get3A_598 = tpu.vector_load %arg16[%get3A_596, %get3A_597] {strides = array<i32>} : memref<64x16xf32, #tpu.memory_space<vmem>>, vector<1x16xf32>,
    %get3A_599 = vector.shape_cast %get3A_598 : vector<1x16xf32> to vector<16xf32>
    %get3A_600 = arith.constant 50 : i32
    %get3A_601 = arith.index_cast %get3A_600 : i32 to index
    %get3A_602 = arith.constant 0 : index
    %get3A_603 = tpu.vector_load %arg16[%get3A_601, %get3A_602] {strides = array<i32>} : memref<64x16xf32, #tpu.memory_space<vmem>>, vector<1x16xf32>,
    %get3A_604 = vector.shape_cast %get3A_603 : vector<1x16xf32> to vector<16xf32>
    %get3A_605 = arith.constant 51 : i32
    %get3A_606 = arith.index_cast %get3A_605 : i32 to index
    %get3A_607 = arith.constant 0 : index
    %get3A_608 = tpu.vector_load %arg16[%get3A_606, %get3A_607] {strides = array<i32>} : memref<64x16xf32, #tpu.memory_space<vmem>>, vector<1x16xf32>,
    %get3A_609 = vector.shape_cast %get3A_608 : vector<1x16xf32> to vector<16xf32>
    %get3A_610 = arith.constant 52 : i32
    %get3A_611 = arith.index_cast %get3A_610 : i32 to index
    %get3A_612 = arith.constant 0 : index
    %get3A_613 = tpu.vector_load %arg16[%get3A_611, %get3A_612] {strides = array<i32>} : memref<64x16xf32, #tpu.memory_space<vmem>>, vector<1x16xf32>,
    %get3A_614 = vector.shape_cast %get3A_613 : vector<1x16xf32> to vector<16xf32>
    %get3A_615 = arith.constant 53 : i32
    %get3A_616 = arith.index_cast %get3A_615 : i32 to index
    %get3A_617 = arith.constant 0 : index
    %get3A_618 = tpu.vector_load %arg16[%get3A_616, %get3A_617] {strides = array<i32>} : memref<64x16xf32, #tpu.memory_space<vmem>>, vector<1x16xf32>,
    %get3A_619 = vector.shape_cast %get3A_618 : vector<1x16xf32> to vector<16xf32>
    %get3A_620 = arith.constant 54 : i32
    %get3A_621 = arith.index_cast %get3A_620 : i32 to index
    %get3A_622 = arith.constant 0 : index
    %get3A_623 = tpu.vector_load %arg16[%get3A_621, %get3A_622] {strides = array<i32>} : memref<64x16xf32, #tpu.memory_space<vmem>>, vector<1x16xf32>,
    %get3A_624 = vector.shape_cast %get3A_623 : vector<1x16xf32> to vector<16xf32>
    %get3A_625 = arith.constant 55 : i32
    %get3A_626 = arith.index_cast %get3A_625 : i32 to index
    %get3A_627 = arith.constant 0 : index
    %get3A_628 = tpu.vector_load %arg16[%get3A_626, %get3A_627] {strides = array<i32>} : memref<64x16xf32, #tpu.memory_space<vmem>>, vector<1x16xf32>,
    %get3A_629 = vector.shape_cast %get3A_628 : vector<1x16xf32> to vector<16xf32>
    %get3A_630 = arith.constant 56 : i32
    %get3A_631 = arith.index_cast %get3A_630 : i32 to index
    %get3A_632 = arith.constant 0 : index
    %get3A_633 = tpu.vector_load %arg16[%get3A_631, %get3A_632] {strides = array<i32>} : memref<64x16xf32, #tpu.memory_space<vmem>>, vector<1x16xf32>,
    %get3A_634 = vector.shape_cast %get3A_633 : vector<1x16xf32> to vector<16xf32>
    %get3A_635 = arith.constant 57 : i32
    %get3A_636 = arith.index_cast %get3A_635 : i32 to index
    %get3A_637 = arith.constant 0 : index
    %get3A_638 = tpu.vector_load %arg16[%get3A_636, %get3A_637] {strides = array<i32>} : memref<64x16xf32, #tpu.memory_space<vmem>>, vector<1x16xf32>,
    %get3A_639 = vector.shape_cast %get3A_638 : vector<1x16xf32> to vector<16xf32>
    %get3A_640 = arith.constant 58 : i32
    %get3A_641 = arith.index_cast %get3A_640 : i32 to index
    %get3A_642 = arith.constant 0 : index
    %get3A_643 = tpu.vector_load %arg16[%get3A_641, %get3A_642] {strides = array<i32>} : memref<64x16xf32, #tpu.memory_space<vmem>>, vector<1x16xf32>,
    %get3A_644 = vector.shape_cast %get3A_643 : vector<1x16xf32> to vector<16xf32>
    %get3A_645 = arith.constant 59 : i32
    %get3A_646 = arith.index_cast %get3A_645 : i32 to index
    %get3A_647 = arith.constant 0 : index
    %get3A_648 = tpu.vector_load %arg16[%get3A_646, %get3A_647] {strides = array<i32>} : memref<64x16xf32, #tpu.memory_space<vmem>>, vector<1x16xf32>,
    %get3A_649 = vector.shape_cast %get3A_648 : vector<1x16xf32> to vector<16xf32>
    %get3A_650 = arith.constant 60 : i32
    %get3A_651 = arith.index_cast %get3A_650 : i32 to index
    %get3A_652 = arith.constant 0 : index
    %get3A_653 = tpu.vector_load %arg16[%get3A_651, %get3A_652] {strides = array<i32>} : memref<64x16xf32, #tpu.memory_space<vmem>>, vector<1x16xf32>,
    %get3A_654 = vector.shape_cast %get3A_653 : vector<1x16xf32> to vector<16xf32>
    %get3A_655 = arith.constant 61 : i32
    %get3A_656 = arith.index_cast %get3A_655 : i32 to index
    %get3A_657 = arith.constant 0 : index
    %get3A_658 = tpu.vector_load %arg16[%get3A_656, %get3A_657] {strides = array<i32>} : memref<64x16xf32, #tpu.memory_space<vmem>>, vector<1x16xf32>,
    %get3A_659 = vector.shape_cast %get3A_658 : vector<1x16xf32> to vector<16xf32>
    %get3A_660 = arith.constant 62 : i32
    %get3A_661 = arith.index_cast %get3A_660 : i32 to index
    %get3A_662 = arith.constant 0 : index
    %get3A_663 = tpu.vector_load %arg16[%get3A_661, %get3A_662] {strides = array<i32>} : memref<64x16xf32, #tpu.memory_space<vmem>>, vector<1x16xf32>,
    %get3A_664 = vector.shape_cast %get3A_663 : vector<1x16xf32> to vector<16xf32>
    %get3A_665 = arith.constant 63 : i32
    %get3A_666 = arith.index_cast %get3A_665 : i32 to index
    %get3A_667 = arith.constant 0 : index
    %get3A_668 = tpu.vector_load %arg16[%get3A_666, %get3A_667] {strides = array<i32>} : memref<64x16xf32, #tpu.memory_space<vmem>>, vector<1x16xf32>,
    %get3A_669 = vector.shape_cast %get3A_668 : vector<1x16xf32> to vector<16xf32>
    %get3A_670 = arith.constant 48 : i32
    %get3A_671 = arith.index_cast %get3A_670 : i32 to index
    %get3A_672 = arith.constant 0 : index
    %get3A_673 = tpu.vector_load %arg17[%get3A_671, %get3A_672] {strides = array<i32>} : memref<64x16xf32, #tpu.memory_space<vmem>>, vector<1x16xf32>,
    %get3A_674 = vector.shape_cast %get3A_673 : vector<1x16xf32> to vector<16xf32>
    %get3A_675 = arith.constant 49 : i32
    %get3A_676 = arith.index_cast %get3A_675 : i32 to index
    %get3A_677 = arith.constant 0 : index
    %get3A_678 = tpu.vector_load %arg17[%get3A_676, %get3A_677] {strides = array<i32>} : memref<64x16xf32, #tpu.memory_space<vmem>>, vector<1x16xf32>,
    %get3A_679 = vector.shape_cast %get3A_678 : vector<1x16xf32> to vector<16xf32>
    %get3A_680 = arith.constant 50 : i32
    %get3A_681 = arith.index_cast %get3A_680 : i32 to index
    %get3A_682 = arith.constant 0 : index
    %get3A_683 = tpu.vector_load %arg17[%get3A_681, %get3A_682] {strides = array<i32>} : memref<64x16xf32, #tpu.memory_space<vmem>>, vector<1x16xf32>,
    %get3A_684 = vector.shape_cast %get3A_683 : vector<1x16xf32> to vector<16xf32>
    %get3A_685 = arith.constant 51 : i32
    %get3A_686 = arith.index_cast %get3A_685 : i32 to index
    %get3A_687 = arith.constant 0 : index
    %get3A_688 = tpu.vector_load %arg17[%get3A_686, %get3A_687] {strides = array<i32>} : memref<64x16xf32, #tpu.memory_space<vmem>>, vector<1x16xf32>,
    %get3A_689 = vector.shape_cast %get3A_688 : vector<1x16xf32> to vector<16xf32>
    %get3A_690 = arith.constant 52 : i32
    %get3A_691 = arith.index_cast %get3A_690 : i32 to index
    %get3A_692 = arith.constant 0 : index
    %get3A_693 = tpu.vector_load %arg17[%get3A_691, %get3A_692] {strides = array<i32>} : memref<64x16xf32, #tpu.memory_space<vmem>>, vector<1x16xf32>,
    %get3A_694 = vector.shape_cast %get3A_693 : vector<1x16xf32> to vector<16xf32>
    %get3A_695 = arith.constant 53 : i32
    %get3A_696 = arith.index_cast %get3A_695 : i32 to index
    %get3A_697 = arith.constant 0 : index
    %get3A_698 = tpu.vector_load %arg17[%get3A_696, %get3A_697] {strides = array<i32>} : memref<64x16xf32, #tpu.memory_space<vmem>>, vector<1x16xf32>,
    %get3A_699 = vector.shape_cast %get3A_698 : vector<1x16xf32> to vector<16xf32>
    %get3A_700 = arith.constant 54 : i32
    %get3A_701 = arith.index_cast %get3A_700 : i32 to index
    %get3A_702 = arith.constant 0 : index
    %get3A_703 = tpu.vector_load %arg17[%get3A_701, %get3A_702] {strides = array<i32>} : memref<64x16xf32, #tpu.memory_space<vmem>>, vector<1x16xf32>,
    %get3A_704 = vector.shape_cast %get3A_703 : vector<1x16xf32> to vector<16xf32>
    %get3A_705 = arith.constant 55 : i32
    %get3A_706 = arith.index_cast %get3A_705 : i32 to index
    %get3A_707 = arith.constant 0 : index
    %get3A_708 = tpu.vector_load %arg17[%get3A_706, %get3A_707] {strides = array<i32>} : memref<64x16xf32, #tpu.memory_space<vmem>>, vector<1x16xf32>,
    %get3A_709 = vector.shape_cast %get3A_708 : vector<1x16xf32> to vector<16xf32>
    %get3A_710 = arith.constant 56 : i32
    %get3A_711 = arith.index_cast %get3A_710 : i32 to index
    %get3A_712 = arith.constant 0 : index
    %get3A_713 = tpu.vector_load %arg17[%get3A_711, %get3A_712] {strides = array<i32>} : memref<64x16xf32, #tpu.memory_space<vmem>>, vector<1x16xf32>,
    %get3A_714 = vector.shape_cast %get3A_713 : vector<1x16xf32> to vector<16xf32>
    %get3A_715 = arith.constant 57 : i32
    %get3A_716 = arith.index_cast %get3A_715 : i32 to index
    %get3A_717 = arith.constant 0 : index
    %get3A_718 = tpu.vector_load %arg17[%get3A_716, %get3A_717] {strides = array<i32>} : memref<64x16xf32, #tpu.memory_space<vmem>>, vector<1x16xf32>,
    %get3A_719 = vector.shape_cast %get3A_718 : vector<1x16xf32> to vector<16xf32>
    %get3A_720 = arith.constant 58 : i32
    %get3A_721 = arith.index_cast %get3A_720 : i32 to index
    %get3A_722 = arith.constant 0 : index
    %get3A_723 = tpu.vector_load %arg17[%get3A_721, %get3A_722] {strides = array<i32>} : memref<64x16xf32, #tpu.memory_space<vmem>>, vector<1x16xf32>,
    %get3A_724 = vector.shape_cast %get3A_723 : vector<1x16xf32> to vector<16xf32>
    %get3A_725 = arith.constant 59 : i32
    %get3A_726 = arith.index_cast %get3A_725 : i32 to index
    %get3A_727 = arith.constant 0 : index
    %get3A_728 = tpu.vector_load %arg17[%get3A_726, %get3A_727] {strides = array<i32>} : memref<64x16xf32, #tpu.memory_space<vmem>>, vector<1x16xf32>,
    %get3A_729 = vector.shape_cast %get3A_728 : vector<1x16xf32> to vector<16xf32>
    %get3A_730 = arith.constant 60 : i32
    %get3A_731 = arith.index_cast %get3A_730 : i32 to index
    %get3A_732 = arith.constant 0 : index
    %get3A_733 = tpu.vector_load %arg17[%get3A_731, %get3A_732] {strides = array<i32>} : memref<64x16xf32, #tpu.memory_space<vmem>>, vector<1x16xf32>,
    %get3A_734 = vector.shape_cast %get3A_733 : vector<1x16xf32> to vector<16xf32>
    %get3A_735 = arith.constant 61 : i32
    %get3A_736 = arith.index_cast %get3A_735 : i32 to index
    %get3A_737 = arith.constant 0 : index
    %get3A_738 = tpu.vector_load %arg17[%get3A_736, %get3A_737] {strides = array<i32>} : memref<64x16xf32, #tpu.memory_space<vmem>>, vector<1x16xf32>,
    %get3A_739 = vector.shape_cast %get3A_738 : vector<1x16xf32> to vector<16xf32>
    %get3A_740 = arith.constant 62 : i32
    %get3A_741 = arith.index_cast %get3A_740 : i32 to index
    %get3A_742 = arith.constant 0 : index
    %get3A_743 = tpu.vector_load %arg17[%get3A_741, %get3A_742] {strides = array<i32>} : memref<64x16xf32, #tpu.memory_space<vmem>>, vector<1x16xf32>,
    %get3A_744 = vector.shape_cast %get3A_743 : vector<1x16xf32> to vector<16xf32>
    %get3A_745 = arith.constant 63 : i32
    %get3A_746 = arith.index_cast %get3A_745 : i32 to index
    %get3A_747 = arith.constant 0 : index
    %get3A_748 = tpu.vector_load %arg17[%get3A_746, %get3A_747] {strides = array<i32>} : memref<64x16xf32, #tpu.memory_space<vmem>>, vector<1x16xf32>,
    %get3A_749 = vector.shape_cast %get3A_748 : vector<1x16xf32> to vector<16xf32>
    %scan3A_750 = arith.constant 0 : i32
    %scan3A_751 = arith.constant 0 : i32
    %scan3A_752 = arith.constant 64 : i32
    %scan3A_753 = arith.addi %scan3A_751, %scan3A_752 : i32
    %scan3A_754 = arith.constant 1 : i32
    %scan3A_755 = scf.for %scan3A_771 = %scan3A_751 to %scan3A_753 step %scan3A_754 iter_args(%scan3A_772 = %scan3A_750) -> (i32)  : i32 {
      %mul3A_773 = arith.constant 16 : i32
      %mul3A_774 = arith.muli %scan3A_771, %mul3A_773 : i32
      %get3A_775 = arith.constant 0 : i32
      %get3A_776 = arith.index_cast %get3A_775 : i32 to index
      %get3A_777 = arith.index_cast %mul3A_774 : i32 to index
      %get3A_778 = tpu.vector_load %arg19[%get3A_776, %get3A_777] {strides = array<i32>} : memref<16x1024xf32, #tpu.memory_space<vmem>>, vector<1x16xf32>,
      %get3A_779 = vector.shape_cast %get3A_778 : vector<1x16xf32> to vector<16xf32>
      %mul3A_780 = arith.mulf %get3A_594, %get3A_779 : vector<16xf32>
      %get3A_781 = arith.constant 0 : i32
      %get3A_782 = arith.index_cast %get3A_781 : i32 to index
      %get3A_783 = arith.index_cast %mul3A_774 : i32 to index
      %get3A_784 = tpu.vector_load %arg21[%get3A_782, %get3A_783] {strides = array<i32>} : memref<16x1024xf32, #tpu.memory_space<vmem>>, vector<1x16xf32>,
      %get3A_785 = vector.shape_cast %get3A_784 : vector<1x16xf32> to vector<16xf32>
      %mul3A_786 = arith.mulf %get3A_674, %get3A_785 : vector<16xf32>
      %add3A_787 = arith.addf %mul3A_780, %mul3A_786 : vector<16xf32>
      %swap3A = arith.constant 0 : i32
      %swap3A_788 = arith.index_cast %swap3A : i32 to index
      %swap3A_789 = arith.index_cast %mul3A_774 : i32 to index
      %swap3A_790 = tpu.vector_load %arg23[%swap3A_788, %swap3A_789] {strides = array<i32>} : memref<16x1024xf32, #tpu.memory_space<vmem>>, vector<1x16xf32>,
      %swap3A_791 = vector.shape_cast %swap3A_790 : vector<1x16xf32> to vector<16xf32>
      %swap3A_792 = vector.shape_cast %add3A_787 : vector<16xf32> to vector<1x16xf32>
      tpu.vector_store %arg23[%swap3A_788, %swap3A_789], %swap3A_792 {strides = array<i32>} : memref<16x1024xf32, #tpu.memory_space<vmem>>, vector<1x16xf32>,
      %get3A_793 = arith.constant 1 : i32
      %get3A_794 = arith.index_cast %get3A_793 : i32 to index
      %get3A_795 = arith.index_cast %mul3A_774 : i32 to index
      %get3A_796 = tpu.vector_load %arg19[%get3A_794, %get3A_795] {strides = array<i32>} : memref<16x1024xf32, #tpu.memory_space<vmem>>, vector<1x16xf32>,
      %get3A_797 = vector.shape_cast %get3A_796 : vector<1x16xf32> to vector<16xf32>
      %mul3A_798 = arith.mulf %get3A_599, %get3A_797 : vector<16xf32>
      %get3A_799 = arith.constant 1 : i32
      %get3A_800 = arith.index_cast %get3A_799 : i32 to index
      %get3A_801 = arith.index_cast %mul3A_774 : i32 to index
      %get3A_802 = tpu.vector_load %arg21[%get3A_800, %get3A_801] {strides = array<i32>} : memref<16x1024xf32, #tpu.memory_space<vmem>>, vector<1x16xf32>,
      %get3A_803 = vector.shape_cast %get3A_802 : vector<1x16xf32> to vector<16xf32>
      %mul3A_804 = arith.mulf %get3A_679, %get3A_803 : vector<16xf32>
      %add3A_805 = arith.addf %mul3A_798, %mul3A_804 : vector<16xf32>
      %swap3A_806 = arith.constant 1 : i32
      %swap3A_807 = arith.index_cast %swap3A_806 : i32 to index
      %swap3A_808 = arith.index_cast %mul3A_774 : i32 to index
      %swap3A_809 = tpu.vector_load %arg23[%swap3A_807, %swap3A_808] {strides = array<i32>} : memref<16x1024xf32, #tpu.memory_space<vmem>>, vector<1x16xf32>,
      %swap3A_810 = vector.shape_cast %swap3A_809 : vector<1x16xf32> to vector<16xf32>
      %swap3A_811 = vector.shape_cast %add3A_805 : vector<16xf32> to vector<1x16xf32>
      tpu.vector_store %arg23[%swap3A_807, %swap3A_808], %swap3A_811 {strides = array<i32>} : memref<16x1024xf32, #tpu.memory_space<vmem>>, vector<1x16xf32>,
      %get3A_812 = arith.constant 2 : i32
      %get3A_813 = arith.index_cast %get3A_812 : i32 to index
      %get3A_814 = arith.index_cast %mul3A_774 : i32 to index
      %get3A_815 = tpu.vector_load %arg19[%get3A_813, %get3A_814] {strides = array<i32>} : memref<16x1024xf32, #tpu.memory_space<vmem>>, vector<1x16xf32>,
      %get3A_816 = vector.shape_cast %get3A_815 : vector<1x16xf32> to vector<16xf32>
      %mul3A_817 = arith.mulf %get3A_604, %get3A_816 : vector<16xf32>
      %get3A_818 = arith.constant 2 : i32
      %get3A_819 = arith.index_cast %get3A_818 : i32 to index
      %get3A_820 = arith.index_cast %mul3A_774 : i32 to index
      %get3A_821 = tpu.vector_load %arg21[%get3A_819, %get3A_820] {strides = array<i32>} : memref<16x1024xf32, #tpu.memory_space<vmem>>, vector<1x16xf32>,
      %get3A_822 = vector.shape_cast %get3A_821 : vector<1x16xf32> to vector<16xf32>
      %mul3A_823 = arith.mulf %get3A_684, %get3A_822 : vector<16xf32>
      %add3A_824 = arith.addf %mul3A_817, %mul3A_823 : vector<16xf32>
      %swap3A_825 = arith.constant 2 : i32
      %swap3A_826 = arith.index_cast %swap3A_825 : i32 to index
      %swap3A_827 = arith.index_cast %mul3A_774 : i32 to index
      %swap3A_828 = tpu.vector_load %arg23[%swap3A_826, %swap3A_827] {strides = array<i32>} : memref<16x1024xf32, #tpu.memory_space<vmem>>, vector<1x16xf32>,
      %swap3A_829 = vector.shape_cast %swap3A_828 : vector<1x16xf32> to vector<16xf32>
      %swap3A_830 = vector.shape_cast %add3A_824 : vector<16xf32> to vector<1x16xf32>
      tpu.vector_store %arg23[%swap3A_826, %swap3A_827], %swap3A_830 {strides = array<i32>} : memref<16x1024xf32, #tpu.memory_space<vmem>>, vector<1x16xf32>,
      %get3A_831 = arith.constant 3 : i32
      %get3A_832 = arith.index_cast %get3A_831 : i32 to index
      %get3A_833 = arith.index_cast %mul3A_774 : i32 to index
      %get3A_834 = tpu.vector_load %arg19[%get3A_832, %get3A_833] {strides = array<i32>} : memref<16x1024xf32, #tpu.memory_space<vmem>>, vector<1x16xf32>,
      %get3A_835 = vector.shape_cast %get3A_834 : vector<1x16xf32> to vector<16xf32>
      %mul3A_836 = arith.mulf %get3A_609, %get3A_835 : vector<16xf32>
      %get3A_837 = arith.constant 3 : i32
      %get3A_838 = arith.index_cast %get3A_837 : i32 to index
      %get3A_839 = arith.index_cast %mul3A_774 : i32 to index
      %get3A_840 = tpu.vector_load %arg21[%get3A_838, %get3A_839] {strides = array<i32>} : memref<16x1024xf32, #tpu.memory_space<vmem>>, vector<1x16xf32>,
      %get3A_841 = vector.shape_cast %get3A_840 : vector<1x16xf32> to vector<16xf32>
      %mul3A_842 = arith.mulf %get3A_689, %get3A_841 : vector<16xf32>
      %add3A_843 = arith.addf %mul3A_836, %mul3A_842 : vector<16xf32>
      %swap3A_844 = arith.constant 3 : i32
      %swap3A_845 = arith.index_cast %swap3A_844 : i32 to index
      %swap3A_846 = arith.index_cast %mul3A_774 : i32 to index
      %swap3A_847 = tpu.vector_load %arg23[%swap3A_845, %swap3A_846] {strides = array<i32>} : memref<16x1024xf32, #tpu.memory_space<vmem>>, vector<1x16xf32>,
      %swap3A_848 = vector.shape_cast %swap3A_847 : vector<1x16xf32> to vector<16xf32>
      %swap3A_849 = vector.shape_cast %add3A_843 : vector<16xf32> to vector<1x16xf32>
      tpu.vector_store %arg23[%swap3A_845, %swap3A_846], %swap3A_849 {strides = array<i32>} : memref<16x1024xf32, #tpu.memory_space<vmem>>, vector<1x16xf32>,
      %get3A_850 = arith.constant 4 : i32
      %get3A_851 = arith.index_cast %get3A_850 : i32 to index
      %get3A_852 = arith.index_cast %mul3A_774 : i32 to index
      %get3A_853 = tpu.vector_load %arg19[%get3A_851, %get3A_852] {strides = array<i32>} : memref<16x1024xf32, #tpu.memory_space<vmem>>, vector<1x16xf32>,
      %get3A_854 = vector.shape_cast %get3A_853 : vector<1x16xf32> to vector<16xf32>
      %mul3A_855 = arith.mulf %get3A_614, %get3A_854 : vector<16xf32>
      %get3A_856 = arith.constant 4 : i32
      %get3A_857 = arith.index_cast %get3A_856 : i32 to index
      %get3A_858 = arith.index_cast %mul3A_774 : i32 to index
      %get3A_859 = tpu.vector_load %arg21[%get3A_857, %get3A_858] {strides = array<i32>} : memref<16x1024xf32, #tpu.memory_space<vmem>>, vector<1x16xf32>,
      %get3A_860 = vector.shape_cast %get3A_859 : vector<1x16xf32> to vector<16xf32>
      %mul3A_861 = arith.mulf %get3A_694, %get3A_860 : vector<16xf32>
      %add3A_862 = arith.addf %mul3A_855, %mul3A_861 : vector<16xf32>
      %swap3A_863 = arith.constant 4 : i32
      %swap3A_864 = arith.index_cast %swap3A_863 : i32 to index
      %swap3A_865 = arith.index_cast %mul3A_774 : i32 to index
      %swap3A_866 = tpu.vector_load %arg23[%swap3A_864, %swap3A_865] {strides = array<i32>} : memref<16x1024xf32, #tpu.memory_space<vmem>>, vector<1x16xf32>,
      %swap3A_867 = vector.shape_cast %swap3A_866 : vector<1x16xf32> to vector<16xf32>
      %swap3A_868 = vector.shape_cast %add3A_862 : vector<16xf32> to vector<1x16xf32>
      tpu.vector_store %arg23[%swap3A_864, %swap3A_865], %swap3A_868 {strides = array<i32>} : memref<16x1024xf32, #tpu.memory_space<vmem>>, vector<1x16xf32>,
      %get3A_869 = arith.constant 5 : i32
      %get3A_870 = arith.index_cast %get3A_869 : i32 to index
      %get3A_871 = arith.index_cast %mul3A_774 : i32 to index
      %get3A_872 = tpu.vector_load %arg19[%get3A_870, %get3A_871] {strides = array<i32>} : memref<16x1024xf32, #tpu.memory_space<vmem>>, vector<1x16xf32>,
      %get3A_873 = vector.shape_cast %get3A_872 : vector<1x16xf32> to vector<16xf32>
      %mul3A_874 = arith.mulf %get3A_619, %get3A_873 : vector<16xf32>
      %get3A_875 = arith.constant 5 : i32
      %get3A_876 = arith.index_cast %get3A_875 : i32 to index
      %get3A_877 = arith.index_cast %mul3A_774 : i32 to index
      %get3A_878 = tpu.vector_load %arg21[%get3A_876, %get3A_877] {strides = array<i32>} : memref<16x1024xf32, #tpu.memory_space<vmem>>, vector<1x16xf32>,
      %get3A_879 = vector.shape_cast %get3A_878 : vector<1x16xf32> to vector<16xf32>
      %mul3A_880 = arith.mulf %get3A_699, %get3A_879 : vector<16xf32>
      %add3A_881 = arith.addf %mul3A_874, %mul3A_880 : vector<16xf32>
      %swap3A_882 = arith.constant 5 : i32
      %swap3A_883 = arith.index_cast %swap3A_882 : i32 to index
      %swap3A_884 = arith.index_cast %mul3A_774 : i32 to index
      %swap3A_885 = tpu.vector_load %arg23[%swap3A_883, %swap3A_884] {strides = array<i32>} : memref<16x1024xf32, #tpu.memory_space<vmem>>, vector<1x16xf32>,
      %swap3A_886 = vector.shape_cast %swap3A_885 : vector<1x16xf32> to vector<16xf32>
      %swap3A_887 = vector.shape_cast %add3A_881 : vector<16xf32> to vector<1x16xf32>
      tpu.vector_store %arg23[%swap3A_883, %swap3A_884], %swap3A_887 {strides = array<i32>} : memref<16x1024xf32, #tpu.memory_space<vmem>>, vector<1x16xf32>,
      %get3A_888 = arith.constant 6 : i32
      %get3A_889 = arith.index_cast %get3A_888 : i32 to index
      %get3A_890 = arith.index_cast %mul3A_774 : i32 to index
      %get3A_891 = tpu.vector_load %arg19[%get3A_889, %get3A_890] {strides = array<i32>} : memref<16x1024xf32, #tpu.memory_space<vmem>>, vector<1x16xf32>,
      %get3A_892 = vector.shape_cast %get3A_891 : vector<1x16xf32> to vector<16xf32>
      %mul3A_893 = arith.mulf %get3A_624, %get3A_892 : vector<16xf32>
      %get3A_894 = arith.constant 6 : i32
      %get3A_895 = arith.index_cast %get3A_894 : i32 to index
      %get3A_896 = arith.index_cast %mul3A_774 : i32 to index
      %get3A_897 = tpu.vector_load %arg21[%get3A_895, %get3A_896] {strides = array<i32>} : memref<16x1024xf32, #tpu.memory_space<vmem>>, vector<1x16xf32>,
      %get3A_898 = vector.shape_cast %get3A_897 : vector<1x16xf32> to vector<16xf32>
      %mul3A_899 = arith.mulf %get3A_704, %get3A_898 : vector<16xf32>
      %add3A_900 = arith.addf %mul3A_893, %mul3A_899 : vector<16xf32>
      %swap3A_901 = arith.constant 6 : i32
      %swap3A_902 = arith.index_cast %swap3A_901 : i32 to index
      %swap3A_903 = arith.index_cast %mul3A_774 : i32 to index
      %swap3A_904 = tpu.vector_load %arg23[%swap3A_902, %swap3A_903] {strides = array<i32>} : memref<16x1024xf32, #tpu.memory_space<vmem>>, vector<1x16xf32>,
      %swap3A_905 = vector.shape_cast %swap3A_904 : vector<1x16xf32> to vector<16xf32>
      %swap3A_906 = vector.shape_cast %add3A_900 : vector<16xf32> to vector<1x16xf32>
      tpu.vector_store %arg23[%swap3A_902, %swap3A_903], %swap3A_906 {strides = array<i32>} : memref<16x1024xf32, #tpu.memory_space<vmem>>, vector<1x16xf32>,
      %get3A_907 = arith.constant 7 : i32
      %get3A_908 = arith.index_cast %get3A_907 : i32 to index
      %get3A_909 = arith.index_cast %mul3A_774 : i32 to index
      %get3A_910 = tpu.vector_load %arg19[%get3A_908, %get3A_909] {strides = array<i32>} : memref<16x1024xf32, #tpu.memory_space<vmem>>, vector<1x16xf32>,
      %get3A_911 = vector.shape_cast %get3A_910 : vector<1x16xf32> to vector<16xf32>
      %mul3A_912 = arith.mulf %get3A_629, %get3A_911 : vector<16xf32>
      %get3A_913 = arith.constant 7 : i32
      %get3A_914 = arith.index_cast %get3A_913 : i32 to index
      %get3A_915 = arith.index_cast %mul3A_774 : i32 to index
      %get3A_916 = tpu.vector_load %arg21[%get3A_914, %get3A_915] {strides = array<i32>} : memref<16x1024xf32, #tpu.memory_space<vmem>>, vector<1x16xf32>,
      %get3A_917 = vector.shape_cast %get3A_916 : vector<1x16xf32> to vector<16xf32>
      %mul3A_918 = arith.mulf %get3A_709, %get3A_917 : vector<16xf32>
      %add3A_919 = arith.addf %mul3A_912, %mul3A_918 : vector<16xf32>
      %swap3A_920 = arith.constant 7 : i32
      %swap3A_921 = arith.index_cast %swap3A_920 : i32 to index
      %swap3A_922 = arith.index_cast %mul3A_774 : i32 to index
      %swap3A_923 = tpu.vector_load %arg23[%swap3A_921, %swap3A_922] {strides = array<i32>} : memref<16x1024xf32, #tpu.memory_space<vmem>>, vector<1x16xf32>,
      %swap3A_924 = vector.shape_cast %swap3A_923 : vector<1x16xf32> to vector<16xf32>
      %swap3A_925 = vector.shape_cast %add3A_919 : vector<16xf32> to vector<1x16xf32>
      tpu.vector_store %arg23[%swap3A_921, %swap3A_922], %swap3A_925 {strides = array<i32>} : memref<16x1024xf32, #tpu.memory_space<vmem>>, vector<1x16xf32>,
      %get3A_926 = arith.constant 8 : i32
      %get3A_927 = arith.index_cast %get3A_926 : i32 to index
      %get3A_928 = arith.index_cast %mul3A_774 : i32 to index
      %get3A_929 = tpu.vector_load %arg19[%get3A_927, %get3A_928] {strides = array<i32>} : memref<16x1024xf32, #tpu.memory_space<vmem>>, vector<1x16xf32>,
      %get3A_930 = vector.shape_cast %get3A_929 : vector<1x16xf32> to vector<16xf32>
      %mul3A_931 = arith.mulf %get3A_634, %get3A_930 : vector<16xf32>
      %get3A_932 = arith.constant 8 : i32
      %get3A_933 = arith.index_cast %get3A_932 : i32 to index
      %get3A_934 = arith.index_cast %mul3A_774 : i32 to index
      %get3A_935 = tpu.vector_load %arg21[%get3A_933, %get3A_934] {strides = array<i32>} : memref<16x1024xf32, #tpu.memory_space<vmem>>, vector<1x16xf32>,
      %get3A_936 = vector.shape_cast %get3A_935 : vector<1x16xf32> to vector<16xf32>
      %mul3A_937 = arith.mulf %get3A_714, %get3A_936 : vector<16xf32>
      %add3A_938 = arith.addf %mul3A_931, %mul3A_937 : vector<16xf32>
      %swap3A_939 = arith.constant 8 : i32
      %swap3A_940 = arith.index_cast %swap3A_939 : i32 to index
      %swap3A_941 = arith.index_cast %mul3A_774 : i32 to index
      %swap3A_942 = tpu.vector_load %arg23[%swap3A_940, %swap3A_941] {strides = array<i32>} : memref<16x1024xf32, #tpu.memory_space<vmem>>, vector<1x16xf32>,
      %swap3A_943 = vector.shape_cast %swap3A_942 : vector<1x16xf32> to vector<16xf32>
      %swap3A_944 = vector.shape_cast %add3A_938 : vector<16xf32> to vector<1x16xf32>
      tpu.vector_store %arg23[%swap3A_940, %swap3A_941], %swap3A_944 {strides = array<i32>} : memref<16x1024xf32, #tpu.memory_space<vmem>>, vector<1x16xf32>,
      %get3A_945 = arith.constant 9 : i32
      %get3A_946 = arith.index_cast %get3A_945 : i32 to index
      %get3A_947 = arith.index_cast %mul3A_774 : i32 to index
      %get3A_948 = tpu.vector_load %arg19[%get3A_946, %get3A_947] {strides = array<i32>} : memref<16x1024xf32, #tpu.memory_space<vmem>>, vector<1x16xf32>,
      %get3A_949 = vector.shape_cast %get3A_948 : vector<1x16xf32> to vector<16xf32>
      %mul3A_950 = arith.mulf %get3A_639, %get3A_949 : vector<16xf32>
      %get3A_951 = arith.constant 9 : i32
      %get3A_952 = arith.index_cast %get3A_951 : i32 to index
      %get3A_953 = arith.index_cast %mul3A_774 : i32 to index
      %get3A_954 = tpu.vector_load %arg21[%get3A_952, %get3A_953] {strides = array<i32>} : memref<16x1024xf32, #tpu.memory_space<vmem>>, vector<1x16xf32>,
      %get3A_955 = vector.shape_cast %get3A_954 : vector<1x16xf32> to vector<16xf32>
      %mul3A_956 = arith.mulf %get3A_719, %get3A_955 : vector<16xf32>
      %add3A_957 = arith.addf %mul3A_950, %mul3A_956 : vector<16xf32>
      %swap3A_958 = arith.constant 9 : i32
      %swap3A_959 = arith.index_cast %swap3A_958 : i32 to index
      %swap3A_960 = arith.index_cast %mul3A_774 : i32 to index
      %swap3A_961 = tpu.vector_load %arg23[%swap3A_959, %swap3A_960] {strides = array<i32>} : memref<16x1024xf32, #tpu.memory_space<vmem>>, vector<1x16xf32>,
      %swap3A_962 = vector.shape_cast %swap3A_961 : vector<1x16xf32> to vector<16xf32>
      %swap3A_963 = vector.shape_cast %add3A_957 : vector<16xf32> to vector<1x16xf32>
      tpu.vector_store %arg23[%swap3A_959, %swap3A_960], %swap3A_963 {strides = array<i32>} : memref<16x1024xf32, #tpu.memory_space<vmem>>, vector<1x16xf32>,
      %get3A_964 = arith.constant 10 : i32
      %get3A_965 = arith.index_cast %get3A_964 : i32 to index
      %get3A_966 = arith.index_cast %mul3A_774 : i32 to index
      %get3A_967 = tpu.vector_load %arg19[%get3A_965, %get3A_966] {strides = array<i32>} : memref<16x1024xf32, #tpu.memory_space<vmem>>, vector<1x16xf32>,
      %get3A_968 = vector.shape_cast %get3A_967 : vector<1x16xf32> to vector<16xf32>
      %mul3A_969 = arith.mulf %get3A_644, %get3A_968 : vector<16xf32>
      %get3A_970 = arith.constant 10 : i32
      %get3A_971 = arith.index_cast %get3A_970 : i32 to index
      %get3A_972 = arith.index_cast %mul3A_774 : i32 to index
      %get3A_973 = tpu.vector_load %arg21[%get3A_971, %get3A_972] {strides = array<i32>} : memref<16x1024xf32, #tpu.memory_space<vmem>>, vector<1x16xf32>,
      %get3A_974 = vector.shape_cast %get3A_973 : vector<1x16xf32> to vector<16xf32>
      %mul3A_975 = arith.mulf %get3A_724, %get3A_974 : vector<16xf32>
      %add3A_976 = arith.addf %mul3A_969, %mul3A_975 : vector<16xf32>
      %swap3A_977 = arith.constant 10 : i32
      %swap3A_978 = arith.index_cast %swap3A_977 : i32 to index
      %swap3A_979 = arith.index_cast %mul3A_774 : i32 to index
      %swap3A_980 = tpu.vector_load %arg23[%swap3A_978, %swap3A_979] {strides = array<i32>} : memref<16x1024xf32, #tpu.memory_space<vmem>>, vector<1x16xf32>,
      %swap3A_981 = vector.shape_cast %swap3A_980 : vector<1x16xf32> to vector<16xf32>
      %swap3A_982 = vector.shape_cast %add3A_976 : vector<16xf32> to vector<1x16xf32>
      tpu.vector_store %arg23[%swap3A_978, %swap3A_979], %swap3A_982 {strides = array<i32>} : memref<16x1024xf32, #tpu.memory_space<vmem>>, vector<1x16xf32>,
      %get3A_983 = arith.constant 11 : i32
      %get3A_984 = arith.index_cast %get3A_983 : i32 to index
      %get3A_985 = arith.index_cast %mul3A_774 : i32 to index
      %get3A_986 = tpu.vector_load %arg19[%get3A_984, %get3A_985] {strides = array<i32>} : memref<16x1024xf32, #tpu.memory_space<vmem>>, vector<1x16xf32>,
      %get3A_987 = vector.shape_cast %get3A_986 : vector<1x16xf32> to vector<16xf32>
      %mul3A_988 = arith.mulf %get3A_649, %get3A_987 : vector<16xf32>
      %get3A_989 = arith.constant 11 : i32
      %get3A_990 = arith.index_cast %get3A_989 : i32 to index
      %get3A_991 = arith.index_cast %mul3A_774 : i32 to index
      %get3A_992 = tpu.vector_load %arg21[%get3A_990, %get3A_991] {strides = array<i32>} : memref<16x1024xf32, #tpu.memory_space<vmem>>, vector<1x16xf32>,
      %get3A_993 = vector.shape_cast %get3A_992 : vector<1x16xf32> to vector<16xf32>
      %mul3A_994 = arith.mulf %get3A_729, %get3A_993 : vector<16xf32>
      %add3A_995 = arith.addf %mul3A_988, %mul3A_994 : vector<16xf32>
      %swap3A_996 = arith.constant 11 : i32
      %swap3A_997 = arith.index_cast %swap3A_996 : i32 to index
      %swap3A_998 = arith.index_cast %mul3A_774 : i32 to index
      %swap3A_999 = tpu.vector_load %arg23[%swap3A_997, %swap3A_998] {strides = array<i32>} : memref<16x1024xf32, #tpu.memory_space<vmem>>, vector<1x16xf32>,
      %swap3A_1000 = vector.shape_cast %swap3A_999 : vector<1x16xf32> to vector<16xf32>
      %swap3A_1001 = vector.shape_cast %add3A_995 : vector<16xf32> to vector<1x16xf32>
      tpu.vector_store %arg23[%swap3A_997, %swap3A_998], %swap3A_1001 {strides = array<i32>} : memref<16x1024xf32, #tpu.memory_space<vmem>>, vector<1x16xf32>,
      %get3A_1002 = arith.constant 12 : i32
      %get3A_1003 = arith.index_cast %get3A_1002 : i32 to index
      %get3A_1004 = arith.index_cast %mul3A_774 : i32 to index
      %get3A_1005 = tpu.vector_load %arg19[%get3A_1003, %get3A_1004] {strides = array<i32>} : memref<16x1024xf32, #tpu.memory_space<vmem>>, vector<1x16xf32>,
      %get3A_1006 = vector.shape_cast %get3A_1005 : vector<1x16xf32> to vector<16xf32>
      %mul3A_1007 = arith.mulf %get3A_654, %get3A_1006 : vector<16xf32>
      %get3A_1008 = arith.constant 12 : i32
      %get3A_1009 = arith.index_cast %get3A_1008 : i32 to index
      %get3A_1010 = arith.index_cast %mul3A_774 : i32 to index
      %get3A_1011 = tpu.vector_load %arg21[%get3A_1009, %get3A_1010] {strides = array<i32>} : memref<16x1024xf32, #tpu.memory_space<vmem>>, vector<1x16xf32>,
      %get3A_1012 = vector.shape_cast %get3A_1011 : vector<1x16xf32> to vector<16xf32>
      %mul3A_1013 = arith.mulf %get3A_734, %get3A_1012 : vector<16xf32>
      %add3A_1014 = arith.addf %mul3A_1007, %mul3A_1013 : vector<16xf32>
      %swap3A_1015 = arith.constant 12 : i32
      %swap3A_1016 = arith.index_cast %swap3A_1015 : i32 to index
      %swap3A_1017 = arith.index_cast %mul3A_774 : i32 to index
      %swap3A_1018 = tpu.vector_load %arg23[%swap3A_1016, %swap3A_1017] {strides = array<i32>} : memref<16x1024xf32, #tpu.memory_space<vmem>>, vector<1x16xf32>,
      %swap3A_1019 = vector.shape_cast %swap3A_1018 : vector<1x16xf32> to vector<16xf32>
      %swap3A_1020 = vector.shape_cast %add3A_1014 : vector<16xf32> to vector<1x16xf32>
      tpu.vector_store %arg23[%swap3A_1016, %swap3A_1017], %swap3A_1020 {strides = array<i32>} : memref<16x1024xf32, #tpu.memory_space<vmem>>, vector<1x16xf32>,
      %get3A_1021 = arith.constant 13 : i32
      %get3A_1022 = arith.index_cast %get3A_1021 : i32 to index
      %get3A_1023 = arith.index_cast %mul3A_774 : i32 to index
      %get3A_1024 = tpu.vector_load %arg19[%get3A_1022, %get3A_1023] {strides = array<i32>} : memref<16x1024xf32, #tpu.memory_space<vmem>>, vector<1x16xf32>,
      %get3A_1025 = vector.shape_cast %get3A_1024 : vector<1x16xf32> to vector<16xf32>
      %mul3A_1026 = arith.mulf %get3A_659, %get3A_1025 : vector<16xf32>
      %get3A_1027 = arith.constant 13 : i32
      %get3A_1028 = arith.index_cast %get3A_1027 : i32 to index
      %get3A_1029 = arith.index_cast %mul3A_774 : i32 to index
      %get3A_1030 = tpu.vector_load %arg21[%get3A_1028, %get3A_1029] {strides = array<i32>} : memref<16x1024xf32, #tpu.memory_space<vmem>>, vector<1x16xf32>,
      %get3A_1031 = vector.shape_cast %get3A_1030 : vector<1x16xf32> to vector<16xf32>
      %mul3A_1032 = arith.mulf %get3A_739, %get3A_1031 : vector<16xf32>
      %add3A_1033 = arith.addf %mul3A_1026, %mul3A_1032 : vector<16xf32>
      %swap3A_1034 = arith.constant 13 : i32
      %swap3A_1035 = arith.index_cast %swap3A_1034 : i32 to index
      %swap3A_1036 = arith.index_cast %mul3A_774 : i32 to index
      %swap3A_1037 = tpu.vector_load %arg23[%swap3A_1035, %swap3A_1036] {strides = array<i32>} : memref<16x1024xf32, #tpu.memory_space<vmem>>, vector<1x16xf32>,
      %swap3A_1038 = vector.shape_cast %swap3A_1037 : vector<1x16xf32> to vector<16xf32>
      %swap3A_1039 = vector.shape_cast %add3A_1033 : vector<16xf32> to vector<1x16xf32>
      tpu.vector_store %arg23[%swap3A_1035, %swap3A_1036], %swap3A_1039 {strides = array<i32>} : memref<16x1024xf32, #tpu.memory_space<vmem>>, vector<1x16xf32>,
      %get3A_1040 = arith.constant 14 : i32
      %get3A_1041 = arith.index_cast %get3A_1040 : i32 to index
      %get3A_1042 = arith.index_cast %mul3A_774 : i32 to index
      %get3A_1043 = tpu.vector_load %arg19[%get3A_1041, %get3A_1042] {strides = array<i32>} : memref<16x1024xf32, #tpu.memory_space<vmem>>, vector<1x16xf32>,
      %get3A_1044 = vector.shape_cast %get3A_1043 : vector<1x16xf32> to vector<16xf32>
      %mul3A_1045 = arith.mulf %get3A_664, %get3A_1044 : vector<16xf32>
      %get3A_1046 = arith.constant 14 : i32
      %get3A_1047 = arith.index_cast %get3A_1046 : i32 to index
      %get3A_1048 = arith.index_cast %mul3A_774 : i32 to index
      %get3A_1049 = tpu.vector_load %arg21[%get3A_1047, %get3A_1048] {strides = array<i32>} : memref<16x1024xf32, #tpu.memory_space<vmem>>, vector<1x16xf32>,
      %get3A_1050 = vector.shape_cast %get3A_1049 : vector<1x16xf32> to vector<16xf32>
      %mul3A_1051 = arith.mulf %get3A_744, %get3A_1050 : vector<16xf32>
      %add3A_1052 = arith.addf %mul3A_1045, %mul3A_1051 : vector<16xf32>
      %swap3A_1053 = arith.constant 14 : i32
      %swap3A_1054 = arith.index_cast %swap3A_1053 : i32 to index
      %swap3A_1055 = arith.index_cast %mul3A_774 : i32 to index
      %swap3A_1056 = tpu.vector_load %arg23[%swap3A_1054, %swap3A_1055] {strides = array<i32>} : memref<16x1024xf32, #tpu.memory_space<vmem>>, vector<1x16xf32>,
      %swap3A_1057 = vector.shape_cast %swap3A_1056 : vector<1x16xf32> to vector<16xf32>
      %swap3A_1058 = vector.shape_cast %add3A_1052 : vector<16xf32> to vector<1x16xf32>
      tpu.vector_store %arg23[%swap3A_1054, %swap3A_1055], %swap3A_1058 {strides = array<i32>} : memref<16x1024xf32, #tpu.memory_space<vmem>>, vector<1x16xf32>,
      %get3A_1059 = arith.constant 15 : i32
      %get3A_1060 = arith.index_cast %get3A_1059 : i32 to index
      %get3A_1061 = arith.index_cast %mul3A_774 : i32 to index
      %get3A_1062 = tpu.vector_load %arg19[%get3A_1060, %get3A_1061] {strides = array<i32>} : memref<16x1024xf32, #tpu.memory_space<vmem>>, vector<1x16xf32>,
      %get3A_1063 = vector.shape_cast %get3A_1062 : vector<1x16xf32> to vector<16xf32>
      %mul3A_1064 = arith.mulf %get3A_669, %get3A_1063 : vector<16xf32>
      %get3A_1065 = arith.constant 15 : i32
      %get3A_1066 = arith.index_cast %get3A_1065 : i32 to index
      %get3A_1067 = arith.index_cast %mul3A_774 : i32 to index
      %get3A_1068 = tpu.vector_load %arg21[%get3A_1066, %get3A_1067] {strides = array<i32>} : memref<16x1024xf32, #tpu.memory_space<vmem>>, vector<1x16xf32>,
      %get3A_1069 = vector.shape_cast %get3A_1068 : vector<1x16xf32> to vector<16xf32>
      %mul3A_1070 = arith.mulf %get3A_749, %get3A_1069 : vector<16xf32>
      %add3A_1071 = arith.addf %mul3A_1064, %mul3A_1070 : vector<16xf32>
      %swap3A_1072 = arith.constant 15 : i32
      %swap3A_1073 = arith.index_cast %swap3A_1072 : i32 to index
      %swap3A_1074 = arith.index_cast %mul3A_774 : i32 to index
      %swap3A_1075 = tpu.vector_load %arg23[%swap3A_1073, %swap3A_1074] {strides = array<i32>} : memref<16x1024xf32, #tpu.memory_space<vmem>>, vector<1x16xf32>,
      %swap3A_1076 = vector.shape_cast %swap3A_1075 : vector<1x16xf32> to vector<16xf32>
      %swap3A_1077 = vector.shape_cast %add3A_1071 : vector<16xf32> to vector<1x16xf32>
      tpu.vector_store %arg23[%swap3A_1073, %swap3A_1074], %swap3A_1077 {strides = array<i32>} : memref<16x1024xf32, #tpu.memory_space<vmem>>, vector<1x16xf32>,
      %scan3A_1078 = arith.constant 0 : i32
      scf.yield %scan3A_1078 : i32
    }
    %scan3A_756 = arith.constant 64 : i32
    %add3A_757 = arith.constant 48 : i32
    %add3A_758 = arith.addi %mul3A_2, %add3A_757 : i32
    %dma_start3A_759 = arith.constant 0 : i32
    %dma_start3A_760 = tpu.memref_slice %arg7[%add3A_758, %dma_start3A_759] : memref<2048x1024xf32, #tpu.memory_space<hbm>> -> memref<16x1024xf32, #tpu.memory_space<hbm>>
    %dma_start3A_761 = arith.constant 0 : i32
    %dma_start3A_762 = tpu.memref_slice %arg7[%add3A_758, %dma_start3A_761] : memref<2048x1024xf32, #tpu.memory_space<hbm>> -> memref<16x1024xf32, #tpu.memory_space<hbm>>
    tpu.enqueue_dma source(%arg23 : memref<16x1024xf32, #tpu.memory_space<vmem>>) target(%dma_start3A_762 : memref<16x1024xf32, #tpu.memory_space<hbm>>) target_semaphore(%arg29 : memref<!tpu.dma_semaphore, #tpu.memory_space<semaphore_mem>>)
    %dma_wait3A_763 = arith.constant 0 : i32
    %dma_wait3A_764 = tpu.memref_slice %arg7[%add3A_575, %dma_wait3A_763] : memref<2048x1024xf32, #tpu.memory_space<hbm>> -> memref<16x1024xf32, #tpu.memory_space<hbm>>
    %dma_wait3A_765 = arith.constant 0 : i32
    %dma_wait3A_766 = tpu.memref_slice %arg7[%add3A_575, %dma_wait3A_765] : memref<2048x1024xf32, #tpu.memory_space<hbm>> -> memref<16x1024xf32, #tpu.memory_space<hbm>>
    tpu.wait_dma2 semaphore(%arg28 : memref<!tpu.dma_semaphore, #tpu.memory_space<semaphore_mem>>) src(%arg22 : memref<16x1024xf32, #tpu.memory_space<vmem>>) dst(%dma_wait3A_766 : memref<16x1024xf32, #tpu.memory_space<hbm>>)
    %dma_wait3A_767 = arith.constant 0 : i32
    %dma_wait3A_768 = tpu.memref_slice %arg7[%add3A_758, %dma_wait3A_767] : memref<2048x1024xf32, #tpu.memory_space<hbm>> -> memref<16x1024xf32, #tpu.memory_space<hbm>>
    %dma_wait3A_769 = arith.constant 0 : i32
    %dma_wait3A_770 = tpu.memref_slice %arg7[%add3A_758, %dma_wait3A_769] : memref<2048x1024xf32, #tpu.memory_space<hbm>> -> memref<16x1024xf32, #tpu.memory_space<hbm>>
    tpu.wait_dma2 semaphore(%arg29 : memref<!tpu.dma_semaphore, #tpu.memory_space<semaphore_mem>>) src(%arg23 : memref<16x1024xf32, #tpu.memory_space<vmem>>) dst(%dma_wait3A_770 : memref<16x1024xf32, #tpu.memory_space<hbm>>)
    return
  }
}

module attributes {stable_mosaic.version = 14 : i64} {
  func.func @_routing_body(%arg0: memref<2048x8xf32, #tpu.memory_space<vmem>>, %arg1: memref<2048xi32, #tpu.memory_space<vmem>>, %arg2: memref<2048xi32, #tpu.memory_space<vmem>>, %arg3: memref<2048x16xf32, #tpu.memory_space<vmem>>, %arg4: memref<2048x16xf32, #tpu.memory_space<vmem>>, %arg5: memref<128x1xi32, #tpu.memory_space<vmem>>) attributes {dimension_semantics = [], scalar_prefetch = 0 : i64, scratch_operands = 0 : i64, tpu.core_type = #tpu.core_type<tc>} {
    %get3A = arith.constant 0 : index
    %get3A_0 = arith.constant 0 : index
    %get3A_1 = vector.load %arg0[%get3A, %get3A_0] : memref<2048x8xf32, #tpu.memory_space<vmem>>, vector<2048x8xf32>
    %reduce_max3A = arith.constant dense<0xFF800000> : vector<2048xf32>
    %reduce_max3A_2 = vector.multi_reduction <maximumf>, %get3A_1, %reduce_max3A [1] : vector<2048x8xf32> to vector<2048xf32>
    %broadcast_in_dim3A = vector.shape_cast %reduce_max3A_2 : vector<2048xf32> to vector<2048x1xf32>
    %sub3A = vector.broadcast %broadcast_in_dim3A : vector<2048x1xf32> to vector<2048x8xf32>
    %sub3A_3 = arith.subf %get3A_1, %sub3A : vector<2048x8xf32>
    %exp3A = math.exp %sub3A_3 : vector<2048x8xf32>
    %reduce_sum3A = arith.constant dense<0.000000e+00> : vector<2048xf32>
    %reduce_sum3A_4 = vector.multi_reduction <add>, %exp3A, %reduce_sum3A [1] : vector<2048x8xf32> to vector<2048xf32>
    %broadcast_in_dim3A_5 = vector.shape_cast %reduce_sum3A_4 : vector<2048xf32> to vector<2048x1xf32>
    %div3A = vector.broadcast %broadcast_in_dim3A_5 : vector<2048x1xf32> to vector<2048x8xf32>
    %div3A_6 = arith.divf %exp3A, %div3A : vector<2048x8xf32>
    %iota3A = tpu.iota {dimensions = array<i32: 1>} : vector<2048x8xi32>
    %reduce_max3A_7 = arith.constant dense<0xFF800000> : vector<2048xf32>
    %reduce_max3A_8 = vector.multi_reduction <maximumf>, %div3A_6, %reduce_max3A_7 [1] : vector<2048x8xf32> to vector<2048xf32>
    %broadcast_in_dim3A_9 = vector.shape_cast %reduce_max3A_8 : vector<2048xf32> to vector<2048x1xf32>
    %ge3A = vector.broadcast %broadcast_in_dim3A_9 : vector<2048x1xf32> to vector<2048x8xf32>
    %ge3A_10 = arith.cmpf oge, %div3A_6, %ge3A : vector<2048x8xf32>
    %jit3A = arith.constant 8 : i32
    %broadcast_in_dim3A_11 = vector.broadcast %jit3A : i32 to vector<2048x8xi32>
    %select_n3A = arith.select %ge3A_10, %iota3A, %broadcast_in_dim3A_11 : vector<2048x8xi1>, vector<2048x8xi32>
    %reduce_min3A = arith.constant dense<2147483647> : vector<2048xi32>
    %reduce_min3A_12 = vector.multi_reduction <minsi>, %select_n3A, %reduce_min3A [1] : vector<2048x8xi32> to vector<2048xi32>
    %broadcast_in_dim3A_13 = vector.shape_cast %reduce_min3A_12 : vector<2048xi32> to vector<2048x1xi32>
    %eq3A = vector.broadcast %broadcast_in_dim3A_13 : vector<2048x1xi32> to vector<2048x8xi32>
    %eq3A_14 = arith.cmpi eq, %iota3A, %eq3A : vector<2048x8xi32>
    %jit3A_15 = arith.constant -1.000000e+00 : f32
    %broadcast_in_dim3A_16 = vector.broadcast %jit3A_15 : f32 to vector<2048x8xf32>
    %select_n3A_17 = arith.select %eq3A_14, %broadcast_in_dim3A_16, %div3A_6 : vector<2048x8xi1>, vector<2048x8xf32>
    %reduce_max3A_18 = arith.constant dense<0xFF800000> : vector<2048xf32>
    %reduce_max3A_19 = vector.multi_reduction <maximumf>, %select_n3A_17, %reduce_max3A_18 [1] : vector<2048x8xf32> to vector<2048xf32>
    %broadcast_in_dim3A_20 = vector.shape_cast %reduce_max3A_19 : vector<2048xf32> to vector<2048x1xf32>
    %ge3A_21 = vector.broadcast %broadcast_in_dim3A_20 : vector<2048x1xf32> to vector<2048x8xf32>
    %ge3A_22 = arith.cmpf oge, %select_n3A_17, %ge3A_21 : vector<2048x8xf32>
    %jit3A_23 = arith.constant 8 : i32
    %broadcast_in_dim3A_24 = vector.broadcast %jit3A_23 : i32 to vector<2048x8xi32>
    %select_n3A_25 = arith.select %ge3A_22, %iota3A, %broadcast_in_dim3A_24 : vector<2048x8xi1>, vector<2048x8xi32>
    %reduce_min3A_26 = arith.constant dense<2147483647> : vector<2048xi32>
    %reduce_min3A_27 = vector.multi_reduction <minsi>, %select_n3A_25, %reduce_min3A_26 [1] : vector<2048x8xi32> to vector<2048xi32>
    %broadcast_in_dim3A_28 = vector.shape_cast %reduce_min3A_27 : vector<2048xi32> to vector<2048x1xi32>
    %eq3A_29 = vector.broadcast %broadcast_in_dim3A_28 : vector<2048x1xi32> to vector<2048x8xi32>
    %eq3A_30 = arith.cmpi eq, %iota3A, %eq3A_29 : vector<2048x8xi32>
    %add3A = arith.addf %broadcast_in_dim3A_9, %broadcast_in_dim3A_20 : vector<2048x1xf32>
    %div3A_31 = arith.divf %broadcast_in_dim3A_9, %add3A : vector<2048x1xf32>
    %broadcast_in_dim3A_32 = vector.shape_cast %div3A_31 : vector<2048x1xf32> to vector<2048x1xf32>
    %broadcast_in_dim3A_33 = vector.broadcast %broadcast_in_dim3A_32 : vector<2048x1xf32> to vector<2048x16xf32>
    %swap3A = arith.constant 0 : index
    %swap3A_34 = arith.constant 0 : index
    %swap3A_35 = vector.load %arg3[%swap3A, %swap3A_34] : memref<2048x16xf32, #tpu.memory_space<vmem>>, vector<2048x16xf32>
    tpu.vector_store %arg3[%swap3A, %swap3A_34], %broadcast_in_dim3A_33 {strides = array<i32>} : memref<2048x16xf32, #tpu.memory_space<vmem>>, vector<2048x16xf32>,
    %div3A_36 = arith.divf %broadcast_in_dim3A_20, %add3A : vector<2048x1xf32>
    %broadcast_in_dim3A_37 = vector.shape_cast %div3A_36 : vector<2048x1xf32> to vector<2048x1xf32>
    %broadcast_in_dim3A_38 = vector.broadcast %broadcast_in_dim3A_37 : vector<2048x1xf32> to vector<2048x16xf32>
    %swap3A_39 = arith.constant 0 : index
    %swap3A_40 = arith.constant 0 : index
    %swap3A_41 = vector.load %arg4[%swap3A_39, %swap3A_40] : memref<2048x16xf32, #tpu.memory_space<vmem>>, vector<2048x16xf32>
    tpu.vector_store %arg4[%swap3A_39, %swap3A_40], %broadcast_in_dim3A_38 {strides = array<i32>} : memref<2048x16xf32, #tpu.memory_space<vmem>>, vector<2048x16xf32>,
    %convert_element_type3A = arith.extui %eq3A_14 : vector<2048x8xi1> to vector<2048x8xi32>
    %convert_element_type3A_42 = arith.sitofp %convert_element_type3A : vector<2048x8xi32> to vector<2048x8xf32>
    %convert_element_type3A_43 = arith.extui %eq3A_30 : vector<2048x8xi1> to vector<2048x8xi32>
    %convert_element_type3A_44 = arith.sitofp %convert_element_type3A_43 : vector<2048x8xi32> to vector<2048x8xf32>
    %add3A_45 = arith.addf %convert_element_type3A_42, %convert_element_type3A_44 : vector<2048x8xf32>
    %iota3A_46 = tpu.iota {dimensions = array<i32: 0>} : vector<512x512xi32>
    %iota3A_47 = tpu.iota {dimensions = array<i32: 1>} : vector<512x512xi32>
    %lt3A = arith.cmpi slt, %iota3A_47, %iota3A_46 : vector<512x512xi32>
    %convert_element_type3A_48 = arith.extui %lt3A : vector<512x512xi1> to vector<512x512xi32>
    %convert_element_type3A_49 = arith.sitofp %convert_element_type3A_48 : vector<512x512xi32> to vector<512x512xf32>
    %convert_element_type3A_50 = arith.truncf %convert_element_type3A_49 : vector<512x512xf32> to vector<512x512xbf16>
    %broadcast_in_dim3A_51 = arith.constant 0.000000e+00 : f32
    %broadcast_in_dim3A_52 = vector.broadcast %broadcast_in_dim3A_51 : f32 to vector<1x8xf32>
    %slice3A = vector.extract_strided_slice %add3A_45 {offsets = [0, 0], sizes = [512, 8], strides = [1, 1]} : vector<2048x8xf32> to vector<512x8xf32>
    %convert_element_type3A_53 = arith.truncf %slice3A : vector<512x8xf32> to vector<512x8xbf16>
    %dot_general3A = arith.constant dense<0.000000e+00> : vector<512x8xf32>
    %dot_general3A_54 = tpu.matmul %convert_element_type3A_50, %convert_element_type3A_53, %dot_general3A {dimension_numbers = #tpu.dot_dimension_numbers<[1], [0], [0], [1], [0, 0, 1, 1], [], []>, transpose_lhs_hint = false} : vector<512x512xbf16>, vector<512x8xbf16>, vector<512x8xf32> -> vector<512x8xf32>
    %add3A_55 = vector.broadcast %broadcast_in_dim3A_52 : vector<1x8xf32> to vector<512x8xf32>
    %add3A_56 = arith.addf %dot_general3A_54, %add3A_55 : vector<512x8xf32>
    %reduce_sum3A_57 = arith.constant dense<0.000000e+00> : vector<8xf32>
    %reduce_sum3A_58 = vector.multi_reduction <add>, %slice3A, %reduce_sum3A_57 [0] : vector<512x8xf32> to vector<8xf32>
    %broadcast_in_dim3A_59 = vector.shape_cast %reduce_sum3A_58 : vector<8xf32> to vector<1x8xf32>
    %add3A_60 = arith.addf %broadcast_in_dim3A_52, %broadcast_in_dim3A_59 : vector<1x8xf32>
    %slice3A_61 = vector.extract_strided_slice %add3A_45 {offsets = [512, 0], sizes = [512, 8], strides = [1, 1]} : vector<2048x8xf32> to vector<512x8xf32>
    %convert_element_type3A_62 = arith.truncf %slice3A_61 : vector<512x8xf32> to vector<512x8xbf16>
    %dot_general3A_63 = arith.constant dense<0.000000e+00> : vector<512x8xf32>
    %dot_general3A_64 = tpu.matmul %convert_element_type3A_50, %convert_element_type3A_62, %dot_general3A_63 {dimension_numbers = #tpu.dot_dimension_numbers<[1], [0], [0], [1], [0, 0, 1, 1], [], []>, transpose_lhs_hint = false} : vector<512x512xbf16>, vector<512x8xbf16>, vector<512x8xf32> -> vector<512x8xf32>
    %add3A_65 = vector.broadcast %add3A_60 : vector<1x8xf32> to vector<512x8xf32>
    %add3A_66 = arith.addf %dot_general3A_64, %add3A_65 : vector<512x8xf32>
    %reduce_sum3A_67 = arith.constant dense<0.000000e+00> : vector<8xf32>
    %reduce_sum3A_68 = vector.multi_reduction <add>, %slice3A_61, %reduce_sum3A_67 [0] : vector<512x8xf32> to vector<8xf32>
    %broadcast_in_dim3A_69 = vector.shape_cast %reduce_sum3A_68 : vector<8xf32> to vector<1x8xf32>
    %add3A_70 = arith.addf %add3A_60, %broadcast_in_dim3A_69 : vector<1x8xf32>
    %slice3A_71 = vector.extract_strided_slice %add3A_45 {offsets = [1024, 0], sizes = [512, 8], strides = [1, 1]} : vector<2048x8xf32> to vector<512x8xf32>
    %convert_element_type3A_72 = arith.truncf %slice3A_71 : vector<512x8xf32> to vector<512x8xbf16>
    %dot_general3A_73 = arith.constant dense<0.000000e+00> : vector<512x8xf32>
    %dot_general3A_74 = tpu.matmul %convert_element_type3A_50, %convert_element_type3A_72, %dot_general3A_73 {dimension_numbers = #tpu.dot_dimension_numbers<[1], [0], [0], [1], [0, 0, 1, 1], [], []>, transpose_lhs_hint = false} : vector<512x512xbf16>, vector<512x8xbf16>, vector<512x8xf32> -> vector<512x8xf32>
    %add3A_75 = vector.broadcast %add3A_70 : vector<1x8xf32> to vector<512x8xf32>
    %add3A_76 = arith.addf %dot_general3A_74, %add3A_75 : vector<512x8xf32>
    %reduce_sum3A_77 = arith.constant dense<0.000000e+00> : vector<8xf32>
    %reduce_sum3A_78 = vector.multi_reduction <add>, %slice3A_71, %reduce_sum3A_77 [0] : vector<512x8xf32> to vector<8xf32>
    %broadcast_in_dim3A_79 = vector.shape_cast %reduce_sum3A_78 : vector<8xf32> to vector<1x8xf32>
    %add3A_80 = arith.addf %add3A_70, %broadcast_in_dim3A_79 : vector<1x8xf32>
    %slice3A_81 = vector.extract_strided_slice %add3A_45 {offsets = [1536, 0], sizes = [512, 8], strides = [1, 1]} : vector<2048x8xf32> to vector<512x8xf32>
    %convert_element_type3A_82 = arith.truncf %slice3A_81 : vector<512x8xf32> to vector<512x8xbf16>
    %dot_general3A_83 = arith.constant dense<0.000000e+00> : vector<512x8xf32>
    %dot_general3A_84 = tpu.matmul %convert_element_type3A_50, %convert_element_type3A_82, %dot_general3A_83 {dimension_numbers = #tpu.dot_dimension_numbers<[1], [0], [0], [1], [0, 0, 1, 1], [], []>, transpose_lhs_hint = false} : vector<512x512xbf16>, vector<512x8xbf16>, vector<512x8xf32> -> vector<512x8xf32>
    %add3A_85 = vector.broadcast %add3A_80 : vector<1x8xf32> to vector<512x8xf32>
    %add3A_86 = arith.addf %dot_general3A_84, %add3A_85 : vector<512x8xf32>
    %reduce_sum3A_87 = arith.constant dense<0.000000e+00> : vector<8xf32>
    %reduce_sum3A_88 = vector.multi_reduction <add>, %slice3A_81, %reduce_sum3A_87 [0] : vector<512x8xf32> to vector<8xf32>
    %broadcast_in_dim3A_89 = vector.shape_cast %reduce_sum3A_88 : vector<8xf32> to vector<1x8xf32>
    %add3A_90 = arith.addf %add3A_80, %broadcast_in_dim3A_89 : vector<1x8xf32>
    %concatenate3A = tpu.concatenate %add3A_56, %add3A_66, %add3A_76, %add3A_86 in 0 : vector<512x8xf32>, vector<512x8xf32>, vector<512x8xf32>, vector<512x8xf32> -> vector<2048x8xf32>
    %add3A_91 = arith.constant 2.550000e+02 : f32
    %add3A_92 = vector.broadcast %add3A_91 : f32 to vector<1x8xf32>
    %add3A_93 = arith.addf %add3A_90, %add3A_92 : vector<1x8xf32>
    %mul3A = arith.constant 3.906250e-03 : f32
    %mul3A_94 = vector.broadcast %mul3A : f32 to vector<1x8xf32>
    %mul3A_95 = arith.mulf %add3A_93, %mul3A_94 : vector<1x8xf32>
    %floor3A = math.floor %mul3A_95 : vector<1x8xf32>
    %iota3A_96 = tpu.iota {dimensions = array<i32: 0>} : vector<8x8xi32>
    %iota3A_97 = tpu.iota {dimensions = array<i32: 1>} : vector<8x8xi32>
    %lt3A_98 = arith.cmpi slt, %iota3A_96, %iota3A_97 : vector<8x8xi32>
    %convert_element_type3A_99 = arith.extui %lt3A_98 : vector<8x8xi1> to vector<8x8xi32>
    %convert_element_type3A_100 = arith.sitofp %convert_element_type3A_99 : vector<8x8xi32> to vector<8x8xf32>
    %dot_general3A_101 = arith.constant dense<0.000000e+00> : vector<1x8xf32>
    %dot_general3A_102 = tpu.matmul %floor3A, %convert_element_type3A_100, %dot_general3A_101 {dimension_numbers = #tpu.dot_dimension_numbers<[1], [0], [0], [1], [0, 0, 1, 1], [], []>, transpose_lhs_hint = false} : vector<1x8xf32>, vector<8x8xf32>, vector<1x8xf32> -> vector<1x8xf32>
    %mul3A_103 = arith.constant 2.560000e+02 : f32
    %mul3A_104 = vector.broadcast %mul3A_103 : f32 to vector<1x8xf32>
    %mul3A_105 = arith.mulf %dot_general3A_102, %mul3A_104 : vector<1x8xf32>
    %add3A_106 = vector.broadcast %mul3A_105 : vector<1x8xf32> to vector<2048x8xf32>
    %add3A_107 = arith.addf %add3A_106, %concatenate3A : vector<2048x8xf32>
    %jit3A_108 = arith.constant 0.000000e+00 : f32
    %broadcast_in_dim3A_109 = vector.broadcast %jit3A_108 : f32 to vector<2048x8xf32>
    %select_n3A_110 = arith.select %eq3A_14, %add3A_107, %broadcast_in_dim3A_109 : vector<2048x8xi1>, vector<2048x8xf32>
    %reduce_sum3A_111 = arith.constant dense<0.000000e+00> : vector<2048xf32>
    %reduce_sum3A_112 = vector.multi_reduction <add>, %select_n3A_110, %reduce_sum3A_111 [1] : vector<2048x8xf32> to vector<2048xf32>
    %broadcast_in_dim3A_113 = vector.shape_cast %reduce_sum3A_112 : vector<2048xf32> to vector<2048x1xf32>
    %convert_element_type3A_114 = arith.fptosi %broadcast_in_dim3A_113 : vector<2048x1xf32> to vector<2048x1xi32>
    %reshape3A = vector.shape_cast %convert_element_type3A_114 : vector<2048x1xi32> to vector<2048xi32>
    %swap3A_115 = arith.constant 0 : index
    %swap3A_116 = vector.load %arg1[%swap3A_115] : memref<2048xi32, #tpu.memory_space<vmem>>, vector<2048xi32>
    tpu.vector_store %arg1[%swap3A_115], %reshape3A {strides = array<i32>} : memref<2048xi32, #tpu.memory_space<vmem>>, vector<2048xi32>,
    %jit3A_117 = arith.constant 0.000000e+00 : f32
    %broadcast_in_dim3A_118 = vector.broadcast %jit3A_117 : f32 to vector<2048x8xf32>
    %select_n3A_119 = arith.select %eq3A_30, %add3A_107, %broadcast_in_dim3A_118 : vector<2048x8xi1>, vector<2048x8xf32>
    %reduce_sum3A_120 = arith.constant dense<0.000000e+00> : vector<2048xf32>
    %reduce_sum3A_121 = vector.multi_reduction <add>, %select_n3A_119, %reduce_sum3A_120 [1] : vector<2048x8xf32> to vector<2048xf32>
    %broadcast_in_dim3A_122 = vector.shape_cast %reduce_sum3A_121 : vector<2048xf32> to vector<2048x1xf32>
    %convert_element_type3A_123 = arith.fptosi %broadcast_in_dim3A_122 : vector<2048x1xf32> to vector<2048x1xi32>
    %reshape3A_124 = vector.shape_cast %convert_element_type3A_123 : vector<2048x1xi32> to vector<2048xi32>
    %swap3A_125 = arith.constant 0 : index
    %swap3A_126 = vector.load %arg2[%swap3A_125] : memref<2048xi32, #tpu.memory_space<vmem>>, vector<2048xi32>
    tpu.vector_store %arg2[%swap3A_125], %reshape3A_124 {strides = array<i32>} : memref<2048xi32, #tpu.memory_space<vmem>>, vector<2048xi32>,
    %add3A_127 = arith.addf %dot_general3A_102, %floor3A : vector<1x8xf32>
    %iota3A_128 = tpu.iota {dimensions = array<i32: 0>} : vector<128x8xi32>
    %convert_element_type3A_129 = arith.sitofp %iota3A_128 : vector<128x8xi32> to vector<128x8xf32>
    %ge3A_130 = vector.broadcast %add3A_127 : vector<1x8xf32> to vector<128x8xf32>
    %ge3A_131 = arith.cmpf oge, %convert_element_type3A_129, %ge3A_130 : vector<128x8xf32>
    %convert_element_type3A_132 = arith.extui %ge3A_131 : vector<128x8xi1> to vector<128x8xi32>
    %convert_element_type3A_133 = arith.sitofp %convert_element_type3A_132 : vector<128x8xi32> to vector<128x8xf32>
    %reduce_sum3A_134 = arith.constant dense<0.000000e+00> : vector<128xf32>
    %reduce_sum3A_135 = vector.multi_reduction <add>, %convert_element_type3A_133, %reduce_sum3A_134 [1] : vector<128x8xf32> to vector<128xf32>
    %broadcast_in_dim3A_136 = vector.shape_cast %reduce_sum3A_135 : vector<128xf32> to vector<128x1xf32>
    %min3A = arith.constant 7.000000e+00 : f32
    %min3A_137 = vector.broadcast %min3A : f32 to vector<128x1xf32>
    %min3A_138 = arith.minimumf %broadcast_in_dim3A_136, %min3A_137 : vector<128x1xf32>
    %convert_element_type3A_139 = arith.fptosi %min3A_138 : vector<128x1xf32> to vector<128x1xi32>
    %swap3A_140 = arith.constant 0 : index
    %swap3A_141 = arith.constant 0 : index
    %swap3A_142 = vector.load %arg5[%swap3A_140, %swap3A_141] : memref<128x1xi32, #tpu.memory_space<vmem>>, vector<128x1xi32>
    tpu.vector_store %arg5[%swap3A_140, %swap3A_141], %convert_element_type3A_139 {strides = array<i32>} : memref<128x1xi32, #tpu.memory_space<vmem>>, vector<128x1xi32>,
    return
  }
}

module attributes {stable_mosaic.version = 14 : i64} {
  func.func @_gmm_body(%arg0: i32, %arg1: memref<128x1xi32, #tpu.memory_space<smem>>, %arg2: memref<256x1024xf32, #tpu.memory_space<vmem>>, %arg3: memref<1x1024x1024xf32, #tpu.memory_space<vmem>>, %arg4: memref<1x1024x1024xf32, #tpu.memory_space<vmem>>, %arg5: memref<1x1024x1024xf32, #tpu.memory_space<vmem>>, %arg6: memref<256x1024xf32, #tpu.memory_space<vmem>>) attributes {dimension_semantics = [#tpu.dimension_semantics<arbitrary>], iteration_bounds = array<i64: 23>, scalar_prefetch = 1 : i64, scratch_operands = 0 : i64, tpu.core_type = #tpu.core_type<tc>, window_params = [{transform_indices = @transform_0, window_bounds = array<i64: 256, 1024>}, {transform_indices = @transform_1, window_bounds = array<i64: 1, 1024, 1024>}, {transform_indices = @transform_2, window_bounds = array<i64: 1, 1024, 1024>}, {transform_indices = @transform_3, window_bounds = array<i64: 1, 1024, 1024>}, {transform_indices = @transform_4, window_bounds = array<i64: 256, 1024>}]} {
    %get3A = arith.constant 0 : index
    %get3A_0 = arith.constant 0 : index
    %get3A_1 = vector.load %arg2[%get3A, %get3A_0] : memref<256x1024xf32, #tpu.memory_space<vmem>>, vector<256x1024xf32>
    %convert_element_type3A = arith.truncf %get3A_1 : vector<256x1024xf32> to vector<256x1024xbf16>
    %get3A_2 = arith.constant 0 : index
    %get3A_3 = arith.constant 0 : index
    %get3A_4 = arith.constant 0 : index
    %get3A_5 = vector.load %arg3[%get3A_2, %get3A_3, %get3A_4] : memref<1x1024x1024xf32, #tpu.memory_space<vmem>>, vector<1x1024x1024xf32>
    %get3A_6 = vector.shape_cast %get3A_5 : vector<1x1024x1024xf32> to vector<1024x1024xf32>
    %convert_element_type3A_7 = arith.truncf %get3A_6 : vector<1024x1024xf32> to vector<1024x1024xbf16>
    %get3A_8 = arith.constant 0 : index
    %get3A_9 = arith.constant 0 : index
    %get3A_10 = arith.constant 0 : index
    %get3A_11 = vector.load %arg4[%get3A_8, %get3A_9, %get3A_10] : memref<1x1024x1024xf32, #tpu.memory_space<vmem>>, vector<1x1024x1024xf32>
    %get3A_12 = vector.shape_cast %get3A_11 : vector<1x1024x1024xf32> to vector<1024x1024xf32>
    %convert_element_type3A_13 = arith.truncf %get3A_12 : vector<1024x1024xf32> to vector<1024x1024xbf16>
    %get3A_14 = arith.constant 0 : index
    %get3A_15 = arith.constant 0 : index
    %get3A_16 = arith.constant 0 : index
    %get3A_17 = vector.load %arg5[%get3A_14, %get3A_15, %get3A_16] : memref<1x1024x1024xf32, #tpu.memory_space<vmem>>, vector<1x1024x1024xf32>
    %get3A_18 = vector.shape_cast %get3A_17 : vector<1x1024x1024xf32> to vector<1024x1024xf32>
    %convert_element_type3A_19 = arith.truncf %get3A_18 : vector<1024x1024xf32> to vector<1024x1024xbf16>
    %dot_general3A = arith.constant dense<0.000000e+00> : vector<256x1024xf32>
    %dot_general3A_20 = tpu.matmul %convert_element_type3A, %convert_element_type3A_7, %dot_general3A {dimension_numbers = #tpu.dot_dimension_numbers<[1], [0], [0], [1], [0, 0, 1, 1], [], []>, transpose_lhs_hint = false} : vector<256x1024xbf16>, vector<1024x1024xbf16>, vector<256x1024xf32> -> vector<256x1024xf32>
    %dot_general3A_21 = arith.constant dense<0.000000e+00> : vector<256x1024xf32>
    %dot_general3A_22 = tpu.matmul %convert_element_type3A, %convert_element_type3A_13, %dot_general3A_21 {dimension_numbers = #tpu.dot_dimension_numbers<[1], [0], [0], [1], [0, 0, 1, 1], [], []>, transpose_lhs_hint = false} : vector<256x1024xbf16>, vector<1024x1024xbf16>, vector<256x1024xf32> -> vector<256x1024xf32>
    %logistic3A = arith.negf %dot_general3A_20 : vector<256x1024xf32>
    %logistic3A_23 = math.exp %logistic3A : vector<256x1024xf32>
    %logistic3A_24 = arith.constant 1.000000e+00 : f32
    %logistic3A_25 = vector.broadcast %logistic3A_24 : f32 to vector<256x1024xf32>
    %logistic3A_26 = arith.addf %logistic3A_25, %logistic3A_23 : vector<256x1024xf32>
    %logistic3A_27 = arith.divf %logistic3A_25, %logistic3A_26 : vector<256x1024xf32>
    %mul3A = arith.mulf %dot_general3A_20, %logistic3A_27 : vector<256x1024xf32>
    %mul3A_28 = arith.mulf %mul3A, %dot_general3A_22 : vector<256x1024xf32>
    %convert_element_type3A_29 = arith.truncf %mul3A_28 : vector<256x1024xf32> to vector<256x1024xbf16>
    %dot_general3A_30 = arith.constant dense<0.000000e+00> : vector<256x1024xf32>
    %dot_general3A_31 = tpu.matmul %convert_element_type3A_29, %convert_element_type3A_19, %dot_general3A_30 {dimension_numbers = #tpu.dot_dimension_numbers<[1], [0], [0], [1], [0, 0, 1, 1], [], []>, transpose_lhs_hint = false} : vector<256x1024xbf16>, vector<1024x1024xbf16>, vector<256x1024xf32> -> vector<256x1024xf32>
    %swap3A = arith.constant 0 : index
    %swap3A_32 = arith.constant 0 : index
    %swap3A_33 = vector.load %arg6[%swap3A, %swap3A_32] : memref<256x1024xf32, #tpu.memory_space<vmem>>, vector<256x1024xf32>
    tpu.vector_store %arg6[%swap3A, %swap3A_32], %dot_general3A_31 {strides = array<i32>} : memref<256x1024xf32, #tpu.memory_space<vmem>>, vector<256x1024xf32>,
    return
  }
  func.func @transform_0(%arg0: i32, %arg1: memref<128x1xi32, #tpu.memory_space<smem>>) -> (i32, i32) {
    %c0_i32 = arith.constant 0 : i32
    %c0_i32_0 = arith.constant 0 : i32
    return %arg0, %c0_i32 : i32, i32
  }
  func.func @transform_1(%arg0: i32, %arg1: memref<128x1xi32, #tpu.memory_space<smem>>) -> (i32, i32, i32) {
    %get3A = arith.index_cast %arg0 : i32 to index
    %get3A_0 = arith.constant 0 : index
    %get3A_1 = memref.load %arg1[%get3A, %get3A_0] : memref<128x1xi32, #tpu.memory_space<smem>>
    %c0_i32 = arith.constant 0 : i32
    %c0_i32_2 = arith.constant 0 : i32
    %c0_i32_3 = arith.constant 0 : i32
    return %get3A_1, %c0_i32, %c0_i32_2 : i32, i32, i32
  }
  func.func @transform_2(%arg0: i32, %arg1: memref<128x1xi32, #tpu.memory_space<smem>>) -> (i32, i32, i32) {
    %get3A = arith.index_cast %arg0 : i32 to index
    %get3A_0 = arith.constant 0 : index
    %get3A_1 = memref.load %arg1[%get3A, %get3A_0] : memref<128x1xi32, #tpu.memory_space<smem>>
    %c0_i32 = arith.constant 0 : i32
    %c0_i32_2 = arith.constant 0 : i32
    %c0_i32_3 = arith.constant 0 : i32
    return %get3A_1, %c0_i32, %c0_i32_2 : i32, i32, i32
  }
  func.func @transform_3(%arg0: i32, %arg1: memref<128x1xi32, #tpu.memory_space<smem>>) -> (i32, i32, i32) {
    %get3A = arith.index_cast %arg0 : i32 to index
    %get3A_0 = arith.constant 0 : index
    %get3A_1 = memref.load %arg1[%get3A, %get3A_0] : memref<128x1xi32, #tpu.memory_space<smem>>
    %c0_i32 = arith.constant 0 : i32
    %c0_i32_2 = arith.constant 0 : i32
    %c0_i32_3 = arith.constant 0 : i32
    return %get3A_1, %c0_i32, %c0_i32_2 : i32, i32, i32
  }
  func.func @transform_4(%arg0: i32, %arg1: memref<128x1xi32, #tpu.memory_space<smem>>) -> (i32, i32) {
    %c0_i32 = arith.constant 0 : i32
    %c0_i32_0 = arith.constant 0 : i32
    return %arg0, %c0_i32 : i32, i32
  }
}

</mosaic_0001>

<sc_bundles>
// kernel: kernel.6.cloned.1.call-start
scs
__scs_entry_jumppad:
0x0: {  	(pc) =	sbr.rel $0x88, $3  }
0x1: {  	(tag) =	ssettag $0x0;
	lr =	simm.s32 $0x1  }
0x2: {  	[smem:$0x3F9C] =	sst lr;
	_ =	strace $0xD0000000  }
0x3: {  	_ = 	snop  }
0x4: {  	_ = 	snop  }
0x5: {  	_ = 	snop  }
0x6: {  	_ = 	snop  }
0x7: {  	_ = 	snop  }
__scs_overlays_trampoline_lowered:
0x8: {  	[smem:$0x3FAB] =	sst s0  }
0x9: {  	[smem:$0x3FAC] =	sst s1  }
0xa: {  	[smem:$0x3FAD] =	sst s2  }
0xb: {  	[smem:$0x3FAE] =	sst s3  }
0xc: {  	[smem:$0x3FAF] =	sst s4  }
0xd: {  	[smem:$0x3FB0] =	sst s5  }
0xe: {  	[smem:$0x3FB1] =	sst s6  }
0xf: {  	[smem:$0x3FB2] =	sst s7  }
0x10: {  	[smem:$0x3FB3] =	sst s8  }
0x11: {  	[smem:$0x3FB4] =	sst s9;
	s0 =	simm.s32 @!p0 $0x0  }
0x12: {  	s1 =	sld [smem:$0x3F9A];
	s0 =	simm.s32 @p0 $0x1  }
0x13: {  	[smem:$0x3FB5] =	sst s0;
	s0 =	simm.s32 @!p1 $0x0  }
0x14: {  	s2 =	sld [smem:$0x3F99];
	s0 =	simm.s32 @p1 $0x1  }
0x15: {  	[smem:$0x3FB6] =	sst s0;
	s0 =	simm.s32 @!p2 $0x0  }
0x16: {  	s3 =	sld [smem:$0x3FDB];
	s0 =	simm.s32 @p2 $0x1  }
0x17: {  	s4 =	simm.s32 $0x1BF5;
	[smem:$0x3FB8] =	sst s0  }
0x18: {  	s0 =	sld [smem:$0x3F9B];
	_ =	swait.ge [sflag:s4], $0x0  }
0x19: {  	s7 =	sld [smem:$0x3F9C]  }
0x1a: {  	s8 =	sadd.s32 $0xFFFFE003, lr  }
0x1b: {  	s9 =	sadd.s32 $0xFFFFFEF7, lr;
	s5 =	simm.s32 $0xFFFFFFFF;
	p2 =	slt.u32 s8, $0xFFFFF086  }
0x1c: {  	p1 =	slt.u32 s9, $0xF7A;
	s5 =	simm.s32 @!p2 $0x0  }
0x1d: {  	s5 =	simm.s32 @p1 $0x1;
	p0 =	seq.s32 s7, s2  }
0x1e: {  	s7 =	smul.u32 @!p0 $0xF7A, s2;
	p2 =	seq.s32 @!p0 s5, $0x0  }
0x1f: {  	s9 =	smul.u32 $0xF7A, s1;
	s8 =	simm.s32 @!p0 $0x1BF5;
	p2 =	por !p2, p0  }
0x20: {  	[sflag:s8] =	ssyncset.s32 @!p0 $0xFFFFF086;
	s6 =	sadd.s32 @!p0 s3, s7;
	s7 =	simm.s32 @!p0 $0x108  }
0x21: {  	s3 =	sadd.s32 s3, s9;
	s6 =	sadd.s32 @!p0 $0x88, s6;
	s7 =	simm.s32 @p2 $0x1082  }
0x22: {  	[simem:s7], [sflag:s8] =	dma.local @!p0 [hbm:s6], $0xF7A  }
0x23: {  	s9 =	sor.u32 $0xD0000000, s2;
	s6 =	simm.s32 $0x108;
	_ =	swait.ge @!p0 [sflag:s8], $0x0  }
0x24: {  	s3 =	sadd.s32 $0x88, s3;
	s6 =	simm.s32 @!p1 $0x1082;
	[sflag:s4] =	ssyncset.s32 $0xFFFFF086  }
0x25: {  	[simem:s6], [sflag:s4] =	dma.local [hbm:s3], $0xF7A  }
0x26: {  	[smem:$0x3F9C] =	sst s1;
	(tag) =	ssettag s2;
	_ =	strace s9  }
0x27: {  	s1 =	sld [smem:$0x3FAC]  }
0x28: {  	s2 =	sld [smem:$0x3FAD]  }
0x29: {  	s4 =	sld [smem:$0x3FAF]  }
0x2a: {  	p0 =	seq.s32 s5, $0x0;
	s5 =	sld [smem:$0x3FB0]  }
0x2b: {  	s6 =	sld [smem:$0x3FB1]  }
0x2c: {  	s7 =	sld [smem:$0x3FB2]  }
0x2d: {  	s3 =	simm.s32 $0x108;
	s8 =	sld [smem:$0x3FB3]  }
0x2e: {  	s3 =	simm.s32 @!p0 $0x1082;
	s9 =	sld [smem:$0x3FB4]  }
0x2f: {  	lr =	sadd.s32 s0, s3;
	s0 =	sld [smem:$0x3FAB]  }
0x30: {  	s3 =	sld [smem:$0x3FAE]  }
0x31: {  	[smem:$0x3FB7] =	sst s10  }
0x32: {  	s10 =	sld [smem:$0x3FB5];
	_ =	sdelay $0x3  }
0x33: {  	p0 =	seq.s32 s10, $0x1;
	s10 =	sld [smem:$0x3FB7];
	_ =	sdelay $0x3  }
0x34: {  	[smem:$0x3FB7] =	sst s10  }
0x35: {  	s10 =	sld [smem:$0x3FB6];
	_ =	sdelay $0x3  }
0x36: {  	p1 =	seq.s32 s10, $0x1;
	s10 =	sld [smem:$0x3FB7];
	_ =	sdelay $0x3  }
0x37: {  	[smem:$0x3FB7] =	sst s10  }
0x38: {  	s10 =	sld [smem:$0x3FB8]  }
0x39: {  	_ = 	snop;
	(pc) =	sbr.ind lr, $3  }
0x3a: {  	_ = 	snop  }
0x3b: {  	_ = 	snop  }
0x3c: {  	p2 =	seq.s32 s10, $0x1;
	s10 =	sld [smem:$0x3FB7]  }
0x3d: {  	_ =	shalt  }
0x3e: {  	_ =	shalt  }
0x3f: {  	_ =	shalt  }
0x40: {  	_ =	shalt  }
0x41: {  	_ =	shalt  }
0x42: {  	_ =	shalt  }
0x43: {  	_ =	shalt  }
0x44: {  	_ =	shalt  }
0x45: {  	_ =	shalt  }
0x46: {  	_ =	shalt  }
0x47: {  	_ =	shalt  }
0x48: {  	_ =	shalt  }
0x49: {  	_ =	shalt  }
0x4a: {  	_ =	shalt  }
0x4b: {  	_ =	shalt  }
0x4c: {  	_ =	shalt  }
0x4d: {  	_ =	shalt  }
0x4e: {  	_ =	shalt  }
0x4f: {  	_ =	shalt  }
0x50: {  	_ =	shalt  }
0x51: {  	_ =	shalt  }
0x52: {  	_ =	shalt  }
0x53: {  	_ =	shalt  }
0x54: {  	_ =	shalt  }
0x55: {  	_ =	shalt  }
0x56: {  	_ =	shalt  }
0x57: {  	_ =	shalt  }
0x58: {  	_ =	shalt  }
0x59: {  	_ =	shalt  }
0x5a: {  	_ =	shalt  }
0x5b: {  	_ =	shalt  }
0x5c: {  	_ =	shalt  }
0x5d: {  	_ =	shalt  }
0x5e: {  	_ =	shalt  }
0x5f: {  	_ =	shalt  }
0x60: {  	_ =	shalt  }
0x61: {  	_ =	shalt  }
0x62: {  	_ =	shalt  }
0x63: {  	_ =	shalt  }
0x64: {  	_ =	shalt  }
0x65: {  	_ =	shalt  }
0x66: {  	_ =	shalt  }
0x67: {  	_ =	shalt  }
0x68: {  	_ =	shalt  }
0x69: {  	_ =	shalt  }
0x6a: {  	_ =	shalt  }
0x6b: {  	_ =	shalt  }
0x6c: {  	_ =	shalt  }
0x6d: {  	_ =	shalt  }
0x6e: {  	_ =	shalt  }
0x6f: {  	_ =	shalt  }
0x70: {  	_ =	shalt  }
0x71: {  	_ =	shalt  }
0x72: {  	_ =	shalt  }
0x73: {  	_ =	shalt  }
0x74: {  	_ =	shalt  }
0x75: {  	_ =	shalt  }
0x76: {  	_ =	shalt  }
0x77: {  	_ =	shalt  }
0x78: {  	_ =	shalt  }
0x79: {  	_ =	shalt  }
0x7a: {  	_ =	shalt  }
0x7b: {  	_ =	shalt  }
0x7c: {  	_ =	shalt  }
0x7d: {  	_ =	shalt  }
0x7e: {  	_ =	shalt  }
0x7f: {  	_ =	shalt  }
0x80: {  	_ =	shalt  }
0x81: {  	_ =	shalt  }
0x82: {  	_ =	shalt  }
0x83: {  	_ =	shalt  }
0x84: {  	_ =	shalt  }
0x85: {  	_ =	shalt  }
0x86: {  	_ =	shalt  }
0x87: {  	_ =	shalt  }
.Lfunc_end0:
.L_simem_size_0:
called_computation_lowered:
.L_overlay_start_0:
0x88: {  	s2 =	sld [smem:$0x3FD9]  }
0x89: {  	s3 =	sld [smem:$0x3FFE];
	_ =	sdelay $0x1  }
0x8a: {  	s1 =	srdreg.scid  }
0x8b: {  	s0 =	sand.u32 $0x1, s1  }
0x8c: {  	s17 =	sshll.u32 s0, $0xA;
	s2 =	sadd.s32 s3, s2  }
0x8d: {  	s2 =	sadd.s32 s2, s17  }
0x8e: {  	[smem:$0x3FC3] =	sst s2  }
0x8f: {  	_ = 	snop  }
0x90: {  	s2 =	sld [smem:$0x3FC9];
	(tm) =	ssettm $0x1  }
0x91: {  	s18 =	sld [smem:$0x3FFB];
	_ =	sdelay $0x3  }
0x92: {  	_ =	strace s18  }
0x93: {  	s3 =	sld [smem:$0x3FFC];
	_ =	sdelay $0x3  }
0x94: {  	_ =	strace s3  }
0x95: {  	s3 =	sld [smem:$0x3FFD];
	_ =	sdelay $0x3  }
0x96: {  	_ =	strace s3  }
0x97: {  	_ =	strace $0x8FFFFFFF  }
0x98: {  	s19 =	sld [smem:$0x3FDB];
	_ =	sdelay $0x1  }
0x99: {  	s4 =	simm.s32 $_scs_section_size  }
0x9a: {  	s5 =	simm.s32 $_size__tile_overlayer_lowered;
	s6 =	simm.s32 $_tile_overlayer_lowered  }
0x9b: {  	s22 =	simm.s32 $0x1BFF;
	s21 =	sshll.u32 s6, $0x1;
	s3 =	sadd.s32 s4, s19  }
0x9c: {  	s7 =	simm.s32 $0x0;
	s20 =	sshll.u32 s5, $0x1;
	s5 =	sadd.s32 s21, s3  }
0x9d: {  	[timem:s7], [sflag:s22] =	dma.local [hbm:s5], s20  }
0x9e: {  	_ =	swait.ge [sflag:s22], s20  }
0x9f: {  	s4 =	ssub.s32 $0x0, s20;
	[sflag:s22] =	ssyncset.done $0x0  }
0xa0: {  	[sflag:s22] =	ssyncadd.s32 s4;
	_ =	sdelay $0x1  }
0xa1: {  	s23 =	simm.s32 $0x1B8B  }
0xa2: {  	_ =	swait.ge [sflag:s23], $0x1  }
0xa3: {  	[sflag:s23] =	ssyncset.done $0x0  }
0xa4: {  	s25 =	simm.s32 $0x1B8E;
	s24 =	sld [smem:$0x3FFE];
	[sflag:s23] =	ssyncadd.s32 $0xFFFFFFFF  }
0xa5: {  	s26 =	simm.s32 $execute0_lowered;
	[smem:$0x3FD2] =	sst s25  }
0xa6: {  	s5 =	sshll.u32 s26, $0x1;
	_ =	strace $0x80000046;
	[dreg:$0x1] =	wrdreg $0xFFFFFFFF  }
0xa7: {  	s28 =	simm.s32 $_size_execute0_lowered;
	s3 =	sadd.s32 s3, s5;
	[dreg:$0x0] =	wrdreg $0x0  }
0xa8: {  	s5 =	sshll.u32 s28, $0x1;
	[dreg:$0x2] =	wrdreg s3  }
0xa9: {  	[dreg:$0x3] =	wrdreg s5  }
0xaa: {  	[dreg:$0x4] =	wrdreg $0xC0  }
0xab: {  	_ =	task [dreg:s7], $0x5FFFF  }
0xac: {  	[dreg:$0x1] =	wrdreg $0xFFFFFFFF  }
0xad: {  	[dreg:$0x0] =	wrdreg $0x60  }
0xae: {  	[dreg:$0x2] =	wrdreg s24  }
0xaf: {  	[dreg:$0x3] =	wrdreg s2  }
0xb0: {  	[dreg:$0x4] =	wrdreg $0x9  }
0xb1: {  	_ =	task.clear_ibuf [dreg:s7], $0x5FFFF;
	_ =	strace $0x90000046  }
0xb2: {  	s29 =	simm.s32 $0x9;
	_ =	strace $0x80000048  }
0xb3: {  	_ =	swait.ge [sflag:s29], $0x1  }
0xb4: {  	[sflag:s29] =	ssyncadd.s32 $0xFFFFFFFF  }
0xb5: {  	_ =	strace $0x90000048  }
0xb6: {  	_ =	sfence  }
0xb7: {  	s30 =	sld [smem:$0x0];
	_ =	sdelay $0x2  }
0xb8: {  	s31 =	sshll.u32 s1, $0xD;
	s1 =	sshrl.u32 s1, $0x2  }
0xb9: {  	s3 =	sand.u32 $0x4000, s31;
	s1 =	sadd.s32 s1, s30  }
0xba: {  	s0 =	sor.u32 s3, s0;
	s1 =	sshll.u32 s1, $0x11  }
0xbb: {  	s0 =	sor.u32 s1, s0  }
0xbc: {  	s0 =	sadd.s32 $0x8F2B, s0  }
0xbd: {  	[sflag:s0] =	ssyncadd.remote.s32 $0x1  }
0xbe: {  	_ =	sfence.sel $0xFFFF  }
0xbf: {  	[dreg:$0x0] =	wrdreg $0xFFFFFFFF;
	(pc) =	sbr.abs _section_cstart, $3  }
0xc0: {  	[dreg:$0x1] =	wrdreg $0xFFFFFFFF  }
0xc1: {  	_ =	task.clear_ibuf [dreg:s7], $0x2FFFF;
	_ =	strace $0x9FFFFFFF  }
0xc2: {  	(tm) =	ssettm $0x7FFFFFFF  }
0xc3: {  	_ =	shalt  }
tec
execute0_lowered:
.L_overlay_start_1:
0x0: {  	(tag) =	ssettag $0x1  }
0x1: {  	s0 =	rddreg [dreg:$0x0]  }
0x2: {  	s1 =	rddreg [dreg:$0x1];
	s3 =	srdreg.scid;
	s2 =	simm.s32 $0x0  }
0x3: {  	s5 =	stileid.u32;
	s26 =	simm.s32 $0x100;
	s29 =	simm.s32 $0x80  }
0x4: {  	s30 =	simm.s32 $0x180;
	s10 =	simm.s32 $0x7;
	s11 =	simm.s32 $0x1  }
0x5: {  	s28 =	simm.s32 $0x2;
	s31 =	simm.s32 $0x2200;
	s4 =	sand.u32 $0x1, s3  }
0x6: {  	[smem:$0x7FF] =	sst s2;
	s15 =	sshll.u32 s5, $0x7;
	s17 =	sadd.s32 $0x1200, s0  }
0x7: {  	s8 =	sadd.s32 $0x1400, s0;
	_ =	strace $0x80000047;
	[dreg:$0x9] =	wrdreg s26  }
0x8: {  	s5 =	sadd.s32 $0x11800, s0;
	s16 =	sshll.u32 s4, $0x6;
	[dreg:$0xa] =	wrdreg s29  }
0x9: {  	s4 =	ssub.s32 $0x2, s4;
	[dreg:$0xb] =	wrdreg s30;
	s3 =	sor.u32 s16, s15  }
0xa: {  	s23 =	sshrl.u32 s4, $0x1;
	s6 =	sshll.u32 s3, $0x7;
	s7 =	sor.u32 $0x20, s3  }
0xb: {  	s18 =	sshrl.u32 s3, $0x3;
	s3 =	sadd.s32 $0x11600, s0;
	s25 =	ssub.s32 s4, s23  }
0xc: {  	s4 =	sadd.s32 $0x11700, s0;
	s23 =	simm.s32 $0x4;
	s6 =	sadd.s32 s1, s6  }
0xd: {  	s9 =	sshll.u32 s7, $0x7;
	s19 =	sadd.s32 s17, s18;
	s20 =	sadd.s32 s8, s18  }
0xe: {  	s21 =	sshrl.u32 s7, $0x3;
	s7 =	smax.u32 s25, $0x1;
	[dreg:$0x3] =	wrdreg s6  }
0xf: {  	s25 =	simm.s32 $0x6;
	s1 =	sadd.s32 s1, s9;
	[dreg:$0x5] =	wrdreg s19  }
0x10: {  	[dreg:$0x6] =	wrdreg s20;
	s22 =	sadd.s32 s17, s21;
	s24 =	sadd.s32 s8, s21  }
0x11: {  	v2 =	vlaneseq.u32;
	s6 =	sadd.s32 $0x11900, s0;
	s8 =	simm.s32 $0x200;
	[dreg:$0x4] =	wrdreg s1  }
0x12: {  	vm0 =	vmmov $0xffff;
	v1 =	vshrl.u32 v2, $0x3;
	s9 =	simm.s32 $0x8200;
	s21 =	simm.s32 $0xFA00;
	[dreg:$0x7] =	wrdreg s22  }
0x13: {  	v0 =	vand.u32 $0x7, v2;
	v2 =	vor.u32 $0x8, v2;
	v1 =	vmul.u32 $0x8, v1;
	[dreg:$0x8] =	wrdreg s24;
	s22 =	simm.s32 $0x3;
	s24 =	simm.s32 $0x5  }
.LBB2_1:
0x14: {  	s26 =	rddreg [dreg:$0x3]  }
0x15: {  	[tilespmem:s8], [sflag:$0x1] =	stream.linear.gather [hbm4b:s26+s2], $0x8000, $0x38;
	[tilespmem:$0x10200] =	vst v63  }
0x16: {  	s29 =	rddreg [dreg:$0x4]  }
0x17: {  	[tilespmem:s9], [sflag:$0x2] =	stream.linear.gather [hbm4b:s29+s2], $0x8000, $0x38;
	[tilespmem:$0x10200] =	vst v63  }
0x18: {  	s15 =	rddreg [dreg:$0x5]  }
0x19: {  	[tilespmem:s2], [sflag:$0x7] =	stream.linear.gather [hbm4b:s15+s2], $0x20, $0x38;
	[tilespmem:$0x10200] =	vst v63  }
0x1a: {  	_ =	swait.ge [sflag:s10], $0x20  }
0x1b: {  	s16 =	rddreg [dreg:$0x6];
	[sflag:s10] =	ssyncset.done $0x0  }
0x1c: {  	s17 =	rddreg [dreg:$0x9];
	[sflag:s10] =	ssyncadd.s32 $0xFFFFFFE0  }
0x1d: {  	[tilespmem:s17], [sflag:$0x7] =	stream.linear.gather [hbm4b:s16+s2], $0x20, $0x38;
	[tilespmem:$0x10200] =	vst v63  }
0x1e: {  	_ =	swait.ge [sflag:s10], $0x20  }
0x1f: {  	s18 =	rddreg [dreg:$0x7];
	[sflag:s10] =	ssyncset.done $0x0  }
0x20: {  	s19 =	rddreg [dreg:$0xa];
	[sflag:s10] =	ssyncadd.s32 $0xFFFFFFE0  }
0x21: {  	[tilespmem:s19], [sflag:$0x7] =	stream.linear.gather [hbm4b:s18+s2], $0x20, $0x38;
	[tilespmem:$0x10200] =	vst v63  }
0x22: {  	_ =	swait.ge [sflag:s10], $0x20  }
0x23: {  	s20 =	rddreg [dreg:$0x8];
	[sflag:s10] =	ssyncset.done $0x0  }
0x24: {  	s30 =	rddreg [dreg:$0xb];
	[sflag:s10] =	ssyncadd.s32 $0xFFFFFFE0  }
0x25: {  	[tilespmem:s30], [sflag:$0x7] =	stream.linear.gather [hbm4b:s20+s2], $0x20, $0x38;
	[tilespmem:$0x10200] =	vst v63  }
0x26: {  	_ =	swait.ge [sflag:s10], $0x20  }
0x27: {  	[sflag:s10] =	ssyncset.done $0x0  }
0x28: {  	[sflag:s10] =	ssyncadd.s32 $0xFFFFFFE0  }
0x29: {  	_ =	swait.ge [sflag:s11], $0x8000  }
0x2a: {  	[sflag:s11] =	ssyncset.done $0x0  }
0x2b: {  	[sflag:s11] =	ssyncadd.s32 $0xFFFF8000  }
0x2c: {  	v3 =	vld [tilespmem:$0x0];
	_ =	sdelay $0x4  }
0x2d: {  	v4 =	vshll.u32 v3, $0x3  }
0x2e: {  	v3 =	vand.u32 $0x7, v3;
	v4 =	vand.u32 $0xFFFFFFC0, v4  }
0x2f: {  	v3 =	vor.u32 v3, v4  }
0x30: {  	v4 =	vperm.xlane v3, v0;
	_ =	sdelay $0x1  }
0x31: {  	v4 =	vadd.s32 v1, v4;
	_ =	sdelay $0x4  }
0x32: {  	[hbm4b:s3+s2] =	stream.indirect_vreg.scatter [tilespmem:s8], [sflag:$0x3], $0x80, v4, vm0, $0xb8;
	[tilespmem:$0x10200] =	vst v63  }
0x33: {  	s26 =	simm.s32 $0xA00;
	v3 =	vperm.xlane v3, v2  }
0x34: {  	[hbm4b:s4+s2] =	stream.indirect_vreg.scatter [tilespmem:s26], [sflag:$0x3], $0x80, v4, vm0, $0xb8;
	[tilespmem:$0x10200] =	vst v63  }
0x35: {  	s29 =	simm.s32 $0x1200;
	v3 =	vadd.s32 v1, v3  }
0x36: {  	[hbm4b:s5+s2] =	stream.indirect_vreg.scatter [tilespmem:s29], [sflag:$0x3], $0x80, v4, vm0, $0xb8;
	[tilespmem:$0x10200] =	vst v63  }
0x37: {  	s30 =	simm.s32 $0x1A00  }
0x38: {  	[hbm4b:s6+s2] =	stream.indirect_vreg.scatter [tilespmem:s30], [sflag:$0x3], $0x80, v4, vm0, $0xb8;
	[tilespmem:$0x10200] =	vst v63  }
0x39: {  	_ = 	snop  }
0x3a: {  	[hbm4b:s3+s2] =	stream.indirect_vreg.scatter [tilespmem:s31], [sflag:$0x3], $0x80, v3, vm0, $0xb8;
	[tilespmem:$0x10200] =	vst v63  }
0x3b: {  	s0 =	simm.s32 $0x2A00  }
0x3c: {  	[hbm4b:s4+s2] =	stream.indirect_vreg.scatter [tilespmem:s0], [sflag:$0x3], $0x80, v3, vm0, $0xb8;
	[tilespmem:$0x10200] =	vst v63  }
0x3d: {  	s1 =	simm.s32 $0x3200  }
0x3e: {  	[hbm4b:s5+s2] =	stream.indirect_vreg.scatter [tilespmem:s1], [sflag:$0x3], $0x80, v3, vm0, $0xb8;
	[tilespmem:$0x10200] =	vst v63  }
0x3f: {  	s12 =	simm.s32 $0x3A00  }
0x40: {  	[hbm4b:s6+s2] =	stream.indirect_vreg.scatter [tilespmem:s12], [sflag:$0x3], $0x80, v3, vm0, $0xb8;
	[tilespmem:$0x10200] =	vst v63  }
0x41: {  	v3 =	vld [tilespmem:$0x10];
	_ =	sdelay $0x4  }
0x42: {  	v57 =	vshll.u32 v3, $0x3  }
0x43: {  	v3 =	vand.u32 $0x7, v3;
	v4 =	vand.u32 $0xFFFFFFC0, v57  }
0x44: {  	v3 =	vor.u32 v3, v4  }
0x45: {  	v4 =	vperm.xlane v3, v0;
	_ =	sdelay $0x1  }
0x46: {  	v4 =	vadd.s32 v1, v4;
	_ =	sdelay $0x3  }
0x47: {  	s13 =	simm.s32 $0x4200  }
0x48: {  	[hbm4b:s3+s2] =	stream.indirect_vreg.scatter [tilespmem:s13], [sflag:$0x3], $0x80, v4, vm0, $0xb8;
	[tilespmem:$0x10200] =	vst v63  }
0x49: {  	s14 =	simm.s32 $0x4A00;
	v3 =	vperm.xlane v3, v2  }
0x4a: {  	[hbm4b:s4+s2] =	stream.indirect_vreg.scatter [tilespmem:s14], [sflag:$0x3], $0x80, v4, vm0, $0xb8;
	[tilespmem:$0x10200] =	vst v63  }
0x4b: {  	s15 =	simm.s32 $0x5200;
	v3 =	vadd.s32 v1, v3  }
0x4c: {  	[hbm4b:s5+s2] =	stream.indirect_vreg.scatter [tilespmem:s15], [sflag:$0x3], $0x80, v4, vm0, $0xb8;
	[tilespmem:$0x10200] =	vst v63  }
0x4d: {  	s16 =	simm.s32 $0x5A00  }
0x4e: {  	[hbm4b:s6+s2] =	stream.indirect_vreg.scatter [tilespmem:s16], [sflag:$0x3], $0x80, v4, vm0, $0xb8;
	[tilespmem:$0x10200] =	vst v63  }
0x4f: {  	s17 =	simm.s32 $0x6200  }
0x50: {  	[hbm4b:s3+s2] =	stream.indirect_vreg.scatter [tilespmem:s17], [sflag:$0x3], $0x80, v3, vm0, $0xb8;
	[tilespmem:$0x10200] =	vst v63  }
0x51: {  	s18 =	simm.s32 $0x6A00  }
0x52: {  	[hbm4b:s4+s2] =	stream.indirect_vreg.scatter [tilespmem:s18], [sflag:$0x3], $0x80, v3, vm0, $0xb8;
	[tilespmem:$0x10200] =	vst v63  }
0x53: {  	s19 =	simm.s32 $0x7200  }
0x54: {  	[hbm4b:s5+s2] =	stream.indirect_vreg.scatter [tilespmem:s19], [sflag:$0x3], $0x80, v3, vm0, $0xb8;
	[tilespmem:$0x10200] =	vst v63  }
0x55: {  	s20 =	simm.s32 $0x7A00  }
0x56: {  	[hbm4b:s6+s2] =	stream.indirect_vreg.scatter [tilespmem:s20], [sflag:$0x3], $0x80, v3, vm0, $0xb8;
	[tilespmem:$0x10200] =	vst v63  }
0x57: {  	v3 =	vld [tilespmem:$0x100];
	_ =	sdelay $0x4  }
0x58: {  	v58 =	vshll.u32 v3, $0x3  }
0x59: {  	v3 =	vand.u32 $0x7, v3;
	v4 =	vand.u32 $0xFFFFFFC0, v58  }
0x5a: {  	v3 =	vor.u32 v3, v4  }
0x5b: {  	v4 =	vperm.xlane v3, v0;
	_ =	sdelay $0x1  }
0x5c: {  	v4 =	vadd.s32 v1, v4;
	_ =	sdelay $0x4  }
0x5d: {  	[hbm4b:s3+s2] =	stream.indirect_vreg.scatter [tilespmem:s8], [sflag:$0x4], $0x80, v4, vm0, $0xb8;
	[tilespmem:$0x10200] =	vst v63  }
0x5e: {  	v3 =	vperm.xlane v3, v2  }
0x5f: {  	[hbm4b:s4+s2] =	stream.indirect_vreg.scatter [tilespmem:s26], [sflag:$0x4], $0x80, v4, vm0, $0xb8;
	[tilespmem:$0x10200] =	vst v63  }
0x60: {  	v3 =	vadd.s32 v1, v3  }
0x61: {  	[hbm4b:s5+s2] =	stream.indirect_vreg.scatter [tilespmem:s29], [sflag:$0x4], $0x80, v4, vm0, $0xb8;
	[tilespmem:$0x10200] =	vst v63  }
0x62: {  	_ = 	snop  }
0x63: {  	[hbm4b:s6+s2] =	stream.indirect_vreg.scatter [tilespmem:s30], [sflag:$0x4], $0x80, v4, vm0, $0xb8;
	[tilespmem:$0x10200] =	vst v63  }
0x64: {  	_ = 	snop  }
0x65: {  	[hbm4b:s3+s2] =	stream.indirect_vreg.scatter [tilespmem:s31], [sflag:$0x4], $0x80, v3, vm0, $0xb8;
	[tilespmem:$0x10200] =	vst v63  }
0x66: {  	_ = 	snop  }
0x67: {  	[hbm4b:s4+s2] =	stream.indirect_vreg.scatter [tilespmem:s0], [sflag:$0x4], $0x80, v3, vm0, $0xb8;
	[tilespmem:$0x10200] =	vst v63  }
0x68: {  	_ = 	snop  }
0x69: {  	[hbm4b:s5+s2] =	stream.indirect_vreg.scatter [tilespmem:s1], [sflag:$0x4], $0x80, v3, vm0, $0xb8;
	[tilespmem:$0x10200] =	vst v63  }
0x6a: {  	_ = 	snop  }
0x6b: {  	[hbm4b:s6+s2] =	stream.indirect_vreg.scatter [tilespmem:s12], [sflag:$0x4], $0x80, v3, vm0, $0xb8;
	[tilespmem:$0x10200] =	vst v63  }
0x6c: {  	v3 =	vld [tilespmem:$0x110];
	_ =	sdelay $0x4  }
0x6d: {  	v59 =	vshll.u32 v3, $0x3  }
0x6e: {  	v3 =	vand.u32 $0x7, v3;
	v4 =	vand.u32 $0xFFFFFFC0, v59  }
0x6f: {  	v3 =	vor.u32 v3, v4  }
0x70: {  	v4 =	vperm.xlane v3, v0;
	_ =	sdelay $0x1  }
0x71: {  	v4 =	vadd.s32 v1, v4;
	_ =	sdelay $0x4  }
0x72: {  	[hbm4b:s3+s2] =	stream.indirect_vreg.scatter [tilespmem:s13], [sflag:$0x4], $0x80, v4, vm0, $0xb8;
	[tilespmem:$0x10200] =	vst v63  }
0x73: {  	v3 =	vperm.xlane v3, v2  }
0x74: {  	[hbm4b:s4+s2] =	stream.indirect_vreg.scatter [tilespmem:s14], [sflag:$0x4], $0x80, v4, vm0, $0xb8;
	[tilespmem:$0x10200] =	vst v63  }
0x75: {  	v3 =	vadd.s32 v1, v3  }
0x76: {  	[hbm4b:s5+s2] =	stream.indirect_vreg.scatter [tilespmem:s15], [sflag:$0x4], $0x80, v4, vm0, $0xb8;
	[tilespmem:$0x10200] =	vst v63  }
0x77: {  	_ = 	snop  }
0x78: {  	[hbm4b:s6+s2] =	stream.indirect_vreg.scatter [tilespmem:s16], [sflag:$0x4], $0x80, v4, vm0, $0xb8;
	[tilespmem:$0x10200] =	vst v63  }
0x79: {  	_ = 	snop  }
0x7a: {  	[hbm4b:s3+s2] =	stream.indirect_vreg.scatter [tilespmem:s17], [sflag:$0x4], $0x80, v3, vm0, $0xb8;
	[tilespmem:$0x10200] =	vst v63  }
0x7b: {  	_ = 	snop  }
0x7c: {  	[hbm4b:s4+s2] =	stream.indirect_vreg.scatter [tilespmem:s18], [sflag:$0x4], $0x80, v3, vm0, $0xb8;
	[tilespmem:$0x10200] =	vst v63  }
0x7d: {  	_ = 	snop  }
0x7e: {  	[hbm4b:s5+s2] =	stream.indirect_vreg.scatter [tilespmem:s19], [sflag:$0x4], $0x80, v3, vm0, $0xb8;
	[tilespmem:$0x10200] =	vst v63  }
0x7f: {  	_ = 	snop  }
0x80: {  	[hbm4b:s6+s2] =	stream.indirect_vreg.scatter [tilespmem:s20], [sflag:$0x4], $0x80, v3, vm0, $0xb8;
	[tilespmem:$0x10200] =	vst v63  }
0x81: {  	_ =	swait.ge [sflag:s28], $0x8000  }
0x82: {  	[sflag:s28] =	ssyncset.done $0x0  }
0x83: {  	[sflag:s28] =	ssyncadd.s32 $0xFFFF8000  }
0x84: {  	v3 =	vld [tilespmem:$0x80];
	_ =	sdelay $0x4  }
0x85: {  	v60 =	vshll.u32 v3, $0x3  }
0x86: {  	v3 =	vand.u32 $0x7, v3;
	v4 =	vand.u32 $0xFFFFFFC0, v60  }
0x87: {  	v3 =	vor.u32 v3, v4  }
0x88: {  	v4 =	vperm.xlane v3, v0;
	_ =	sdelay $0x1  }
0x89: {  	v4 =	vadd.s32 v1, v4;
	_ =	sdelay $0x4  }
0x8a: {  	[hbm4b:s3+s2] =	stream.indirect_vreg.scatter [tilespmem:s9], [sflag:$0x5], $0x80, v4, vm0, $0xb8;
	[tilespmem:$0x10200] =	vst v63  }
0x8b: {  	s0 =	simm.s32 $0x8A00;
	v3 =	vperm.xlane v3, v2  }
0x8c: {  	[hbm4b:s4+s2] =	stream.indirect_vreg.scatter [tilespmem:s0], [sflag:$0x5], $0x80, v4, vm0, $0xb8;
	[tilespmem:$0x10200] =	vst v63  }
0x8d: {  	s1 =	simm.s32 $0x9200;
	v3 =	vadd.s32 v1, v3  }
0x8e: {  	[hbm4b:s5+s2] =	stream.indirect_vreg.scatter [tilespmem:s1], [sflag:$0x5], $0x80, v4, vm0, $0xb8;
	[tilespmem:$0x10200] =	vst v63  }
0x8f: {  	s12 =	simm.s32 $0x9A00  }
0x90: {  	[hbm4b:s6+s2] =	stream.indirect_vreg.scatter [tilespmem:s12], [sflag:$0x5], $0x80, v4, vm0, $0xb8;
	[tilespmem:$0x10200] =	vst v63  }
0x91: {  	s13 =	simm.s32 $0xA200  }
0x92: {  	[hbm4b:s3+s2] =	stream.indirect_vreg.scatter [tilespmem:s13], [sflag:$0x5], $0x80, v3, vm0, $0xb8;
	[tilespmem:$0x10200] =	vst v63  }
0x93: {  	s14 =	simm.s32 $0xAA00  }
0x94: {  	[hbm4b:s4+s2] =	stream.indirect_vreg.scatter [tilespmem:s14], [sflag:$0x5], $0x80, v3, vm0, $0xb8;
	[tilespmem:$0x10200] =	vst v63  }
0x95: {  	s15 =	simm.s32 $0xB200  }
0x96: {  	[hbm4b:s5+s2] =	stream.indirect_vreg.scatter [tilespmem:s15], [sflag:$0x5], $0x80, v3, vm0, $0xb8;
	[tilespmem:$0x10200] =	vst v63  }
0x97: {  	s16 =	simm.s32 $0xBA00  }
0x98: {  	[hbm4b:s6+s2] =	stream.indirect_vreg.scatter [tilespmem:s16], [sflag:$0x5], $0x80, v3, vm0, $0xb8;
	[tilespmem:$0x10200] =	vst v63  }
0x99: {  	v3 =	vld [tilespmem:$0x90];
	_ =	sdelay $0x4  }
0x9a: {  	v61 =	vshll.u32 v3, $0x3  }
0x9b: {  	v3 =	vand.u32 $0x7, v3;
	v4 =	vand.u32 $0xFFFFFFC0, v61  }
0x9c: {  	v3 =	vor.u32 v3, v4  }
0x9d: {  	v4 =	vperm.xlane v3, v0;
	_ =	sdelay $0x1  }
0x9e: {  	v4 =	vadd.s32 v1, v4;
	_ =	sdelay $0x3  }
0x9f: {  	s17 =	simm.s32 $0xC200  }
0xa0: {  	[hbm4b:s3+s2] =	stream.indirect_vreg.scatter [tilespmem:s17], [sflag:$0x5], $0x80, v4, vm0, $0xb8;
	[tilespmem:$0x10200] =	vst v63  }
0xa1: {  	s18 =	simm.s32 $0xCA00;
	v3 =	vperm.xlane v3, v2  }
0xa2: {  	[hbm4b:s4+s2] =	stream.indirect_vreg.scatter [tilespmem:s18], [sflag:$0x5], $0x80, v4, vm0, $0xb8;
	[tilespmem:$0x10200] =	vst v63  }
0xa3: {  	s19 =	simm.s32 $0xD200;
	v3 =	vadd.s32 v1, v3  }
0xa4: {  	[hbm4b:s5+s2] =	stream.indirect_vreg.scatter [tilespmem:s19], [sflag:$0x5], $0x80, v4, vm0, $0xb8;
	[tilespmem:$0x10200] =	vst v63  }
0xa5: {  	s20 =	simm.s32 $0xDA00  }
0xa6: {  	[hbm4b:s6+s2] =	stream.indirect_vreg.scatter [tilespmem:s20], [sflag:$0x5], $0x80, v4, vm0, $0xb8;
	[tilespmem:$0x10200] =	vst v63  }
0xa7: {  	s26 =	simm.s32 $0xE200  }
0xa8: {  	[hbm4b:s3+s2] =	stream.indirect_vreg.scatter [tilespmem:s26], [sflag:$0x5], $0x80, v3, vm0, $0xb8;
	[tilespmem:$0x10200] =	vst v63  }
0xa9: {  	s29 =	simm.s32 $0xEA00  }
0xaa: {  	[hbm4b:s4+s2] =	stream.indirect_vreg.scatter [tilespmem:s29], [sflag:$0x5], $0x80, v3, vm0, $0xb8;
	[tilespmem:$0x10200] =	vst v63  }
0xab: {  	s30 =	simm.s32 $0xF200  }
0xac: {  	[hbm4b:s5+s2] =	stream.indirect_vreg.scatter [tilespmem:s30], [sflag:$0x5], $0x80, v3, vm0, $0xb8;
	[tilespmem:$0x10200] =	vst v63  }
0xad: {  	_ = 	snop  }
0xae: {  	[hbm4b:s6+s2] =	stream.indirect_vreg.scatter [tilespmem:s21], [sflag:$0x5], $0x80, v3, vm0, $0xb8;
	[tilespmem:$0x10200] =	vst v63  }
0xaf: {  	v3 =	vld [tilespmem:$0x180];
	_ =	sdelay $0x4  }
0xb0: {  	v62 =	vshll.u32 v3, $0x3  }
0xb1: {  	v3 =	vand.u32 $0x7, v3;
	v4 =	vand.u32 $0xFFFFFFC0, v62  }
0xb2: {  	v3 =	vor.u32 v3, v4  }
0xb3: {  	v4 =	vperm.xlane v3, v0;
	_ =	sdelay $0x1  }
0xb4: {  	v4 =	vadd.s32 v1, v4;
	_ =	sdelay $0x4  }
0xb5: {  	[hbm4b:s3+s2] =	stream.indirect_vreg.scatter [tilespmem:s9], [sflag:$0x6], $0x80, v4, vm0, $0xb8;
	[tilespmem:$0x10200] =	vst v63  }
0xb6: {  	v3 =	vperm.xlane v3, v2  }
0xb7: {  	[hbm4b:s4+s2] =	stream.indirect_vreg.scatter [tilespmem:s0], [sflag:$0x6], $0x80, v4, vm0, $0xb8;
	[tilespmem:$0x10200] =	vst v63  }
0xb8: {  	v3 =	vadd.s32 v1, v3  }
0xb9: {  	[hbm4b:s5+s2] =	stream.indirect_vreg.scatter [tilespmem:s1], [sflag:$0x6], $0x80, v4, vm0, $0xb8;
	[tilespmem:$0x10200] =	vst v63  }
0xba: {  	_ = 	snop  }
0xbb: {  	[hbm4b:s6+s2] =	stream.indirect_vreg.scatter [tilespmem:s12], [sflag:$0x6], $0x80, v4, vm0, $0xb8;
	[tilespmem:$0x10200] =	vst v63  }
0xbc: {  	_ = 	snop  }
0xbd: {  	[hbm4b:s3+s2] =	stream.indirect_vreg.scatter [tilespmem:s13], [sflag:$0x6], $0x80, v3, vm0, $0xb8;
	[tilespmem:$0x10200] =	vst v63  }
0xbe: {  	_ = 	snop  }
0xbf: {  	[hbm4b:s4+s2] =	stream.indirect_vreg.scatter [tilespmem:s14], [sflag:$0x6], $0x80, v3, vm0, $0xb8;
	[tilespmem:$0x10200] =	vst v63  }
0xc0: {  	_ = 	snop  }
0xc1: {  	[hbm4b:s5+s2] =	stream.indirect_vreg.scatter [tilespmem:s15], [sflag:$0x6], $0x80, v3, vm0, $0xb8;
	[tilespmem:$0x10200] =	vst v63  }
0xc2: {  	_ = 	snop  }
0xc3: {  	[hbm4b:s6+s2] =	stream.indirect_vreg.scatter [tilespmem:s16], [sflag:$0x6], $0x80, v3, vm0, $0xb8;
	[tilespmem:$0x10200] =	vst v63  }
0xc4: {  	v3 =	vld [tilespmem:$0x190];
	_ =	sdelay $0x4  }
0xc5: {  	v63 =	vshll.u32 v3, $0x3  }
0xc6: {  	v3 =	vand.u32 $0x7, v3;
	v4 =	vand.u32 $0xFFFFFFC0, v63  }
0xc7: {  	v3 =	vor.u32 v3, v4  }
0xc8: {  	v4 =	vperm.xlane v3, v0;
	_ =	sdelay $0x1  }
0xc9: {  	v4 =	vadd.s32 v1, v4;
	_ =	sdelay $0x4  }
0xca: {  	[hbm4b:s3+s2] =	stream.indirect_vreg.scatter [tilespmem:s17], [sflag:$0x6], $0x80, v4, vm0, $0xb8;
	[tilespmem:$0x10200] =	vst v63  }
0xcb: {  	v3 =	vperm.xlane v3, v2  }
0xcc: {  	[hbm4b:s4+s2] =	stream.indirect_vreg.scatter [tilespmem:s18], [sflag:$0x6], $0x80, v4, vm0, $0xb8;
	[tilespmem:$0x10200] =	vst v63  }
0xcd: {  	v3 =	vadd.s32 v1, v3  }
0xce: {  	[hbm4b:s5+s2] =	stream.indirect_vreg.scatter [tilespmem:s19], [sflag:$0x6], $0x80, v4, vm0, $0xb8;
	[tilespmem:$0x10200] =	vst v63  }
0xcf: {  	_ = 	snop  }
0xd0: {  	[hbm4b:s6+s2] =	stream.indirect_vreg.scatter [tilespmem:s20], [sflag:$0x6], $0x80, v4, vm0, $0xb8;
	[tilespmem:$0x10200] =	vst v63  }
0xd1: {  	_ = 	snop  }
0xd2: {  	[hbm4b:s3+s2] =	stream.indirect_vreg.scatter [tilespmem:s26], [sflag:$0x6], $0x80, v3, vm0, $0xb8;
	[tilespmem:$0x10200] =	vst v63  }
0xd3: {  	_ = 	snop  }
0xd4: {  	[hbm4b:s4+s2] =	stream.indirect_vreg.scatter [tilespmem:s29], [sflag:$0x6], $0x80, v3, vm0, $0xb8;
	[tilespmem:$0x10200] =	vst v63  }
0xd5: {  	_ = 	snop  }
0xd6: {  	[hbm4b:s5+s2] =	stream.indirect_vreg.scatter [tilespmem:s30], [sflag:$0x6], $0x80, v3, vm0, $0xb8;
	[tilespmem:$0x10200] =	vst v63  }
0xd7: {  	_ = 	snop  }
0xd8: {  	[hbm4b:s6+s2] =	stream.indirect_vreg.scatter [tilespmem:s21], [sflag:$0x6], $0x80, v3, vm0, $0xb8;
	[tilespmem:$0x10200] =	vst v63  }
0xd9: {  	_ =	swait.ge [sflag:s22], $0x8000  }
0xda: {  	[sflag:s22] =	ssyncset.done $0x0  }
0xdb: {  	[sflag:s22] =	ssyncadd.s32 $0xFFFF8000  }
0xdc: {  	_ =	swait.ge [sflag:s23], $0x8000  }
0xdd: {  	[sflag:s23] =	ssyncset.done $0x0  }
0xde: {  	[sflag:s23] =	ssyncadd.s32 $0xFFFF8000  }
0xdf: {  	p0 =	sne.s32 s7, $0x1;
	_ =	swait.ge [sflag:s24], $0x8000  }
.Ltmp0:
0xe0: {  	[sflag:s24] =	ssyncset.done $0x0;
	(pc) =	sbr.rel @p0 .LBB2_1-.Ltmp0, $4  }
0xe1: {  	[sflag:s24] =	ssyncadd.s32 $0xFFFF8000  }
0xe2: {  	_ =	swait.ge [sflag:s25], $0x8000  }
0xe3: {  	[sflag:s25] =	ssyncset.done $0x0  }
0xe4: {  	s7 =	sadd.s32 $0xFFFFFFFF, s7;
	[sflag:s25] =	ssyncadd.s32 $0xFFFF8000  }
0xe5: {  	_ =	sfence.sel $0x180000  }
0xe6: {  	[bflag:$0x0] =	sbarrier.arrive $0xFFFF  }
0xe7: {  	_ =	strace $0x90000047  }
0xe8: {  	s0 =	stileid.u32;
	[bflag:$0x2] =	sbarrier.arrive $0xFFFF  }
0xe9: {  	p0 =	sne.s32 s0, $0x0;
	s0 =	rddreg [dreg:$0x2]  }
0xea: {  	s0 =	sadd.s32 @!p0 $0x100000, s0  }
0xeb: {  	[sflag:s0] =	ssyncadd.tile.s32 @!p0 $0x1;
	_ =	shalt  }
.Lfunc_end2:
_tile_overlayer_lowered:
.L_overlay_start_2:
0xec: {  	(tag) =	ssettag $0x2  }
0xed: {  	s0 =	rddreg [dreg:$0x0];
	s2 =	stileid.u32  }
0xee: {  	s1 =	rddreg [dreg:$0x1];
	p0 =	sne.s32 s2, $0x0  }
0xef: {  	s3 =	rddreg [dreg:$0x2];
	[bflag:$0x3] =	sbarrier.arrive $0xFFFF;
	s2 =	simm.s32 @!p0 $0x1C07  }
0xf0: {  	[timem:s3], [sflag:s2] =	dma.local @!p0 [hbm:s0], s1  }
0xf1: {  	s0 =	simm.s32 @!p0 $0x7  }
0xf2: {  	_ =	swait.ge @!p0 [sflag:s0], s1  }
0xf3: {  	s1 =	ssub.s32 @!p0 $0x0, s1;
	[sflag:s0] =	ssyncset.done @!p0 $0x0  }
0xf4: {  	[sflag:s0] =	ssyncadd.s32 @!p0 s1  }
0xf5: {  	[bflag:$0x3] =	sbarrier.arrive $0xFFFF  }
0xf6: {  	_ =	shalt  }

// kernel: kernel.9.cloned.1.call-start
scs
__scs_entry_jumppad:
0x0: {  	(pc) =	sbr.rel $0x88, $3  }
0x1: {  	(tag) =	ssettag $0x0;
	lr =	simm.s32 $0x1  }
0x2: {  	[smem:$0x3F9C] =	sst lr;
	_ =	strace $0xD0000000  }
0x3: {  	_ = 	snop  }
0x4: {  	_ = 	snop  }
0x5: {  	_ = 	snop  }
0x6: {  	_ = 	snop  }
0x7: {  	_ = 	snop  }
__scs_overlays_trampoline_lowered:
0x8: {  	[smem:$0x3FAB] =	sst s0  }
0x9: {  	[smem:$0x3FAC] =	sst s1  }
0xa: {  	[smem:$0x3FAD] =	sst s2  }
0xb: {  	[smem:$0x3FAE] =	sst s3  }
0xc: {  	[smem:$0x3FAF] =	sst s4  }
0xd: {  	[smem:$0x3FB0] =	sst s5  }
0xe: {  	[smem:$0x3FB1] =	sst s6  }
0xf: {  	[smem:$0x3FB2] =	sst s7  }
0x10: {  	[smem:$0x3FB3] =	sst s8  }
0x11: {  	[smem:$0x3FB4] =	sst s9;
	s0 =	simm.s32 @!p0 $0x0  }
0x12: {  	s1 =	sld [smem:$0x3F9A];
	s0 =	simm.s32 @p0 $0x1  }
0x13: {  	[smem:$0x3FB5] =	sst s0;
	s0 =	simm.s32 @!p1 $0x0  }
0x14: {  	s2 =	sld [smem:$0x3F99];
	s0 =	simm.s32 @p1 $0x1  }
0x15: {  	[smem:$0x3FB6] =	sst s0;
	s0 =	simm.s32 @!p2 $0x0  }
0x16: {  	s3 =	sld [smem:$0x3FDB];
	s0 =	simm.s32 @p2 $0x1  }
0x17: {  	s4 =	simm.s32 $0x1BF5;
	[smem:$0x3FB8] =	sst s0  }
0x18: {  	s0 =	sld [smem:$0x3F9B];
	_ =	swait.ge [sflag:s4], $0x0  }
0x19: {  	s7 =	sld [smem:$0x3F9C]  }
0x1a: {  	s8 =	sadd.s32 $0xFFFFE003, lr  }
0x1b: {  	s9 =	sadd.s32 $0xFFFFFEF7, lr;
	s5 =	simm.s32 $0xFFFFFFFF;
	p2 =	slt.u32 s8, $0xFFFFF086  }
0x1c: {  	p1 =	slt.u32 s9, $0xF7A;
	s5 =	simm.s32 @!p2 $0x0  }
0x1d: {  	s5 =	simm.s32 @p1 $0x1;
	p0 =	seq.s32 s7, s2  }
0x1e: {  	s7 =	smul.u32 @!p0 $0xF7A, s2;
	p2 =	seq.s32 @!p0 s5, $0x0  }
0x1f: {  	s9 =	smul.u32 $0xF7A, s1;
	s8 =	simm.s32 @!p0 $0x1BF5;
	p2 =	por !p2, p0  }
0x20: {  	[sflag:s8] =	ssyncset.s32 @!p0 $0xFFFFF086;
	s6 =	sadd.s32 @!p0 s3, s7;
	s7 =	simm.s32 @!p0 $0x108  }
0x21: {  	s3 =	sadd.s32 s3, s9;
	s6 =	sadd.s32 @!p0 $0x88, s6;
	s7 =	simm.s32 @p2 $0x1082  }
0x22: {  	[simem:s7], [sflag:s8] =	dma.local @!p0 [hbm:s6], $0xF7A  }
0x23: {  	s9 =	sor.u32 $0xD0000000, s2;
	s6 =	simm.s32 $0x108;
	_ =	swait.ge @!p0 [sflag:s8], $0x0  }
0x24: {  	s3 =	sadd.s32 $0x88, s3;
	s6 =	simm.s32 @!p1 $0x1082;
	[sflag:s4] =	ssyncset.s32 $0xFFFFF086  }
0x25: {  	[simem:s6], [sflag:s4] =	dma.local [hbm:s3], $0xF7A  }
0x26: {  	[smem:$0x3F9C] =	sst s1;
	(tag) =	ssettag s2;
	_ =	strace s9  }
0x27: {  	s1 =	sld [smem:$0x3FAC]  }
0x28: {  	s2 =	sld [smem:$0x3FAD]  }
0x29: {  	s4 =	sld [smem:$0x3FAF]  }
0x2a: {  	p0 =	seq.s32 s5, $0x0;
	s5 =	sld [smem:$0x3FB0]  }
0x2b: {  	s6 =	sld [smem:$0x3FB1]  }
0x2c: {  	s7 =	sld [smem:$0x3FB2]  }
0x2d: {  	s3 =	simm.s32 $0x108;
	s8 =	sld [smem:$0x3FB3]  }
0x2e: {  	s3 =	simm.s32 @!p0 $0x1082;
	s9 =	sld [smem:$0x3FB4]  }
0x2f: {  	lr =	sadd.s32 s0, s3;
	s0 =	sld [smem:$0x3FAB]  }
0x30: {  	s3 =	sld [smem:$0x3FAE]  }
0x31: {  	[smem:$0x3FB7] =	sst s10  }
0x32: {  	s10 =	sld [smem:$0x3FB5];
	_ =	sdelay $0x3  }
0x33: {  	p0 =	seq.s32 s10, $0x1;
	s10 =	sld [smem:$0x3FB7];
	_ =	sdelay $0x3  }
0x34: {  	[smem:$0x3FB7] =	sst s10  }
0x35: {  	s10 =	sld [smem:$0x3FB6];
	_ =	sdelay $0x3  }
0x36: {  	p1 =	seq.s32 s10, $0x1;
	s10 =	sld [smem:$0x3FB7];
	_ =	sdelay $0x3  }
0x37: {  	[smem:$0x3FB7] =	sst s10  }
0x38: {  	s10 =	sld [smem:$0x3FB8]  }
0x39: {  	_ = 	snop;
	(pc) =	sbr.ind lr, $3  }
0x3a: {  	_ = 	snop  }
0x3b: {  	_ = 	snop  }
0x3c: {  	p2 =	seq.s32 s10, $0x1;
	s10 =	sld [smem:$0x3FB7]  }
0x3d: {  	_ =	shalt  }
0x3e: {  	_ =	shalt  }
0x3f: {  	_ =	shalt  }
0x40: {  	_ =	shalt  }
0x41: {  	_ =	shalt  }
0x42: {  	_ =	shalt  }
0x43: {  	_ =	shalt  }
0x44: {  	_ =	shalt  }
0x45: {  	_ =	shalt  }
0x46: {  	_ =	shalt  }
0x47: {  	_ =	shalt  }
0x48: {  	_ =	shalt  }
0x49: {  	_ =	shalt  }
0x4a: {  	_ =	shalt  }
0x4b: {  	_ =	shalt  }
0x4c: {  	_ =	shalt  }
0x4d: {  	_ =	shalt  }
0x4e: {  	_ =	shalt  }
0x4f: {  	_ =	shalt  }
0x50: {  	_ =	shalt  }
0x51: {  	_ =	shalt  }
0x52: {  	_ =	shalt  }
0x53: {  	_ =	shalt  }
0x54: {  	_ =	shalt  }
0x55: {  	_ =	shalt  }
0x56: {  	_ =	shalt  }
0x57: {  	_ =	shalt  }
0x58: {  	_ =	shalt  }
0x59: {  	_ =	shalt  }
0x5a: {  	_ =	shalt  }
0x5b: {  	_ =	shalt  }
0x5c: {  	_ =	shalt  }
0x5d: {  	_ =	shalt  }
0x5e: {  	_ =	shalt  }
0x5f: {  	_ =	shalt  }
0x60: {  	_ =	shalt  }
0x61: {  	_ =	shalt  }
0x62: {  	_ =	shalt  }
0x63: {  	_ =	shalt  }
0x64: {  	_ =	shalt  }
0x65: {  	_ =	shalt  }
0x66: {  	_ =	shalt  }
0x67: {  	_ =	shalt  }
0x68: {  	_ =	shalt  }
0x69: {  	_ =	shalt  }
0x6a: {  	_ =	shalt  }
0x6b: {  	_ =	shalt  }
0x6c: {  	_ =	shalt  }
0x6d: {  	_ =	shalt  }
0x6e: {  	_ =	shalt  }
0x6f: {  	_ =	shalt  }
0x70: {  	_ =	shalt  }
0x71: {  	_ =	shalt  }
0x72: {  	_ =	shalt  }
0x73: {  	_ =	shalt  }
0x74: {  	_ =	shalt  }
0x75: {  	_ =	shalt  }
0x76: {  	_ =	shalt  }
0x77: {  	_ =	shalt  }
0x78: {  	_ =	shalt  }
0x79: {  	_ =	shalt  }
0x7a: {  	_ =	shalt  }
0x7b: {  	_ =	shalt  }
0x7c: {  	_ =	shalt  }
0x7d: {  	_ =	shalt  }
0x7e: {  	_ =	shalt  }
0x7f: {  	_ =	shalt  }
0x80: {  	_ =	shalt  }
0x81: {  	_ =	shalt  }
0x82: {  	_ =	shalt  }
0x83: {  	_ =	shalt  }
0x84: {  	_ =	shalt  }
0x85: {  	_ =	shalt  }
0x86: {  	_ =	shalt  }
0x87: {  	_ =	shalt  }
.Lfunc_end0:
.L_simem_size_0:
called_computation.1_lowered:
.L_overlay_start_0:
0x88: {  	s2 =	sld [smem:$0x3FD9]  }
0x89: {  	s3 =	sld [smem:$0x3FFE];
	_ =	sdelay $0x1  }
0x8a: {  	s1 =	srdreg.scid  }
0x8b: {  	s0 =	sand.u32 $0x1, s1  }
0x8c: {  	s17 =	sshll.u32 s0, $0xA;
	s2 =	sadd.s32 s3, s2  }
0x8d: {  	s2 =	sadd.s32 s2, s17  }
0x8e: {  	[smem:$0x3FC3] =	sst s2  }
0x8f: {  	_ = 	snop  }
0x90: {  	s2 =	sld [smem:$0x3FD0];
	(tm) =	ssettm $0x1  }
0x91: {  	s18 =	sld [smem:$0x3FFB];
	_ =	sdelay $0x3  }
0x92: {  	_ =	strace s18  }
0x93: {  	s3 =	sld [smem:$0x3FFC];
	_ =	sdelay $0x3  }
0x94: {  	_ =	strace s3  }
0x95: {  	s3 =	sld [smem:$0x3FFD];
	_ =	sdelay $0x3  }
0x96: {  	_ =	strace s3  }
0x97: {  	_ =	strace $0x8FFFFFFF  }
0x98: {  	s19 =	sld [smem:$0x3FDB];
	_ =	sdelay $0x1  }
0x99: {  	s4 =	simm.s32 $_scs_section_size  }
0x9a: {  	s5 =	simm.s32 $_size__tile_overlayer_lowered;
	s6 =	simm.s32 $_tile_overlayer_lowered  }
0x9b: {  	s22 =	simm.s32 $0x1BFF;
	s21 =	sshll.u32 s6, $0x1;
	s3 =	sadd.s32 s4, s19  }
0x9c: {  	s7 =	simm.s32 $0x0;
	s20 =	sshll.u32 s5, $0x1;
	s5 =	sadd.s32 s21, s3  }
0x9d: {  	[timem:s7], [sflag:s22] =	dma.local [hbm:s5], s20  }
0x9e: {  	_ =	swait.ge [sflag:s22], s20  }
0x9f: {  	s4 =	ssub.s32 $0x0, s20;
	[sflag:s22] =	ssyncset.done $0x0  }
0xa0: {  	[sflag:s22] =	ssyncadd.s32 s4;
	_ =	sdelay $0x1  }
0xa1: {  	s23 =	simm.s32 $0x1B8B  }
0xa2: {  	_ =	swait.ge [sflag:s23], $0x1  }
0xa3: {  	[sflag:s23] =	ssyncset.done $0x0  }
0xa4: {  	s25 =	simm.s32 $0x1B8E;
	s24 =	sld [smem:$0x3FFE];
	[sflag:s23] =	ssyncadd.s32 $0xFFFFFFFF  }
0xa5: {  	s26 =	simm.s32 $execute0_lowered;
	[smem:$0x3FD2] =	sst s25  }
0xa6: {  	s5 =	sshll.u32 s26, $0x1;
	_ =	strace $0x80000049;
	[dreg:$0x1] =	wrdreg $0xFFFFFFFF  }
0xa7: {  	s28 =	simm.s32 $_size_execute0_lowered;
	s3 =	sadd.s32 s3, s5;
	[dreg:$0x0] =	wrdreg $0x0  }
0xa8: {  	s5 =	sshll.u32 s28, $0x1;
	[dreg:$0x2] =	wrdreg s3  }
0xa9: {  	[dreg:$0x3] =	wrdreg s5  }
0xaa: {  	[dreg:$0x4] =	wrdreg $0xC0  }
0xab: {  	_ =	task [dreg:s7], $0x5FFFF  }
0xac: {  	[dreg:$0x1] =	wrdreg $0xFFFFFFFF  }
0xad: {  	[dreg:$0x0] =	wrdreg $0x60  }
0xae: {  	[dreg:$0x2] =	wrdreg s24  }
0xaf: {  	[dreg:$0x3] =	wrdreg s2  }
0xb0: {  	[dreg:$0x4] =	wrdreg $0x9  }
0xb1: {  	_ =	task.clear_ibuf [dreg:s7], $0x5FFFF;
	_ =	strace $0x90000049  }
0xb2: {  	s29 =	simm.s32 $0x9;
	_ =	strace $0x8000004B  }
0xb3: {  	_ =	swait.ge [sflag:s29], $0x1  }
0xb4: {  	[sflag:s29] =	ssyncadd.s32 $0xFFFFFFFF  }
0xb5: {  	_ =	strace $0x9000004B  }
0xb6: {  	_ =	sfence  }
0xb7: {  	s30 =	sld [smem:$0x0];
	_ =	sdelay $0x2  }
0xb8: {  	s31 =	sshll.u32 s1, $0xD;
	s1 =	sshrl.u32 s1, $0x2  }
0xb9: {  	s3 =	sand.u32 $0x4000, s31;
	s1 =	sadd.s32 s1, s30  }
0xba: {  	s0 =	sor.u32 s3, s0;
	s1 =	sshll.u32 s1, $0x11  }
0xbb: {  	s0 =	sor.u32 s1, s0  }
0xbc: {  	s0 =	sadd.s32 $0x8F2B, s0  }
0xbd: {  	[sflag:s0] =	ssyncadd.remote.s32 $0x1  }
0xbe: {  	_ =	sfence.sel $0xFFFF  }
0xbf: {  	[dreg:$0x0] =	wrdreg $0xFFFFFFFF;
	(pc) =	sbr.abs _section_cstart, $3  }
0xc0: {  	[dreg:$0x1] =	wrdreg $0xFFFFFFFF  }
0xc1: {  	_ =	task.clear_ibuf [dreg:s7], $0x2FFFF;
	_ =	strace $0x9FFFFFFF  }
0xc2: {  	(tm) =	ssettm $0x7FFFFFFF  }
0xc3: {  	_ =	shalt  }
tec
execute0_lowered:
.L_overlay_start_1:
0x0: {  	(tag) =	ssettag $0x1  }
0x1: {  	s0 =	rddreg [dreg:$0x0]  }
0x2: {  	s1 =	rddreg [dreg:$0x1]  }
0x3: {  	s3 =	srdreg.scid;
	s2 =	simm.s32 $0x0;
	s4 =	stileid.u32  }
0x4: {  	s28 =	simm.s32 $0x5;
	s3 =	sand.u32 $0x1, s3;
	[smem:$0x7FF] =	sst s2  }
0x5: {  	s4 =	sshll.u32 s4, $0x7;
	s9 =	sadd.s32 $0x1200, s0;
	s31 =	sadd.s32 $0x1400, s0  }
0x6: {  	s5 =	sshll.u32 s3, $0x6;
	_ =	strace $0x8000004A;
	s7 =	ssub.s32 $0x2, s3  }
0x7: {  	s3 =	sadd.s32 $0xC9600, s0;
	s4 =	sor.u32 s5, s4;
	s14 =	sshrl.u32 s7, $0x1  }
0x8: {  	s5 =	simm.s32 $0x13400;
	s6 =	sshll.u32 s4, $0x4;
	s8 =	sshrl.u32 s4, $0x3  }
0x9: {  	s11 =	ssub.s32 s7, s14;
	s12 =	sor.u32 $0x10, s4;
	s7 =	sadd.s32 $0xC9800, s0  }
0xa: {  	s18 =	sor.u32 $0x20, s4;
	s14 =	sor.u32 $0x30, s4;
	s23 =	sshll.u32 s4, $0x7  }
0xb: {  	s4 =	simm.s32 $0x12400;
	s10 =	sadd.s32 s6, s0;
	s15 =	sadd.s32 s9, s8  }
0xc: {  	s16 =	sadd.s32 s31, s8;
	s6 =	sadd.s32 $0xC9700, s0;
	s8 =	sadd.s32 $0xC9900, s0  }
0xd: {  	s17 =	sshrl.u32 s12, $0x3;
	s19 =	sshrl.u32 s18, $0x3;
	s25 =	sshll.u32 s12, $0x7  }
0xe: {  	s26 =	sshll.u32 s18, $0x7;
	s29 =	sshll.u32 s14, $0x7;
	[dreg:$0x3] =	wrdreg s15  }
0xf: {  	s12 =	simm.s32 $0xBC00;
	s18 =	simm.s32 $0x18400;
	[dreg:$0x4] =	wrdreg s16  }
0x10: {  	s13 =	sadd.s32 s9, s17;
	s0 =	sadd.s32 s31, s17;
	s15 =	sshrl.u32 s14, $0x3  }
0x11: {  	s16 =	sadd.s32 s9, s19;
	s22 =	sadd.s32 $0x1600, s10;
	[dreg:$0x5] =	wrdreg s13  }
0x12: {  	s24 =	sadd.s32 $0x9600, s10;
	s30 =	sadd.s32 s1, s29;
	[dreg:$0x6] =	wrdreg s0  }
0x13: {  	s14 =	simm.s32 $0x11C00;
	s17 =	simm.s32 $0x14400;
	[dreg:$0x7] =	wrdreg s16  }
0x14: {  	s10 =	simm.s32 $0x0;
	s0 =	sadd.s32 s31, s19;
	[dreg:$0xb] =	wrdreg s22  }
0x15: {  	s20 =	sadd.s32 s9, s15;
	s21 =	sadd.s32 s31, s15;
	[dreg:$0xc] =	wrdreg s24  }
0x16: {  	[dreg:$0x10] =	wrdreg s30;
	s31 =	smax.u32 s11, $0x1;
	s22 =	simm.s32 $0x7  }
0x17: {  	s13 =	simm.s32 $0x10C00;
	s15 =	simm.s32 $0x12C00;
	[dreg:$0x8] =	wrdreg s0  }
0x18: {  	s24 =	simm.s32 $0x13C00;
	s16 =	simm.s32 $0x1;
	[dreg:$0x9] =	wrdreg s20  }
0x19: {  	s9 =	simm.s32 $0x3;
	s19 =	simm.s32 $0x6;
	[dreg:$0xa] =	wrdreg s21  }
0x1a: {  	s0 =	sadd.s32 s1, s23;
	[dreg:$0x11] =	wrdreg s31;
	s23 =	simm.s32 $0x11400  }
0x1b: {  	v2 =	vlaneseq.u32;
	[dreg:$0xd] =	wrdreg s0;
	s0 =	sadd.s32 s1, s25;
	s25 =	simm.s32 $0x2  }
0x1c: {  	vm0 =	vmmov $0xffff;
	v1 =	vshrl.u32 v2, $0x3;
	[dreg:$0xe] =	wrdreg s0;
	s0 =	sadd.s32 s1, s26;
	s1 =	simm.s32 $0x10400  }
0x1d: {  	v0 =	vand.u32 $0x7, v2;
	v2 =	vor.u32 $0x8, v2;
	v1 =	vmul.u32 $0x8, v1;
	s26 =	simm.s32 $0x4;
	[dreg:$0xf] =	wrdreg s0;
	s0 =	simm.s32 $0xB400  }
.LBB2_1:
0x1e: {  	s11 =	rddreg [dreg:$0x3]  }
0x1f: {  	[tilespmem:s2], [sflag:$0x7] =	stream.linear.gather [hbm4b:s11+s2], $0x10, $0x38;
	[tilespmem:$0x1C400] =	vst v63  }
0x20: {  	_ =	swait.ge [sflag:s22], $0x10  }
0x21: {  	[sflag:s22] =	ssyncset.done $0x0  }
0x22: {  	s20 =	simm.s32 $0x200;
	s31 =	rddreg [dreg:$0x4];
	[sflag:s22] =	ssyncadd.s32 $0xFFFFFFF0  }
0x23: {  	[tilespmem:s20], [sflag:$0x7] =	stream.linear.gather [hbm4b:s31+s2], $0x10, $0x38;
	[tilespmem:$0x1C400] =	vst v63  }
0x24: {  	_ =	swait.ge [sflag:s22], $0x10  }
0x25: {  	[sflag:s22] =	ssyncset.done $0x0  }
0x26: {  	[sflag:s22] =	ssyncadd.s32 $0xFFFFFFF0  }
0x27: {  	v3 =	vld [tilespmem:$0x0];
	_ =	sdelay $0x4  }
0x28: {  	v4 =	vshll.u32 v3, $0x3  }
0x29: {  	v3 =	vand.u32 $0x7, v3;
	v4 =	vand.u32 $0xFFFFFFC0, v4  }
0x2a: {  	v3 =	vor.u32 v3, v4  }
0x2b: {  	v4 =	vperm.xlane v3, v0;
	_ =	sdelay $0x1  }
0x2c: {  	v4 =	vadd.s32 v1, v4;
	_ =	sdelay $0x3  }
0x2d: {  	s20 =	simm.s32 $0x4400  }
0x2e: {  	[tilespmem:s20], [sflag:$0x1] =	stream.indirect_vreg.gather [hbm4b:s3+s2], $0x80, v4, vm0, $0xb8;
	[tilespmem:$0x1C400] =	vst v63  }
0x2f: {  	s21 =	simm.s32 $0x4C00;
	v3 =	vperm.xlane v3, v2  }
0x30: {  	[tilespmem:s21], [sflag:$0x1] =	stream.indirect_vreg.gather [hbm4b:s6+s2], $0x80, v4, vm0, $0xb8;
	[tilespmem:$0x1C400] =	vst v63  }
0x31: {  	s31 =	simm.s32 $0x5400;
	v3 =	vadd.s32 v1, v3  }
0x32: {  	[tilespmem:s31], [sflag:$0x1] =	stream.indirect_vreg.gather [hbm4b:s7+s2], $0x80, v4, vm0, $0xb8;
	[tilespmem:$0x1C400] =	vst v63  }
0x33: {  	s20 =	simm.s32 $0x5C00  }
0x34: {  	[tilespmem:s20], [sflag:$0x1] =	stream.indirect_vreg.gather [hbm4b:s8+s2], $0x80, v4, vm0, $0xb8;
	[tilespmem:$0x1C400] =	vst v63  }
0x35: {  	s21 =	simm.s32 $0x6400  }
0x36: {  	[tilespmem:s21], [sflag:$0x1] =	stream.indirect_vreg.gather [hbm4b:s3+s2], $0x80, v3, vm0, $0xb8;
	[tilespmem:$0x1C400] =	vst v63  }
0x37: {  	s31 =	simm.s32 $0x6C00  }
0x38: {  	[tilespmem:s31], [sflag:$0x1] =	stream.indirect_vreg.gather [hbm4b:s6+s2], $0x80, v3, vm0, $0xb8;
	[tilespmem:$0x1C400] =	vst v63  }
0x39: {  	s20 =	simm.s32 $0x7400  }
0x3a: {  	[tilespmem:s20], [sflag:$0x1] =	stream.indirect_vreg.gather [hbm4b:s7+s2], $0x80, v3, vm0, $0xb8;
	[tilespmem:$0x1C400] =	vst v63  }
0x3b: {  	s21 =	simm.s32 $0x7C00  }
0x3c: {  	[tilespmem:s21], [sflag:$0x1] =	stream.indirect_vreg.gather [hbm4b:s8+s2], $0x80, v3, vm0, $0xb8;
	[tilespmem:$0x1C400] =	vst v63  }
0x3d: {  	v3 =	vld [tilespmem:$0x200];
	_ =	sdelay $0x4  }
0x3e: {  	v4 =	vshll.u32 v3, $0x3  }
0x3f: {  	v3 =	vand.u32 $0x7, v3;
	v4 =	vand.u32 $0xFFFFFFC0, v4  }
0x40: {  	v3 =	vor.u32 v3, v4  }
0x41: {  	v4 =	vperm.xlane v3, v0;
	_ =	sdelay $0x1  }
0x42: {  	v4 =	vadd.s32 v1, v4;
	_ =	sdelay $0x3  }
0x43: {  	s31 =	simm.s32 $0xC400  }
0x44: {  	[tilespmem:s31], [sflag:$0x3] =	stream.indirect_vreg.gather [hbm4b:s3+s2], $0x80, v4, vm0, $0xb8;
	[tilespmem:$0x1C400] =	vst v63  }
0x45: {  	s20 =	simm.s32 $0xCC00;
	v3 =	vperm.xlane v3, v2  }
0x46: {  	[tilespmem:s20], [sflag:$0x3] =	stream.indirect_vreg.gather [hbm4b:s6+s2], $0x80, v4, vm0, $0xb8;
	[tilespmem:$0x1C400] =	vst v63  }
0x47: {  	s21 =	simm.s32 $0xD400;
	v3 =	vadd.s32 v1, v3  }
0x48: {  	[tilespmem:s21], [sflag:$0x3] =	stream.indirect_vreg.gather [hbm4b:s7+s2], $0x80, v4, vm0, $0xb8;
	[tilespmem:$0x1C400] =	vst v63  }
0x49: {  	s31 =	simm.s32 $0xDC00  }
0x4a: {  	[tilespmem:s31], [sflag:$0x3] =	stream.indirect_vreg.gather [hbm4b:s8+s2], $0x80, v4, vm0, $0xb8;
	[tilespmem:$0x1C400] =	vst v63  }
0x4b: {  	s20 =	simm.s32 $0xE400  }
0x4c: {  	[tilespmem:s20], [sflag:$0x3] =	stream.indirect_vreg.gather [hbm4b:s3+s2], $0x80, v3, vm0, $0xb8;
	[tilespmem:$0x1C400] =	vst v63  }
0x4d: {  	s21 =	simm.s32 $0xEC00  }
0x4e: {  	[tilespmem:s21], [sflag:$0x3] =	stream.indirect_vreg.gather [hbm4b:s6+s2], $0x80, v3, vm0, $0xb8;
	[tilespmem:$0x1C400] =	vst v63  }
0x4f: {  	s31 =	simm.s32 $0xF400  }
0x50: {  	[tilespmem:s31], [sflag:$0x3] =	stream.indirect_vreg.gather [hbm4b:s7+s2], $0x80, v3, vm0, $0xb8;
	[tilespmem:$0x1C400] =	vst v63  }
0x51: {  	s20 =	simm.s32 $0xFC00  }
0x52: {  	[tilespmem:s20], [sflag:$0x3] =	stream.indirect_vreg.gather [hbm4b:s8+s2], $0x80, v3, vm0, $0xb8;
	[tilespmem:$0x1C400] =	vst v63  }
0x53: {  	s21 =	rddreg [dreg:$0x5];
	s31 =	simm.s32 $0x80  }
0x54: {  	[tilespmem:s31], [sflag:$0x7] =	stream.linear.gather [hbm4b:s21+s2], $0x10, $0x38;
	[tilespmem:$0x1C400] =	vst v63  }
0x55: {  	_ =	swait.ge [sflag:s22], $0x10  }
0x56: {  	[sflag:s22] =	ssyncset.done $0x0  }
0x57: {  	s31 =	simm.s32 $0x280;
	s21 =	rddreg [dreg:$0x6];
	[sflag:s22] =	ssyncadd.s32 $0xFFFFFFF0  }
0x58: {  	[tilespmem:s31], [sflag:$0x7] =	stream.linear.gather [hbm4b:s21+s2], $0x10, $0x38;
	[tilespmem:$0x1C400] =	vst v63  }
0x59: {  	_ =	swait.ge [sflag:s22], $0x10  }
0x5a: {  	[sflag:s22] =	ssyncset.done $0x0  }
0x5b: {  	[sflag:s22] =	ssyncadd.s32 $0xFFFFFFF0  }
0x5c: {  	v3 =	vld [tilespmem:$0x80];
	_ =	sdelay $0x4  }
0x5d: {  	v4 =	vshll.u32 v3, $0x3  }
0x5e: {  	v3 =	vand.u32 $0x7, v3;
	v4 =	vand.u32 $0xFFFFFFC0, v4  }
0x5f: {  	v3 =	vor.u32 v3, v4  }
0x60: {  	v4 =	vperm.xlane v3, v0;
	_ =	sdelay $0x1  }
0x61: {  	v4 =	vadd.s32 v1, v4;
	_ =	sdelay $0x3  }
0x62: {  	s21 =	simm.s32 $0x8400  }
0x63: {  	[tilespmem:s21], [sflag:$0x2] =	stream.indirect_vreg.gather [hbm4b:s3+s2], $0x80, v4, vm0, $0xb8;
	[tilespmem:$0x1C400] =	vst v63  }
0x64: {  	s31 =	simm.s32 $0x8C00;
	v3 =	vperm.xlane v3, v2  }
0x65: {  	[tilespmem:s31], [sflag:$0x2] =	stream.indirect_vreg.gather [hbm4b:s6+s2], $0x80, v4, vm0, $0xb8;
	[tilespmem:$0x1C400] =	vst v63  }
0x66: {  	s20 =	simm.s32 $0x9400;
	v3 =	vadd.s32 v1, v3  }
0x67: {  	[tilespmem:s20], [sflag:$0x2] =	stream.indirect_vreg.gather [hbm4b:s7+s2], $0x80, v4, vm0, $0xb8;
	[tilespmem:$0x1C400] =	vst v63  }
0x68: {  	s21 =	simm.s32 $0x9C00  }
0x69: {  	[tilespmem:s21], [sflag:$0x2] =	stream.indirect_vreg.gather [hbm4b:s8+s2], $0x80, v4, vm0, $0xb8;
	[tilespmem:$0x1C400] =	vst v63  }
0x6a: {  	s31 =	simm.s32 $0xA400  }
0x6b: {  	[tilespmem:s31], [sflag:$0x2] =	stream.indirect_vreg.gather [hbm4b:s3+s2], $0x80, v3, vm0, $0xb8;
	[tilespmem:$0x1C400] =	vst v63  }
0x6c: {  	s20 =	simm.s32 $0xAC00  }
0x6d: {  	[tilespmem:s20], [sflag:$0x2] =	stream.indirect_vreg.gather [hbm4b:s6+s2], $0x80, v3, vm0, $0xb8;
	[tilespmem:$0x1C400] =	vst v63  }
0x6e: {  	_ = 	snop  }
0x6f: {  	[tilespmem:s0], [sflag:$0x2] =	stream.indirect_vreg.gather [hbm4b:s7+s2], $0x80, v3, vm0, $0xb8;
	[tilespmem:$0x1C400] =	vst v63  }
0x70: {  	_ = 	snop  }
0x71: {  	[tilespmem:s12], [sflag:$0x2] =	stream.indirect_vreg.gather [hbm4b:s8+s2], $0x80, v3, vm0, $0xb8;
	[tilespmem:$0x1C400] =	vst v63  }
0x72: {  	v3 =	vld [tilespmem:$0x280];
	_ =	sdelay $0x4  }
0x73: {  	v4 =	vshll.u32 v3, $0x3  }
0x74: {  	v3 =	vand.u32 $0x7, v3;
	v4 =	vand.u32 $0xFFFFFFC0, v4  }
0x75: {  	v3 =	vor.u32 v3, v4  }
0x76: {  	v4 =	vperm.xlane v3, v0;
	_ =	sdelay $0x1  }
0x77: {  	v4 =	vadd.s32 v1, v4;
	_ =	sdelay $0x4  }
0x78: {  	[tilespmem:s1], [sflag:$0x4] =	stream.indirect_vreg.gather [hbm4b:s3+s2], $0x80, v4, vm0, $0xb8;
	[tilespmem:$0x1C400] =	vst v63  }
0x79: {  	v3 =	vperm.xlane v3, v2  }
0x7a: {  	[tilespmem:s13], [sflag:$0x4] =	stream.indirect_vreg.gather [hbm4b:s6+s2], $0x80, v4, vm0, $0xb8;
	[tilespmem:$0x1C400] =	vst v63  }
0x7b: {  	v3 =	vadd.s32 v1, v3  }
0x7c: {  	[tilespmem:s23], [sflag:$0x4] =	stream.indirect_vreg.gather [hbm4b:s7+s2], $0x80, v4, vm0, $0xb8;
	[tilespmem:$0x1C400] =	vst v63  }
0x7d: {  	_ = 	snop  }
0x7e: {  	[tilespmem:s14], [sflag:$0x4] =	stream.indirect_vreg.gather [hbm4b:s8+s2], $0x80, v4, vm0, $0xb8;
	[tilespmem:$0x1C400] =	vst v63  }
0x7f: {  	_ = 	snop  }
0x80: {  	[tilespmem:s4], [sflag:$0x4] =	stream.indirect_vreg.gather [hbm4b:s3+s2], $0x80, v3, vm0, $0xb8;
	[tilespmem:$0x1C400] =	vst v63  }
0x81: {  	_ = 	snop  }
0x82: {  	[tilespmem:s15], [sflag:$0x4] =	stream.indirect_vreg.gather [hbm4b:s6+s2], $0x80, v3, vm0, $0xb8;
	[tilespmem:$0x1C400] =	vst v63  }
0x83: {  	_ = 	snop  }
0x84: {  	[tilespmem:s5], [sflag:$0x4] =	stream.indirect_vreg.gather [hbm4b:s7+s2], $0x80, v3, vm0, $0xb8;
	[tilespmem:$0x1C400] =	vst v63  }
0x85: {  	_ = 	snop  }
0x86: {  	[tilespmem:s24], [sflag:$0x4] =	stream.indirect_vreg.gather [hbm4b:s8+s2], $0x80, v3, vm0, $0xb8;
	[tilespmem:$0x1C400] =	vst v63  }
0x87: {  	s21 =	rddreg [dreg:$0x7];
	s31 =	simm.s32 $0x100  }
0x88: {  	[tilespmem:s31], [sflag:$0x7] =	stream.linear.gather [hbm4b:s21+s2], $0x10, $0x38;
	[tilespmem:$0x1C400] =	vst v63  }
0x89: {  	_ =	swait.ge [sflag:s22], $0x10  }
0x8a: {  	[sflag:s22] =	ssyncset.done $0x0  }
0x8b: {  	s31 =	simm.s32 $0x300;
	s21 =	rddreg [dreg:$0x8];
	[sflag:s22] =	ssyncadd.s32 $0xFFFFFFF0  }
0x8c: {  	[tilespmem:s31], [sflag:$0x7] =	stream.linear.gather [hbm4b:s21+s2], $0x10, $0x38;
	[tilespmem:$0x1C400] =	vst v63  }
0x8d: {  	_ =	swait.ge [sflag:s22], $0x10  }
0x8e: {  	[sflag:s22] =	ssyncset.done $0x0  }
0x8f: {  	s31 =	simm.s32 $0x180;
	s21 =	rddreg [dreg:$0x9];
	[sflag:s22] =	ssyncadd.s32 $0xFFFFFFF0  }
0x90: {  	[tilespmem:s31], [sflag:$0x7] =	stream.linear.gather [hbm4b:s21+s2], $0x10, $0x38;
	[tilespmem:$0x1C400] =	vst v63  }
0x91: {  	_ =	swait.ge [sflag:s22], $0x10  }
0x92: {  	[sflag:s22] =	ssyncset.done $0x0  }
0x93: {  	s31 =	simm.s32 $0x380;
	s21 =	rddreg [dreg:$0xa];
	[sflag:s22] =	ssyncadd.s32 $0xFFFFFFF0  }
0x94: {  	[tilespmem:s31], [sflag:$0x7] =	stream.linear.gather [hbm4b:s21+s2], $0x10, $0x38;
	[tilespmem:$0x1C400] =	vst v63  }
0x95: {  	_ =	swait.ge [sflag:s22], $0x10  }
0x96: {  	[sflag:s22] =	ssyncset.done $0x0  }
0x97: {  	s31 =	simm.s32 $0x400;
	s21 =	rddreg [dreg:$0xb];
	[sflag:s22] =	ssyncadd.s32 $0xFFFFFFF0  }
0x98: {  	[tilespmem:s31], [sflag:$0x7] =	stream.linear.gather [hbm4b:s21+s2], $0x2000, $0x38;
	[tilespmem:$0x1C400] =	vst v63  }
0x99: {  	_ =	swait.ge [sflag:s22], $0x2000  }
0x9a: {  	[sflag:s22] =	ssyncset.done $0x0  }
0x9b: {  	s31 =	simm.s32 $0x2400;
	s21 =	rddreg [dreg:$0xc];
	[sflag:s22] =	ssyncadd.s32 $0xFFFFE000  }
0x9c: {  	[tilespmem:s31], [sflag:$0x7] =	stream.linear.gather [hbm4b:s21+s2], $0x2000, $0x38;
	[tilespmem:$0x1C400] =	vst v63  }
0x9d: {  	_ =	swait.ge [sflag:s22], $0x2000  }
0x9e: {  	[sflag:s22] =	ssyncset.done $0x0  }
0x9f: {  	[sflag:s22] =	ssyncadd.s32 $0xFFFFE000  }
0xa0: {  	_ =	swait.ge [sflag:s16], $0x4000  }
0xa1: {  	[sflag:s16] =	ssyncset.done $0x0  }
0xa2: {  	[sflag:s16] =	ssyncadd.s32 $0xFFFFC000  }
0xa3: {  	_ =	swait.ge [sflag:s9], $0x4000  }
0xa4: {  	[sflag:s9] =	ssyncset.done $0x0  }
0xa5: {  	[sflag:s9] =	ssyncadd.s32 $0xFFFFC000  }
0xa6: {  	v12 =	vld [tilespmem:$0x400]  }
0xa7: {  	v13 =	vld [tilespmem:$0x480]  }
0xa8: {  	v14 =	vld [tilespmem:$0x500]  }
0xa9: {  	v15 =	vld [tilespmem:$0x580]  }
0xaa: {  	v17 =	vld [tilespmem:$0x600]  }
0xab: {  	v19 =	vld [tilespmem:$0x680]  }
0xac: {  	v20 =	vld [tilespmem:$0x700]  }
0xad: {  	v21 =	vld [tilespmem:$0x780]  }
0xae: {  	v18 =	vld [tilespmem:$0x800]  }
0xaf: {  	v5 =	vld [tilespmem:$0x880]  }
0xb0: {  	v4 =	vld [tilespmem:$0x900]  }
0xb1: {  	v6 =	vld [tilespmem:$0x980]  }
0xb2: {  	v9 =	vld [tilespmem:$0xA00]  }
0xb3: {  	v7 =	vld [tilespmem:$0xA80]  }
0xb4: {  	v11 =	vld [tilespmem:$0xB00]  }
0xb5: {  	v3 =	vld [tilespmem:$0xB80]  }
0xb6: {  	v25 =	vld [tilespmem:$0x2400]  }
0xb7: {  	v26 =	vld [tilespmem:$0x2480]  }
0xb8: {  	v27 =	vld [tilespmem:$0x2500]  }
0xb9: {  	v28 =	vld [tilespmem:$0x2580]  }
0xba: {  	v30 =	vld [tilespmem:$0x2600]  }
0xbb: {  	v31 =	vld [tilespmem:$0x2680]  }
0xbc: {  	v32 =	vld [tilespmem:$0x2700]  }
0xbd: {  	v33 =	vld [tilespmem:$0x2780]  }
0xbe: {  	v29 =	vld [tilespmem:$0x2800]  }
0xbf: {  	v10 =	vld [tilespmem:$0x2880]  }
0xc0: {  	v8 =	vld [tilespmem:$0x2900]  }
0xc1: {  	s11 =	sand.u32 $0x70, s2;
	s21 =	sand.u32 $0x1C00, s2;
	v16 =	vld [tilespmem:$0x2980]  }
0xc2: {  	s20 =	sor.u32 s11, s21;
	v22 =	vld [tilespmem:$0x2A00]  }
0xc3: {  	v24 =	vld [tilespmem:s20+$0x4600]  }
0xc4: {  	v34 =	vld [tilespmem:s20+$0xC500]  }
0xc5: {  	v35 =	vld [tilespmem:s20+$0xC700]  }
0xc6: {  	v36 =	vld [tilespmem:s20+$0xC600]  }
0xc7: {  	v37 =	vld [tilespmem:s20+$0x4480]  }
0xc8: {  	v38 =	vld [tilespmem:s20+$0x4700]  }
0xc9: {  	v39 =	vld [tilespmem:s20+$0x4500]  }
0xca: {  	v40 =	vld [tilespmem:s20+$0xC400]  }
0xcb: {  	v41 =	vld [tilespmem:s20+$0xC480]  }
0xcc: {  	v42 =	vld [tilespmem:s20+$0x4580]  }
0xcd: {  	v43 =	vld [tilespmem:s20+$0x4400]  }
0xce: {  	v44 =	vld [tilespmem:s20+$0xC680]  }
0xcf: {  	v45 =	vld [tilespmem:s20+$0x4680];
	v35 =	vmul.f32 v35, v32;
	v38 =	vmul.f32 v38, v20  }
0xd0: {  	v47 =	vld [tilespmem:s20+$0xC580];
	v46 =	vmul.f32 v34, v27;
	v39 =	vmul.f32 v39, v14  }
0xd1: {  	v23 =	vld [tilespmem:$0x2A80];
	v36 =	vmul.f32 v36, v30;
	v56 =	vmul.f32 v24, v17;
	v35 =	vadd.f32 v35, v38  }
0xd2: {  	v34 =	vld [tilespmem:$0x2B00];
	v37 =	vmul.f32 v37, v13;
	v41 =	vmul.f32 v41, v26;
	v39 =	vadd.f32 v46, v39  }
0xd3: {  	v24 =	vld [tilespmem:$0x2B80];
	v40 =	vmul.f32 v40, v25;
	v43 =	vmul.f32 v43, v12;
	v36 =	vadd.f32 v36, v56;
	[tilespmem:s20+$0x14700] =	vst v35  }
0xd4: {  	v58 =	vmul.f32 v45, v19;
	v59 =	vmul.f32 v44, v31;
	v57 =	vadd.f32 v41, v37;
	[tilespmem:s20+$0x14500] =	vst v39  }
0xd5: {  	v60 =	vmul.f32 v42, v15;
	v61 =	vmul.f32 v47, v28;
	v40 =	vadd.f32 v40, v43;
	[tilespmem:s20+$0x14600] =	vst v36  }
0xd6: {  	v62 =	vadd.f32 v59, v58;
	[tilespmem:s20+$0x14480] =	vst v57  }
0xd7: {  	v63 =	vadd.f32 v61, v60;
	[tilespmem:s20+$0x14400] =	vst v40  }
0xd8: {  	s30 =	sor.u32 s2, s2;
	[tilespmem:s20+$0x14680] =	vst v62  }
0xd9: {  	s31 =	sor.u32 $0x380, s30;
	[tilespmem:s20+$0x14580] =	vst v63  }
0xda: {  	v35 =	vld [tilespmem:s31+$0x4400]  }
0xdb: {  	v36 =	vld [tilespmem:s31+$0xC400];
	_ =	sdelay $0x4  }
0xdc: {  	v35 =	vmul.f32 v35, v21;
	v36 =	vmul.f32 v36, v33;
	_ =	sdelay $0x1  }
0xdd: {  	v35 =	vadd.f32 v36, v35;
	_ =	sdelay $0x1  }
0xde: {  	[tilespmem:s31+$0x14400] =	vst v35  }
0xdf: {  	v37 =	vld [tilespmem:s20+$0x6400]  }
0xe0: {  	v38 =	vld [tilespmem:s20+$0xE400]  }
0xe1: {  	v35 =	vld [tilespmem:s20+$0x6680]  }
0xe2: {  	s29 =	simm.s32 $0x10;
	s21 =	simm.s32 $0x0;
	v36 =	vld [tilespmem:s20+$0xE600]  }
.LBB2_2:
0xe3: {  	p0 =	sne.s32 s29, $0x3F0  }
0xe4: {  	v39 =	vld [tilespmem:s20+$0xE700];
	s21 =	sadd.s32 $0x80, s21;
	s31 =	smov.u32 s29;
	s29 =	sadd.s32 $0x10, s29  }
0xe5: {  	v40 =	vld [tilespmem:s20+$0x6700]  }
0xe6: {  	v37 =	vmul.f32 v37, v18;
	v38 =	vmul.f32 v38, v29;
	v41 =	vld [tilespmem:s20+$0xE680]  }
0xe7: {  	v42 =	vld [tilespmem:s20+$0x6600]  }
0xe8: {  	v37 =	vadd.f32 v38, v37;
	v38 =	vld [tilespmem:s20+$0xE500]  }
0xe9: {  	v43 =	vld [tilespmem:s20+$0xE580];
	v39 =	vmul.f32 v39, v34  }
0xea: {  	[tilespmem:s20+$0x16400] =	vst v37;
	v37 =	vld [tilespmem:s20+$0x6580];
	v40 =	vmul.f32 v40, v11  }
0xeb: {  	v44 =	vld [tilespmem:s20+$0x6480]  }
0xec: {  	v45 =	vld [tilespmem:s20+$0xE480];
	v39 =	vadd.f32 v39, v40  }
0xed: {  	v36 =	vmul.f32 v36, v22;
	v42 =	vmul.f32 v42, v9;
	v40 =	vld [tilespmem:s20+$0x6500]  }
0xee: {  	v35 =	vmul.f32 v35, v7;
	v41 =	vmul.f32 v41, v23;
	[tilespmem:s20+$0x16700] =	vst v39  }
0xef: {  	v39 =	vmul.f32 v43, v16;
	v36 =	vadd.f32 v36, v42;
	v37 =	vmul.f32 v37, v6  }
0xf0: {  	v35 =	vadd.f32 v41, v35;
	v42 =	vmul.f32 v44, v5  }
0xf1: {  	v41 =	vmul.f32 v45, v10;
	v37 =	vadd.f32 v39, v37;
	[tilespmem:s20+$0x16600] =	vst v36  }
0xf2: {  	v38 =	vmul.f32 v38, v8;
	v36 =	vmul.f32 v40, v4;
	[tilespmem:s20+$0x16680] =	vst v35  }
0xf3: {  	v35 =	vadd.f32 v41, v42;
	[tilespmem:s20+$0x16580] =	vst v37  }
0xf4: {  	v36 =	vadd.f32 v38, v36  }
0xf5: {  	[tilespmem:s20+$0x16480] =	vst v35  }
0xf6: {  	s30 =	sor.u32 $0x2380, s30;
	[tilespmem:s20+$0x16500] =	vst v36  }
0xf7: {  	v35 =	vld [tilespmem:s30+$0x4400]  }
0xf8: {  	v36 =	vld [tilespmem:s30+$0xC400];
	_ =	sdelay $0x3  }
0xf9: {  	v35 =	vmul.f32 v35, v3  }
0xfa: {  	v36 =	vmul.f32 v36, v24;
	_ =	sdelay $0x1  }
0xfb: {  	v35 =	vadd.f32 v36, v35  }
0xfc: {  	s11 =	sand.u32 $0x1C00, s21;
	s20 =	sand.u32 $0x70, s31  }
0xfd: {  	s20 =	sor.u32 s20, s11;
	[tilespmem:s30+$0x14400] =	vst v35  }
0xfe: {  	v35 =	vld [tilespmem:s20+$0x4600]  }
0xff: {  	v36 =	vld [tilespmem:s20+$0xC500]  }
0x100: {  	v37 =	vld [tilespmem:s20+$0xC700]  }
0x101: {  	v38 =	vld [tilespmem:s20+$0xC600]  }
0x102: {  	v39 =	vld [tilespmem:s20+$0x4480]  }
0x103: {  	v40 =	vld [tilespmem:s20+$0x4700]  }
0x104: {  	v41 =	vld [tilespmem:s20+$0x4500]  }
0x105: {  	v42 =	vld [tilespmem:s20+$0xC400]  }
0x106: {  	v37 =	vmul.f32 v37, v32;
	v43 =	vld [tilespmem:s20+$0xC480]  }
0x107: {  	v36 =	vmul.f32 v36, v27;
	v44 =	vld [tilespmem:s20+$0x4580]  }
0x108: {  	v39 =	vmul.f32 v39, v13;
	v45 =	vld [tilespmem:s20+$0x4400];
	v40 =	vmul.f32 v40, v20  }
0x109: {  	v41 =	vmul.f32 v41, v14;
	v46 =	vld [tilespmem:s20+$0xC680]  }
0x10a: {  	v38 =	vmul.f32 v38, v30;
	v42 =	vmul.f32 v42, v25;
	v47 =	vld [tilespmem:s20+$0xC580];
	v37 =	vadd.f32 v37, v40  }
0x10b: {  	v35 =	vmul.f32 v35, v17;
	v40 =	vmul.f32 v43, v26;
	v36 =	vadd.f32 v36, v41;
	v41 =	vld [tilespmem:s20+$0x4680]  }
0x10c: {  	v43 =	vmul.f32 v44, v15  }
0x10d: {  	v35 =	vadd.f32 v38, v35;
	v44 =	vmul.f32 v45, v12;
	v39 =	vadd.f32 v40, v39;
	_ =	sdelay $0x1  }
0x10e: {  	v38 =	vadd.f32 v42, v44;
	v40 =	vmul.f32 v47, v28;
	[tilespmem:s20+$0x14700] =	vst v37  }
0x10f: {  	v37 =	vmul.f32 v46, v31;
	[tilespmem:s20+$0x14500] =	vst v36;
	v36 =	vmul.f32 v41, v19  }
0x110: {  	v40 =	vadd.f32 v40, v43;
	[tilespmem:s20+$0x14600] =	vst v35  }
0x111: {  	[tilespmem:s20+$0x14480] =	vst v39;
	v35 =	vadd.f32 v37, v36  }
0x112: {  	[tilespmem:s20+$0x14400] =	vst v38  }
0x113: {  	s30 =	sor.u32 s31, s21;
	[tilespmem:s20+$0x14680] =	vst v35  }
0x114: {  	s11 =	sor.u32 $0x380, s30;
	[tilespmem:s20+$0x14580] =	vst v40  }
0x115: {  	v35 =	vld [tilespmem:s11+$0x4400]  }
0x116: {  	v36 =	vld [tilespmem:s11+$0xC400];
	_ =	sdelay $0x4  }
0x117: {  	v35 =	vmul.f32 v35, v21;
	v36 =	vmul.f32 v36, v33;
	_ =	sdelay $0x1  }
0x118: {  	v35 =	vadd.f32 v36, v35;
	_ =	sdelay $0x1  }
.Ltmp0:
0x119: {  	[tilespmem:s11+$0x14400] =	vst v35;
	(pc) =	sbr.rel @p0 .LBB2_2-.Ltmp0, $4  }
0x11a: {  	v37 =	vld [tilespmem:s20+$0x6400]  }
0x11b: {  	v38 =	vld [tilespmem:s20+$0xE400]  }
0x11c: {  	v35 =	vld [tilespmem:s20+$0x6680]  }
0x11d: {  	v36 =	vld [tilespmem:s20+$0xE600]  }
0x11e: {  	v12 =	vld [tilespmem:s20+$0xE700]  }
0x11f: {  	v13 =	vld [tilespmem:s20+$0x6700]  }
0x120: {  	v17 =	vld [tilespmem:s20+$0xE680]  }
0x121: {  	v19 =	vld [tilespmem:s20+$0xE580]  }
0x122: {  	v20 =	vld [tilespmem:s20+$0x6480]  }
0x123: {  	v21 =	vld [tilespmem:s20+$0xE480];
	v14 =	vmul.f32 v37, v18;
	v15 =	vmul.f32 v38, v29  }
0x124: {  	v18 =	vld [tilespmem:s20+$0x6600]  }
0x125: {  	v14 =	vadd.f32 v15, v14;
	v15 =	vld [tilespmem:s20+$0xE500]  }
0x126: {  	v11 =	vmul.f32 v13, v11;
	v13 =	vld [tilespmem:s20+$0x6500]  }
0x127: {  	v12 =	vmul.f32 v12, v34;
	[tilespmem:s20+$0x16400] =	vst v14;
	v14 =	vld [tilespmem:s20+$0x6580]  }
0x128: {  	v5 =	vmul.f32 v20, v5;
	v10 =	vmul.f32 v21, v10  }
0x129: {  	v9 =	vmul.f32 v18, v9;
	v18 =	vmul.f32 v36, v22;
	v11 =	vadd.f32 v12, v11  }
0x12a: {  	v7 =	vmul.f32 v35, v7;
	v12 =	vmul.f32 v17, v23;
	v5 =	vadd.f32 v10, v5  }
0x12b: {  	v9 =	vadd.f32 v18, v9;
	[tilespmem:s20+$0x16700] =	vst v11;
	v8 =	vmul.f32 v15, v8;
	v4 =	vmul.f32 v13, v4  }
0x12c: {  	v7 =	vadd.f32 v12, v7;
	[tilespmem:s20+$0x16480] =	vst v5;
	v6 =	vmul.f32 v14, v6;
	v14 =	vmul.f32 v19, v16  }
0x12d: {  	[tilespmem:s20+$0x16600] =	vst v9;
	v4 =	vadd.f32 v8, v4  }
0x12e: {  	[tilespmem:s20+$0x16680] =	vst v7;
	v6 =	vadd.f32 v14, v6  }
0x12f: {  	[tilespmem:s20+$0x16500] =	vst v4  }
0x130: {  	s11 =	sor.u32 $0x2380, s30;
	[tilespmem:s20+$0x16580] =	vst v6  }
0x131: {  	v4 =	vld [tilespmem:s11+$0x4400]  }
0x132: {  	v5 =	vld [tilespmem:s11+$0xC400];
	_ =	sdelay $0x4  }
0x133: {  	v3 =	vmul.f32 v4, v3;
	v4 =	vmul.f32 v5, v24;
	_ =	sdelay $0x1  }
0x134: {  	v3 =	vadd.f32 v4, v3;
	_ =	sdelay $0x1  }
0x135: {  	[tilespmem:s11+$0x14400] =	vst v3  }
0x136: {  	v3 =	vld [tilespmem:$0x100];
	_ =	sdelay $0x4  }
0x137: {  	v4 =	vshll.u32 v3, $0x3  }
0x138: {  	v3 =	vand.u32 $0x7, v3;
	v4 =	vand.u32 $0xFFFFFFC0, v4  }
0x139: {  	v3 =	vor.u32 v3, v4  }
0x13a: {  	v4 =	vperm.xlane v3, v0;
	_ =	sdelay $0x1  }
0x13b: {  	v4 =	vadd.s32 v1, v4;
	_ =	sdelay $0x3  }
0x13c: {  	s21 =	simm.s32 $0x4400;
	s20 =	simm.s32 $0x0  }
0x13d: {  	[tilespmem:s21], [sflag:$0x1] =	stream.indirect_vreg.gather [hbm4b:s3+s20], $0x80, v4, vm0, $0xb8;
	[tilespmem:$0x1C400] =	vst v63  }
0x13e: {  	s31 =	simm.s32 $0x4C00;
	v3 =	vperm.xlane v3, v2  }
0x13f: {  	[tilespmem:s31], [sflag:$0x1] =	stream.indirect_vreg.gather [hbm4b:s6+s20], $0x80, v4, vm0, $0xb8;
	[tilespmem:$0x1C400] =	vst v63  }
0x140: {  	v3 =	vadd.s32 v1, v3;
	s21 =	simm.s32 $0x5400  }
0x141: {  	[tilespmem:s21], [sflag:$0x1] =	stream.indirect_vreg.gather [hbm4b:s7+s20], $0x80, v4, vm0, $0xb8;
	[tilespmem:$0x1C400] =	vst v63  }
0x142: {  	s31 =	simm.s32 $0x5C00  }
0x143: {  	[tilespmem:s31], [sflag:$0x1] =	stream.indirect_vreg.gather [hbm4b:s8+s20], $0x80, v4, vm0, $0xb8;
	[tilespmem:$0x1C400] =	vst v63  }
0x144: {  	s21 =	simm.s32 $0x6400  }
0x145: {  	[tilespmem:s21], [sflag:$0x1] =	stream.indirect_vreg.gather [hbm4b:s3+s20], $0x80, v3, vm0, $0xb8;
	[tilespmem:$0x1C400] =	vst v63  }
0x146: {  	s31 =	simm.s32 $0x6C00  }
0x147: {  	[tilespmem:s31], [sflag:$0x1] =	stream.indirect_vreg.gather [hbm4b:s6+s20], $0x80, v3, vm0, $0xb8;
	[tilespmem:$0x1C400] =	vst v63  }
0x148: {  	s21 =	simm.s32 $0x7400  }
0x149: {  	[tilespmem:s21], [sflag:$0x1] =	stream.indirect_vreg.gather [hbm4b:s7+s20], $0x80, v3, vm0, $0xb8;
	[tilespmem:$0x1C400] =	vst v63  }
0x14a: {  	s31 =	simm.s32 $0x7C00  }
0x14b: {  	[tilespmem:s31], [sflag:$0x1] =	stream.indirect_vreg.gather [hbm4b:s8+s20], $0x80, v3, vm0, $0xb8;
	[tilespmem:$0x1C400] =	vst v63  }
0x14c: {  	v3 =	vld [tilespmem:$0x300];
	_ =	sdelay $0x4  }
0x14d: {  	v4 =	vshll.u32 v3, $0x3  }
0x14e: {  	v3 =	vand.u32 $0x7, v3;
	v4 =	vand.u32 $0xFFFFFFC0, v4  }
0x14f: {  	v3 =	vor.u32 v3, v4  }
0x150: {  	v4 =	vperm.xlane v3, v0;
	_ =	sdelay $0x1  }
0x151: {  	v4 =	vadd.s32 v1, v4;
	_ =	sdelay $0x3  }
0x152: {  	s21 =	simm.s32 $0xC400  }
0x153: {  	[tilespmem:s21], [sflag:$0x3] =	stream.indirect_vreg.gather [hbm4b:s3+s20], $0x80, v4, vm0, $0xb8;
	[tilespmem:$0x1C400] =	vst v63  }
0x154: {  	s31 =	simm.s32 $0xCC00;
	v3 =	vperm.xlane v3, v2  }
0x155: {  	[tilespmem:s31], [sflag:$0x3] =	stream.indirect_vreg.gather [hbm4b:s6+s20], $0x80, v4, vm0, $0xb8;
	[tilespmem:$0x1C400] =	vst v63  }
0x156: {  	v3 =	vadd.s32 v1, v3;
	s21 =	simm.s32 $0xD400  }
0x157: {  	[tilespmem:s21], [sflag:$0x3] =	stream.indirect_vreg.gather [hbm4b:s7+s20], $0x80, v4, vm0, $0xb8;
	[tilespmem:$0x1C400] =	vst v63  }
0x158: {  	s31 =	simm.s32 $0xDC00  }
0x159: {  	[tilespmem:s31], [sflag:$0x3] =	stream.indirect_vreg.gather [hbm4b:s8+s20], $0x80, v4, vm0, $0xb8;
	[tilespmem:$0x1C400] =	vst v63  }
0x15a: {  	s21 =	simm.s32 $0xE400  }
0x15b: {  	[tilespmem:s21], [sflag:$0x3] =	stream.indirect_vreg.gather [hbm4b:s3+s20], $0x80, v3, vm0, $0xb8;
	[tilespmem:$0x1C400] =	vst v63  }
0x15c: {  	s31 =	simm.s32 $0xEC00  }
0x15d: {  	[tilespmem:s31], [sflag:$0x3] =	stream.indirect_vreg.gather [hbm4b:s6+s20], $0x80, v3, vm0, $0xb8;
	[tilespmem:$0x1C400] =	vst v63  }
0x15e: {  	s21 =	simm.s32 $0xF400  }
0x15f: {  	[tilespmem:s21], [sflag:$0x3] =	stream.indirect_vreg.gather [hbm4b:s7+s20], $0x80, v3, vm0, $0xb8;
	[tilespmem:$0x1C400] =	vst v63  }
0x160: {  	s31 =	simm.s32 $0xFC00  }
0x161: {  	[tilespmem:s31], [sflag:$0x3] =	stream.indirect_vreg.gather [hbm4b:s8+s20], $0x80, v3, vm0, $0xb8;
	[tilespmem:$0x1C400] =	vst v63  }
0x162: {  	s21 =	rddreg [dreg:$0xd]  }
0x163: {  	[hbm4b:s21+s20] =	stream.linear.scatter [tilespmem:s17], [sflag:$0x5], $0x4000, $0x38;
	[tilespmem:$0x1C400] =	vst v63  }
0x164: {  	_ =	swait.ge [sflag:s25], $0x4000  }
0x165: {  	[sflag:s25] =	ssyncset.done $0x0  }
0x166: {  	[sflag:s25] =	ssyncadd.s32 $0xFFFFC000  }
0x167: {  	_ =	swait.ge [sflag:s26], $0x4000  }
0x168: {  	[sflag:s26] =	ssyncset.done $0x0  }
0x169: {  	[sflag:s26] =	ssyncadd.s32 $0xFFFFC000  }
0x16a: {  	v12 =	vld [tilespmem:$0xC00]  }
0x16b: {  	v13 =	vld [tilespmem:$0xC80]  }
0x16c: {  	v14 =	vld [tilespmem:$0xD00]  }
0x16d: {  	v15 =	vld [tilespmem:$0xD80]  }
0x16e: {  	v17 =	vld [tilespmem:$0xE00]  }
0x16f: {  	v19 =	vld [tilespmem:$0xE80]  }
0x170: {  	v20 =	vld [tilespmem:$0xF00]  }
0x171: {  	v21 =	vld [tilespmem:$0xF80]  }
0x172: {  	v18 =	vld [tilespmem:$0x1000]  }
0x173: {  	v5 =	vld [tilespmem:$0x1080]  }
0x174: {  	v4 =	vld [tilespmem:$0x1100]  }
0x175: {  	v6 =	vld [tilespmem:$0x1180]  }
0x176: {  	v9 =	vld [tilespmem:$0x1200]  }
0x177: {  	v7 =	vld [tilespmem:$0x1280]  }
0x178: {  	v11 =	vld [tilespmem:$0x1300]  }
0x179: {  	v3 =	vld [tilespmem:$0x1380]  }
0x17a: {  	v25 =	vld [tilespmem:$0x2C00]  }
0x17b: {  	v26 =	vld [tilespmem:$0x2C80]  }
0x17c: {  	v27 =	vld [tilespmem:$0x2D00]  }
0x17d: {  	v28 =	vld [tilespmem:$0x2D80]  }
0x17e: {  	v30 =	vld [tilespmem:$0x2E00]  }
0x17f: {  	v31 =	vld [tilespmem:$0x2E80]  }
0x180: {  	v32 =	vld [tilespmem:$0x2F00]  }
0x181: {  	v33 =	vld [tilespmem:$0x2F80]  }
0x182: {  	v29 =	vld [tilespmem:$0x3000]  }
0x183: {  	v10 =	vld [tilespmem:$0x3080]  }
0x184: {  	v8 =	vld [tilespmem:$0x3100]  }
0x185: {  	s31 =	sand.u32 $0x70, s20;
	s21 =	sand.u32 $0x1C00, s20;
	v16 =	vld [tilespmem:$0x3180]  }
0x186: {  	s29 =	sor.u32 s31, s21;
	v22 =	vld [tilespmem:$0x3200]  }
0x187: {  	v24 =	vld [tilespmem:s29+$0x8600]  }
0x188: {  	v51 =	vld [tilespmem:s29+$0x10500]  }
0x189: {  	v52 =	vld [tilespmem:s29+$0x10700]  }
0x18a: {  	v53 =	vld [tilespmem:s29+$0x10600]  }
0x18b: {  	v54 =	vld [tilespmem:s29+$0x8480]  }
0x18c: {  	v55 =	vld [tilespmem:s29+$0x8700]  }
0x18d: {  	v39 =	vld [tilespmem:s29+$0x8500]  }
0x18e: {  	v40 =	vld [tilespmem:s29+$0x10400]  }
0x18f: {  	v41 =	vld [tilespmem:s29+$0x10480]  }
0x190: {  	v42 =	vld [tilespmem:s29+$0x8580]  }
0x191: {  	v43 =	vld [tilespmem:s29+$0x8400]  }
0x192: {  	v44 =	vld [tilespmem:s29+$0x10680]  }
0x193: {  	v45 =	vld [tilespmem:s29+$0x8680];
	v35 =	vmul.f32 v52, v32;
	v38 =	vmul.f32 v55, v20  }
0x194: {  	v47 =	vld [tilespmem:s29+$0x10580];
	v46 =	vmul.f32 v51, v27;
	v39 =	vmul.f32 v39, v14  }
0x195: {  	v23 =	vld [tilespmem:$0x3280];
	v36 =	vmul.f32 v53, v30;
	v56 =	vmul.f32 v24, v17;
	v35 =	vadd.f32 v35, v38  }
0x196: {  	v34 =	vld [tilespmem:$0x3300];
	v37 =	vmul.f32 v54, v13;
	v41 =	vmul.f32 v41, v26;
	v39 =	vadd.f32 v46, v39  }
0x197: {  	v24 =	vld [tilespmem:$0x3380];
	v40 =	vmul.f32 v40, v25;
	v43 =	vmul.f32 v43, v12;
	v36 =	vadd.f32 v36, v56;
	[tilespmem:s29+$0x18700] =	vst v35  }
0x198: {  	v58 =	vmul.f32 v45, v19;
	v59 =	vmul.f32 v44, v31;
	v57 =	vadd.f32 v41, v37;
	[tilespmem:s29+$0x18500] =	vst v39  }
0x199: {  	v60 =	vmul.f32 v42, v15;
	v61 =	vmul.f32 v47, v28;
	v40 =	vadd.f32 v40, v43;
	[tilespmem:s29+$0x18600] =	vst v36  }
0x19a: {  	v62 =	vadd.f32 v59, v58;
	[tilespmem:s29+$0x18480] =	vst v57  }
0x19b: {  	v63 =	vadd.f32 v61, v60;
	[tilespmem:s29+$0x18400] =	vst v40  }
0x19c: {  	s30 =	sor.u32 s20, s20;
	[tilespmem:s29+$0x18680] =	vst v62  }
0x19d: {  	s31 =	sor.u32 $0x380, s30;
	[tilespmem:s29+$0x18580] =	vst v63  }
0x19e: {  	v35 =	vld [tilespmem:s31+$0x8400]  }
0x19f: {  	v36 =	vld [tilespmem:s31+$0x10400];
	_ =	sdelay $0x4  }
0x1a0: {  	v35 =	vmul.f32 v35, v21;
	v36 =	vmul.f32 v36, v33;
	_ =	sdelay $0x1  }
0x1a1: {  	v35 =	vadd.f32 v36, v35;
	_ =	sdelay $0x1  }
0x1a2: {  	[tilespmem:s31+$0x18400] =	vst v35  }
0x1a3: {  	v37 =	vld [tilespmem:s29+$0xA400]  }
0x1a4: {  	v38 =	vld [tilespmem:s29+$0x12400]  }
0x1a5: {  	v35 =	vld [tilespmem:s29+$0xA680]  }
0x1a6: {  	s21 =	simm.s32 $0x10;
	v36 =	vld [tilespmem:s29+$0x12600]  }
.LBB2_4:
0x1a7: {  	p0 =	sne.s32 s21, $0x3F0  }
0x1a8: {  	v39 =	vld [tilespmem:s29+$0x12700];
	s20 =	sadd.s32 $0x80, s20;
	s31 =	smov.u32 s21;
	s21 =	sadd.s32 $0x10, s21  }
0x1a9: {  	v40 =	vld [tilespmem:s29+$0xA700]  }
0x1aa: {  	v37 =	vmul.f32 v37, v18;
	v38 =	vmul.f32 v38, v29;
	v41 =	vld [tilespmem:s29+$0x12680]  }
0x1ab: {  	v42 =	vld [tilespmem:s29+$0xA600]  }
0x1ac: {  	v37 =	vadd.f32 v38, v37;
	v38 =	vld [tilespmem:s29+$0x12500]  }
0x1ad: {  	v43 =	vld [tilespmem:s29+$0x12580];
	v39 =	vmul.f32 v39, v34  }
0x1ae: {  	[tilespmem:s29+$0x1A400] =	vst v37;
	v37 =	vld [tilespmem:s29+$0xA580];
	v40 =	vmul.f32 v40, v11  }
0x1af: {  	v44 =	vld [tilespmem:s29+$0xA480]  }
0x1b0: {  	v45 =	vld [tilespmem:s29+$0x12480];
	v39 =	vadd.f32 v39, v40  }
0x1b1: {  	v36 =	vmul.f32 v36, v22;
	v42 =	vmul.f32 v42, v9;
	v40 =	vld [tilespmem:s29+$0xA500]  }
0x1b2: {  	v35 =	vmul.f32 v35, v7;
	v41 =	vmul.f32 v41, v23;
	[tilespmem:s29+$0x1A700] =	vst v39  }
0x1b3: {  	v39 =	vmul.f32 v43, v16;
	v36 =	vadd.f32 v36, v42;
	v37 =	vmul.f32 v37, v6  }
0x1b4: {  	v35 =	vadd.f32 v41, v35;
	v42 =	vmul.f32 v44, v5  }
0x1b5: {  	v41 =	vmul.f32 v45, v10;
	v37 =	vadd.f32 v39, v37;
	[tilespmem:s29+$0x1A600] =	vst v36  }
0x1b6: {  	v38 =	vmul.f32 v38, v8;
	v36 =	vmul.f32 v40, v4;
	[tilespmem:s29+$0x1A680] =	vst v35  }
0x1b7: {  	v35 =	vadd.f32 v41, v42;
	[tilespmem:s29+$0x1A580] =	vst v37  }
0x1b8: {  	v36 =	vadd.f32 v38, v36  }
0x1b9: {  	[tilespmem:s29+$0x1A480] =	vst v35  }
0x1ba: {  	s11 =	sor.u32 $0x2380, s30;
	[tilespmem:s29+$0x1A500] =	vst v36  }
0x1bb: {  	v35 =	vld [tilespmem:s11+$0x8400]  }
0x1bc: {  	v36 =	vld [tilespmem:s11+$0x10400];
	_ =	sdelay $0x3  }
0x1bd: {  	v35 =	vmul.f32 v35, v3  }
0x1be: {  	v36 =	vmul.f32 v36, v24;
	_ =	sdelay $0x1  }
0x1bf: {  	v35 =	vadd.f32 v36, v35  }
0x1c0: {  	s30 =	sand.u32 $0x1C00, s20;
	s29 =	sand.u32 $0x70, s31  }
0x1c1: {  	s29 =	sor.u32 s29, s30;
	[tilespmem:s11+$0x18400] =	vst v35  }
0x1c2: {  	v35 =	vld [tilespmem:s29+$0x8600]  }
0x1c3: {  	v36 =	vld [tilespmem:s29+$0x10500]  }
0x1c4: {  	v37 =	vld [tilespmem:s29+$0x10700]  }
0x1c5: {  	v38 =	vld [tilespmem:s29+$0x10600]  }
0x1c6: {  	v39 =	vld [tilespmem:s29+$0x8480]  }
0x1c7: {  	v40 =	vld [tilespmem:s29+$0x8700]  }
0x1c8: {  	v41 =	vld [tilespmem:s29+$0x8500]  }
0x1c9: {  	v42 =	vld [tilespmem:s29+$0x10400]  }
0x1ca: {  	v37 =	vmul.f32 v37, v32;
	v43 =	vld [tilespmem:s29+$0x10480]  }
0x1cb: {  	v36 =	vmul.f32 v36, v27;
	v44 =	vld [tilespmem:s29+$0x8580]  }
0x1cc: {  	v39 =	vmul.f32 v39, v13;
	v45 =	vld [tilespmem:s29+$0x8400];
	v40 =	vmul.f32 v40, v20  }
0x1cd: {  	v41 =	vmul.f32 v41, v14;
	v46 =	vld [tilespmem:s29+$0x10680]  }
0x1ce: {  	v38 =	vmul.f32 v38, v30;
	v42 =	vmul.f32 v42, v25;
	v47 =	vld [tilespmem:s29+$0x10580];
	v37 =	vadd.f32 v37, v40  }
0x1cf: {  	v35 =	vmul.f32 v35, v17;
	v40 =	vmul.f32 v43, v26;
	v36 =	vadd.f32 v36, v41;
	v41 =	vld [tilespmem:s29+$0x8680]  }
0x1d0: {  	v43 =	vmul.f32 v44, v15  }
0x1d1: {  	v35 =	vadd.f32 v38, v35;
	v44 =	vmul.f32 v45, v12;
	v39 =	vadd.f32 v40, v39;
	_ =	sdelay $0x1  }
0x1d2: {  	v38 =	vadd.f32 v42, v44;
	v40 =	vmul.f32 v47, v28;
	[tilespmem:s29+$0x18700] =	vst v37  }
0x1d3: {  	v37 =	vmul.f32 v46, v31;
	[tilespmem:s29+$0x18500] =	vst v36;
	v36 =	vmul.f32 v41, v19  }
0x1d4: {  	v40 =	vadd.f32 v40, v43;
	[tilespmem:s29+$0x18600] =	vst v35  }
0x1d5: {  	[tilespmem:s29+$0x18480] =	vst v39;
	v35 =	vadd.f32 v37, v36  }
0x1d6: {  	[tilespmem:s29+$0x18400] =	vst v38  }
0x1d7: {  	s30 =	sor.u32 s31, s20;
	[tilespmem:s29+$0x18680] =	vst v35  }
0x1d8: {  	s11 =	sor.u32 $0x380, s30;
	[tilespmem:s29+$0x18580] =	vst v40  }
0x1d9: {  	v35 =	vld [tilespmem:s11+$0x8400]  }
0x1da: {  	v36 =	vld [tilespmem:s11+$0x10400];
	_ =	sdelay $0x4  }
0x1db: {  	v35 =	vmul.f32 v35, v21;
	v36 =	vmul.f32 v36, v33;
	_ =	sdelay $0x1  }
0x1dc: {  	v35 =	vadd.f32 v36, v35;
	_ =	sdelay $0x1  }
.Ltmp1:
0x1dd: {  	[tilespmem:s11+$0x18400] =	vst v35;
	(pc) =	sbr.rel @p0 .LBB2_4-.Ltmp1, $4  }
0x1de: {  	v37 =	vld [tilespmem:s29+$0xA400]  }
0x1df: {  	v38 =	vld [tilespmem:s29+$0x12400]  }
0x1e0: {  	v35 =	vld [tilespmem:s29+$0xA680]  }
0x1e1: {  	v36 =	vld [tilespmem:s29+$0x12600]  }
0x1e2: {  	v12 =	vld [tilespmem:s29+$0x12700]  }
0x1e3: {  	v13 =	vld [tilespmem:s29+$0xA700]  }
0x1e4: {  	v17 =	vld [tilespmem:s29+$0x12680]  }
0x1e5: {  	v19 =	vld [tilespmem:s29+$0x12580]  }
0x1e6: {  	v20 =	vld [tilespmem:s29+$0xA480]  }
0x1e7: {  	v21 =	vld [tilespmem:s29+$0x12480];
	v14 =	vmul.f32 v37, v18;
	v15 =	vmul.f32 v38, v29  }
0x1e8: {  	v18 =	vld [tilespmem:s29+$0xA600]  }
0x1e9: {  	v14 =	vadd.f32 v15, v14;
	v15 =	vld [tilespmem:s29+$0x12500]  }
0x1ea: {  	v11 =	vmul.f32 v13, v11;
	v13 =	vld [tilespmem:s29+$0xA500]  }
0x1eb: {  	v12 =	vmul.f32 v12, v34;
	[tilespmem:s29+$0x1A400] =	vst v14;
	v14 =	vld [tilespmem:s29+$0xA580]  }
0x1ec: {  	v5 =	vmul.f32 v20, v5;
	v10 =	vmul.f32 v21, v10  }
0x1ed: {  	v9 =	vmul.f32 v18, v9;
	v18 =	vmul.f32 v36, v22;
	v11 =	vadd.f32 v12, v11  }
0x1ee: {  	v7 =	vmul.f32 v35, v7;
	v12 =	vmul.f32 v17, v23;
	v5 =	vadd.f32 v10, v5  }
0x1ef: {  	v9 =	vadd.f32 v18, v9;
	[tilespmem:s29+$0x1A700] =	vst v11;
	v8 =	vmul.f32 v15, v8;
	v4 =	vmul.f32 v13, v4  }
0x1f0: {  	v7 =	vadd.f32 v12, v7;
	[tilespmem:s29+$0x1A480] =	vst v5;
	v6 =	vmul.f32 v14, v6;
	v14 =	vmul.f32 v19, v16  }
0x1f1: {  	[tilespmem:s29+$0x1A600] =	vst v9;
	v4 =	vadd.f32 v8, v4  }
0x1f2: {  	[tilespmem:s29+$0x1A680] =	vst v7;
	v6 =	vadd.f32 v14, v6  }
0x1f3: {  	[tilespmem:s29+$0x1A500] =	vst v4  }
0x1f4: {  	s11 =	sor.u32 $0x2380, s30;
	[tilespmem:s29+$0x1A580] =	vst v6  }
0x1f5: {  	v4 =	vld [tilespmem:s11+$0x8400]  }
0x1f6: {  	v5 =	vld [tilespmem:s11+$0x10400];
	_ =	sdelay $0x4  }
0x1f7: {  	v3 =	vmul.f32 v4, v3;
	v4 =	vmul.f32 v5, v24;
	_ =	sdelay $0x1  }
0x1f8: {  	v3 =	vadd.f32 v4, v3;
	_ =	sdelay $0x1  }
0x1f9: {  	[tilespmem:s11+$0x18400] =	vst v3  }
0x1fa: {  	v3 =	vld [tilespmem:$0x180];
	_ =	sdelay $0x4  }
0x1fb: {  	v4 =	vshll.u32 v3, $0x3  }
0x1fc: {  	v3 =	vand.u32 $0x7, v3;
	v4 =	vand.u32 $0xFFFFFFC0, v4  }
0x1fd: {  	v3 =	vor.u32 v3, v4  }
0x1fe: {  	v4 =	vperm.xlane v3, v0;
	_ =	sdelay $0x1  }
0x1ff: {  	v4 =	vadd.s32 v1, v4;
	_ =	sdelay $0x3  }
0x200: {  	s20 =	simm.s32 $0x0;
	s21 =	simm.s32 $0x8400  }
0x201: {  	[tilespmem:s21], [sflag:$0x2] =	stream.indirect_vreg.gather [hbm4b:s3+s20], $0x80, v4, vm0, $0xb8;
	[tilespmem:$0x1C400] =	vst v63  }
0x202: {  	s31 =	simm.s32 $0x8C00;
	v3 =	vperm.xlane v3, v2  }
0x203: {  	[tilespmem:s31], [sflag:$0x2] =	stream.indirect_vreg.gather [hbm4b:s6+s20], $0x80, v4, vm0, $0xb8;
	[tilespmem:$0x1C400] =	vst v63  }
0x204: {  	v3 =	vadd.s32 v1, v3;
	s21 =	simm.s32 $0x9400  }
0x205: {  	[tilespmem:s21], [sflag:$0x2] =	stream.indirect_vreg.gather [hbm4b:s7+s20], $0x80, v4, vm0, $0xb8;
	[tilespmem:$0x1C400] =	vst v63  }
0x206: {  	s31 =	simm.s32 $0x9C00  }
0x207: {  	[tilespmem:s31], [sflag:$0x2] =	stream.indirect_vreg.gather [hbm4b:s8+s20], $0x80, v4, vm0, $0xb8;
	[tilespmem:$0x1C400] =	vst v63  }
0x208: {  	s21 =	simm.s32 $0xA400  }
0x209: {  	[tilespmem:s21], [sflag:$0x2] =	stream.indirect_vreg.gather [hbm4b:s3+s20], $0x80, v3, vm0, $0xb8;
	[tilespmem:$0x1C400] =	vst v63  }
0x20a: {  	s31 =	simm.s32 $0xAC00  }
0x20b: {  	[tilespmem:s31], [sflag:$0x2] =	stream.indirect_vreg.gather [hbm4b:s6+s20], $0x80, v3, vm0, $0xb8;
	[tilespmem:$0x1C400] =	vst v63  }
0x20c: {  	_ = 	snop  }
0x20d: {  	[tilespmem:s0], [sflag:$0x2] =	stream.indirect_vreg.gather [hbm4b:s7+s20], $0x80, v3, vm0, $0xb8;
	[tilespmem:$0x1C400] =	vst v63  }
0x20e: {  	_ = 	snop  }
0x20f: {  	[tilespmem:s12], [sflag:$0x2] =	stream.indirect_vreg.gather [hbm4b:s8+s20], $0x80, v3, vm0, $0xb8;
	[tilespmem:$0x1C400] =	vst v63  }
0x210: {  	v3 =	vld [tilespmem:$0x380];
	_ =	sdelay $0x4  }
0x211: {  	v4 =	vshll.u32 v3, $0x3  }
0x212: {  	v3 =	vand.u32 $0x7, v3;
	v4 =	vand.u32 $0xFFFFFFC0, v4  }
0x213: {  	v3 =	vor.u32 v3, v4  }
0x214: {  	v4 =	vperm.xlane v3, v0;
	_ =	sdelay $0x1  }
0x215: {  	v4 =	vadd.s32 v1, v4;
	_ =	sdelay $0x4  }
0x216: {  	[tilespmem:s1], [sflag:$0x4] =	stream.indirect_vreg.gather [hbm4b:s3+s20], $0x80, v4, vm0, $0xb8;
	[tilespmem:$0x1C400] =	vst v63  }
0x217: {  	v3 =	vperm.xlane v3, v2  }
0x218: {  	[tilespmem:s13], [sflag:$0x4] =	stream.indirect_vreg.gather [hbm4b:s6+s20], $0x80, v4, vm0, $0xb8;
	[tilespmem:$0x1C400] =	vst v63  }
0x219: {  	v3 =	vadd.s32 v1, v3  }
0x21a: {  	[tilespmem:s23], [sflag:$0x4] =	stream.indirect_vreg.gather [hbm4b:s7+s20], $0x80, v4, vm0, $0xb8;
	[tilespmem:$0x1C400] =	vst v63  }
0x21b: {  	_ = 	snop  }
0x21c: {  	[tilespmem:s14], [sflag:$0x4] =	stream.indirect_vreg.gather [hbm4b:s8+s20], $0x80, v4, vm0, $0xb8;
	[tilespmem:$0x1C400] =	vst v63  }
0x21d: {  	_ = 	snop  }
0x21e: {  	[tilespmem:s4], [sflag:$0x4] =	stream.indirect_vreg.gather [hbm4b:s3+s20], $0x80, v3, vm0, $0xb8;
	[tilespmem:$0x1C400] =	vst v63  }
0x21f: {  	_ = 	snop  }
0x220: {  	[tilespmem:s15], [sflag:$0x4] =	stream.indirect_vreg.gather [hbm4b:s6+s20], $0x80, v3, vm0, $0xb8;
	[tilespmem:$0x1C400] =	vst v63  }
0x221: {  	_ = 	snop  }
0x222: {  	[tilespmem:s5], [sflag:$0x4] =	stream.indirect_vreg.gather [hbm4b:s7+s20], $0x80, v3, vm0, $0xb8;
	[tilespmem:$0x1C400] =	vst v63  }
0x223: {  	_ = 	snop  }
0x224: {  	[tilespmem:s24], [sflag:$0x4] =	stream.indirect_vreg.gather [hbm4b:s8+s20], $0x80, v3, vm0, $0xb8;
	[tilespmem:$0x1C400] =	vst v63  }
0x225: {  	s21 =	rddreg [dreg:$0xe]  }
0x226: {  	[hbm4b:s21+s20] =	stream.linear.scatter [tilespmem:s18], [sflag:$0x6], $0x4000, $0x38;
	[tilespmem:$0x1C400] =	vst v63  }
0x227: {  	_ =	swait.ge [sflag:s16], $0x4000  }
0x228: {  	[sflag:s16] =	ssyncset.done $0x0  }
0x229: {  	[sflag:s16] =	ssyncadd.s32 $0xFFFFC000  }
0x22a: {  	_ =	swait.ge [sflag:s9], $0x4000  }
0x22b: {  	[sflag:s9] =	ssyncset.done $0x0  }
0x22c: {  	[sflag:s9] =	ssyncadd.s32 $0xFFFFC000  }
0x22d: {  	_ =	swait.ge [sflag:s28], $0x4000  }
0x22e: {  	[sflag:s28] =	ssyncset.done $0x0  }
0x22f: {  	[sflag:s28] =	ssyncadd.s32 $0xFFFFC000  }
0x230: {  	v12 =	vld [tilespmem:$0x1400]  }
0x231: {  	v13 =	vld [tilespmem:$0x1480]  }
0x232: {  	v14 =	vld [tilespmem:$0x1500]  }
0x233: {  	v15 =	vld [tilespmem:$0x1580]  }
0x234: {  	v17 =	vld [tilespmem:$0x1600]  }
0x235: {  	v19 =	vld [tilespmem:$0x1680]  }
0x236: {  	v20 =	vld [tilespmem:$0x1700]  }
0x237: {  	v21 =	vld [tilespmem:$0x1780]  }
0x238: {  	v18 =	vld [tilespmem:$0x1800]  }
0x239: {  	v5 =	vld [tilespmem:$0x1880]  }
0x23a: {  	v4 =	vld [tilespmem:$0x1900]  }
0x23b: {  	v6 =	vld [tilespmem:$0x1980]  }
0x23c: {  	v9 =	vld [tilespmem:$0x1A00]  }
0x23d: {  	v7 =	vld [tilespmem:$0x1A80]  }
0x23e: {  	v11 =	vld [tilespmem:$0x1B00]  }
0x23f: {  	v3 =	vld [tilespmem:$0x1B80]  }
0x240: {  	v25 =	vld [tilespmem:$0x3400]  }
0x241: {  	v26 =	vld [tilespmem:$0x3480]  }
0x242: {  	v27 =	vld [tilespmem:$0x3500]  }
0x243: {  	v28 =	vld [tilespmem:$0x3580]  }
0x244: {  	v30 =	vld [tilespmem:$0x3600]  }
0x245: {  	v31 =	vld [tilespmem:$0x3680]  }
0x246: {  	v32 =	vld [tilespmem:$0x3700]  }
0x247: {  	v33 =	vld [tilespmem:$0x3780]  }
0x248: {  	v29 =	vld [tilespmem:$0x3800]  }
0x249: {  	v10 =	vld [tilespmem:$0x3880]  }
0x24a: {  	v8 =	vld [tilespmem:$0x3900]  }
0x24b: {  	s31 =	sand.u32 $0x70, s20;
	s21 =	sand.u32 $0x1C00, s20;
	v16 =	vld [tilespmem:$0x3980]  }
0x24c: {  	s29 =	sor.u32 s31, s21;
	v22 =	vld [tilespmem:$0x3A00]  }
0x24d: {  	v24 =	vld [tilespmem:s29+$0x4600]  }
0x24e: {  	v51 =	vld [tilespmem:s29+$0xC500]  }
0x24f: {  	v52 =	vld [tilespmem:s29+$0xC700]  }
0x250: {  	v53 =	vld [tilespmem:s29+$0xC600]  }
0x251: {  	v54 =	vld [tilespmem:s29+$0x4480]  }
0x252: {  	v55 =	vld [tilespmem:s29+$0x4700]  }
0x253: {  	v39 =	vld [tilespmem:s29+$0x4500]  }
0x254: {  	v40 =	vld [tilespmem:s29+$0xC400]  }
0x255: {  	v41 =	vld [tilespmem:s29+$0xC480]  }
0x256: {  	v42 =	vld [tilespmem:s29+$0x4580]  }
0x257: {  	v43 =	vld [tilespmem:s29+$0x4400]  }
0x258: {  	v44 =	vld [tilespmem:s29+$0xC680]  }
0x259: {  	v45 =	vld [tilespmem:s29+$0x4680];
	v35 =	vmul.f32 v52, v32;
	v38 =	vmul.f32 v55, v20  }
0x25a: {  	v47 =	vld [tilespmem:s29+$0xC580];
	v46 =	vmul.f32 v51, v27;
	v39 =	vmul.f32 v39, v14  }
0x25b: {  	v23 =	vld [tilespmem:$0x3A80];
	v36 =	vmul.f32 v53, v30;
	v56 =	vmul.f32 v24, v17;
	v35 =	vadd.f32 v35, v38  }
0x25c: {  	v34 =	vld [tilespmem:$0x3B00];
	v37 =	vmul.f32 v54, v13;
	v41 =	vmul.f32 v41, v26;
	v39 =	vadd.f32 v46, v39  }
0x25d: {  	v24 =	vld [tilespmem:$0x3B80];
	v40 =	vmul.f32 v40, v25;
	v43 =	vmul.f32 v43, v12;
	v36 =	vadd.f32 v36, v56;
	[tilespmem:s29+$0x14700] =	vst v35  }
0x25e: {  	v58 =	vmul.f32 v45, v19;
	v59 =	vmul.f32 v44, v31;
	v57 =	vadd.f32 v41, v37;
	[tilespmem:s29+$0x14500] =	vst v39  }
0x25f: {  	v60 =	vmul.f32 v42, v15;
	v61 =	vmul.f32 v47, v28;
	v40 =	vadd.f32 v40, v43;
	[tilespmem:s29+$0x14600] =	vst v36  }
0x260: {  	v62 =	vadd.f32 v59, v58;
	[tilespmem:s29+$0x14480] =	vst v57  }
0x261: {  	v63 =	vadd.f32 v61, v60;
	[tilespmem:s29+$0x14400] =	vst v40  }
0x262: {  	s30 =	sor.u32 s20, s20;
	[tilespmem:s29+$0x14680] =	vst v62  }
0x263: {  	s31 =	sor.u32 $0x380, s30;
	[tilespmem:s29+$0x14580] =	vst v63  }
0x264: {  	v35 =	vld [tilespmem:s31+$0x4400]  }
0x265: {  	v36 =	vld [tilespmem:s31+$0xC400];
	_ =	sdelay $0x4  }
0x266: {  	v35 =	vmul.f32 v35, v21;
	v36 =	vmul.f32 v36, v33;
	_ =	sdelay $0x1  }
0x267: {  	v35 =	vadd.f32 v36, v35;
	_ =	sdelay $0x1  }
0x268: {  	[tilespmem:s31+$0x14400] =	vst v35  }
0x269: {  	v37 =	vld [tilespmem:s29+$0x6400]  }
0x26a: {  	v38 =	vld [tilespmem:s29+$0xE400]  }
0x26b: {  	v35 =	vld [tilespmem:s29+$0x6680]  }
0x26c: {  	s21 =	simm.s32 $0x10;
	v36 =	vld [tilespmem:s29+$0xE600]  }
.LBB2_6:
0x26d: {  	p0 =	sne.s32 s21, $0x3F0  }
0x26e: {  	v39 =	vld [tilespmem:s29+$0xE700];
	s20 =	sadd.s32 $0x80, s20;
	s31 =	smov.u32 s21;
	s21 =	sadd.s32 $0x10, s21  }
0x26f: {  	v40 =	vld [tilespmem:s29+$0x6700]  }
0x270: {  	v37 =	vmul.f32 v37, v18;
	v38 =	vmul.f32 v38, v29;
	v41 =	vld [tilespmem:s29+$0xE680]  }
0x271: {  	v42 =	vld [tilespmem:s29+$0x6600]  }
0x272: {  	v37 =	vadd.f32 v38, v37;
	v38 =	vld [tilespmem:s29+$0xE500]  }
0x273: {  	v43 =	vld [tilespmem:s29+$0xE580];
	v39 =	vmul.f32 v39, v34  }
0x274: {  	[tilespmem:s29+$0x16400] =	vst v37;
	v37 =	vld [tilespmem:s29+$0x6580];
	v40 =	vmul.f32 v40, v11  }
0x275: {  	v44 =	vld [tilespmem:s29+$0x6480]  }
0x276: {  	v45 =	vld [tilespmem:s29+$0xE480];
	v39 =	vadd.f32 v39, v40  }
0x277: {  	v36 =	vmul.f32 v36, v22;
	v42 =	vmul.f32 v42, v9;
	v40 =	vld [tilespmem:s29+$0x6500]  }
0x278: {  	v35 =	vmul.f32 v35, v7;
	v41 =	vmul.f32 v41, v23;
	[tilespmem:s29+$0x16700] =	vst v39  }
0x279: {  	v39 =	vmul.f32 v43, v16;
	v36 =	vadd.f32 v36, v42;
	v37 =	vmul.f32 v37, v6  }
0x27a: {  	v35 =	vadd.f32 v41, v35;
	v42 =	vmul.f32 v44, v5  }
0x27b: {  	v41 =	vmul.f32 v45, v10;
	v37 =	vadd.f32 v39, v37;
	[tilespmem:s29+$0x16600] =	vst v36  }
0x27c: {  	v38 =	vmul.f32 v38, v8;
	v36 =	vmul.f32 v40, v4;
	[tilespmem:s29+$0x16680] =	vst v35  }
0x27d: {  	v35 =	vadd.f32 v41, v42;
	[tilespmem:s29+$0x16580] =	vst v37  }
0x27e: {  	v36 =	vadd.f32 v38, v36  }
0x27f: {  	[tilespmem:s29+$0x16480] =	vst v35  }
0x280: {  	s11 =	sor.u32 $0x2380, s30;
	[tilespmem:s29+$0x16500] =	vst v36  }
0x281: {  	v35 =	vld [tilespmem:s11+$0x4400]  }
0x282: {  	v36 =	vld [tilespmem:s11+$0xC400];
	_ =	sdelay $0x3  }
0x283: {  	v35 =	vmul.f32 v35, v3  }
0x284: {  	v36 =	vmul.f32 v36, v24;
	_ =	sdelay $0x1  }
0x285: {  	v35 =	vadd.f32 v36, v35  }
0x286: {  	s30 =	sand.u32 $0x1C00, s20;
	s29 =	sand.u32 $0x70, s31  }
0x287: {  	s29 =	sor.u32 s29, s30;
	[tilespmem:s11+$0x14400] =	vst v35  }
0x288: {  	v35 =	vld [tilespmem:s29+$0x4600]  }
0x289: {  	v36 =	vld [tilespmem:s29+$0xC500]  }
0x28a: {  	v37 =	vld [tilespmem:s29+$0xC700]  }
0x28b: {  	v38 =	vld [tilespmem:s29+$0xC600]  }
0x28c: {  	v39 =	vld [tilespmem:s29+$0x4480]  }
0x28d: {  	v40 =	vld [tilespmem:s29+$0x4700]  }
0x28e: {  	v41 =	vld [tilespmem:s29+$0x4500]  }
0x28f: {  	v42 =	vld [tilespmem:s29+$0xC400]  }
0x290: {  	v37 =	vmul.f32 v37, v32;
	v43 =	vld [tilespmem:s29+$0xC480]  }
0x291: {  	v36 =	vmul.f32 v36, v27;
	v44 =	vld [tilespmem:s29+$0x4580]  }
0x292: {  	v39 =	vmul.f32 v39, v13;
	v45 =	vld [tilespmem:s29+$0x4400];
	v40 =	vmul.f32 v40, v20  }
0x293: {  	v41 =	vmul.f32 v41, v14;
	v46 =	vld [tilespmem:s29+$0xC680]  }
0x294: {  	v38 =	vmul.f32 v38, v30;
	v42 =	vmul.f32 v42, v25;
	v47 =	vld [tilespmem:s29+$0xC580];
	v37 =	vadd.f32 v37, v40  }
0x295: {  	v35 =	vmul.f32 v35, v17;
	v40 =	vmul.f32 v43, v26;
	v36 =	vadd.f32 v36, v41;
	v41 =	vld [tilespmem:s29+$0x4680]  }
0x296: {  	v43 =	vmul.f32 v44, v15  }
0x297: {  	v35 =	vadd.f32 v38, v35;
	v44 =	vmul.f32 v45, v12;
	v39 =	vadd.f32 v40, v39;
	_ =	sdelay $0x1  }
0x298: {  	v38 =	vadd.f32 v42, v44;
	v40 =	vmul.f32 v47, v28;
	[tilespmem:s29+$0x14700] =	vst v37  }
0x299: {  	v37 =	vmul.f32 v46, v31;
	[tilespmem:s29+$0x14500] =	vst v36;
	v36 =	vmul.f32 v41, v19  }
0x29a: {  	v40 =	vadd.f32 v40, v43;
	[tilespmem:s29+$0x14600] =	vst v35  }
0x29b: {  	[tilespmem:s29+$0x14480] =	vst v39;
	v35 =	vadd.f32 v37, v36  }
0x29c: {  	[tilespmem:s29+$0x14400] =	vst v38  }
0x29d: {  	s30 =	sor.u32 s31, s20;
	[tilespmem:s29+$0x14680] =	vst v35  }
0x29e: {  	s11 =	sor.u32 $0x380, s30;
	[tilespmem:s29+$0x14580] =	vst v40  }
0x29f: {  	v35 =	vld [tilespmem:s11+$0x4400]  }
0x2a0: {  	v36 =	vld [tilespmem:s11+$0xC400];
	_ =	sdelay $0x4  }
0x2a1: {  	v35 =	vmul.f32 v35, v21;
	v36 =	vmul.f32 v36, v33;
	_ =	sdelay $0x1  }
0x2a2: {  	v35 =	vadd.f32 v36, v35;
	_ =	sdelay $0x1  }
.Ltmp2:
0x2a3: {  	[tilespmem:s11+$0x14400] =	vst v35;
	(pc) =	sbr.rel @p0 .LBB2_6-.Ltmp2, $4  }
0x2a4: {  	v37 =	vld [tilespmem:s29+$0x6400]  }
0x2a5: {  	v38 =	vld [tilespmem:s29+$0xE400]  }
0x2a6: {  	v35 =	vld [tilespmem:s29+$0x6680]  }
0x2a7: {  	v36 =	vld [tilespmem:s29+$0xE600]  }
0x2a8: {  	v12 =	vld [tilespmem:s29+$0xE700]  }
0x2a9: {  	v13 =	vld [tilespmem:s29+$0x6700]  }
0x2aa: {  	v17 =	vld [tilespmem:s29+$0xE680]  }
0x2ab: {  	v19 =	vld [tilespmem:s29+$0xE580]  }
0x2ac: {  	v20 =	vld [tilespmem:s29+$0x6480]  }
0x2ad: {  	v21 =	vld [tilespmem:s29+$0xE480];
	v14 =	vmul.f32 v37, v18;
	v15 =	vmul.f32 v38, v29  }
0x2ae: {  	v18 =	vld [tilespmem:s29+$0x6600]  }
0x2af: {  	v14 =	vadd.f32 v15, v14;
	v15 =	vld [tilespmem:s29+$0xE500]  }
0x2b0: {  	v11 =	vmul.f32 v13, v11;
	v13 =	vld [tilespmem:s29+$0x6500]  }
0x2b1: {  	v12 =	vmul.f32 v12, v34;
	[tilespmem:s29+$0x16400] =	vst v14;
	v14 =	vld [tilespmem:s29+$0x6580]  }
0x2b2: {  	v5 =	vmul.f32 v20, v5;
	v10 =	vmul.f32 v21, v10  }
0x2b3: {  	v9 =	vmul.f32 v18, v9;
	v18 =	vmul.f32 v36, v22;
	v11 =	vadd.f32 v12, v11  }
0x2b4: {  	v7 =	vmul.f32 v35, v7;
	v12 =	vmul.f32 v17, v23;
	v5 =	vadd.f32 v10, v5  }
0x2b5: {  	v9 =	vadd.f32 v18, v9;
	[tilespmem:s29+$0x16700] =	vst v11;
	v8 =	vmul.f32 v15, v8;
	v4 =	vmul.f32 v13, v4  }
0x2b6: {  	v7 =	vadd.f32 v12, v7;
	[tilespmem:s29+$0x16480] =	vst v5;
	v6 =	vmul.f32 v14, v6;
	v14 =	vmul.f32 v19, v16  }
0x2b7: {  	[tilespmem:s29+$0x16600] =	vst v9;
	v4 =	vadd.f32 v8, v4  }
0x2b8: {  	[tilespmem:s29+$0x16680] =	vst v7;
	v6 =	vadd.f32 v14, v6  }
0x2b9: {  	[tilespmem:s29+$0x16500] =	vst v4  }
0x2ba: {  	s11 =	sor.u32 $0x2380, s30;
	[tilespmem:s29+$0x16580] =	vst v6  }
0x2bb: {  	v4 =	vld [tilespmem:s11+$0x4400]  }
0x2bc: {  	v5 =	vld [tilespmem:s11+$0xC400];
	_ =	sdelay $0x4  }
0x2bd: {  	v3 =	vmul.f32 v4, v3;
	v4 =	vmul.f32 v5, v24;
	_ =	sdelay $0x1  }
0x2be: {  	v3 =	vadd.f32 v4, v3;
	_ =	sdelay $0x1  }
0x2bf: {  	s20 =	simm.s32 $0x0;
	s21 =	rddreg [dreg:$0xf];
	[tilespmem:s11+$0x14400] =	vst v3  }
0x2c0: {  	[hbm4b:s21+s20] =	stream.linear.scatter [tilespmem:s17], [sflag:$0x5], $0x4000, $0x38;
	[tilespmem:$0x1C400] =	vst v63  }
0x2c1: {  	_ =	swait.ge [sflag:s25], $0x4000  }
0x2c2: {  	[sflag:s25] =	ssyncset.done $0x0  }
0x2c3: {  	[sflag:s25] =	ssyncadd.s32 $0xFFFFC000  }
0x2c4: {  	_ =	swait.ge [sflag:s26], $0x4000  }
0x2c5: {  	[sflag:s26] =	ssyncset.done $0x0  }
0x2c6: {  	[sflag:s26] =	ssyncadd.s32 $0xFFFFC000  }
0x2c7: {  	_ =	swait.ge [sflag:s19], $0x4000  }
0x2c8: {  	[sflag:s19] =	ssyncset.done $0x0  }
0x2c9: {  	[sflag:s19] =	ssyncadd.s32 $0xFFFFC000  }
0x2ca: {  	v12 =	vld [tilespmem:$0x1C00]  }
0x2cb: {  	v13 =	vld [tilespmem:$0x1C80]  }
0x2cc: {  	v14 =	vld [tilespmem:$0x1D00]  }
0x2cd: {  	v15 =	vld [tilespmem:$0x1D80]  }
0x2ce: {  	v17 =	vld [tilespmem:$0x1E00]  }
0x2cf: {  	v19 =	vld [tilespmem:$0x1E80]  }
0x2d0: {  	v20 =	vld [tilespmem:$0x1F00]  }
0x2d1: {  	v21 =	vld [tilespmem:$0x1F80]  }
0x2d2: {  	v18 =	vld [tilespmem:$0x2000]  }
0x2d3: {  	v5 =	vld [tilespmem:$0x2080]  }
0x2d4: {  	v4 =	vld [tilespmem:$0x2100]  }
0x2d5: {  	v6 =	vld [tilespmem:$0x2180]  }
0x2d6: {  	v9 =	vld [tilespmem:$0x2200]  }
0x2d7: {  	v7 =	vld [tilespmem:$0x2280]  }
0x2d8: {  	v11 =	vld [tilespmem:$0x2300]  }
0x2d9: {  	v3 =	vld [tilespmem:$0x2380]  }
0x2da: {  	v25 =	vld [tilespmem:$0x3C00]  }
0x2db: {  	v26 =	vld [tilespmem:$0x3C80]  }
0x2dc: {  	v27 =	vld [tilespmem:$0x3D00]  }
0x2dd: {  	v28 =	vld [tilespmem:$0x3D80]  }
0x2de: {  	v30 =	vld [tilespmem:$0x3E00]  }
0x2df: {  	v31 =	vld [tilespmem:$0x3E80]  }
0x2e0: {  	v32 =	vld [tilespmem:$0x3F00]  }
0x2e1: {  	v33 =	vld [tilespmem:$0x3F80]  }
0x2e2: {  	v29 =	vld [tilespmem:$0x4000]  }
0x2e3: {  	v10 =	vld [tilespmem:$0x4080]  }
0x2e4: {  	v8 =	vld [tilespmem:$0x4100]  }
0x2e5: {  	s31 =	sand.u32 $0x70, s20;
	s21 =	sand.u32 $0x1C00, s20;
	v16 =	vld [tilespmem:$0x4180]  }
0x2e6: {  	s29 =	sor.u32 s31, s21;
	v22 =	vld [tilespmem:$0x4200]  }
0x2e7: {  	v24 =	vld [tilespmem:s29+$0x8600]  }
0x2e8: {  	v51 =	vld [tilespmem:s29+$0x10500]  }
0x2e9: {  	v52 =	vld [tilespmem:s29+$0x10700]  }
0x2ea: {  	v53 =	vld [tilespmem:s29+$0x10600]  }
0x2eb: {  	v54 =	vld [tilespmem:s29+$0x8480]  }
0x2ec: {  	v55 =	vld [tilespmem:s29+$0x8700]  }
0x2ed: {  	v39 =	vld [tilespmem:s29+$0x8500]  }
0x2ee: {  	v40 =	vld [tilespmem:s29+$0x10400]  }
0x2ef: {  	v41 =	vld [tilespmem:s29+$0x10480]  }
0x2f0: {  	v42 =	vld [tilespmem:s29+$0x8580]  }
0x2f1: {  	v43 =	vld [tilespmem:s29+$0x8400]  }
0x2f2: {  	v44 =	vld [tilespmem:s29+$0x10680]  }
0x2f3: {  	v45 =	vld [tilespmem:s29+$0x8680];
	v35 =	vmul.f32 v52, v32;
	v38 =	vmul.f32 v55, v20  }
0x2f4: {  	v47 =	vld [tilespmem:s29+$0x10580];
	v46 =	vmul.f32 v51, v27;
	v39 =	vmul.f32 v39, v14  }
0x2f5: {  	v23 =	vld [tilespmem:$0x4280];
	v36 =	vmul.f32 v53, v30;
	v56 =	vmul.f32 v24, v17;
	v35 =	vadd.f32 v35, v38  }
0x2f6: {  	v34 =	vld [tilespmem:$0x4300];
	v37 =	vmul.f32 v54, v13;
	v41 =	vmul.f32 v41, v26;
	v39 =	vadd.f32 v46, v39  }
0x2f7: {  	v24 =	vld [tilespmem:$0x4380];
	v40 =	vmul.f32 v40, v25;
	v43 =	vmul.f32 v43, v12;
	v36 =	vadd.f32 v36, v56;
	[tilespmem:s29+$0x18700] =	vst v35  }
0x2f8: {  	v58 =	vmul.f32 v45, v19;
	v59 =	vmul.f32 v44, v31;
	v57 =	vadd.f32 v41, v37;
	[tilespmem:s29+$0x18500] =	vst v39  }
0x2f9: {  	v60 =	vmul.f32 v42, v15;
	v61 =	vmul.f32 v47, v28;
	v40 =	vadd.f32 v40, v43;
	[tilespmem:s29+$0x18600] =	vst v36  }
0x2fa: {  	v62 =	vadd.f32 v59, v58;
	[tilespmem:s29+$0x18480] =	vst v57  }
0x2fb: {  	v63 =	vadd.f32 v61, v60;
	[tilespmem:s29+$0x18400] =	vst v40  }
0x2fc: {  	s30 =	sor.u32 s20, s20;
	[tilespmem:s29+$0x18680] =	vst v62  }
0x2fd: {  	s31 =	sor.u32 $0x380, s30;
	[tilespmem:s29+$0x18580] =	vst v63  }
0x2fe: {  	v35 =	vld [tilespmem:s31+$0x8400]  }
0x2ff: {  	v36 =	vld [tilespmem:s31+$0x10400];
	_ =	sdelay $0x4  }
0x300: {  	v35 =	vmul.f32 v35, v21;
	v36 =	vmul.f32 v36, v33;
	_ =	sdelay $0x1  }
0x301: {  	v35 =	vadd.f32 v36, v35;
	_ =	sdelay $0x1  }
0x302: {  	[tilespmem:s31+$0x18400] =	vst v35  }
0x303: {  	v37 =	vld [tilespmem:s29+$0xA400]  }
0x304: {  	v38 =	vld [tilespmem:s29+$0x12400]  }
0x305: {  	v35 =	vld [tilespmem:s29+$0xA680]  }
0x306: {  	s21 =	simm.s32 $0x10;
	v36 =	vld [tilespmem:s29+$0x12600]  }
.LBB2_8:
0x307: {  	p0 =	sne.s32 s21, $0x3F0  }
0x308: {  	v39 =	vld [tilespmem:s29+$0x12700];
	s20 =	sadd.s32 $0x80, s20;
	s31 =	smov.u32 s21;
	s21 =	sadd.s32 $0x10, s21  }
0x309: {  	v40 =	vld [tilespmem:s29+$0xA700]  }
0x30a: {  	v37 =	vmul.f32 v37, v18;
	v38 =	vmul.f32 v38, v29;
	v41 =	vld [tilespmem:s29+$0x12680]  }
0x30b: {  	v42 =	vld [tilespmem:s29+$0xA600]  }
0x30c: {  	v37 =	vadd.f32 v38, v37;
	v38 =	vld [tilespmem:s29+$0x12500]  }
0x30d: {  	v43 =	vld [tilespmem:s29+$0x12580];
	v39 =	vmul.f32 v39, v34  }
0x30e: {  	[tilespmem:s29+$0x1A400] =	vst v37;
	v37 =	vld [tilespmem:s29+$0xA580];
	v40 =	vmul.f32 v40, v11  }
0x30f: {  	v44 =	vld [tilespmem:s29+$0xA480]  }
0x310: {  	v45 =	vld [tilespmem:s29+$0x12480];
	v39 =	vadd.f32 v39, v40  }
0x311: {  	v36 =	vmul.f32 v36, v22;
	v42 =	vmul.f32 v42, v9;
	v40 =	vld [tilespmem:s29+$0xA500]  }
0x312: {  	v35 =	vmul.f32 v35, v7;
	v41 =	vmul.f32 v41, v23;
	[tilespmem:s29+$0x1A700] =	vst v39  }
0x313: {  	v39 =	vmul.f32 v43, v16;
	v36 =	vadd.f32 v36, v42;
	v37 =	vmul.f32 v37, v6  }
0x314: {  	v35 =	vadd.f32 v41, v35;
	v42 =	vmul.f32 v44, v5  }
0x315: {  	v41 =	vmul.f32 v45, v10;
	v37 =	vadd.f32 v39, v37;
	[tilespmem:s29+$0x1A600] =	vst v36  }
0x316: {  	v38 =	vmul.f32 v38, v8;
	v36 =	vmul.f32 v40, v4;
	[tilespmem:s29+$0x1A680] =	vst v35  }
0x317: {  	v35 =	vadd.f32 v41, v42;
	[tilespmem:s29+$0x1A580] =	vst v37  }
0x318: {  	v36 =	vadd.f32 v38, v36  }
0x319: {  	[tilespmem:s29+$0x1A480] =	vst v35  }
0x31a: {  	s11 =	sor.u32 $0x2380, s30;
	[tilespmem:s29+$0x1A500] =	vst v36  }
0x31b: {  	v35 =	vld [tilespmem:s11+$0x8400]  }
0x31c: {  	v36 =	vld [tilespmem:s11+$0x10400];
	_ =	sdelay $0x3  }
0x31d: {  	v35 =	vmul.f32 v35, v3  }
0x31e: {  	v36 =	vmul.f32 v36, v24;
	_ =	sdelay $0x1  }
0x31f: {  	v35 =	vadd.f32 v36, v35  }
0x320: {  	s30 =	sand.u32 $0x1C00, s20;
	s29 =	sand.u32 $0x70, s31  }
0x321: {  	s29 =	sor.u32 s29, s30;
	[tilespmem:s11+$0x18400] =	vst v35  }
0x322: {  	v35 =	vld [tilespmem:s29+$0x8600]  }
0x323: {  	v36 =	vld [tilespmem:s29+$0x10500]  }
0x324: {  	v37 =	vld [tilespmem:s29+$0x10700]  }
0x325: {  	v38 =	vld [tilespmem:s29+$0x10600]  }
0x326: {  	v39 =	vld [tilespmem:s29+$0x8480]  }
0x327: {  	v40 =	vld [tilespmem:s29+$0x8700]  }
0x328: {  	v41 =	vld [tilespmem:s29+$0x8500]  }
0x329: {  	v42 =	vld [tilespmem:s29+$0x10400]  }
0x32a: {  	v37 =	vmul.f32 v37, v32;
	v43 =	vld [tilespmem:s29+$0x10480]  }
0x32b: {  	v36 =	vmul.f32 v36, v27;
	v44 =	vld [tilespmem:s29+$0x8580]  }
0x32c: {  	v39 =	vmul.f32 v39, v13;
	v45 =	vld [tilespmem:s29+$0x8400];
	v40 =	vmul.f32 v40, v20  }
0x32d: {  	v41 =	vmul.f32 v41, v14;
	v46 =	vld [tilespmem:s29+$0x10680]  }
0x32e: {  	v38 =	vmul.f32 v38, v30;
	v42 =	vmul.f32 v42, v25;
	v47 =	vld [tilespmem:s29+$0x10580];
	v37 =	vadd.f32 v37, v40  }
0x32f: {  	v35 =	vmul.f32 v35, v17;
	v40 =	vmul.f32 v43, v26;
	v36 =	vadd.f32 v36, v41;
	v41 =	vld [tilespmem:s29+$0x8680]  }
0x330: {  	v43 =	vmul.f32 v44, v15  }
0x331: {  	v35 =	vadd.f32 v38, v35;
	v44 =	vmul.f32 v45, v12;
	v39 =	vadd.f32 v40, v39;
	_ =	sdelay $0x1  }
0x332: {  	v38 =	vadd.f32 v42, v44;
	v40 =	vmul.f32 v47, v28;
	[tilespmem:s29+$0x18700] =	vst v37  }
0x333: {  	v37 =	vmul.f32 v46, v31;
	[tilespmem:s29+$0x18500] =	vst v36;
	v36 =	vmul.f32 v41, v19  }
0x334: {  	v40 =	vadd.f32 v40, v43;
	[tilespmem:s29+$0x18600] =	vst v35  }
0x335: {  	[tilespmem:s29+$0x18480] =	vst v39;
	v35 =	vadd.f32 v37, v36  }
0x336: {  	[tilespmem:s29+$0x18400] =	vst v38  }
0x337: {  	s30 =	sor.u32 s31, s20;
	[tilespmem:s29+$0x18680] =	vst v35  }
0x338: {  	s11 =	sor.u32 $0x380, s30;
	[tilespmem:s29+$0x18580] =	vst v40  }
0x339: {  	v35 =	vld [tilespmem:s11+$0x8400]  }
0x33a: {  	v36 =	vld [tilespmem:s11+$0x10400];
	_ =	sdelay $0x4  }
0x33b: {  	v35 =	vmul.f32 v35, v21;
	v36 =	vmul.f32 v36, v33;
	_ =	sdelay $0x1  }
0x33c: {  	v35 =	vadd.f32 v36, v35;
	_ =	sdelay $0x1  }
.Ltmp3:
0x33d: {  	[tilespmem:s11+$0x18400] =	vst v35;
	(pc) =	sbr.rel @p0 .LBB2_8-.Ltmp3, $4  }
0x33e: {  	v37 =	vld [tilespmem:s29+$0xA400]  }
0x33f: {  	v38 =	vld [tilespmem:s29+$0x12400]  }
0x340: {  	v35 =	vld [tilespmem:s29+$0xA680]  }
0x341: {  	v36 =	vld [tilespmem:s29+$0x12600]  }
0x342: {  	v12 =	vld [tilespmem:s29+$0x12700]  }
0x343: {  	v13 =	vld [tilespmem:s29+$0xA700]  }
0x344: {  	v17 =	vld [tilespmem:s29+$0x12680]  }
0x345: {  	v56 =	vld [tilespmem:s29+$0xA600]  }
0x346: {  	v57 =	vld [tilespmem:s29+$0x12500]  }
0x347: {  	v19 =	vld [tilespmem:s29+$0x12580]  }
0x348: {  	v58 =	vld [tilespmem:s29+$0xA580]  }
0x349: {  	v20 =	vld [tilespmem:s29+$0xA480]  }
0x34a: {  	v21 =	vld [tilespmem:s29+$0x12480];
	v14 =	vmul.f32 v37, v18;
	v15 =	vmul.f32 v38, v29  }
0x34b: {  	v59 =	vld [tilespmem:s29+$0xA500];
	v12 =	vmul.f32 v12, v34;
	v11 =	vmul.f32 v13, v11  }
0x34c: {  	v14 =	vadd.f32 v15, v14;
	v60 =	vmul.f32 v36, v22;
	v9 =	vmul.f32 v56, v9  }
0x34d: {  	v7 =	vmul.f32 v35, v7;
	v61 =	vmul.f32 v17, v23;
	v11 =	vadd.f32 v12, v11  }
0x34e: {  	v6 =	vmul.f32 v58, v6;
	v62 =	vmul.f32 v19, v16;
	[tilespmem:s29+$0x1A400] =	vst v14;
	v9 =	vadd.f32 v60, v9  }
0x34f: {  	v5 =	vmul.f32 v20, v5;
	v10 =	vmul.f32 v21, v10;
	v7 =	vadd.f32 v61, v7;
	[tilespmem:s29+$0x1A700] =	vst v11  }
0x350: {  	v4 =	vmul.f32 v59, v4;
	v8 =	vmul.f32 v57, v8;
	v6 =	vadd.f32 v62, v6;
	[tilespmem:s29+$0x1A600] =	vst v9  }
0x351: {  	v5 =	vadd.f32 v10, v5;
	[tilespmem:s29+$0x1A680] =	vst v7  }
0x352: {  	v4 =	vadd.f32 v8, v4;
	[tilespmem:s29+$0x1A580] =	vst v6  }
0x353: {  	[tilespmem:s29+$0x1A480] =	vst v5  }
0x354: {  	s11 =	sor.u32 $0x2380, s30;
	[tilespmem:s29+$0x1A500] =	vst v4  }
0x355: {  	v4 =	vld [tilespmem:s11+$0x8400]  }
0x356: {  	v5 =	vld [tilespmem:s11+$0x10400];
	_ =	sdelay $0x4  }
0x357: {  	v3 =	vmul.f32 v4, v3;
	v63 =	vmul.f32 v5, v24;
	_ =	sdelay $0x1  }
0x358: {  	v3 =	vadd.f32 v63, v3;
	_ =	sdelay $0x1  }
0x359: {  	s30 =	rddreg [dreg:$0x10];
	[tilespmem:s11+$0x18400] =	vst v3  }
0x35a: {  	[hbm4b:s30+s2] =	stream.linear.scatter [tilespmem:s18], [sflag:$0x6], $0x4000, $0x38;
	[tilespmem:$0x1C400] =	vst v63  }
0x35b: {  	_ =	swait.ge [sflag:s28], $0x4000  }
0x35c: {  	[sflag:s28] =	ssyncset.done $0x0  }
0x35d: {  	[sflag:s28] =	ssyncadd.s32 $0xFFFFC000  }
0x35e: {  	_ =	swait.ge [sflag:s19], $0x4000  }
0x35f: {  	s10 =	sadd.s32 $0x1, s10;
	s31 =	rddreg [dreg:$0x11]  }
0x360: {  	p0 =	sne.s32 s10, s31  }
.Ltmp4:
0x361: {  	_ = 	snop;
	(pc) =	sbr.rel @p0 .LBB2_1-.Ltmp4, $3  }
0x362: {  	_ =	sdelay $0x1  }
0x363: {  	[sflag:s19] =	ssyncset.done $0x0  }
0x364: {  	[sflag:s19] =	ssyncadd.s32 $0xFFFFC000  }
0x365: {  	_ =	sfence.sel $0x180000  }
0x366: {  	[bflag:$0x0] =	sbarrier.arrive $0xFFFF  }
0x367: {  	_ =	strace $0x9000004A  }
0x368: {  	s0 =	stileid.u32;
	[bflag:$0x2] =	sbarrier.arrive $0xFFFF  }
0x369: {  	p0 =	sne.s32 s0, $0x0;
	s0 =	rddreg [dreg:$0x2]  }
0x36a: {  	s0 =	sadd.s32 @!p0 $0x100000, s0  }
0x36b: {  	[sflag:s0] =	ssyncadd.tile.s32 @!p0 $0x1;
	_ =	shalt  }
.Lfunc_end2:
_tile_overlayer_lowered:
.L_overlay_start_2:
0x36c: {  	(tag) =	ssettag $0x2  }
0x36d: {  	s0 =	rddreg [dreg:$0x0];
	s2 =	stileid.u32  }
0x36e: {  	s1 =	rddreg [dreg:$0x1];
	p0 =	sne.s32 s2, $0x0  }
0x36f: {  	s3 =	rddreg [dreg:$0x2];
	[bflag:$0x3] =	sbarrier.arrive $0xFFFF;
	s2 =	simm.s32 @!p0 $0x1C07  }
0x370: {  	[timem:s3], [sflag:s2] =	dma.local @!p0 [hbm:s0], s1  }
0x371: {  	s0 =	simm.s32 @!p0 $0x7  }
0x372: {  	_ =	swait.ge @!p0 [sflag:s0], s1  }
0x373: {  	s1 =	ssub.s32 @!p0 $0x0, s1;
	[sflag:s0] =	ssyncset.done @!p0 $0x0  }
0x374: {  	[sflag:s0] =	ssyncadd.s32 @!p0 s1  }
0x375: {  	[bflag:$0x3] =	sbarrier.arrive $0xFFFF  }
0x376: {  	_ =	shalt  }

</sc_bundles>
